<compile_context>
chip_gen: v7x
topology: tpu7x:2x2x1
jax: 0.10.2.dev20260603
libtpu: 0.0.44.dev20260713+nightly
codegen_flags: <defaults>
</compile_context>

<pallas_src>
import jax
import jax.numpy as jnp
from jax import lax
from jax.experimental import pallas as pl
from jax.experimental.pallas import tpu as pltpu
from jax.experimental.pallas import tpu_sc as plsc

_NUM_EXPERTS = 8
_TOP_K = 2
_D = 768
_N = 8192
_CAP = 4096
_LOSS_COEF = 0.01
_TB = 1024
_FT = 256
_NT = 73
_DUMP = 72 * _FT
_RBUF = _NT * _FT
_LANES = 128
_NW = 32
_TPW = _N // _NW
_CH = 32
_NCH = _TPW // _CH
_NB = 4


def _router_kernel(x_ref, wg_ref,
                   i0_ref, i1_ref, p0_ref, p1_ref, w0_ref, w1_ref,
                   off_ref, tbl_ref, loss_ref,
                   cnt_ref, imp_ref, load_ref):
    i = pl.program_id(0)
    nblocks = pl.num_programs(0)

    @pl.when(i == 0)
    def _init():
        cnt_ref[...] = jnp.zeros_like(cnt_ref)
        imp_ref[...] = jnp.zeros_like(imp_ref)
        load_ref[...] = jnp.zeros_like(load_ref)

    xb = x_ref[...]
    wg = wg_ref[...]
    logits = jax.lax.dot_general(
        xb, wg, (((1,), (0,)), ((), ())),
        preferred_element_type=jnp.float32)
    lane = jax.lax.broadcasted_iota(jnp.int32, logits.shape, 1)
    valid = lane < _NUM_EXPERTS
    neg = jnp.float32(-1e30)
    logits = jnp.where(valid, logits, neg)

    m0 = jnp.max(logits, axis=1, keepdims=True)
    is0 = logits == m0
    idx0 = jnp.min(jnp.where(is0, lane, _LANES), axis=1, keepdims=True)
    oh0 = lane == idx0
    logits1 = jnp.where(oh0, neg, logits)
    m1 = jnp.max(logits1, axis=1, keepdims=True)
    is1 = logits1 == m1
    idx1 = jnp.min(jnp.where(is1, lane, _LANES), axis=1, keepdims=True)
    oh1 = lane == idx1

    e1 = jnp.exp(m1 - m0)
    denom = 1.0 + e1
    g0 = 1.0 / denom
    g1 = e1 / denom

    oh0f = oh0.astype(jnp.float32)
    oh1f = oh1.astype(jnp.float32)
    gates = g0 * oh0f + g1 * oh1f
    imp_ref[...] += jnp.sum(gates, axis=0, keepdims=True)
    load_ref[...] += jnp.sum((gates > 0).astype(jnp.float32), axis=0,
                             keepdims=True)

    onehot2 = oh0f + oh1f
    row = jax.lax.broadcasted_iota(jnp.int32, (_TB, _TB), 0)
    col = jax.lax.broadcasted_iota(jnp.int32, (_TB, _TB), 1)
    tri = (col < row).astype(jnp.bfloat16)
    csum = jax.lax.dot_general(
        tri, onehot2.astype(jnp.bfloat16), (((1,), (0,)), ((), ())),
        preferred_element_type=jnp.float32)
    pos_before = cnt_ref[...] + csum
    pos0 = jnp.sum(pos_before * oh0f, axis=1, keepdims=True)
    pos1 = jnp.sum(pos_before * oh1f, axis=1, keepdims=True)
    keep0 = (pos0 < _CAP).astype(jnp.float32)
    keep1 = (pos1 < _CAP).astype(jnp.float32)

    i0_ref[...] = idx0
    i1_ref[...] = idx1
    p0_ref[...] = pos0.astype(jnp.int32)
    p1_ref[...] = pos1.astype(jnp.int32)
    w0_ref[...] = g0 * keep0
    w1_ref[...] = g1 * keep1

    cnt_ref[...] += jnp.sum(onehot2, axis=0, keepdims=True)

    @pl.when(i == nblocks - 1)
    def _fin():
        inv_e = 1.0 / _NUM_EXPERTS
        lane1 = jax.lax.broadcasted_iota(jnp.int32, (1, _LANES), 1)
        vmask = (lane1 < _NUM_EXPERTS).astype(jnp.float32)

        def cv2(v):
            mean = jnp.sum(v * vmask) * inv_e
            var = jnp.sum((v - mean) ** 2 * vmask) * inv_e
            return var / (mean * mean + 1e-10)

        lv = (cv2(imp_ref[...]) + cv2(load_ref[...])) * _LOSS_COEF
        loss_ref[...] = jnp.full((1, 1), lv, jnp.float32)

        cnt = cnt_ref[...]
        kept = jnp.minimum(cnt, float(_CAP))
        padded = jnp.floor((kept + (_FT - 1)) * (1.0 / _FT)) * _FT
        rr = jax.lax.broadcasted_iota(jnp.int32, (_LANES, _LANES), 0)
        cc = jax.lax.broadcasted_iota(jnp.int32, (_LANES, _LANES), 1)
        tri2 = (rr < cc).astype(jnp.float32)
        offs = jax.lax.dot_general(
            padded, tri2, (((1,), (0,)), ((), ())),
            preferred_element_type=jnp.float32)
        off_ref[...] = offs
        base = (lane1 * _FT).astype(jnp.float32)
        acc = jnp.zeros((1, _LANES), jnp.int32)
        for e in range(_NUM_EXPERTS):
            off_e = jnp.sum(jnp.where(lane1 == e, offs, 0.0))
            acc = acc + (base >= off_e).astype(jnp.int32)
        tbl_ref[...] = jnp.clip(acc - 1, 0, _NUM_EXPERTS - 1)


def _dest_kernel(i0_ref, i1_ref, p0_ref, p1_ref, off_ref, d0_ref, d1_ref):
    offs = off_ref[...]
    lane = jax.lax.broadcasted_iota(jnp.int32, (1, _LANES), 1)

    def dest_of(idx, pos):
        off_sel = jnp.zeros_like(pos)
        for e in range(_NUM_EXPERTS):
            off_e = jnp.sum(jnp.where(lane == e, offs, 0.0)).astype(jnp.int32)
            off_sel = jnp.where(idx == e, off_e, off_sel)
        return jnp.where(pos < _CAP, off_sel + pos, _DUMP)

    d0_ref[...] = dest_of(i0_ref[...], p0_ref[...])
    d1_ref[...] = dest_of(i1_ref[...], p1_ref[...])


def _sc_dispatch_body(x_hbm, d0_hbm, d1_hbm, buf_hbm,
                      d0_v, d1_v, r0, r1, r2, r3,
                      si0, si1, si2, si3, so0, so1, so2, so3):
    c = lax.axis_index("c")
    s = lax.axis_index("s")
    wid = s * 2 + c
    base = wid * _TPW

    pltpu.sync_copy(d0_hbm.at[pl.ds(wid * _NCH, _NCH)], d0_v)
    pltpu.sync_copy(d1_hbm.at[pl.ds(wid * _NCH, _NCH)], d1_v)

    rows = [r0, r1, r2, r3]
    si = [si0, si1, si2, si3]
    so = [so0, so1, so2, so3]

    def load(ch):
        b = ch % _NB
        return pltpu.async_copy(
            x_hbm.at[pl.ds(base + ch * _CH, _CH)], rows[b], si[b])

    ins = {ch: load(ch) for ch in range(_NB)}
    outs = {}
    for ch in range(_NCH):
        b = ch % _NB
        if ch >= 2 and ch + 2 < _NCH:
            outs[ch - 2][0].wait()
            outs[ch - 2][1].wait()
            ins[ch + 2] = load(ch + 2)
        ins[ch].wait()
        outs[ch] = (
            pltpu.async_copy(rows[b], buf_hbm.at[d0_v.at[ch]], so[b]),
            pltpu.async_copy(rows[b], buf_hbm.at[d1_v.at[ch]], so[b]),
        )
    for ch in range(max(0, _NCH - 4), _NCH):
        outs[ch][0].wait()
        outs[ch][1].wait()


def _sc_combine_body(y_hbm, d0_hbm, d1_hbm, a0_hbm, a1_hbm,
                     d0_v, d1_v, r0, r1, r2, r3,
                     si0, si1, si2, si3, so0, so1, so2, so3):
    c = lax.axis_index("c")
    s = lax.axis_index("s")
    wid = s * 2 + c
    base = wid * _TPW

    pltpu.sync_copy(d0_hbm.at[pl.ds(wid * _NCH, _NCH)], d0_v)
    pltpu.sync_copy(d1_hbm.at[pl.ds(wid * _NCH, _NCH)], d1_v)

    rows = [r0, r1, r2, r3]
    si = [si0, si1, si2, si3]
    so = [so0, so1, so2, so3]
    dv = [d0_v, d1_v]
    ah = [a0_hbm, a1_hbm]
    ntask = 2 * _NCH

    def gather(k):
        slot, ch = k & 1, k >> 1
        b = k % _NB
        return pltpu.async_copy(y_hbm.at[dv[slot].at[ch]], rows[b], si[b])

    ins = {k: gather(k) for k in range(_NB)}
    outs = {}
    for k in range(ntask):
        slot, ch = k & 1, k >> 1
        b = k % _NB
        if k >= 2 and k + 2 < ntask:
            outs[k - 2].wait()
            ins[k + 2] = gather(k + 2)
        ins[k].wait()
        outs[k] = pltpu.async_copy(
            rows[b], ah[slot].at[pl.ds(base + ch * _CH, _CH)], so[b])
    for k in range(max(0, ntask - 4), ntask):
        outs[k].wait()


def _ffn_kernel(tbl_ref, buf_ref, w1_ref, b1_ref, w2_ref, b2_ref, y_ref):
    hf = _FT // 2

    def dot(a, b):
        return jax.lax.dot_general(
            a, b, (((1,), (0,)), ((), ())),
            preferred_element_type=jnp.float32)

    xa = buf_ref[:hf, :].astype(jnp.bfloat16)
    xb = buf_ref[hf:, :].astype(jnp.bfloat16)
    w1 = w1_ref[0]
    w2 = w2_ref[0]
    ha = dot(xa, w1) + b1_ref[0]
    hb = dot(xb, w1) + b1_ref[0]
    ga = jax.nn.gelu(ha.astype(jnp.bfloat16))
    gb = jax.nn.gelu(hb.astype(jnp.bfloat16))
    y_ref[:hf, :] = dot(ga, w2) + b2_ref[0]
    y_ref[hf:, :] = dot(gb, w2) + b2_ref[0]


def _combine_kernel(x_ref, a0_ref, a1_ref, w0_ref, w1_ref, out_ref):
    w0 = w0_ref[...]
    w1 = w1_ref[...]
    out_ref[...] = (x_ref[...]
                    + jnp.where(w0 > 0, w0 * a0_ref[...], 0.0)
                    + jnp.where(w1 > 0, w1 * a1_ref[...], 0.0))


def _run_router(x, w_gate):
    wg_pad = jnp.zeros((_D, _LANES), jnp.float32).at[:, :_NUM_EXPERTS].set(
        w_gate)
    nb = _N // _TB
    return pl.pallas_call(
        _router_kernel,
        grid=(nb,),
        in_specs=[
            pl.BlockSpec((_TB, _D), lambda i: (i, 0)),
            pl.BlockSpec((_D, _LANES), lambda i: (0, 0)),
        ],
        out_specs=[
            pl.BlockSpec((_TB, 1), lambda i: (i, 0)),
            pl.BlockSpec((_TB, 1), lambda i: (i, 0)),
            pl.BlockSpec((_TB, 1), lambda i: (i, 0)),
            pl.BlockSpec((_TB, 1), lambda i: (i, 0)),
            pl.BlockSpec((_TB, 1), lambda i: (i, 0)),
            pl.BlockSpec((_TB, 1), lambda i: (i, 0)),
            pl.BlockSpec((1, _LANES), lambda i: (0, 0)),
            pl.BlockSpec((1, _LANES), lambda i: (0, 0)),
            pl.BlockSpec((1, 1), lambda i: (0, 0)),
        ],
        out_shape=[
            jax.ShapeDtypeStruct((_N, 1), jnp.int32),
            jax.ShapeDtypeStruct((_N, 1), jnp.int32),
            jax.ShapeDtypeStruct((_N, 1), jnp.int32),
            jax.ShapeDtypeStruct((_N, 1), jnp.int32),
            jax.ShapeDtypeStruct((_N, 1), jnp.float32),
            jax.ShapeDtypeStruct((_N, 1), jnp.float32),
            jax.ShapeDtypeStruct((1, _LANES), jnp.float32),
            jax.ShapeDtypeStruct((1, _LANES), jnp.int32),
            jax.ShapeDtypeStruct((1, 1), jnp.float32),
        ],
        scratch_shapes=[
            pltpu.VMEM((1, _LANES), jnp.float32),
            pltpu.VMEM((1, _LANES), jnp.float32),
            pltpu.VMEM((1, _LANES), jnp.float32),
        ],
    )(x, wg_pad)


def _run_dest(i0, i1, p0, p1, offs):
    nb = _N // _TB
    return pl.pallas_call(
        _dest_kernel,
        grid=(nb,),
        in_specs=[
            pl.BlockSpec((_TB, 1), lambda i: (i, 0)),
            pl.BlockSpec((_TB, 1), lambda i: (i, 0)),
            pl.BlockSpec((_TB, 1), lambda i: (i, 0)),
            pl.BlockSpec((_TB, 1), lambda i: (i, 0)),
            pl.BlockSpec((1, _LANES), lambda i: (0, 0)),
        ],
        out_specs=[
            pl.BlockSpec((_TB, 1), lambda i: (i, 0)),
            pl.BlockSpec((_TB, 1), lambda i: (i, 0)),
        ],
        out_shape=[
            jax.ShapeDtypeStruct((_N, 1), jnp.int32),
            jax.ShapeDtypeStruct((_N, 1), jnp.int32),
        ],
    )(i0, i1, p0, p1, offs)


_SC_SCRATCH = (
    [pltpu.VMEM((_NCH, _CH), jnp.int32)] * 2
    + [pltpu.VMEM((_CH, _D), jnp.float32)] * _NB
    + [pltpu.SemaphoreType.DMA] * (2 * _NB)
)


def _run_sc_dispatch(x, d0, d1):
    mesh = plsc.VectorSubcoreMesh(core_axis_name="c", subcore_axis_name="s")
    kfn = pl.kernel(
        _sc_dispatch_body,
        mesh=mesh,
        out_type=jax.ShapeDtypeStruct((_RBUF, _D), jnp.float32),
        scratch_types=_SC_SCRATCH,
    )
    return kfn(x, d0, d1)


def _run_sc_combine(y, d0, d1):
    mesh = plsc.VectorSubcoreMesh(core_axis_name="c", subcore_axis_name="s")
    kfn = pl.kernel(
        _sc_combine_body,
        mesh=mesh,
        out_type=[
            jax.ShapeDtypeStruct((_N, _D), jnp.float32),
            jax.ShapeDtypeStruct((_N, _D), jnp.float32),
        ],
        scratch_types=_SC_SCRATCH,
    )
    return kfn(y, d0, d1)


def _run_combine(x, a0, a1, w0, w1):
    return pl.pallas_call(
        _combine_kernel,
        grid=(_N // _TB,),
        in_specs=[
            pl.BlockSpec((_TB, _D), lambda i: (i, 0)),
            pl.BlockSpec((_TB, _D), lambda i: (i, 0)),
            pl.BlockSpec((_TB, _D), lambda i: (i, 0)),
            pl.BlockSpec((_TB, 1), lambda i: (i, 0)),
            pl.BlockSpec((_TB, 1), lambda i: (i, 0)),
        ],
        out_specs=pl.BlockSpec((_TB, _D), lambda i: (i, 0)),
        out_shape=jax.ShapeDtypeStruct((_N, _D), jnp.float32),
    )(x, a0, a1, w0, w1)


def _run_ffn(buf, tbl, W1h, b1, W2h, b2):
    return pl.pallas_call(
        _ffn_kernel,
        grid_spec=pltpu.PrefetchScalarGridSpec(
            num_scalar_prefetch=1,
            grid=(_NT - 1,),
            in_specs=[
                pl.BlockSpec((_FT, _D), lambda i, tbl: (i, 0)),
                pl.BlockSpec((1, _D, _D), lambda i, tbl: (tbl[i], 0, 0)),
                pl.BlockSpec((1, 1, _D), lambda i, tbl: (tbl[i], 0, 0)),
                pl.BlockSpec((1, _D, _D), lambda i, tbl: (tbl[i], 0, 0)),
                pl.BlockSpec((1, 1, _D), lambda i, tbl: (tbl[i], 0, 0)),
            ],
            out_specs=pl.BlockSpec((_FT, _D), lambda i, tbl: (i, 0)),
        ),
        out_shape=jax.ShapeDtypeStruct((_RBUF, _D), jnp.float32),
    )(tbl, buf, W1h, b1, W2h, b2)


@jax.jit
def kernel(x, w_gate, W1, b1, W2, b2):
    i0, i1, p0, p1, w0, w1, offs, tbl, loss = _run_router(x, w_gate)
    d0, d1 = _run_dest(i0, i1, p0, p1, offs)

    d0r = jnp.reshape(d0, (_N // _CH, _CH))
    d1r = jnp.reshape(d1, (_N // _CH, _CH))
    tbl_flat = jnp.reshape(tbl, (_LANES,))

    buf = _run_sc_dispatch(x, d0r, d1r)
    y = _run_ffn(buf, tbl_flat, W1.astype(jnp.bfloat16),
                 b1.reshape(_NUM_EXPERTS, 1, _D),
                 W2.astype(jnp.bfloat16),
                 b2.reshape(_NUM_EXPERTS, 1, _D))
    a0, a1 = _run_sc_combine(y, d0r, d1r)
    out = _run_combine(x, a0, a1, w0, w1)
    return (out, jnp.reshape(loss, ()))

# --- scband reference (transcript-rebuilt; emitter-appended) ---
"""Pipeline reference for scband-adaptive-multi-scale-59030030516463 (READ-ONLY COPY).

The authoritative reference and input builder live on the scoring server;
editing this copy changes nothing except your own understanding.
"""

import jax, jax.numpy as jnp
import numpy as np

NUM_EXPERTS = 8
TOP_K = 2
D_MODEL = 768
D_FF = 768
N_TOKENS = 8192
CAPACITY = 4096  # 2x average tokens-per-expert: ceil(2 * N_TOKENS * TOP_K / NUM_EXPERTS)
LOSS_COEF = 0.01


def setup_inputs(seed: int = 0) -> dict:
    key = jax.random.key(seed)
    ks = jax.random.split(key, 6)
    x = jax.random.normal(ks[0], (N_TOKENS, D_MODEL), dtype=jnp.float32)
    w_gate = jax.random.normal(ks[1], (D_MODEL, NUM_EXPERTS), dtype=jnp.float32) * 0.02
    W1 = jax.random.normal(ks[2], (NUM_EXPERTS, D_MODEL, D_FF), dtype=jnp.float32) * 0.02
    b1 = jnp.zeros((NUM_EXPERTS, D_FF), dtype=jnp.float32)
    W2 = jax.random.normal(ks[3], (NUM_EXPERTS, D_FF, D_MODEL), dtype=jnp.float32) * 0.02
    b2 = jnp.zeros((NUM_EXPERTS, D_MODEL), dtype=jnp.float32)
    return {"x": x, "w_gate": w_gate, "W1": W1, "b1": b1, "W2": W2, "b2": b2}


def _cv_squared(v):
    eps = 1e-10
    return jnp.var(v) / (jnp.mean(v) ** 2 + eps)


def reference(x, w_gate, W1, b1, W2, b2):
    N = x.shape[0]
    # --- MultiScaleRouter (eval-mode top-k softmax gating) ---
    logits = x @ w_gate                                   # [N, E]
    top_logits, top_idx = jax.lax.top_k(logits, TOP_K)    # [N, k]
    top_gates = jax.nn.softmax(top_logits, axis=-1)       # [N, k]
    gates = jnp.zeros((N, NUM_EXPERTS), x.dtype).at[jnp.arange(N)[:, None], top_idx].add(top_gates)
    importance = gates.sum(0)
    load = (gates > 0).astype(jnp.float32).sum(0)
    balance_loss = (_cv_squared(importance) + _cv_squared(load)) * LOSS_COEF
    # --- SparseDispatcher.dispatch: capacity-bucketed gather ---
    flat_expert = top_idx.reshape(-1)                     # [N*k]
    flat_gate = top_gates.reshape(-1)                     # [N*k]
    flat_token = jnp.repeat(jnp.arange(N), TOP_K)         # [N*k]
    onehot = jax.nn.one_hot(flat_expert, NUM_EXPERTS, dtype=jnp.int32)
    pos = jnp.cumsum(onehot, axis=0) - 1                  # [N*k, E]
    pos_in_expert = jnp.take_along_axis(pos, flat_expert[:, None], axis=1)[:, 0]
    keep = pos_in_expert < CAPACITY
    dest = jnp.where(keep, pos_in_expert, CAPACITY)
    buf = jnp.zeros((NUM_EXPERTS, CAPACITY, D_MODEL), x.dtype).at[flat_expert, dest].set(x[flat_token], mode='drop')
    # --- experts (per-expert transform over dispatched tokens) ---
    def expert_apply(w1, bb1, w2, bb2, h):
        return jax.nn.gelu(h @ w1 + bb1) @ w2 + bb2
    y = jax.vmap(expert_apply)(W1, b1, W2, b2, buf)       # [E, C, d]
    # --- SparseDispatcher.combine: weighted scatter-add back to tokens ---
    gathered = y[flat_expert, jnp.minimum(pos_in_expert, CAPACITY - 1)]
    gathered = gathered * (flat_gate * keep.astype(x.dtype))[:, None]
    output = jnp.zeros((N, D_MODEL), x.dtype).at[flat_token].add(gathered)
    # residual_connection = True
    output = output + x
    return (output, balance_loss)

if __name__ == "__main__":
    import jax
    _d = setup_inputs()
    print(jax.jit(kernel)(*tuple(_d.values())))

</pallas_src>

<mosaic_0001>
#map = affine_map<(d0, d1) -> (0, 0)>
module attributes {stable_mosaic.version = 14 : i64} {
  func.func @_sc_combine_body(%arg0: i32, %arg1: i32, %arg2: memref<18688x768xf32, #tpu.memory_space<hbm>>, %arg3: memref<256x32xi32, #tpu.memory_space<hbm>>, %arg4: memref<256x32xi32, #tpu.memory_space<hbm>>, %arg5: memref<8192x768xf32, #tpu.memory_space<hbm>>, %arg6: memref<8192x768xf32, #tpu.memory_space<hbm>>, %arg7: memref<8x32xi32, #tpu.memory_space<vmem>>, %arg8: memref<8x32xi32, #tpu.memory_space<vmem>>, %arg9: memref<32x768xf32, #tpu.memory_space<vmem>>, %arg10: memref<32x768xf32, #tpu.memory_space<vmem>>, %arg11: memref<32x768xf32, #tpu.memory_space<vmem>>, %arg12: memref<32x768xf32, #tpu.memory_space<vmem>>, %arg13: memref<!tpu.dma_semaphore, #tpu.memory_space<semaphore_mem>>, %arg14: memref<!tpu.dma_semaphore, #tpu.memory_space<semaphore_mem>>, %arg15: memref<!tpu.dma_semaphore, #tpu.memory_space<semaphore_mem>>, %arg16: memref<!tpu.dma_semaphore, #tpu.memory_space<semaphore_mem>>, %arg17: memref<!tpu.dma_semaphore, #tpu.memory_space<semaphore_mem>>, %arg18: memref<!tpu.dma_semaphore, #tpu.memory_space<semaphore_mem>>, %arg19: memref<!tpu.dma_semaphore, #tpu.memory_space<semaphore_mem>>, %arg20: memref<!tpu.dma_semaphore, #tpu.memory_space<semaphore_mem>>) attributes {dimension_semantics = [#tpu.dimension_semantics<core_parallel>, #tpu.dimension_semantics<subcore_parallel>], iteration_bounds = array<i64: 2, 16>, scalar_prefetch = 0 : i64, scratch_operands = 14 : i64, tpu.core_type = #tpu.core_type<sc_vector_subcore>, window_params = [{transform_indices = #map}, {transform_indices = #map}, {transform_indices = #map}, {transform_indices = #map}, {transform_indices = #map}]} {
    %mul3A = arith.constant 2 : i32
    %mul3A_0 = arith.muli %arg1, %mul3A : i32
    %add3A = arith.addi %mul3A_0, %arg0 : i32
    %mul3A_1 = arith.constant 256 : i32
    %mul3A_2 = arith.muli %add3A, %mul3A_1 : i32
    %mul3A_3 = arith.constant 8 : i32
    %mul3A_4 = arith.muli %add3A, %mul3A_3 : i32
    "tpu.region"() ({
      %run_scoped3A = tpu.sem_alloc : memref<!tpu.dma_semaphore, #tpu.memory_space<semaphore_mem>>
      %dma_start3A_389 = arith.constant 0 : i32
      %dma_start3A_390 = tpu.memref_slice %arg3[%mul3A_4, %dma_start3A_389] : memref<256x32xi32, #tpu.memory_space<hbm>> -> memref<8x32xi32, #tpu.memory_space<hbm>>
      %dma_start3A_391 = arith.constant 0 : i32
      %dma_start3A_392 = tpu.memref_slice %arg3[%mul3A_4, %dma_start3A_391] : memref<256x32xi32, #tpu.memory_space<hbm>> -> memref<8x32xi32, #tpu.memory_space<hbm>>
      tpu.enqueue_dma source(%dma_start3A_392 : memref<8x32xi32, #tpu.memory_space<hbm>>) target(%arg7 : memref<8x32xi32, #tpu.memory_space<vmem>>) target_semaphore(%run_scoped3A : memref<!tpu.dma_semaphore, #tpu.memory_space<semaphore_mem>>)
      %dma_wait3A_393 = arith.constant 0 : i32
      %dma_wait3A_394 = tpu.memref_slice %arg3[%mul3A_4, %dma_wait3A_393] : memref<256x32xi32, #tpu.memory_space<hbm>> -> memref<8x32xi32, #tpu.memory_space<hbm>>
      %dma_wait3A_395 = arith.constant 0 : i32
      %dma_wait3A_396 = tpu.memref_slice %arg3[%mul3A_4, %dma_wait3A_395] : memref<256x32xi32, #tpu.memory_space<hbm>> -> memref<8x32xi32, #tpu.memory_space<hbm>>
      tpu.wait_dma2 semaphore(%run_scoped3A : memref<!tpu.dma_semaphore, #tpu.memory_space<semaphore_mem>>) src(%dma_wait3A_396 : memref<8x32xi32, #tpu.memory_space<hbm>>) dst(%arg7 : memref<8x32xi32, #tpu.memory_space<vmem>>)
      tpu.yield
    }) : () -> ()
    %mul3A_5 = arith.constant 8 : i32
    %mul3A_6 = arith.muli %add3A, %mul3A_5 : i32
    "tpu.region"() ({
      %run_scoped3A = tpu.sem_alloc : memref<!tpu.dma_semaphore, #tpu.memory_space<semaphore_mem>>
      %dma_start3A_389 = arith.constant 0 : i32
      %dma_start3A_390 = tpu.memref_slice %arg4[%mul3A_6, %dma_start3A_389] : memref<256x32xi32, #tpu.memory_space<hbm>> -> memref<8x32xi32, #tpu.memory_space<hbm>>
      %dma_start3A_391 = arith.constant 0 : i32
      %dma_start3A_392 = tpu.memref_slice %arg4[%mul3A_6, %dma_start3A_391] : memref<256x32xi32, #tpu.memory_space<hbm>> -> memref<8x32xi32, #tpu.memory_space<hbm>>
      tpu.enqueue_dma source(%dma_start3A_392 : memref<8x32xi32, #tpu.memory_space<hbm>>) target(%arg8 : memref<8x32xi32, #tpu.memory_space<vmem>>) target_semaphore(%run_scoped3A : memref<!tpu.dma_semaphore, #tpu.memory_space<semaphore_mem>>)
      %dma_wait3A_393 = arith.constant 0 : i32
      %dma_wait3A_394 = tpu.memref_slice %arg4[%mul3A_6, %dma_wait3A_393] : memref<256x32xi32, #tpu.memory_space<hbm>> -> memref<8x32xi32, #tpu.memory_space<hbm>>
      %dma_wait3A_395 = arith.constant 0 : i32
      %dma_wait3A_396 = tpu.memref_slice %arg4[%mul3A_6, %dma_wait3A_395] : memref<256x32xi32, #tpu.memory_space<hbm>> -> memref<8x32xi32, #tpu.memory_space<hbm>>
      tpu.wait_dma2 semaphore(%run_scoped3A : memref<!tpu.dma_semaphore, #tpu.memory_space<semaphore_mem>>) src(%dma_wait3A_396 : memref<8x32xi32, #tpu.memory_space<hbm>>) dst(%arg8 : memref<8x32xi32, #tpu.memory_space<vmem>>)
      tpu.yield
    }) : () -> ()
    %dma_start3A = arith.constant 0 : i32
    %dma_start3A_7 = arith.constant 0 : i32
    %dma_start3A_8 = tpu.memref_slice %arg7[%dma_start3A, %dma_start3A_7] : memref<8x32xi32, #tpu.memory_space<vmem>> -> memref<1x32xi32, #tpu.memory_space<vmem>>
    %dma_start3A_9 = tpu.memref_squeeze %dma_start3A_8 : memref<1x32xi32, #tpu.memory_space<vmem>> -> memref<32xi32, #tpu.memory_space<vmem>>
    %dma_start3A_10 = arith.constant 0 : i32
    %dma_start3A_11 = arith.constant 0 : i32
    %dma_start3A_12 = tpu.memref_slice %arg2[%dma_start3A_10, %dma_start3A_11] : memref<18688x768xf32, #tpu.memory_space<hbm>> -> memref<18688x768xf32, #tpu.memory_space<hbm>>
    tpu.enqueue_indirect_dma source(%dma_start3A_12 : memref<18688x768xf32, #tpu.memory_space<hbm>>) target(%arg9 : memref<32x768xf32, #tpu.memory_space<vmem>>) offsets(%dma_start3A_9 : memref<32xi32, #tpu.memory_space<vmem>>) semaphore(%arg13 : memref<!tpu.dma_semaphore, #tpu.memory_space<semaphore_mem>>)
    %dma_start3A_13 = arith.constant 0 : i32
    %dma_start3A_14 = arith.constant 0 : i32
    %dma_start3A_15 = tpu.memref_slice %arg8[%dma_start3A_13, %dma_start3A_14] : memref<8x32xi32, #tpu.memory_space<vmem>> -> memref<1x32xi32, #tpu.memory_space<vmem>>
    %dma_start3A_16 = tpu.memref_squeeze %dma_start3A_15 : memref<1x32xi32, #tpu.memory_space<vmem>> -> memref<32xi32, #tpu.memory_space<vmem>>
    %dma_start3A_17 = arith.constant 0 : i32
    %dma_start3A_18 = arith.constant 0 : i32
    %dma_start3A_19 = tpu.memref_slice %arg2[%dma_start3A_17, %dma_start3A_18] : memref<18688x768xf32, #tpu.memory_space<hbm>> -> memref<18688x768xf32, #tpu.memory_space<hbm>>
    tpu.enqueue_indirect_dma source(%dma_start3A_19 : memref<18688x768xf32, #tpu.memory_space<hbm>>) target(%arg10 : memref<32x768xf32, #tpu.memory_space<vmem>>) offsets(%dma_start3A_16 : memref<32xi32, #tpu.memory_space<vmem>>) semaphore(%arg14 : memref<!tpu.dma_semaphore, #tpu.memory_space<semaphore_mem>>)
    %dma_start3A_20 = arith.constant 1 : i32
    %dma_start3A_21 = arith.constant 0 : i32
    %dma_start3A_22 = tpu.memref_slice %arg7[%dma_start3A_20, %dma_start3A_21] : memref<8x32xi32, #tpu.memory_space<vmem>> -> memref<1x32xi32, #tpu.memory_space<vmem>>
    %dma_start3A_23 = tpu.memref_squeeze %dma_start3A_22 : memref<1x32xi32, #tpu.memory_space<vmem>> -> memref<32xi32, #tpu.memory_space<vmem>>
    %dma_start3A_24 = arith.constant 0 : i32
    %dma_start3A_25 = arith.constant 0 : i32
    %dma_start3A_26 = tpu.memref_slice %arg2[%dma_start3A_24, %dma_start3A_25] : memref<18688x768xf32, #tpu.memory_space<hbm>> -> memref<18688x768xf32, #tpu.memory_space<hbm>>
    tpu.enqueue_indirect_dma source(%dma_start3A_26 : memref<18688x768xf32, #tpu.memory_space<hbm>>) target(%arg11 : memref<32x768xf32, #tpu.memory_space<vmem>>) offsets(%dma_start3A_23 : memref<32xi32, #tpu.memory_space<vmem>>) semaphore(%arg15 : memref<!tpu.dma_semaphore, #tpu.memory_space<semaphore_mem>>)
    %dma_start3A_27 = arith.constant 1 : i32
    %dma_start3A_28 = arith.constant 0 : i32
    %dma_start3A_29 = tpu.memref_slice %arg8[%dma_start3A_27, %dma_start3A_28] : memref<8x32xi32, #tpu.memory_space<vmem>> -> memref<1x32xi32, #tpu.memory_space<vmem>>
    %dma_start3A_30 = tpu.memref_squeeze %dma_start3A_29 : memref<1x32xi32, #tpu.memory_space<vmem>> -> memref<32xi32, #tpu.memory_space<vmem>>
    %dma_start3A_31 = arith.constant 0 : i32
    %dma_start3A_32 = arith.constant 0 : i32
    %dma_start3A_33 = tpu.memref_slice %arg2[%dma_start3A_31, %dma_start3A_32] : memref<18688x768xf32, #tpu.memory_space<hbm>> -> memref<18688x768xf32, #tpu.memory_space<hbm>>
    tpu.enqueue_indirect_dma source(%dma_start3A_33 : memref<18688x768xf32, #tpu.memory_space<hbm>>) target(%arg12 : memref<32x768xf32, #tpu.memory_space<vmem>>) offsets(%dma_start3A_30 : memref<32xi32, #tpu.memory_space<vmem>>) semaphore(%arg16 : memref<!tpu.dma_semaphore, #tpu.memory_space<semaphore_mem>>)
    %dma_wait3A = arith.constant 0 : i32
    %dma_wait3A_34 = arith.constant 0 : i32
    %dma_wait3A_35 = tpu.memref_slice %arg7[%dma_wait3A, %dma_wait3A_34] : memref<8x32xi32, #tpu.memory_space<vmem>> -> memref<1x32xi32, #tpu.memory_space<vmem>>
    %dma_wait3A_36 = tpu.memref_squeeze %dma_wait3A_35 : memref<1x32xi32, #tpu.memory_space<vmem>> -> memref<32xi32, #tpu.memory_space<vmem>>
    %dma_wait3A_37 = arith.constant 0 : i32
    %dma_wait3A_38 = arith.constant 0 : i32
    %dma_wait3A_39 = tpu.memref_slice %arg2[%dma_wait3A_37, %dma_wait3A_38] : memref<18688x768xf32, #tpu.memory_space<hbm>> -> memref<18688x768xf32, #tpu.memory_space<hbm>>
    tpu.wait_indirect_dma semaphore(%arg13 : memref<!tpu.dma_semaphore, #tpu.memory_space<semaphore_mem>>) src(%dma_wait3A_39 : memref<18688x768xf32, #tpu.memory_space<hbm>>) dst(%arg9 : memref<32x768xf32, #tpu.memory_space<vmem>>)
    %add3A_40 = arith.constant 0 : i32
    %add3A_41 = arith.addi %mul3A_2, %add3A_40 : i32
    %dma_start3A_42 = arith.constant 0 : i32
    %dma_start3A_43 = tpu.memref_slice %arg5[%add3A_41, %dma_start3A_42] : memref<8192x768xf32, #tpu.memory_space<hbm>> -> memref<32x768xf32, #tpu.memory_space<hbm>>
    %dma_start3A_44 = arith.constant 0 : i32
    %dma_start3A_45 = tpu.memref_slice %arg5[%add3A_41, %dma_start3A_44] : memref<8192x768xf32, #tpu.memory_space<hbm>> -> memref<32x768xf32, #tpu.memory_space<hbm>>
    tpu.enqueue_dma source(%arg9 : memref<32x768xf32, #tpu.memory_space<vmem>>) target(%dma_start3A_45 : memref<32x768xf32, #tpu.memory_space<hbm>>) target_semaphore(%arg17 : memref<!tpu.dma_semaphore, #tpu.memory_space<semaphore_mem>>)
    %dma_wait3A_46 = arith.constant 0 : i32
    %dma_wait3A_47 = arith.constant 0 : i32
    %dma_wait3A_48 = tpu.memref_slice %arg8[%dma_wait3A_46, %dma_wait3A_47] : memref<8x32xi32, #tpu.memory_space<vmem>> -> memref<1x32xi32, #tpu.memory_space<vmem>>
    %dma_wait3A_49 = tpu.memref_squeeze %dma_wait3A_48 : memref<1x32xi32, #tpu.memory_space<vmem>> -> memref<32xi32, #tpu.memory_space<vmem>>
    %dma_wait3A_50 = arith.constant 0 : i32
    %dma_wait3A_51 = arith.constant 0 : i32
    %dma_wait3A_52 = tpu.memref_slice %arg2[%dma_wait3A_50, %dma_wait3A_51] : memref<18688x768xf32, #tpu.memory_space<hbm>> -> memref<18688x768xf32, #tpu.memory_space<hbm>>
    tpu.wait_indirect_dma semaphore(%arg14 : memref<!tpu.dma_semaphore, #tpu.memory_space<semaphore_mem>>) src(%dma_wait3A_52 : memref<18688x768xf32, #tpu.memory_space<hbm>>) dst(%arg10 : memref<32x768xf32, #tpu.memory_space<vmem>>)
    %add3A_53 = arith.constant 0 : i32
    %add3A_54 = arith.addi %mul3A_2, %add3A_53 : i32
    %dma_start3A_55 = arith.constant 0 : i32
    %dma_start3A_56 = tpu.memref_slice %arg6[%add3A_54, %dma_start3A_55] : memref<8192x768xf32, #tpu.memory_space<hbm>> -> memref<32x768xf32, #tpu.memory_space<hbm>>
    %dma_start3A_57 = arith.constant 0 : i32
    %dma_start3A_58 = tpu.memref_slice %arg6[%add3A_54, %dma_start3A_57] : memref<8192x768xf32, #tpu.memory_space<hbm>> -> memref<32x768xf32, #tpu.memory_space<hbm>>
    tpu.enqueue_dma source(%arg10 : memref<32x768xf32, #tpu.memory_space<vmem>>) target(%dma_start3A_58 : memref<32x768xf32, #tpu.memory_space<hbm>>) target_semaphore(%arg18 : memref<!tpu.dma_semaphore, #tpu.memory_space<semaphore_mem>>)
    %dma_wait3A_59 = arith.constant 0 : i32
    %dma_wait3A_60 = tpu.memref_slice %arg5[%add3A_41, %dma_wait3A_59] : memref<8192x768xf32, #tpu.memory_space<hbm>> -> memref<32x768xf32, #tpu.memory_space<hbm>>
    %dma_wait3A_61 = arith.constant 0 : i32
    %dma_wait3A_62 = tpu.memref_slice %arg5[%add3A_41, %dma_wait3A_61] : memref<8192x768xf32, #tpu.memory_space<hbm>> -> memref<32x768xf32, #tpu.memory_space<hbm>>
    tpu.wait_dma2 semaphore(%arg17 : memref<!tpu.dma_semaphore, #tpu.memory_space<semaphore_mem>>) src(%arg9 : memref<32x768xf32, #tpu.memory_space<vmem>>) dst(%dma_wait3A_62 : memref<32x768xf32, #tpu.memory_space<hbm>>)
    %dma_start3A_63 = arith.constant 2 : i32
    %dma_start3A_64 = arith.constant 0 : i32
    %dma_start3A_65 = tpu.memref_slice %arg7[%dma_start3A_63, %dma_start3A_64] : memref<8x32xi32, #tpu.memory_space<vmem>> -> memref<1x32xi32, #tpu.memory_space<vmem>>
    %dma_start3A_66 = tpu.memref_squeeze %dma_start3A_65 : memref<1x32xi32, #tpu.memory_space<vmem>> -> memref<32xi32, #tpu.memory_space<vmem>>
    %dma_start3A_67 = arith.constant 0 : i32
    %dma_start3A_68 = arith.constant 0 : i32
    %dma_start3A_69 = tpu.memref_slice %arg2[%dma_start3A_67, %dma_start3A_68] : memref<18688x768xf32, #tpu.memory_space<hbm>> -> memref<18688x768xf32, #tpu.memory_space<hbm>>
    tpu.enqueue_indirect_dma source(%dma_start3A_69 : memref<18688x768xf32, #tpu.memory_space<hbm>>) target(%arg9 : memref<32x768xf32, #tpu.memory_space<vmem>>) offsets(%dma_start3A_66 : memref<32xi32, #tpu.memory_space<vmem>>) semaphore(%arg13 : memref<!tpu.dma_semaphore, #tpu.memory_space<semaphore_mem>>)
    %dma_wait3A_70 = arith.constant 1 : i32
    %dma_wait3A_71 = arith.constant 0 : i32
    %dma_wait3A_72 = tpu.memref_slice %arg7[%dma_wait3A_70, %dma_wait3A_71] : memref<8x32xi32, #tpu.memory_space<vmem>> -> memref<1x32xi32, #tpu.memory_space<vmem>>
    %dma_wait3A_73 = tpu.memref_squeeze %dma_wait3A_72 : memref<1x32xi32, #tpu.memory_space<vmem>> -> memref<32xi32, #tpu.memory_space<vmem>>
    %dma_wait3A_74 = arith.constant 0 : i32
    %dma_wait3A_75 = arith.constant 0 : i32
    %dma_wait3A_76 = tpu.memref_slice %arg2[%dma_wait3A_74, %dma_wait3A_75] : memref<18688x768xf32, #tpu.memory_space<hbm>> -> memref<18688x768xf32, #tpu.memory_space<hbm>>
    tpu.wait_indirect_dma semaphore(%arg15 : memref<!tpu.dma_semaphore, #tpu.memory_space<semaphore_mem>>) src(%dma_wait3A_76 : memref<18688x768xf32, #tpu.memory_space<hbm>>) dst(%arg11 : memref<32x768xf32, #tpu.memory_space<vmem>>)
    %add3A_77 = arith.constant 32 : i32
    %add3A_78 = arith.addi %mul3A_2, %add3A_77 : i32
    %dma_start3A_79 = arith.constant 0 : i32
    %dma_start3A_80 = tpu.memref_slice %arg5[%add3A_78, %dma_start3A_79] : memref<8192x768xf32, #tpu.memory_space<hbm>> -> memref<32x768xf32, #tpu.memory_space<hbm>>
    %dma_start3A_81 = arith.constant 0 : i32
    %dma_start3A_82 = tpu.memref_slice %arg5[%add3A_78, %dma_start3A_81] : memref<8192x768xf32, #tpu.memory_space<hbm>> -> memref<32x768xf32, #tpu.memory_space<hbm>>
    tpu.enqueue_dma source(%arg11 : memref<32x768xf32, #tpu.memory_space<vmem>>) target(%dma_start3A_82 : memref<32x768xf32, #tpu.memory_space<hbm>>) target_semaphore(%arg19 : memref<!tpu.dma_semaphore, #tpu.memory_space<semaphore_mem>>)
    %dma_wait3A_83 = arith.constant 0 : i32
    %dma_wait3A_84 = tpu.memref_slice %arg6[%add3A_54, %dma_wait3A_83] : memref<8192x768xf32, #tpu.memory_space<hbm>> -> memref<32x768xf32, #tpu.memory_space<hbm>>
    %dma_wait3A_85 = arith.constant 0 : i32
    %dma_wait3A_86 = tpu.memref_slice %arg6[%add3A_54, %dma_wait3A_85] : memref<8192x768xf32, #tpu.memory_space<hbm>> -> memref<32x768xf32, #tpu.memory_space<hbm>>
    tpu.wait_dma2 semaphore(%arg18 : memref<!tpu.dma_semaphore, #tpu.memory_space<semaphore_mem>>) src(%arg10 : memref<32x768xf32, #tpu.memory_space<vmem>>) dst(%dma_wait3A_86 : memref<32x768xf32, #tpu.memory_space<hbm>>)
    %dma_start3A_87 = arith.constant 2 : i32
    %dma_start3A_88 = arith.constant 0 : i32
    %dma_start3A_89 = tpu.memref_slice %arg8[%dma_start3A_87, %dma_start3A_88] : memref<8x32xi32, #tpu.memory_space<vmem>> -> memref<1x32xi32, #tpu.memory_space<vmem>>
    %dma_start3A_90 = tpu.memref_squeeze %dma_start3A_89 : memref<1x32xi32, #tpu.memory_space<vmem>> -> memref<32xi32, #tpu.memory_space<vmem>>
    %dma_start3A_91 = arith.constant 0 : i32
    %dma_start3A_92 = arith.constant 0 : i32
    %dma_start3A_93 = tpu.memref_slice %arg2[%dma_start3A_91, %dma_start3A_92] : memref<18688x768xf32, #tpu.memory_space<hbm>> -> memref<18688x768xf32, #tpu.memory_space<hbm>>
    tpu.enqueue_indirect_dma source(%dma_start3A_93 : memref<18688x768xf32, #tpu.memory_space<hbm>>) target(%arg10 : memref<32x768xf32, #tpu.memory_space<vmem>>) offsets(%dma_start3A_90 : memref<32xi32, #tpu.memory_space<vmem>>) semaphore(%arg14 : memref<!tpu.dma_semaphore, #tpu.memory_space<semaphore_mem>>)
    %dma_wait3A_94 = arith.constant 1 : i32
    %dma_wait3A_95 = arith.constant 0 : i32
    %dma_wait3A_96 = tpu.memref_slice %arg8[%dma_wait3A_94, %dma_wait3A_95] : memref<8x32xi32, #tpu.memory_space<vmem>> -> memref<1x32xi32, #tpu.memory_space<vmem>>
    %dma_wait3A_97 = tpu.memref_squeeze %dma_wait3A_96 : memref<1x32xi32, #tpu.memory_space<vmem>> -> memref<32xi32, #tpu.memory_space<vmem>>
    %dma_wait3A_98 = arith.constant 0 : i32
    %dma_wait3A_99 = arith.constant 0 : i32
    %dma_wait3A_100 = tpu.memref_slice %arg2[%dma_wait3A_98, %dma_wait3A_99] : memref<18688x768xf32, #tpu.memory_space<hbm>> -> memref<18688x768xf32, #tpu.memory_space<hbm>>
    tpu.wait_indirect_dma semaphore(%arg16 : memref<!tpu.dma_semaphore, #tpu.memory_space<semaphore_mem>>) src(%dma_wait3A_100 : memref<18688x768xf32, #tpu.memory_space<hbm>>) dst(%arg12 : memref<32x768xf32, #tpu.memory_space<vmem>>)
    %add3A_101 = arith.constant 32 : i32
    %add3A_102 = arith.addi %mul3A_2, %add3A_101 : i32
    %dma_start3A_103 = arith.constant 0 : i32
    %dma_start3A_104 = tpu.memref_slice %arg6[%add3A_102, %dma_start3A_103] : memref<8192x768xf32, #tpu.memory_space<hbm>> -> memref<32x768xf32, #tpu.memory_space<hbm>>
    %dma_start3A_105 = arith.constant 0 : i32
    %dma_start3A_106 = tpu.memref_slice %arg6[%add3A_102, %dma_start3A_105] : memref<8192x768xf32, #tpu.memory_space<hbm>> -> memref<32x768xf32, #tpu.memory_space<hbm>>
    tpu.enqueue_dma source(%arg12 : memref<32x768xf32, #tpu.memory_space<vmem>>) target(%dma_start3A_106 : memref<32x768xf32, #tpu.memory_space<hbm>>) target_semaphore(%arg20 : memref<!tpu.dma_semaphore, #tpu.memory_space<semaphore_mem>>)
    %dma_wait3A_107 = arith.constant 0 : i32
    %dma_wait3A_108 = tpu.memref_slice %arg5[%add3A_78, %dma_wait3A_107] : memref<8192x768xf32, #tpu.memory_space<hbm>> -> memref<32x768xf32, #tpu.memory_space<hbm>>
    %dma_wait3A_109 = arith.constant 0 : i32
    %dma_wait3A_110 = tpu.memref_slice %arg5[%add3A_78, %dma_wait3A_109] : memref<8192x768xf32, #tpu.memory_space<hbm>> -> memref<32x768xf32, #tpu.memory_space<hbm>>
    tpu.wait_dma2 semaphore(%arg19 : memref<!tpu.dma_semaphore, #tpu.memory_space<semaphore_mem>>) src(%arg11 : memref<32x768xf32, #tpu.memory_space<vmem>>) dst(%dma_wait3A_110 : memref<32x768xf32, #tpu.memory_space<hbm>>)
    %dma_start3A_111 = arith.constant 3 : i32
    %dma_start3A_112 = arith.constant 0 : i32
    %dma_start3A_113 = tpu.memref_slice %arg7[%dma_start3A_111, %dma_start3A_112] : memref<8x32xi32, #tpu.memory_space<vmem>> -> memref<1x32xi32, #tpu.memory_space<vmem>>
    %dma_start3A_114 = tpu.memref_squeeze %dma_start3A_113 : memref<1x32xi32, #tpu.memory_space<vmem>> -> memref<32xi32, #tpu.memory_space<vmem>>
    %dma_start3A_115 = arith.constant 0 : i32
    %dma_start3A_116 = arith.constant 0 : i32
    %dma_start3A_117 = tpu.memref_slice %arg2[%dma_start3A_115, %dma_start3A_116] : memref<18688x768xf32, #tpu.memory_space<hbm>> -> memref<18688x768xf32, #tpu.memory_space<hbm>>
    tpu.enqueue_indirect_dma source(%dma_start3A_117 : memref<18688x768xf32, #tpu.memory_space<hbm>>) target(%arg11 : memref<32x768xf32, #tpu.memory_space<vmem>>) offsets(%dma_start3A_114 : memref<32xi32, #tpu.memory_space<vmem>>) semaphore(%arg15 : memref<!tpu.dma_semaphore, #tpu.memory_space<semaphore_mem>>)
    %dma_wait3A_118 = arith.constant 2 : i32
    %dma_wait3A_119 = arith.constant 0 : i32
    %dma_wait3A_120 = tpu.memref_slice %arg7[%dma_wait3A_118, %dma_wait3A_119] : memref<8x32xi32, #tpu.memory_space<vmem>> -> memref<1x32xi32, #tpu.memory_space<vmem>>
    %dma_wait3A_121 = tpu.memref_squeeze %dma_wait3A_120 : memref<1x32xi32, #tpu.memory_space<vmem>> -> memref<32xi32, #tpu.memory_space<vmem>>
    %dma_wait3A_122 = arith.constant 0 : i32
    %dma_wait3A_123 = arith.constant 0 : i32
    %dma_wait3A_124 = tpu.memref_slice %arg2[%dma_wait3A_122, %dma_wait3A_123] : memref<18688x768xf32, #tpu.memory_space<hbm>> -> memref<18688x768xf32, #tpu.memory_space<hbm>>
    tpu.wait_indirect_dma semaphore(%arg13 : memref<!tpu.dma_semaphore, #tpu.memory_space<semaphore_mem>>) src(%dma_wait3A_124 : memref<18688x768xf32, #tpu.memory_space<hbm>>) dst(%arg9 : memref<32x768xf32, #tpu.memory_space<vmem>>)
    %add3A_125 = arith.constant 64 : i32
    %add3A_126 = arith.addi %mul3A_2, %add3A_125 : i32
    %dma_start3A_127 = arith.constant 0 : i32
    %dma_start3A_128 = tpu.memref_slice %arg5[%add3A_126, %dma_start3A_127] : memref<8192x768xf32, #tpu.memory_space<hbm>> -> memref<32x768xf32, #tpu.memory_space<hbm>>
    %dma_start3A_129 = arith.constant 0 : i32
    %dma_start3A_130 = tpu.memref_slice %arg5[%add3A_126, %dma_start3A_129] : memref<8192x768xf32, #tpu.memory_space<hbm>> -> memref<32x768xf32, #tpu.memory_space<hbm>>
    tpu.enqueue_dma source(%arg9 : memref<32x768xf32, #tpu.memory_space<vmem>>) target(%dma_start3A_130 : memref<32x768xf32, #tpu.memory_space<hbm>>) target_semaphore(%arg17 : memref<!tpu.dma_semaphore, #tpu.memory_space<semaphore_mem>>)
    %dma_wait3A_131 = arith.constant 0 : i32
    %dma_wait3A_132 = tpu.memref_slice %arg6[%add3A_102, %dma_wait3A_131] : memref<8192x768xf32, #tpu.memory_space<hbm>> -> memref<32x768xf32, #tpu.memory_space<hbm>>
    %dma_wait3A_133 = arith.constant 0 : i32
    %dma_wait3A_134 = tpu.memref_slice %arg6[%add3A_102, %dma_wait3A_133] : memref<8192x768xf32, #tpu.memory_space<hbm>> -> memref<32x768xf32, #tpu.memory_space<hbm>>
    tpu.wait_dma2 semaphore(%arg20 : memref<!tpu.dma_semaphore, #tpu.memory_space<semaphore_mem>>) src(%arg12 : memref<32x768xf32, #tpu.memory_space<vmem>>) dst(%dma_wait3A_134 : memref<32x768xf32, #tpu.memory_space<hbm>>)
    %dma_start3A_135 = arith.constant 3 : i32
    %dma_start3A_136 = arith.constant 0 : i32
    %dma_start3A_137 = tpu.memref_slice %arg8[%dma_start3A_135, %dma_start3A_136] : memref<8x32xi32, #tpu.memory_space<vmem>> -> memref<1x32xi32, #tpu.memory_space<vmem>>
    %dma_start3A_138 = tpu.memref_squeeze %dma_start3A_137 : memref<1x32xi32, #tpu.memory_space<vmem>> -> memref<32xi32, #tpu.memory_space<vmem>>
    %dma_start3A_139 = arith.constant 0 : i32
    %dma_start3A_140 = arith.constant 0 : i32
    %dma_start3A_141 = tpu.memref_slice %arg2[%dma_start3A_139, %dma_start3A_140] : memref<18688x768xf32, #tpu.memory_space<hbm>> -> memref<18688x768xf32, #tpu.memory_space<hbm>>
    tpu.enqueue_indirect_dma source(%dma_start3A_141 : memref<18688x768xf32, #tpu.memory_space<hbm>>) target(%arg12 : memref<32x768xf32, #tpu.memory_space<vmem>>) offsets(%dma_start3A_138 : memref<32xi32, #tpu.memory_space<vmem>>) semaphore(%arg16 : memref<!tpu.dma_semaphore, #tpu.memory_space<semaphore_mem>>)
    %dma_wait3A_142 = arith.constant 2 : i32
    %dma_wait3A_143 = arith.constant 0 : i32
    %dma_wait3A_144 = tpu.memref_slice %arg8[%dma_wait3A_142, %dma_wait3A_143] : memref<8x32xi32, #tpu.memory_space<vmem>> -> memref<1x32xi32, #tpu.memory_space<vmem>>
    %dma_wait3A_145 = tpu.memref_squeeze %dma_wait3A_144 : memref<1x32xi32, #tpu.memory_space<vmem>> -> memref<32xi32, #tpu.memory_space<vmem>>
    %dma_wait3A_146 = arith.constant 0 : i32
    %dma_wait3A_147 = arith.constant 0 : i32
    %dma_wait3A_148 = tpu.memref_slice %arg2[%dma_wait3A_146, %dma_wait3A_147] : memref<18688x768xf32, #tpu.memory_space<hbm>> -> memref<18688x768xf32, #tpu.memory_space<hbm>>
    tpu.wait_indirect_dma semaphore(%arg14 : memref<!tpu.dma_semaphore, #tpu.memory_space<semaphore_mem>>) src(%dma_wait3A_148 : memref<18688x768xf32, #tpu.memory_space<hbm>>) dst(%arg10 : memref<32x768xf32, #tpu.memory_space<vmem>>)
    %add3A_149 = arith.constant 64 : i32
    %add3A_150 = arith.addi %mul3A_2, %add3A_149 : i32
    %dma_start3A_151 = arith.constant 0 : i32
    %dma_start3A_152 = tpu.memref_slice %arg6[%add3A_150, %dma_start3A_151] : memref<8192x768xf32, #tpu.memory_space<hbm>> -> memref<32x768xf32, #tpu.memory_space<hbm>>
    %dma_start3A_153 = arith.constant 0 : i32
    %dma_start3A_154 = tpu.memref_slice %arg6[%add3A_150, %dma_start3A_153] : memref<8192x768xf32, #tpu.memory_space<hbm>> -> memref<32x768xf32, #tpu.memory_space<hbm>>
    tpu.enqueue_dma source(%arg10 : memref<32x768xf32, #tpu.memory_space<vmem>>) target(%dma_start3A_154 : memref<32x768xf32, #tpu.memory_space<hbm>>) target_semaphore(%arg18 : memref<!tpu.dma_semaphore, #tpu.memory_space<semaphore_mem>>)
    %dma_wait3A_155 = arith.constant 0 : i32
    %dma_wait3A_156 = tpu.memref_slice %arg5[%add3A_126, %dma_wait3A_155] : memref<8192x768xf32, #tpu.memory_space<hbm>> -> memref<32x768xf32, #tpu.memory_space<hbm>>
    %dma_wait3A_157 = arith.constant 0 : i32
    %dma_wait3A_158 = tpu.memref_slice %arg5[%add3A_126, %dma_wait3A_157] : memref<8192x768xf32, #tpu.memory_space<hbm>> -> memref<32x768xf32, #tpu.memory_space<hbm>>
    tpu.wait_dma2 semaphore(%arg17 : memref<!tpu.dma_semaphore, #tpu.memory_space<semaphore_mem>>) src(%arg9 : memref<32x768xf32, #tpu.memory_space<vmem>>) dst(%dma_wait3A_158 : memref<32x768xf32, #tpu.memory_space<hbm>>)
    %dma_start3A_159 = arith.constant 4 : i32
    %dma_start3A_160 = arith.constant 0 : i32
    %dma_start3A_161 = tpu.memref_slice %arg7[%dma_start3A_159, %dma_start3A_160] : memref<8x32xi32, #tpu.memory_space<vmem>> -> memref<1x32xi32, #tpu.memory_space<vmem>>
    %dma_start3A_162 = tpu.memref_squeeze %dma_start3A_161 : memref<1x32xi32, #tpu.memory_space<vmem>> -> memref<32xi32, #tpu.memory_space<vmem>>
    %dma_start3A_163 = arith.constant 0 : i32
    %dma_start3A_164 = arith.constant 0 : i32
    %dma_start3A_165 = tpu.memref_slice %arg2[%dma_start3A_163, %dma_start3A_164] : memref<18688x768xf32, #tpu.memory_space<hbm>> -> memref<18688x768xf32, #tpu.memory_space<hbm>>
    tpu.enqueue_indirect_dma source(%dma_start3A_165 : memref<18688x768xf32, #tpu.memory_space<hbm>>) target(%arg9 : memref<32x768xf32, #tpu.memory_space<vmem>>) offsets(%dma_start3A_162 : memref<32xi32, #tpu.memory_space<vmem>>) semaphore(%arg13 : memref<!tpu.dma_semaphore, #tpu.memory_space<semaphore_mem>>)
    %dma_wait3A_166 = arith.constant 3 : i32
    %dma_wait3A_167 = arith.constant 0 : i32
    %dma_wait3A_168 = tpu.memref_slice %arg7[%dma_wait3A_166, %dma_wait3A_167] : memref<8x32xi32, #tpu.memory_space<vmem>> -> memref<1x32xi32, #tpu.memory_space<vmem>>
    %dma_wait3A_169 = tpu.memref_squeeze %dma_wait3A_168 : memref<1x32xi32, #tpu.memory_space<vmem>> -> memref<32xi32, #tpu.memory_space<vmem>>
    %dma_wait3A_170 = arith.constant 0 : i32
    %dma_wait3A_171 = arith.constant 0 : i32
    %dma_wait3A_172 = tpu.memref_slice %arg2[%dma_wait3A_170, %dma_wait3A_171] : memref<18688x768xf32, #tpu.memory_space<hbm>> -> memref<18688x768xf32, #tpu.memory_space<hbm>>
    tpu.wait_indirect_dma semaphore(%arg15 : memref<!tpu.dma_semaphore, #tpu.memory_space<semaphore_mem>>) src(%dma_wait3A_172 : memref<18688x768xf32, #tpu.memory_space<hbm>>) dst(%arg11 : memref<32x768xf32, #tpu.memory_space<vmem>>)
    %add3A_173 = arith.constant 96 : i32
    %add3A_174 = arith.addi %mul3A_2, %add3A_173 : i32
    %dma_start3A_175 = arith.constant 0 : i32
    %dma_start3A_176 = tpu.memref_slice %arg5[%add3A_174, %dma_start3A_175] : memref<8192x768xf32, #tpu.memory_space<hbm>> -> memref<32x768xf32, #tpu.memory_space<hbm>>
    %dma_start3A_177 = arith.constant 0 : i32
    %dma_start3A_178 = tpu.memref_slice %arg5[%add3A_174, %dma_start3A_177] : memref<8192x768xf32, #tpu.memory_space<hbm>> -> memref<32x768xf32, #tpu.memory_space<hbm>>
    tpu.enqueue_dma source(%arg11 : memref<32x768xf32, #tpu.memory_space<vmem>>) target(%dma_start3A_178 : memref<32x768xf32, #tpu.memory_space<hbm>>) target_semaphore(%arg19 : memref<!tpu.dma_semaphore, #tpu.memory_space<semaphore_mem>>)
    %dma_wait3A_179 = arith.constant 0 : i32
    %dma_wait3A_180 = tpu.memref_slice %arg6[%add3A_150, %dma_wait3A_179] : memref<8192x768xf32, #tpu.memory_space<hbm>> -> memref<32x768xf32, #tpu.memory_space<hbm>>
    %dma_wait3A_181 = arith.constant 0 : i32
    %dma_wait3A_182 = tpu.memref_slice %arg6[%add3A_150, %dma_wait3A_181] : memref<8192x768xf32, #tpu.memory_space<hbm>> -> memref<32x768xf32, #tpu.memory_space<hbm>>
    tpu.wait_dma2 semaphore(%arg18 : memref<!tpu.dma_semaphore, #tpu.memory_space<semaphore_mem>>) src(%arg10 : memref<32x768xf32, #tpu.memory_space<vmem>>) dst(%dma_wait3A_182 : memref<32x768xf32, #tpu.memory_space<hbm>>)
    %dma_start3A_183 = arith.constant 4 : i32
    %dma_start3A_184 = arith.constant 0 : i32
    %dma_start3A_185 = tpu.memref_slice %arg8[%dma_start3A_183, %dma_start3A_184] : memref<8x32xi32, #tpu.memory_space<vmem>> -> memref<1x32xi32, #tpu.memory_space<vmem>>
    %dma_start3A_186 = tpu.memref_squeeze %dma_start3A_185 : memref<1x32xi32, #tpu.memory_space<vmem>> -> memref<32xi32, #tpu.memory_space<vmem>>
    %dma_start3A_187 = arith.constant 0 : i32
    %dma_start3A_188 = arith.constant 0 : i32
    %dma_start3A_189 = tpu.memref_slice %arg2[%dma_start3A_187, %dma_start3A_188] : memref<18688x768xf32, #tpu.memory_space<hbm>> -> memref<18688x768xf32, #tpu.memory_space<hbm>>
    tpu.enqueue_indirect_dma source(%dma_start3A_189 : memref<18688x768xf32, #tpu.memory_space<hbm>>) target(%arg10 : memref<32x768xf32, #tpu.memory_space<vmem>>) offsets(%dma_start3A_186 : memref<32xi32, #tpu.memory_space<vmem>>) semaphore(%arg14 : memref<!tpu.dma_semaphore, #tpu.memory_space<semaphore_mem>>)
    %dma_wait3A_190 = arith.constant 3 : i32
    %dma_wait3A_191 = arith.constant 0 : i32
    %dma_wait3A_192 = tpu.memref_slice %arg8[%dma_wait3A_190, %dma_wait3A_191] : memref<8x32xi32, #tpu.memory_space<vmem>> -> memref<1x32xi32, #tpu.memory_space<vmem>>
    %dma_wait3A_193 = tpu.memref_squeeze %dma_wait3A_192 : memref<1x32xi32, #tpu.memory_space<vmem>> -> memref<32xi32, #tpu.memory_space<vmem>>
    %dma_wait3A_194 = arith.constant 0 : i32
    %dma_wait3A_195 = arith.constant 0 : i32
    %dma_wait3A_196 = tpu.memref_slice %arg2[%dma_wait3A_194, %dma_wait3A_195] : memref<18688x768xf32, #tpu.memory_space<hbm>> -> memref<18688x768xf32, #tpu.memory_space<hbm>>
    tpu.wait_indirect_dma semaphore(%arg16 : memref<!tpu.dma_semaphore, #tpu.memory_space<semaphore_mem>>) src(%dma_wait3A_196 : memref<18688x768xf32, #tpu.memory_space<hbm>>) dst(%arg12 : memref<32x768xf32, #tpu.memory_space<vmem>>)
    %add3A_197 = arith.constant 96 : i32
    %add3A_198 = arith.addi %mul3A_2, %add3A_197 : i32
    %dma_start3A_199 = arith.constant 0 : i32
    %dma_start3A_200 = tpu.memref_slice %arg6[%add3A_198, %dma_start3A_199] : memref<8192x768xf32, #tpu.memory_space<hbm>> -> memref<32x768xf32, #tpu.memory_space<hbm>>
    %dma_start3A_201 = arith.constant 0 : i32
    %dma_start3A_202 = tpu.memref_slice %arg6[%add3A_198, %dma_start3A_201] : memref<8192x768xf32, #tpu.memory_space<hbm>> -> memref<32x768xf32, #tpu.memory_space<hbm>>
    tpu.enqueue_dma source(%arg12 : memref<32x768xf32, #tpu.memory_space<vmem>>) target(%dma_start3A_202 : memref<32x768xf32, #tpu.memory_space<hbm>>) target_semaphore(%arg20 : memref<!tpu.dma_semaphore, #tpu.memory_space<semaphore_mem>>)
    %dma_wait3A_203 = arith.constant 0 : i32
    %dma_wait3A_204 = tpu.memref_slice %arg5[%add3A_174, %dma_wait3A_203] : memref<8192x768xf32, #tpu.memory_space<hbm>> -> memref<32x768xf32, #tpu.memory_space<hbm>>
    %dma_wait3A_205 = arith.constant 0 : i32
    %dma_wait3A_206 = tpu.memref_slice %arg5[%add3A_174, %dma_wait3A_205] : memref<8192x768xf32, #tpu.memory_space<hbm>> -> memref<32x768xf32, #tpu.memory_space<hbm>>
    tpu.wait_dma2 semaphore(%arg19 : memref<!tpu.dma_semaphore, #tpu.memory_space<semaphore_mem>>) src(%arg11 : memref<32x768xf32, #tpu.memory_space<vmem>>) dst(%dma_wait3A_206 : memref<32x768xf32, #tpu.memory_space<hbm>>)
    %dma_start3A_207 = arith.constant 5 : i32
    %dma_start3A_208 = arith.constant 0 : i32
    %dma_start3A_209 = tpu.memref_slice %arg7[%dma_start3A_207, %dma_start3A_208] : memref<8x32xi32, #tpu.memory_space<vmem>> -> memref<1x32xi32, #tpu.memory_space<vmem>>
    %dma_start3A_210 = tpu.memref_squeeze %dma_start3A_209 : memref<1x32xi32, #tpu.memory_space<vmem>> -> memref<32xi32, #tpu.memory_space<vmem>>
    %dma_start3A_211 = arith.constant 0 : i32
    %dma_start3A_212 = arith.constant 0 : i32
    %dma_start3A_213 = tpu.memref_slice %arg2[%dma_start3A_211, %dma_start3A_212] : memref<18688x768xf32, #tpu.memory_space<hbm>> -> memref<18688x768xf32, #tpu.memory_space<hbm>>
    tpu.enqueue_indirect_dma source(%dma_start3A_213 : memref<18688x768xf32, #tpu.memory_space<hbm>>) target(%arg11 : memref<32x768xf32, #tpu.memory_space<vmem>>) offsets(%dma_start3A_210 : memref<32xi32, #tpu.memory_space<vmem>>) semaphore(%arg15 : memref<!tpu.dma_semaphore, #tpu.memory_space<semaphore_mem>>)
    %dma_wait3A_214 = arith.constant 4 : i32
    %dma_wait3A_215 = arith.constant 0 : i32
    %dma_wait3A_216 = tpu.memref_slice %arg7[%dma_wait3A_214, %dma_wait3A_215] : memref<8x32xi32, #tpu.memory_space<vmem>> -> memref<1x32xi32, #tpu.memory_space<vmem>>
    %dma_wait3A_217 = tpu.memref_squeeze %dma_wait3A_216 : memref<1x32xi32, #tpu.memory_space<vmem>> -> memref<32xi32, #tpu.memory_space<vmem>>
    %dma_wait3A_218 = arith.constant 0 : i32
    %dma_wait3A_219 = arith.constant 0 : i32
    %dma_wait3A_220 = tpu.memref_slice %arg2[%dma_wait3A_218, %dma_wait3A_219] : memref<18688x768xf32, #tpu.memory_space<hbm>> -> memref<18688x768xf32, #tpu.memory_space<hbm>>
    tpu.wait_indirect_dma semaphore(%arg13 : memref<!tpu.dma_semaphore, #tpu.memory_space<semaphore_mem>>) src(%dma_wait3A_220 : memref<18688x768xf32, #tpu.memory_space<hbm>>) dst(%arg9 : memref<32x768xf32, #tpu.memory_space<vmem>>)
    %add3A_221 = arith.constant 128 : i32
    %add3A_222 = arith.addi %mul3A_2, %add3A_221 : i32
    %dma_start3A_223 = arith.constant 0 : i32
    %dma_start3A_224 = tpu.memref_slice %arg5[%add3A_222, %dma_start3A_223] : memref<8192x768xf32, #tpu.memory_space<hbm>> -> memref<32x768xf32, #tpu.memory_space<hbm>>
    %dma_start3A_225 = arith.constant 0 : i32
    %dma_start3A_226 = tpu.memref_slice %arg5[%add3A_222, %dma_start3A_225] : memref<8192x768xf32, #tpu.memory_space<hbm>> -> memref<32x768xf32, #tpu.memory_space<hbm>>
    tpu.enqueue_dma source(%arg9 : memref<32x768xf32, #tpu.memory_space<vmem>>) target(%dma_start3A_226 : memref<32x768xf32, #tpu.memory_space<hbm>>) target_semaphore(%arg17 : memref<!tpu.dma_semaphore, #tpu.memory_space<semaphore_mem>>)
    %dma_wait3A_227 = arith.constant 0 : i32
    %dma_wait3A_228 = tpu.memref_slice %arg6[%add3A_198, %dma_wait3A_227] : memref<8192x768xf32, #tpu.memory_space<hbm>> -> memref<32x768xf32, #tpu.memory_space<hbm>>
    %dma_wait3A_229 = arith.constant 0 : i32
    %dma_wait3A_230 = tpu.memref_slice %arg6[%add3A_198, %dma_wait3A_229] : memref<8192x768xf32, #tpu.memory_space<hbm>> -> memref<32x768xf32, #tpu.memory_space<hbm>>
    tpu.wait_dma2 semaphore(%arg20 : memref<!tpu.dma_semaphore, #tpu.memory_space<semaphore_mem>>) src(%arg12 : memref<32x768xf32, #tpu.memory_space<vmem>>) dst(%dma_wait3A_230 : memref<32x768xf32, #tpu.memory_space<hbm>>)
    %dma_start3A_231 = arith.constant 5 : i32
    %dma_start3A_232 = arith.constant 0 : i32
    %dma_start3A_233 = tpu.memref_slice %arg8[%dma_start3A_231, %dma_start3A_232] : memref<8x32xi32, #tpu.memory_space<vmem>> -> memref<1x32xi32, #tpu.memory_space<vmem>>
    %dma_start3A_234 = tpu.memref_squeeze %dma_start3A_233 : memref<1x32xi32, #tpu.memory_space<vmem>> -> memref<32xi32, #tpu.memory_space<vmem>>
    %dma_start3A_235 = arith.constant 0 : i32
    %dma_start3A_236 = arith.constant 0 : i32
    %dma_start3A_237 = tpu.memref_slice %arg2[%dma_start3A_235, %dma_start3A_236] : memref<18688x768xf32, #tpu.memory_space<hbm>> -> memref<18688x768xf32, #tpu.memory_space<hbm>>
    tpu.enqueue_indirect_dma source(%dma_start3A_237 : memref<18688x768xf32, #tpu.memory_space<hbm>>) target(%arg12 : memref<32x768xf32, #tpu.memory_space<vmem>>) offsets(%dma_start3A_234 : memref<32xi32, #tpu.memory_space<vmem>>) semaphore(%arg16 : memref<!tpu.dma_semaphore, #tpu.memory_space<semaphore_mem>>)
    %dma_wait3A_238 = arith.constant 4 : i32
    %dma_wait3A_239 = arith.constant 0 : i32
    %dma_wait3A_240 = tpu.memref_slice %arg8[%dma_wait3A_238, %dma_wait3A_239] : memref<8x32xi32, #tpu.memory_space<vmem>> -> memref<1x32xi32, #tpu.memory_space<vmem>>
    %dma_wait3A_241 = tpu.memref_squeeze %dma_wait3A_240 : memref<1x32xi32, #tpu.memory_space<vmem>> -> memref<32xi32, #tpu.memory_space<vmem>>
    %dma_wait3A_242 = arith.constant 0 : i32
    %dma_wait3A_243 = arith.constant 0 : i32
    %dma_wait3A_244 = tpu.memref_slice %arg2[%dma_wait3A_242, %dma_wait3A_243] : memref<18688x768xf32, #tpu.memory_space<hbm>> -> memref<18688x768xf32, #tpu.memory_space<hbm>>
    tpu.wait_indirect_dma semaphore(%arg14 : memref<!tpu.dma_semaphore, #tpu.memory_space<semaphore_mem>>) src(%dma_wait3A_244 : memref<18688x768xf32, #tpu.memory_space<hbm>>) dst(%arg10 : memref<32x768xf32, #tpu.memory_space<vmem>>)
    %add3A_245 = arith.constant 128 : i32
    %add3A_246 = arith.addi %mul3A_2, %add3A_245 : i32
    %dma_start3A_247 = arith.constant 0 : i32
    %dma_start3A_248 = tpu.memref_slice %arg6[%add3A_246, %dma_start3A_247] : memref<8192x768xf32, #tpu.memory_space<hbm>> -> memref<32x768xf32, #tpu.memory_space<hbm>>
    %dma_start3A_249 = arith.constant 0 : i32
    %dma_start3A_250 = tpu.memref_slice %arg6[%add3A_246, %dma_start3A_249] : memref<8192x768xf32, #tpu.memory_space<hbm>> -> memref<32x768xf32, #tpu.memory_space<hbm>>
    tpu.enqueue_dma source(%arg10 : memref<32x768xf32, #tpu.memory_space<vmem>>) target(%dma_start3A_250 : memref<32x768xf32, #tpu.memory_space<hbm>>) target_semaphore(%arg18 : memref<!tpu.dma_semaphore, #tpu.memory_space<semaphore_mem>>)
    %dma_wait3A_251 = arith.constant 0 : i32
    %dma_wait3A_252 = tpu.memref_slice %arg5[%add3A_222, %dma_wait3A_251] : memref<8192x768xf32, #tpu.memory_space<hbm>> -> memref<32x768xf32, #tpu.memory_space<hbm>>
    %dma_wait3A_253 = arith.constant 0 : i32
    %dma_wait3A_254 = tpu.memref_slice %arg5[%add3A_222, %dma_wait3A_253] : memref<8192x768xf32, #tpu.memory_space<hbm>> -> memref<32x768xf32, #tpu.memory_space<hbm>>
    tpu.wait_dma2 semaphore(%arg17 : memref<!tpu.dma_semaphore, #tpu.memory_space<semaphore_mem>>) src(%arg9 : memref<32x768xf32, #tpu.memory_space<vmem>>) dst(%dma_wait3A_254 : memref<32x768xf32, #tpu.memory_space<hbm>>)
    %dma_start3A_255 = arith.constant 6 : i32
    %dma_start3A_256 = arith.constant 0 : i32
    %dma_start3A_257 = tpu.memref_slice %arg7[%dma_start3A_255, %dma_start3A_256] : memref<8x32xi32, #tpu.memory_space<vmem>> -> memref<1x32xi32, #tpu.memory_space<vmem>>
    %dma_start3A_258 = tpu.memref_squeeze %dma_start3A_257 : memref<1x32xi32, #tpu.memory_space<vmem>> -> memref<32xi32, #tpu.memory_space<vmem>>
    %dma_start3A_259 = arith.constant 0 : i32
    %dma_start3A_260 = arith.constant 0 : i32
    %dma_start3A_261 = tpu.memref_slice %arg2[%dma_start3A_259, %dma_start3A_260] : memref<18688x768xf32, #tpu.memory_space<hbm>> -> memref<18688x768xf32, #tpu.memory_space<hbm>>
    tpu.enqueue_indirect_dma source(%dma_start3A_261 : memref<18688x768xf32, #tpu.memory_space<hbm>>) target(%arg9 : memref<32x768xf32, #tpu.memory_space<vmem>>) offsets(%dma_start3A_258 : memref<32xi32, #tpu.memory_space<vmem>>) semaphore(%arg13 : memref<!tpu.dma_semaphore, #tpu.memory_space<semaphore_mem>>)
    %dma_wait3A_262 = arith.constant 5 : i32
    %dma_wait3A_263 = arith.constant 0 : i32
    %dma_wait3A_264 = tpu.memref_slice %arg7[%dma_wait3A_262, %dma_wait3A_263] : memref<8x32xi32, #tpu.memory_space<vmem>> -> memref<1x32xi32, #tpu.memory_space<vmem>>
    %dma_wait3A_265 = tpu.memref_squeeze %dma_wait3A_264 : memref<1x32xi32, #tpu.memory_space<vmem>> -> memref<32xi32, #tpu.memory_space<vmem>>
    %dma_wait3A_266 = arith.constant 0 : i32
    %dma_wait3A_267 = arith.constant 0 : i32
    %dma_wait3A_268 = tpu.memref_slice %arg2[%dma_wait3A_266, %dma_wait3A_267] : memref<18688x768xf32, #tpu.memory_space<hbm>> -> memref<18688x768xf32, #tpu.memory_space<hbm>>
    tpu.wait_indirect_dma semaphore(%arg15 : memref<!tpu.dma_semaphore, #tpu.memory_space<semaphore_mem>>) src(%dma_wait3A_268 : memref<18688x768xf32, #tpu.memory_space<hbm>>) dst(%arg11 : memref<32x768xf32, #tpu.memory_space<vmem>>)
    %add3A_269 = arith.constant 160 : i32
    %add3A_270 = arith.addi %mul3A_2, %add3A_269 : i32
    %dma_start3A_271 = arith.constant 0 : i32
    %dma_start3A_272 = tpu.memref_slice %arg5[%add3A_270, %dma_start3A_271] : memref<8192x768xf32, #tpu.memory_space<hbm>> -> memref<32x768xf32, #tpu.memory_space<hbm>>
    %dma_start3A_273 = arith.constant 0 : i32
    %dma_start3A_274 = tpu.memref_slice %arg5[%add3A_270, %dma_start3A_273] : memref<8192x768xf32, #tpu.memory_space<hbm>> -> memref<32x768xf32, #tpu.memory_space<hbm>>
    tpu.enqueue_dma source(%arg11 : memref<32x768xf32, #tpu.memory_space<vmem>>) target(%dma_start3A_274 : memref<32x768xf32, #tpu.memory_space<hbm>>) target_semaphore(%arg19 : memref<!tpu.dma_semaphore, #tpu.memory_space<semaphore_mem>>)
    %dma_wait3A_275 = arith.constant 0 : i32
    %dma_wait3A_276 = tpu.memref_slice %arg6[%add3A_246, %dma_wait3A_275] : memref<8192x768xf32, #tpu.memory_space<hbm>> -> memref<32x768xf32, #tpu.memory_space<hbm>>
    %dma_wait3A_277 = arith.constant 0 : i32
    %dma_wait3A_278 = tpu.memref_slice %arg6[%add3A_246, %dma_wait3A_277] : memref<8192x768xf32, #tpu.memory_space<hbm>> -> memref<32x768xf32, #tpu.memory_space<hbm>>
    tpu.wait_dma2 semaphore(%arg18 : memref<!tpu.dma_semaphore, #tpu.memory_space<semaphore_mem>>) src(%arg10 : memref<32x768xf32, #tpu.memory_space<vmem>>) dst(%dma_wait3A_278 : memref<32x768xf32, #tpu.memory_space<hbm>>)
    %dma_start3A_279 = arith.constant 6 : i32
    %dma_start3A_280 = arith.constant 0 : i32
    %dma_start3A_281 = tpu.memref_slice %arg8[%dma_start3A_279, %dma_start3A_280] : memref<8x32xi32, #tpu.memory_space<vmem>> -> memref<1x32xi32, #tpu.memory_space<vmem>>
    %dma_start3A_282 = tpu.memref_squeeze %dma_start3A_281 : memref<1x32xi32, #tpu.memory_space<vmem>> -> memref<32xi32, #tpu.memory_space<vmem>>
    %dma_start3A_283 = arith.constant 0 : i32
    %dma_start3A_284 = arith.constant 0 : i32
    %dma_start3A_285 = tpu.memref_slice %arg2[%dma_start3A_283, %dma_start3A_284] : memref<18688x768xf32, #tpu.memory_space<hbm>> -> memref<18688x768xf32, #tpu.memory_space<hbm>>
    tpu.enqueue_indirect_dma source(%dma_start3A_285 : memref<18688x768xf32, #tpu.memory_space<hbm>>) target(%arg10 : memref<32x768xf32, #tpu.memory_space<vmem>>) offsets(%dma_start3A_282 : memref<32xi32, #tpu.memory_space<vmem>>) semaphore(%arg14 : memref<!tpu.dma_semaphore, #tpu.memory_space<semaphore_mem>>)
    %dma_wait3A_286 = arith.constant 5 : i32
    %dma_wait3A_287 = arith.constant 0 : i32
    %dma_wait3A_288 = tpu.memref_slice %arg8[%dma_wait3A_286, %dma_wait3A_287] : memref<8x32xi32, #tpu.memory_space<vmem>> -> memref<1x32xi32, #tpu.memory_space<vmem>>
    %dma_wait3A_289 = tpu.memref_squeeze %dma_wait3A_288 : memref<1x32xi32, #tpu.memory_space<vmem>> -> memref<32xi32, #tpu.memory_space<vmem>>
    %dma_wait3A_290 = arith.constant 0 : i32
    %dma_wait3A_291 = arith.constant 0 : i32
    %dma_wait3A_292 = tpu.memref_slice %arg2[%dma_wait3A_290, %dma_wait3A_291] : memref<18688x768xf32, #tpu.memory_space<hbm>> -> memref<18688x768xf32, #tpu.memory_space<hbm>>
    tpu.wait_indirect_dma semaphore(%arg16 : memref<!tpu.dma_semaphore, #tpu.memory_space<semaphore_mem>>) src(%dma_wait3A_292 : memref<18688x768xf32, #tpu.memory_space<hbm>>) dst(%arg12 : memref<32x768xf32, #tpu.memory_space<vmem>>)
    %add3A_293 = arith.constant 160 : i32
    %add3A_294 = arith.addi %mul3A_2, %add3A_293 : i32
    %dma_start3A_295 = arith.constant 0 : i32
    %dma_start3A_296 = tpu.memref_slice %arg6[%add3A_294, %dma_start3A_295] : memref<8192x768xf32, #tpu.memory_space<hbm>> -> memref<32x768xf32, #tpu.memory_space<hbm>>
    %dma_start3A_297 = arith.constant 0 : i32
    %dma_start3A_298 = tpu.memref_slice %arg6[%add3A_294, %dma_start3A_297] : memref<8192x768xf32, #tpu.memory_space<hbm>> -> memref<32x768xf32, #tpu.memory_space<hbm>>
    tpu.enqueue_dma source(%arg12 : memref<32x768xf32, #tpu.memory_space<vmem>>) target(%dma_start3A_298 : memref<32x768xf32, #tpu.memory_space<hbm>>) target_semaphore(%arg20 : memref<!tpu.dma_semaphore, #tpu.memory_space<semaphore_mem>>)
    %dma_wait3A_299 = arith.constant 0 : i32
    %dma_wait3A_300 = tpu.memref_slice %arg5[%add3A_270, %dma_wait3A_299] : memref<8192x768xf32, #tpu.memory_space<hbm>> -> memref<32x768xf32, #tpu.memory_space<hbm>>
    %dma_wait3A_301 = arith.constant 0 : i32
    %dma_wait3A_302 = tpu.memref_slice %arg5[%add3A_270, %dma_wait3A_301] : memref<8192x768xf32, #tpu.memory_space<hbm>> -> memref<32x768xf32, #tpu.memory_space<hbm>>
    tpu.wait_dma2 semaphore(%arg19 : memref<!tpu.dma_semaphore, #tpu.memory_space<semaphore_mem>>) src(%arg11 : memref<32x768xf32, #tpu.memory_space<vmem>>) dst(%dma_wait3A_302 : memref<32x768xf32, #tpu.memory_space<hbm>>)
    %dma_start3A_303 = arith.constant 7 : i32
    %dma_start3A_304 = arith.constant 0 : i32
    %dma_start3A_305 = tpu.memref_slice %arg7[%dma_start3A_303, %dma_start3A_304] : memref<8x32xi32, #tpu.memory_space<vmem>> -> memref<1x32xi32, #tpu.memory_space<vmem>>
    %dma_start3A_306 = tpu.memref_squeeze %dma_start3A_305 : memref<1x32xi32, #tpu.memory_space<vmem>> -> memref<32xi32, #tpu.memory_space<vmem>>
    %dma_start3A_307 = arith.constant 0 : i32
    %dma_start3A_308 = arith.constant 0 : i32
    %dma_start3A_309 = tpu.memref_slice %arg2[%dma_start3A_307, %dma_start3A_308] : memref<18688x768xf32, #tpu.memory_space<hbm>> -> memref<18688x768xf32, #tpu.memory_space<hbm>>
    tpu.enqueue_indirect_dma source(%dma_start3A_309 : memref<18688x768xf32, #tpu.memory_space<hbm>>) target(%arg11 : memref<32x768xf32, #tpu.memory_space<vmem>>) offsets(%dma_start3A_306 : memref<32xi32, #tpu.memory_space<vmem>>) semaphore(%arg15 : memref<!tpu.dma_semaphore, #tpu.memory_space<semaphore_mem>>)
    %dma_wait3A_310 = arith.constant 6 : i32
    %dma_wait3A_311 = arith.constant 0 : i32
    %dma_wait3A_312 = tpu.memref_slice %arg7[%dma_wait3A_310, %dma_wait3A_311] : memref<8x32xi32, #tpu.memory_space<vmem>> -> memref<1x32xi32, #tpu.memory_space<vmem>>
    %dma_wait3A_313 = tpu.memref_squeeze %dma_wait3A_312 : memref<1x32xi32, #tpu.memory_space<vmem>> -> memref<32xi32, #tpu.memory_space<vmem>>
    %dma_wait3A_314 = arith.constant 0 : i32
    %dma_wait3A_315 = arith.constant 0 : i32
    %dma_wait3A_316 = tpu.memref_slice %arg2[%dma_wait3A_314, %dma_wait3A_315] : memref<18688x768xf32, #tpu.memory_space<hbm>> -> memref<18688x768xf32, #tpu.memory_space<hbm>>
    tpu.wait_indirect_dma semaphore(%arg13 : memref<!tpu.dma_semaphore, #tpu.memory_space<semaphore_mem>>) src(%dma_wait3A_316 : memref<18688x768xf32, #tpu.memory_space<hbm>>) dst(%arg9 : memref<32x768xf32, #tpu.memory_space<vmem>>)
    %add3A_317 = arith.constant 192 : i32
    %add3A_318 = arith.addi %mul3A_2, %add3A_317 : i32
    %dma_start3A_319 = arith.constant 0 : i32
    %dma_start3A_320 = tpu.memref_slice %arg5[%add3A_318, %dma_start3A_319] : memref<8192x768xf32, #tpu.memory_space<hbm>> -> memref<32x768xf32, #tpu.memory_space<hbm>>
    %dma_start3A_321 = arith.constant 0 : i32
    %dma_start3A_322 = tpu.memref_slice %arg5[%add3A_318, %dma_start3A_321] : memref<8192x768xf32, #tpu.memory_space<hbm>> -> memref<32x768xf32, #tpu.memory_space<hbm>>
    tpu.enqueue_dma source(%arg9 : memref<32x768xf32, #tpu.memory_space<vmem>>) target(%dma_start3A_322 : memref<32x768xf32, #tpu.memory_space<hbm>>) target_semaphore(%arg17 : memref<!tpu.dma_semaphore, #tpu.memory_space<semaphore_mem>>)
    %dma_wait3A_323 = arith.constant 0 : i32
    %dma_wait3A_324 = tpu.memref_slice %arg6[%add3A_294, %dma_wait3A_323] : memref<8192x768xf32, #tpu.memory_space<hbm>> -> memref<32x768xf32, #tpu.memory_space<hbm>>
    %dma_wait3A_325 = arith.constant 0 : i32
    %dma_wait3A_326 = tpu.memref_slice %arg6[%add3A_294, %dma_wait3A_325] : memref<8192x768xf32, #tpu.memory_space<hbm>> -> memref<32x768xf32, #tpu.memory_space<hbm>>
    tpu.wait_dma2 semaphore(%arg20 : memref<!tpu.dma_semaphore, #tpu.memory_space<semaphore_mem>>) src(%arg12 : memref<32x768xf32, #tpu.memory_space<vmem>>) dst(%dma_wait3A_326 : memref<32x768xf32, #tpu.memory_space<hbm>>)
    %dma_start3A_327 = arith.constant 7 : i32
    %dma_start3A_328 = arith.constant 0 : i32
    %dma_start3A_329 = tpu.memref_slice %arg8[%dma_start3A_327, %dma_start3A_328] : memref<8x32xi32, #tpu.memory_space<vmem>> -> memref<1x32xi32, #tpu.memory_space<vmem>>
    %dma_start3A_330 = tpu.memref_squeeze %dma_start3A_329 : memref<1x32xi32, #tpu.memory_space<vmem>> -> memref<32xi32, #tpu.memory_space<vmem>>
    %dma_start3A_331 = arith.constant 0 : i32
    %dma_start3A_332 = arith.constant 0 : i32
    %dma_start3A_333 = tpu.memref_slice %arg2[%dma_start3A_331, %dma_start3A_332] : memref<18688x768xf32, #tpu.memory_space<hbm>> -> memref<18688x768xf32, #tpu.memory_space<hbm>>
    tpu.enqueue_indirect_dma source(%dma_start3A_333 : memref<18688x768xf32, #tpu.memory_space<hbm>>) target(%arg12 : memref<32x768xf32, #tpu.memory_space<vmem>>) offsets(%dma_start3A_330 : memref<32xi32, #tpu.memory_space<vmem>>) semaphore(%arg16 : memref<!tpu.dma_semaphore, #tpu.memory_space<semaphore_mem>>)
    %dma_wait3A_334 = arith.constant 6 : i32
    %dma_wait3A_335 = arith.constant 0 : i32
    %dma_wait3A_336 = tpu.memref_slice %arg8[%dma_wait3A_334, %dma_wait3A_335] : memref<8x32xi32, #tpu.memory_space<vmem>> -> memref<1x32xi32, #tpu.memory_space<vmem>>
    %dma_wait3A_337 = tpu.memref_squeeze %dma_wait3A_336 : memref<1x32xi32, #tpu.memory_space<vmem>> -> memref<32xi32, #tpu.memory_space<vmem>>
    %dma_wait3A_338 = arith.constant 0 : i32
    %dma_wait3A_339 = arith.constant 0 : i32
    %dma_wait3A_340 = tpu.memref_slice %arg2[%dma_wait3A_338, %dma_wait3A_339] : memref<18688x768xf32, #tpu.memory_space<hbm>> -> memref<18688x768xf32, #tpu.memory_space<hbm>>
    tpu.wait_indirect_dma semaphore(%arg14 : memref<!tpu.dma_semaphore, #tpu.memory_space<semaphore_mem>>) src(%dma_wait3A_340 : memref<18688x768xf32, #tpu.memory_space<hbm>>) dst(%arg10 : memref<32x768xf32, #tpu.memory_space<vmem>>)
    %add3A_341 = arith.constant 192 : i32
    %add3A_342 = arith.addi %mul3A_2, %add3A_341 : i32
    %dma_start3A_343 = arith.constant 0 : i32
    %dma_start3A_344 = tpu.memref_slice %arg6[%add3A_342, %dma_start3A_343] : memref<8192x768xf32, #tpu.memory_space<hbm>> -> memref<32x768xf32, #tpu.memory_space<hbm>>
    %dma_start3A_345 = arith.constant 0 : i32
    %dma_start3A_346 = tpu.memref_slice %arg6[%add3A_342, %dma_start3A_345] : memref<8192x768xf32, #tpu.memory_space<hbm>> -> memref<32x768xf32, #tpu.memory_space<hbm>>
    tpu.enqueue_dma source(%arg10 : memref<32x768xf32, #tpu.memory_space<vmem>>) target(%dma_start3A_346 : memref<32x768xf32, #tpu.memory_space<hbm>>) target_semaphore(%arg18 : memref<!tpu.dma_semaphore, #tpu.memory_space<semaphore_mem>>)
    %dma_wait3A_347 = arith.constant 7 : i32
    %dma_wait3A_348 = arith.constant 0 : i32
    %dma_wait3A_349 = tpu.memref_slice %arg7[%dma_wait3A_347, %dma_wait3A_348] : memref<8x32xi32, #tpu.memory_space<vmem>> -> memref<1x32xi32, #tpu.memory_space<vmem>>
    %dma_wait3A_350 = tpu.memref_squeeze %dma_wait3A_349 : memref<1x32xi32, #tpu.memory_space<vmem>> -> memref<32xi32, #tpu.memory_space<vmem>>
    %dma_wait3A_351 = arith.constant 0 : i32
    %dma_wait3A_352 = arith.constant 0 : i32
    %dma_wait3A_353 = tpu.memref_slice %arg2[%dma_wait3A_351, %dma_wait3A_352] : memref<18688x768xf32, #tpu.memory_space<hbm>> -> memref<18688x768xf32, #tpu.memory_space<hbm>>
    tpu.wait_indirect_dma semaphore(%arg15 : memref<!tpu.dma_semaphore, #tpu.memory_space<semaphore_mem>>) src(%dma_wait3A_353 : memref<18688x768xf32, #tpu.memory_space<hbm>>) dst(%arg11 : memref<32x768xf32, #tpu.memory_space<vmem>>)
    %add3A_354 = arith.constant 224 : i32
    %add3A_355 = arith.addi %mul3A_2, %add3A_354 : i32
    %dma_start3A_356 = arith.constant 0 : i32
    %dma_start3A_357 = tpu.memref_slice %arg5[%add3A_355, %dma_start3A_356] : memref<8192x768xf32, #tpu.memory_space<hbm>> -> memref<32x768xf32, #tpu.memory_space<hbm>>
    %dma_start3A_358 = arith.constant 0 : i32
    %dma_start3A_359 = tpu.memref_slice %arg5[%add3A_355, %dma_start3A_358] : memref<8192x768xf32, #tpu.memory_space<hbm>> -> memref<32x768xf32, #tpu.memory_space<hbm>>
    tpu.enqueue_dma source(%arg11 : memref<32x768xf32, #tpu.memory_space<vmem>>) target(%dma_start3A_359 : memref<32x768xf32, #tpu.memory_space<hbm>>) target_semaphore(%arg19 : memref<!tpu.dma_semaphore, #tpu.memory_space<semaphore_mem>>)
    %dma_wait3A_360 = arith.constant 7 : i32
    %dma_wait3A_361 = arith.constant 0 : i32
    %dma_wait3A_362 = tpu.memref_slice %arg8[%dma_wait3A_360, %dma_wait3A_361] : memref<8x32xi32, #tpu.memory_space<vmem>> -> memref<1x32xi32, #tpu.memory_space<vmem>>
    %dma_wait3A_363 = tpu.memref_squeeze %dma_wait3A_362 : memref<1x32xi32, #tpu.memory_space<vmem>> -> memref<32xi32, #tpu.memory_space<vmem>>
    %dma_wait3A_364 = arith.constant 0 : i32
    %dma_wait3A_365 = arith.constant 0 : i32
    %dma_wait3A_366 = tpu.memref_slice %arg2[%dma_wait3A_364, %dma_wait3A_365] : memref<18688x768xf32, #tpu.memory_space<hbm>> -> memref<18688x768xf32, #tpu.memory_space<hbm>>
    tpu.wait_indirect_dma semaphore(%arg16 : memref<!tpu.dma_semaphore, #tpu.memory_space<semaphore_mem>>) src(%dma_wait3A_366 : memref<18688x768xf32, #tpu.memory_space<hbm>>) dst(%arg12 : memref<32x768xf32, #tpu.memory_space<vmem>>)
    %add3A_367 = arith.constant 224 : i32
    %add3A_368 = arith.addi %mul3A_2, %add3A_367 : i32
    %dma_start3A_369 = arith.constant 0 : i32
    %dma_start3A_370 = tpu.memref_slice %arg6[%add3A_368, %dma_start3A_369] : memref<8192x768xf32, #tpu.memory_space<hbm>> -> memref<32x768xf32, #tpu.memory_space<hbm>>
    %dma_start3A_371 = arith.constant 0 : i32
    %dma_start3A_372 = tpu.memref_slice %arg6[%add3A_368, %dma_start3A_371] : memref<8192x768xf32, #tpu.memory_space<hbm>> -> memref<32x768xf32, #tpu.memory_space<hbm>>
    tpu.enqueue_dma source(%arg12 : memref<32x768xf32, #tpu.memory_space<vmem>>) target(%dma_start3A_372 : memref<32x768xf32, #tpu.memory_space<hbm>>) target_semaphore(%arg20 : memref<!tpu.dma_semaphore, #tpu.memory_space<semaphore_mem>>)
    %dma_wait3A_373 = arith.constant 0 : i32
    %dma_wait3A_374 = tpu.memref_slice %arg5[%add3A_318, %dma_wait3A_373] : memref<8192x768xf32, #tpu.memory_space<hbm>> -> memref<32x768xf32, #tpu.memory_space<hbm>>
    %dma_wait3A_375 = arith.constant 0 : i32
    %dma_wait3A_376 = tpu.memref_slice %arg5[%add3A_318, %dma_wait3A_375] : memref<8192x768xf32, #tpu.memory_space<hbm>> -> memref<32x768xf32, #tpu.memory_space<hbm>>
    tpu.wait_dma2 semaphore(%arg17 : memref<!tpu.dma_semaphore, #tpu.memory_space<semaphore_mem>>) src(%arg9 : memref<32x768xf32, #tpu.memory_space<vmem>>) dst(%dma_wait3A_376 : memref<32x768xf32, #tpu.memory_space<hbm>>)
    %dma_wait3A_377 = arith.constant 0 : i32
    %dma_wait3A_378 = tpu.memref_slice %arg6[%add3A_342, %dma_wait3A_377] : memref<8192x768xf32, #tpu.memory_space<hbm>> -> memref<32x768xf32, #tpu.memory_space<hbm>>
    %dma_wait3A_379 = arith.constant 0 : i32
    %dma_wait3A_380 = tpu.memref_slice %arg6[%add3A_342, %dma_wait3A_379] : memref<8192x768xf32, #tpu.memory_space<hbm>> -> memref<32x768xf32, #tpu.memory_space<hbm>>
    tpu.wait_dma2 semaphore(%arg18 : memref<!tpu.dma_semaphore, #tpu.memory_space<semaphore_mem>>) src(%arg10 : memref<32x768xf32, #tpu.memory_space<vmem>>) dst(%dma_wait3A_380 : memref<32x768xf32, #tpu.memory_space<hbm>>)
    %dma_wait3A_381 = arith.constant 0 : i32
    %dma_wait3A_382 = tpu.memref_slice %arg5[%add3A_355, %dma_wait3A_381] : memref<8192x768xf32, #tpu.memory_space<hbm>> -> memref<32x768xf32, #tpu.memory_space<hbm>>
    %dma_wait3A_383 = arith.constant 0 : i32
    %dma_wait3A_384 = tpu.memref_slice %arg5[%add3A_355, %dma_wait3A_383] : memref<8192x768xf32, #tpu.memory_space<hbm>> -> memref<32x768xf32, #tpu.memory_space<hbm>>
    tpu.wait_dma2 semaphore(%arg19 : memref<!tpu.dma_semaphore, #tpu.memory_space<semaphore_mem>>) src(%arg11 : memref<32x768xf32, #tpu.memory_space<vmem>>) dst(%dma_wait3A_384 : memref<32x768xf32, #tpu.memory_space<hbm>>)
    %dma_wait3A_385 = arith.constant 0 : i32
    %dma_wait3A_386 = tpu.memref_slice %arg6[%add3A_368, %dma_wait3A_385] : memref<8192x768xf32, #tpu.memory_space<hbm>> -> memref<32x768xf32, #tpu.memory_space<hbm>>
    %dma_wait3A_387 = arith.constant 0 : i32
    %dma_wait3A_388 = tpu.memref_slice %arg6[%add3A_368, %dma_wait3A_387] : memref<8192x768xf32, #tpu.memory_space<hbm>> -> memref<32x768xf32, #tpu.memory_space<hbm>>
    tpu.wait_dma2 semaphore(%arg20 : memref<!tpu.dma_semaphore, #tpu.memory_space<semaphore_mem>>) src(%arg12 : memref<32x768xf32, #tpu.memory_space<vmem>>) dst(%dma_wait3A_388 : memref<32x768xf32, #tpu.memory_space<hbm>>)
    return
  }
}

#map = affine_map<(d0, d1) -> (0, 0)>
module attributes {stable_mosaic.version = 14 : i64} {
  func.func @_sc_dispatch_body(%arg0: i32, %arg1: i32, %arg2: memref<8192x768xf32, #tpu.memory_space<hbm>>, %arg3: memref<256x32xi32, #tpu.memory_space<hbm>>, %arg4: memref<256x32xi32, #tpu.memory_space<hbm>>, %arg5: memref<18688x768xf32, #tpu.memory_space<hbm>>, %arg6: memref<8x32xi32, #tpu.memory_space<vmem>>, %arg7: memref<8x32xi32, #tpu.memory_space<vmem>>, %arg8: memref<32x768xf32, #tpu.memory_space<vmem>>, %arg9: memref<32x768xf32, #tpu.memory_space<vmem>>, %arg10: memref<32x768xf32, #tpu.memory_space<vmem>>, %arg11: memref<32x768xf32, #tpu.memory_space<vmem>>, %arg12: memref<!tpu.dma_semaphore, #tpu.memory_space<semaphore_mem>>, %arg13: memref<!tpu.dma_semaphore, #tpu.memory_space<semaphore_mem>>, %arg14: memref<!tpu.dma_semaphore, #tpu.memory_space<semaphore_mem>>, %arg15: memref<!tpu.dma_semaphore, #tpu.memory_space<semaphore_mem>>, %arg16: memref<!tpu.dma_semaphore, #tpu.memory_space<semaphore_mem>>, %arg17: memref<!tpu.dma_semaphore, #tpu.memory_space<semaphore_mem>>, %arg18: memref<!tpu.dma_semaphore, #tpu.memory_space<semaphore_mem>>, %arg19: memref<!tpu.dma_semaphore, #tpu.memory_space<semaphore_mem>>) attributes {dimension_semantics = [#tpu.dimension_semantics<core_parallel>, #tpu.dimension_semantics<subcore_parallel>], iteration_bounds = array<i64: 2, 16>, scalar_prefetch = 0 : i64, scratch_operands = 14 : i64, tpu.core_type = #tpu.core_type<sc_vector_subcore>, window_params = [{transform_indices = #map}, {transform_indices = #map}, {transform_indices = #map}, {transform_indices = #map}]} {
    %mul3A = arith.constant 2 : i32
    %mul3A_0 = arith.muli %arg1, %mul3A : i32
    %add3A = arith.addi %mul3A_0, %arg0 : i32
    %mul3A_1 = arith.constant 256 : i32
    %mul3A_2 = arith.muli %add3A, %mul3A_1 : i32
    %mul3A_3 = arith.constant 8 : i32
    %mul3A_4 = arith.muli %add3A, %mul3A_3 : i32
    "tpu.region"() ({
      %run_scoped3A = tpu.sem_alloc : memref<!tpu.dma_semaphore, #tpu.memory_space<semaphore_mem>>
      %dma_start3A_309 = arith.constant 0 : i32
      %dma_start3A_310 = tpu.memref_slice %arg3[%mul3A_4, %dma_start3A_309] : memref<256x32xi32, #tpu.memory_space<hbm>> -> memref<8x32xi32, #tpu.memory_space<hbm>>
      %dma_start3A_311 = arith.constant 0 : i32
      %dma_start3A_312 = tpu.memref_slice %arg3[%mul3A_4, %dma_start3A_311] : memref<256x32xi32, #tpu.memory_space<hbm>> -> memref<8x32xi32, #tpu.memory_space<hbm>>
      tpu.enqueue_dma source(%dma_start3A_312 : memref<8x32xi32, #tpu.memory_space<hbm>>) target(%arg6 : memref<8x32xi32, #tpu.memory_space<vmem>>) target_semaphore(%run_scoped3A : memref<!tpu.dma_semaphore, #tpu.memory_space<semaphore_mem>>)
      %dma_wait3A_313 = arith.constant 0 : i32
      %dma_wait3A_314 = tpu.memref_slice %arg3[%mul3A_4, %dma_wait3A_313] : memref<256x32xi32, #tpu.memory_space<hbm>> -> memref<8x32xi32, #tpu.memory_space<hbm>>
      %dma_wait3A_315 = arith.constant 0 : i32
      %dma_wait3A_316 = tpu.memref_slice %arg3[%mul3A_4, %dma_wait3A_315] : memref<256x32xi32, #tpu.memory_space<hbm>> -> memref<8x32xi32, #tpu.memory_space<hbm>>
      tpu.wait_dma2 semaphore(%run_scoped3A : memref<!tpu.dma_semaphore, #tpu.memory_space<semaphore_mem>>) src(%dma_wait3A_316 : memref<8x32xi32, #tpu.memory_space<hbm>>) dst(%arg6 : memref<8x32xi32, #tpu.memory_space<vmem>>)
      tpu.yield
    }) : () -> ()
    %mul3A_5 = arith.constant 8 : i32
    %mul3A_6 = arith.muli %add3A, %mul3A_5 : i32
    "tpu.region"() ({
      %run_scoped3A = tpu.sem_alloc : memref<!tpu.dma_semaphore, #tpu.memory_space<semaphore_mem>>
      %dma_start3A_309 = arith.constant 0 : i32
      %dma_start3A_310 = tpu.memref_slice %arg4[%mul3A_6, %dma_start3A_309] : memref<256x32xi32, #tpu.memory_space<hbm>> -> memref<8x32xi32, #tpu.memory_space<hbm>>
      %dma_start3A_311 = arith.constant 0 : i32
      %dma_start3A_312 = tpu.memref_slice %arg4[%mul3A_6, %dma_start3A_311] : memref<256x32xi32, #tpu.memory_space<hbm>> -> memref<8x32xi32, #tpu.memory_space<hbm>>
      tpu.enqueue_dma source(%dma_start3A_312 : memref<8x32xi32, #tpu.memory_space<hbm>>) target(%arg7 : memref<8x32xi32, #tpu.memory_space<vmem>>) target_semaphore(%run_scoped3A : memref<!tpu.dma_semaphore, #tpu.memory_space<semaphore_mem>>)
      %dma_wait3A_313 = arith.constant 0 : i32
      %dma_wait3A_314 = tpu.memref_slice %arg4[%mul3A_6, %dma_wait3A_313] : memref<256x32xi32, #tpu.memory_space<hbm>> -> memref<8x32xi32, #tpu.memory_space<hbm>>
      %dma_wait3A_315 = arith.constant 0 : i32
      %dma_wait3A_316 = tpu.memref_slice %arg4[%mul3A_6, %dma_wait3A_315] : memref<256x32xi32, #tpu.memory_space<hbm>> -> memref<8x32xi32, #tpu.memory_space<hbm>>
      tpu.wait_dma2 semaphore(%run_scoped3A : memref<!tpu.dma_semaphore, #tpu.memory_space<semaphore_mem>>) src(%dma_wait3A_316 : memref<8x32xi32, #tpu.memory_space<hbm>>) dst(%arg7 : memref<8x32xi32, #tpu.memory_space<vmem>>)
      tpu.yield
    }) : () -> ()
    %add3A_7 = arith.constant 0 : i32
    %add3A_8 = arith.addi %mul3A_2, %add3A_7 : i32
    %dma_start3A = arith.constant 0 : i32
    %dma_start3A_9 = tpu.memref_slice %arg2[%add3A_8, %dma_start3A] : memref<8192x768xf32, #tpu.memory_space<hbm>> -> memref<32x768xf32, #tpu.memory_space<hbm>>
    %dma_start3A_10 = arith.constant 0 : i32
    %dma_start3A_11 = tpu.memref_slice %arg2[%add3A_8, %dma_start3A_10] : memref<8192x768xf32, #tpu.memory_space<hbm>> -> memref<32x768xf32, #tpu.memory_space<hbm>>
    tpu.enqueue_dma source(%dma_start3A_11 : memref<32x768xf32, #tpu.memory_space<hbm>>) target(%arg8 : memref<32x768xf32, #tpu.memory_space<vmem>>) target_semaphore(%arg12 : memref<!tpu.dma_semaphore, #tpu.memory_space<semaphore_mem>>)
    %add3A_12 = arith.constant 32 : i32
    %add3A_13 = arith.addi %mul3A_2, %add3A_12 : i32
    %dma_start3A_14 = arith.constant 0 : i32
    %dma_start3A_15 = tpu.memref_slice %arg2[%add3A_13, %dma_start3A_14] : memref<8192x768xf32, #tpu.memory_space<hbm>> -> memref<32x768xf32, #tpu.memory_space<hbm>>
    %dma_start3A_16 = arith.constant 0 : i32
    %dma_start3A_17 = tpu.memref_slice %arg2[%add3A_13, %dma_start3A_16] : memref<8192x768xf32, #tpu.memory_space<hbm>> -> memref<32x768xf32, #tpu.memory_space<hbm>>
    tpu.enqueue_dma source(%dma_start3A_17 : memref<32x768xf32, #tpu.memory_space<hbm>>) target(%arg9 : memref<32x768xf32, #tpu.memory_space<vmem>>) target_semaphore(%arg13 : memref<!tpu.dma_semaphore, #tpu.memory_space<semaphore_mem>>)
    %add3A_18 = arith.constant 64 : i32
    %add3A_19 = arith.addi %mul3A_2, %add3A_18 : i32
    %dma_start3A_20 = arith.constant 0 : i32
    %dma_start3A_21 = tpu.memref_slice %arg2[%add3A_19, %dma_start3A_20] : memref<8192x768xf32, #tpu.memory_space<hbm>> -> memref<32x768xf32, #tpu.memory_space<hbm>>
    %dma_start3A_22 = arith.constant 0 : i32
    %dma_start3A_23 = tpu.memref_slice %arg2[%add3A_19, %dma_start3A_22] : memref<8192x768xf32, #tpu.memory_space<hbm>> -> memref<32x768xf32, #tpu.memory_space<hbm>>
    tpu.enqueue_dma source(%dma_start3A_23 : memref<32x768xf32, #tpu.memory_space<hbm>>) target(%arg10 : memref<32x768xf32, #tpu.memory_space<vmem>>) target_semaphore(%arg14 : memref<!tpu.dma_semaphore, #tpu.memory_space<semaphore_mem>>)
    %add3A_24 = arith.constant 96 : i32
    %add3A_25 = arith.addi %mul3A_2, %add3A_24 : i32
    %dma_start3A_26 = arith.constant 0 : i32
    %dma_start3A_27 = tpu.memref_slice %arg2[%add3A_25, %dma_start3A_26] : memref<8192x768xf32, #tpu.memory_space<hbm>> -> memref<32x768xf32, #tpu.memory_space<hbm>>
    %dma_start3A_28 = arith.constant 0 : i32
    %dma_start3A_29 = tpu.memref_slice %arg2[%add3A_25, %dma_start3A_28] : memref<8192x768xf32, #tpu.memory_space<hbm>> -> memref<32x768xf32, #tpu.memory_space<hbm>>
    tpu.enqueue_dma source(%dma_start3A_29 : memref<32x768xf32, #tpu.memory_space<hbm>>) target(%arg11 : memref<32x768xf32, #tpu.memory_space<vmem>>) target_semaphore(%arg15 : memref<!tpu.dma_semaphore, #tpu.memory_space<semaphore_mem>>)
    %dma_wait3A = arith.constant 0 : i32
    %dma_wait3A_30 = tpu.memref_slice %arg2[%add3A_8, %dma_wait3A] : memref<8192x768xf32, #tpu.memory_space<hbm>> -> memref<32x768xf32, #tpu.memory_space<hbm>>
    %dma_wait3A_31 = arith.constant 0 : i32
    %dma_wait3A_32 = tpu.memref_slice %arg2[%add3A_8, %dma_wait3A_31] : memref<8192x768xf32, #tpu.memory_space<hbm>> -> memref<32x768xf32, #tpu.memory_space<hbm>>
    tpu.wait_dma2 semaphore(%arg12 : memref<!tpu.dma_semaphore, #tpu.memory_space<semaphore_mem>>) src(%dma_wait3A_32 : memref<32x768xf32, #tpu.memory_space<hbm>>) dst(%arg8 : memref<32x768xf32, #tpu.memory_space<vmem>>)
    %dma_start3A_33 = arith.constant 0 : i32
    %dma_start3A_34 = arith.constant 0 : i32
    %dma_start3A_35 = tpu.memref_slice %arg6[%dma_start3A_33, %dma_start3A_34] : memref<8x32xi32, #tpu.memory_space<vmem>> -> memref<1x32xi32, #tpu.memory_space<vmem>>
    %dma_start3A_36 = tpu.memref_squeeze %dma_start3A_35 : memref<1x32xi32, #tpu.memory_space<vmem>> -> memref<32xi32, #tpu.memory_space<vmem>>
    %dma_start3A_37 = arith.constant 0 : i32
    %dma_start3A_38 = arith.constant 0 : i32
    %dma_start3A_39 = tpu.memref_slice %arg5[%dma_start3A_37, %dma_start3A_38] : memref<18688x768xf32, #tpu.memory_space<hbm>> -> memref<18688x768xf32, #tpu.memory_space<hbm>>
    tpu.enqueue_indirect_dma source(%arg8 : memref<32x768xf32, #tpu.memory_space<vmem>>) target(%dma_start3A_39 : memref<18688x768xf32, #tpu.memory_space<hbm>>) offsets(%dma_start3A_36 : memref<32xi32, #tpu.memory_space<vmem>>) semaphore(%arg16 : memref<!tpu.dma_semaphore, #tpu.memory_space<semaphore_mem>>)
    %dma_start3A_40 = arith.constant 0 : i32
    %dma_start3A_41 = arith.constant 0 : i32
    %dma_start3A_42 = tpu.memref_slice %arg7[%dma_start3A_40, %dma_start3A_41] : memref<8x32xi32, #tpu.memory_space<vmem>> -> memref<1x32xi32, #tpu.memory_space<vmem>>
    %dma_start3A_43 = tpu.memref_squeeze %dma_start3A_42 : memref<1x32xi32, #tpu.memory_space<vmem>> -> memref<32xi32, #tpu.memory_space<vmem>>
    %dma_start3A_44 = arith.constant 0 : i32
    %dma_start3A_45 = arith.constant 0 : i32
    %dma_start3A_46 = tpu.memref_slice %arg5[%dma_start3A_44, %dma_start3A_45] : memref<18688x768xf32, #tpu.memory_space<hbm>> -> memref<18688x768xf32, #tpu.memory_space<hbm>>
    tpu.enqueue_indirect_dma source(%arg8 : memref<32x768xf32, #tpu.memory_space<vmem>>) target(%dma_start3A_46 : memref<18688x768xf32, #tpu.memory_space<hbm>>) offsets(%dma_start3A_43 : memref<32xi32, #tpu.memory_space<vmem>>) semaphore(%arg16 : memref<!tpu.dma_semaphore, #tpu.memory_space<semaphore_mem>>)
    %dma_wait3A_47 = arith.constant 0 : i32
    %dma_wait3A_48 = tpu.memref_slice %arg2[%add3A_13, %dma_wait3A_47] : memref<8192x768xf32, #tpu.memory_space<hbm>> -> memref<32x768xf32, #tpu.memory_space<hbm>>
    %dma_wait3A_49 = arith.constant 0 : i32
    %dma_wait3A_50 = tpu.memref_slice %arg2[%add3A_13, %dma_wait3A_49] : memref<8192x768xf32, #tpu.memory_space<hbm>> -> memref<32x768xf32, #tpu.memory_space<hbm>>
    tpu.wait_dma2 semaphore(%arg13 : memref<!tpu.dma_semaphore, #tpu.memory_space<semaphore_mem>>) src(%dma_wait3A_50 : memref<32x768xf32, #tpu.memory_space<hbm>>) dst(%arg9 : memref<32x768xf32, #tpu.memory_space<vmem>>)
    %dma_start3A_51 = arith.constant 1 : i32
    %dma_start3A_52 = arith.constant 0 : i32
    %dma_start3A_53 = tpu.memref_slice %arg6[%dma_start3A_51, %dma_start3A_52] : memref<8x32xi32, #tpu.memory_space<vmem>> -> memref<1x32xi32, #tpu.memory_space<vmem>>
    %dma_start3A_54 = tpu.memref_squeeze %dma_start3A_53 : memref<1x32xi32, #tpu.memory_space<vmem>> -> memref<32xi32, #tpu.memory_space<vmem>>
    %dma_start3A_55 = arith.constant 0 : i32
    %dma_start3A_56 = arith.constant 0 : i32
    %dma_start3A_57 = tpu.memref_slice %arg5[%dma_start3A_55, %dma_start3A_56] : memref<18688x768xf32, #tpu.memory_space<hbm>> -> memref<18688x768xf32, #tpu.memory_space<hbm>>
    tpu.enqueue_indirect_dma source(%arg9 : memref<32x768xf32, #tpu.memory_space<vmem>>) target(%dma_start3A_57 : memref<18688x768xf32, #tpu.memory_space<hbm>>) offsets(%dma_start3A_54 : memref<32xi32, #tpu.memory_space<vmem>>) semaphore(%arg17 : memref<!tpu.dma_semaphore, #tpu.memory_space<semaphore_mem>>)
    %dma_start3A_58 = arith.constant 1 : i32
    %dma_start3A_59 = arith.constant 0 : i32
    %dma_start3A_60 = tpu.memref_slice %arg7[%dma_start3A_58, %dma_start3A_59] : memref<8x32xi32, #tpu.memory_space<vmem>> -> memref<1x32xi32, #tpu.memory_space<vmem>>
    %dma_start3A_61 = tpu.memref_squeeze %dma_start3A_60 : memref<1x32xi32, #tpu.memory_space<vmem>> -> memref<32xi32, #tpu.memory_space<vmem>>
    %dma_start3A_62 = arith.constant 0 : i32
    %dma_start3A_63 = arith.constant 0 : i32
    %dma_start3A_64 = tpu.memref_slice %arg5[%dma_start3A_62, %dma_start3A_63] : memref<18688x768xf32, #tpu.memory_space<hbm>> -> memref<18688x768xf32, #tpu.memory_space<hbm>>
    tpu.enqueue_indirect_dma source(%arg9 : memref<32x768xf32, #tpu.memory_space<vmem>>) target(%dma_start3A_64 : memref<18688x768xf32, #tpu.memory_space<hbm>>) offsets(%dma_start3A_61 : memref<32xi32, #tpu.memory_space<vmem>>) semaphore(%arg17 : memref<!tpu.dma_semaphore, #tpu.memory_space<semaphore_mem>>)
    %dma_wait3A_65 = arith.constant 0 : i32
    %dma_wait3A_66 = arith.constant 0 : i32
    %dma_wait3A_67 = tpu.memref_slice %arg6[%dma_wait3A_65, %dma_wait3A_66] : memref<8x32xi32, #tpu.memory_space<vmem>> -> memref<1x32xi32, #tpu.memory_space<vmem>>
    %dma_wait3A_68 = tpu.memref_squeeze %dma_wait3A_67 : memref<1x32xi32, #tpu.memory_space<vmem>> -> memref<32xi32, #tpu.memory_space<vmem>>
    %dma_wait3A_69 = arith.constant 0 : i32
    %dma_wait3A_70 = arith.constant 0 : i32
    %dma_wait3A_71 = tpu.memref_slice %arg5[%dma_wait3A_69, %dma_wait3A_70] : memref<18688x768xf32, #tpu.memory_space<hbm>> -> memref<18688x768xf32, #tpu.memory_space<hbm>>
    tpu.wait_indirect_dma semaphore(%arg16 : memref<!tpu.dma_semaphore, #tpu.memory_space<semaphore_mem>>) src(%arg8 : memref<32x768xf32, #tpu.memory_space<vmem>>) dst(%dma_wait3A_71 : memref<18688x768xf32, #tpu.memory_space<hbm>>)
    %dma_wait3A_72 = arith.constant 0 : i32
    %dma_wait3A_73 = arith.constant 0 : i32
    %dma_wait3A_74 = tpu.memref_slice %arg7[%dma_wait3A_72, %dma_wait3A_73] : memref<8x32xi32, #tpu.memory_space<vmem>> -> memref<1x32xi32, #tpu.memory_space<vmem>>
    %dma_wait3A_75 = tpu.memref_squeeze %dma_wait3A_74 : memref<1x32xi32, #tpu.memory_space<vmem>> -> memref<32xi32, #tpu.memory_space<vmem>>
    %dma_wait3A_76 = arith.constant 0 : i32
    %dma_wait3A_77 = arith.constant 0 : i32
    %dma_wait3A_78 = tpu.memref_slice %arg5[%dma_wait3A_76, %dma_wait3A_77] : memref<18688x768xf32, #tpu.memory_space<hbm>> -> memref<18688x768xf32, #tpu.memory_space<hbm>>
    tpu.wait_indirect_dma semaphore(%arg16 : memref<!tpu.dma_semaphore, #tpu.memory_space<semaphore_mem>>) src(%arg8 : memref<32x768xf32, #tpu.memory_space<vmem>>) dst(%dma_wait3A_78 : memref<18688x768xf32, #tpu.memory_space<hbm>>)
    %add3A_79 = arith.constant 128 : i32
    %add3A_80 = arith.addi %mul3A_2, %add3A_79 : i32
    %dma_start3A_81 = arith.constant 0 : i32
    %dma_start3A_82 = tpu.memref_slice %arg2[%add3A_80, %dma_start3A_81] : memref<8192x768xf32, #tpu.memory_space<hbm>> -> memref<32x768xf32, #tpu.memory_space<hbm>>
    %dma_start3A_83 = arith.constant 0 : i32
    %dma_start3A_84 = tpu.memref_slice %arg2[%add3A_80, %dma_start3A_83] : memref<8192x768xf32, #tpu.memory_space<hbm>> -> memref<32x768xf32, #tpu.memory_space<hbm>>
    tpu.enqueue_dma source(%dma_start3A_84 : memref<32x768xf32, #tpu.memory_space<hbm>>) target(%arg8 : memref<32x768xf32, #tpu.memory_space<vmem>>) target_semaphore(%arg12 : memref<!tpu.dma_semaphore, #tpu.memory_space<semaphore_mem>>)
    %dma_wait3A_85 = arith.constant 0 : i32
    %dma_wait3A_86 = tpu.memref_slice %arg2[%add3A_19, %dma_wait3A_85] : memref<8192x768xf32, #tpu.memory_space<hbm>> -> memref<32x768xf32, #tpu.memory_space<hbm>>
    %dma_wait3A_87 = arith.constant 0 : i32
    %dma_wait3A_88 = tpu.memref_slice %arg2[%add3A_19, %dma_wait3A_87] : memref<8192x768xf32, #tpu.memory_space<hbm>> -> memref<32x768xf32, #tpu.memory_space<hbm>>
    tpu.wait_dma2 semaphore(%arg14 : memref<!tpu.dma_semaphore, #tpu.memory_space<semaphore_mem>>) src(%dma_wait3A_88 : memref<32x768xf32, #tpu.memory_space<hbm>>) dst(%arg10 : memref<32x768xf32, #tpu.memory_space<vmem>>)
    %dma_start3A_89 = arith.constant 2 : i32
    %dma_start3A_90 = arith.constant 0 : i32
    %dma_start3A_91 = tpu.memref_slice %arg6[%dma_start3A_89, %dma_start3A_90] : memref<8x32xi32, #tpu.memory_space<vmem>> -> memref<1x32xi32, #tpu.memory_space<vmem>>
    %dma_start3A_92 = tpu.memref_squeeze %dma_start3A_91 : memref<1x32xi32, #tpu.memory_space<vmem>> -> memref<32xi32, #tpu.memory_space<vmem>>
    %dma_start3A_93 = arith.constant 0 : i32
    %dma_start3A_94 = arith.constant 0 : i32
    %dma_start3A_95 = tpu.memref_slice %arg5[%dma_start3A_93, %dma_start3A_94] : memref<18688x768xf32, #tpu.memory_space<hbm>> -> memref<18688x768xf32, #tpu.memory_space<hbm>>
    tpu.enqueue_indirect_dma source(%arg10 : memref<32x768xf32, #tpu.memory_space<vmem>>) target(%dma_start3A_95 : memref<18688x768xf32, #tpu.memory_space<hbm>>) offsets(%dma_start3A_92 : memref<32xi32, #tpu.memory_space<vmem>>) semaphore(%arg18 : memref<!tpu.dma_semaphore, #tpu.memory_space<semaphore_mem>>)
    %dma_start3A_96 = arith.constant 2 : i32
    %dma_start3A_97 = arith.constant 0 : i32
    %dma_start3A_98 = tpu.memref_slice %arg7[%dma_start3A_96, %dma_start3A_97] : memref<8x32xi32, #tpu.memory_space<vmem>> -> memref<1x32xi32, #tpu.memory_space<vmem>>
    %dma_start3A_99 = tpu.memref_squeeze %dma_start3A_98 : memref<1x32xi32, #tpu.memory_space<vmem>> -> memref<32xi32, #tpu.memory_space<vmem>>
    %dma_start3A_100 = arith.constant 0 : i32
    %dma_start3A_101 = arith.constant 0 : i32
    %dma_start3A_102 = tpu.memref_slice %arg5[%dma_start3A_100, %dma_start3A_101] : memref<18688x768xf32, #tpu.memory_space<hbm>> -> memref<18688x768xf32, #tpu.memory_space<hbm>>
    tpu.enqueue_indirect_dma source(%arg10 : memref<32x768xf32, #tpu.memory_space<vmem>>) target(%dma_start3A_102 : memref<18688x768xf32, #tpu.memory_space<hbm>>) offsets(%dma_start3A_99 : memref<32xi32, #tpu.memory_space<vmem>>) semaphore(%arg18 : memref<!tpu.dma_semaphore, #tpu.memory_space<semaphore_mem>>)
    %dma_wait3A_103 = arith.constant 1 : i32
    %dma_wait3A_104 = arith.constant 0 : i32
    %dma_wait3A_105 = tpu.memref_slice %arg6[%dma_wait3A_103, %dma_wait3A_104] : memref<8x32xi32, #tpu.memory_space<vmem>> -> memref<1x32xi32, #tpu.memory_space<vmem>>
    %dma_wait3A_106 = tpu.memref_squeeze %dma_wait3A_105 : memref<1x32xi32, #tpu.memory_space<vmem>> -> memref<32xi32, #tpu.memory_space<vmem>>
    %dma_wait3A_107 = arith.constant 0 : i32
    %dma_wait3A_108 = arith.constant 0 : i32
    %dma_wait3A_109 = tpu.memref_slice %arg5[%dma_wait3A_107, %dma_wait3A_108] : memref<18688x768xf32, #tpu.memory_space<hbm>> -> memref<18688x768xf32, #tpu.memory_space<hbm>>
    tpu.wait_indirect_dma semaphore(%arg17 : memref<!tpu.dma_semaphore, #tpu.memory_space<semaphore_mem>>) src(%arg9 : memref<32x768xf32, #tpu.memory_space<vmem>>) dst(%dma_wait3A_109 : memref<18688x768xf32, #tpu.memory_space<hbm>>)
    %dma_wait3A_110 = arith.constant 1 : i32
    %dma_wait3A_111 = arith.constant 0 : i32
    %dma_wait3A_112 = tpu.memref_slice %arg7[%dma_wait3A_110, %dma_wait3A_111] : memref<8x32xi32, #tpu.memory_space<vmem>> -> memref<1x32xi32, #tpu.memory_space<vmem>>
    %dma_wait3A_113 = tpu.memref_squeeze %dma_wait3A_112 : memref<1x32xi32, #tpu.memory_space<vmem>> -> memref<32xi32, #tpu.memory_space<vmem>>
    %dma_wait3A_114 = arith.constant 0 : i32
    %dma_wait3A_115 = arith.constant 0 : i32
    %dma_wait3A_116 = tpu.memref_slice %arg5[%dma_wait3A_114, %dma_wait3A_115] : memref<18688x768xf32, #tpu.memory_space<hbm>> -> memref<18688x768xf32, #tpu.memory_space<hbm>>
    tpu.wait_indirect_dma semaphore(%arg17 : memref<!tpu.dma_semaphore, #tpu.memory_space<semaphore_mem>>) src(%arg9 : memref<32x768xf32, #tpu.memory_space<vmem>>) dst(%dma_wait3A_116 : memref<18688x768xf32, #tpu.memory_space<hbm>>)
    %add3A_117 = arith.constant 160 : i32
    %add3A_118 = arith.addi %mul3A_2, %add3A_117 : i32
    %dma_start3A_119 = arith.constant 0 : i32
    %dma_start3A_120 = tpu.memref_slice %arg2[%add3A_118, %dma_start3A_119] : memref<8192x768xf32, #tpu.memory_space<hbm>> -> memref<32x768xf32, #tpu.memory_space<hbm>>
    %dma_start3A_121 = arith.constant 0 : i32
    %dma_start3A_122 = tpu.memref_slice %arg2[%add3A_118, %dma_start3A_121] : memref<8192x768xf32, #tpu.memory_space<hbm>> -> memref<32x768xf32, #tpu.memory_space<hbm>>
    tpu.enqueue_dma source(%dma_start3A_122 : memref<32x768xf32, #tpu.memory_space<hbm>>) target(%arg9 : memref<32x768xf32, #tpu.memory_space<vmem>>) target_semaphore(%arg13 : memref<!tpu.dma_semaphore, #tpu.memory_space<semaphore_mem>>)
    %dma_wait3A_123 = arith.constant 0 : i32
    %dma_wait3A_124 = tpu.memref_slice %arg2[%add3A_25, %dma_wait3A_123] : memref<8192x768xf32, #tpu.memory_space<hbm>> -> memref<32x768xf32, #tpu.memory_space<hbm>>
    %dma_wait3A_125 = arith.constant 0 : i32
    %dma_wait3A_126 = tpu.memref_slice %arg2[%add3A_25, %dma_wait3A_125] : memref<8192x768xf32, #tpu.memory_space<hbm>> -> memref<32x768xf32, #tpu.memory_space<hbm>>
    tpu.wait_dma2 semaphore(%arg15 : memref<!tpu.dma_semaphore, #tpu.memory_space<semaphore_mem>>) src(%dma_wait3A_126 : memref<32x768xf32, #tpu.memory_space<hbm>>) dst(%arg11 : memref<32x768xf32, #tpu.memory_space<vmem>>)
    %dma_start3A_127 = arith.constant 3 : i32
    %dma_start3A_128 = arith.constant 0 : i32
    %dma_start3A_129 = tpu.memref_slice %arg6[%dma_start3A_127, %dma_start3A_128] : memref<8x32xi32, #tpu.memory_space<vmem>> -> memref<1x32xi32, #tpu.memory_space<vmem>>
    %dma_start3A_130 = tpu.memref_squeeze %dma_start3A_129 : memref<1x32xi32, #tpu.memory_space<vmem>> -> memref<32xi32, #tpu.memory_space<vmem>>
    %dma_start3A_131 = arith.constant 0 : i32
    %dma_start3A_132 = arith.constant 0 : i32
    %dma_start3A_133 = tpu.memref_slice %arg5[%dma_start3A_131, %dma_start3A_132] : memref<18688x768xf32, #tpu.memory_space<hbm>> -> memref<18688x768xf32, #tpu.memory_space<hbm>>
    tpu.enqueue_indirect_dma source(%arg11 : memref<32x768xf32, #tpu.memory_space<vmem>>) target(%dma_start3A_133 : memref<18688x768xf32, #tpu.memory_space<hbm>>) offsets(%dma_start3A_130 : memref<32xi32, #tpu.memory_space<vmem>>) semaphore(%arg19 : memref<!tpu.dma_semaphore, #tpu.memory_space<semaphore_mem>>)
    %dma_start3A_134 = arith.constant 3 : i32
    %dma_start3A_135 = arith.constant 0 : i32
    %dma_start3A_136 = tpu.memref_slice %arg7[%dma_start3A_134, %dma_start3A_135] : memref<8x32xi32, #tpu.memory_space<vmem>> -> memref<1x32xi32, #tpu.memory_space<vmem>>
    %dma_start3A_137 = tpu.memref_squeeze %dma_start3A_136 : memref<1x32xi32, #tpu.memory_space<vmem>> -> memref<32xi32, #tpu.memory_space<vmem>>
    %dma_start3A_138 = arith.constant 0 : i32
    %dma_start3A_139 = arith.constant 0 : i32
    %dma_start3A_140 = tpu.memref_slice %arg5[%dma_start3A_138, %dma_start3A_139] : memref<18688x768xf32, #tpu.memory_space<hbm>> -> memref<18688x768xf32, #tpu.memory_space<hbm>>
    tpu.enqueue_indirect_dma source(%arg11 : memref<32x768xf32, #tpu.memory_space<vmem>>) target(%dma_start3A_140 : memref<18688x768xf32, #tpu.memory_space<hbm>>) offsets(%dma_start3A_137 : memref<32xi32, #tpu.memory_space<vmem>>) semaphore(%arg19 : memref<!tpu.dma_semaphore, #tpu.memory_space<semaphore_mem>>)
    %dma_wait3A_141 = arith.constant 2 : i32
    %dma_wait3A_142 = arith.constant 0 : i32
    %dma_wait3A_143 = tpu.memref_slice %arg6[%dma_wait3A_141, %dma_wait3A_142] : memref<8x32xi32, #tpu.memory_space<vmem>> -> memref<1x32xi32, #tpu.memory_space<vmem>>
    %dma_wait3A_144 = tpu.memref_squeeze %dma_wait3A_143 : memref<1x32xi32, #tpu.memory_space<vmem>> -> memref<32xi32, #tpu.memory_space<vmem>>
    %dma_wait3A_145 = arith.constant 0 : i32
    %dma_wait3A_146 = arith.constant 0 : i32
    %dma_wait3A_147 = tpu.memref_slice %arg5[%dma_wait3A_145, %dma_wait3A_146] : memref<18688x768xf32, #tpu.memory_space<hbm>> -> memref<18688x768xf32, #tpu.memory_space<hbm>>
    tpu.wait_indirect_dma semaphore(%arg18 : memref<!tpu.dma_semaphore, #tpu.memory_space<semaphore_mem>>) src(%arg10 : memref<32x768xf32, #tpu.memory_space<vmem>>) dst(%dma_wait3A_147 : memref<18688x768xf32, #tpu.memory_space<hbm>>)
    %dma_wait3A_148 = arith.constant 2 : i32
    %dma_wait3A_149 = arith.constant 0 : i32
    %dma_wait3A_150 = tpu.memref_slice %arg7[%dma_wait3A_148, %dma_wait3A_149] : memref<8x32xi32, #tpu.memory_space<vmem>> -> memref<1x32xi32, #tpu.memory_space<vmem>>
    %dma_wait3A_151 = tpu.memref_squeeze %dma_wait3A_150 : memref<1x32xi32, #tpu.memory_space<vmem>> -> memref<32xi32, #tpu.memory_space<vmem>>
    %dma_wait3A_152 = arith.constant 0 : i32
    %dma_wait3A_153 = arith.constant 0 : i32
    %dma_wait3A_154 = tpu.memref_slice %arg5[%dma_wait3A_152, %dma_wait3A_153] : memref<18688x768xf32, #tpu.memory_space<hbm>> -> memref<18688x768xf32, #tpu.memory_space<hbm>>
    tpu.wait_indirect_dma semaphore(%arg18 : memref<!tpu.dma_semaphore, #tpu.memory_space<semaphore_mem>>) src(%arg10 : memref<32x768xf32, #tpu.memory_space<vmem>>) dst(%dma_wait3A_154 : memref<18688x768xf32, #tpu.memory_space<hbm>>)
    %add3A_155 = arith.constant 192 : i32
    %add3A_156 = arith.addi %mul3A_2, %add3A_155 : i32
    %dma_start3A_157 = arith.constant 0 : i32
    %dma_start3A_158 = tpu.memref_slice %arg2[%add3A_156, %dma_start3A_157] : memref<8192x768xf32, #tpu.memory_space<hbm>> -> memref<32x768xf32, #tpu.memory_space<hbm>>
    %dma_start3A_159 = arith.constant 0 : i32
    %dma_start3A_160 = tpu.memref_slice %arg2[%add3A_156, %dma_start3A_159] : memref<8192x768xf32, #tpu.memory_space<hbm>> -> memref<32x768xf32, #tpu.memory_space<hbm>>
    tpu.enqueue_dma source(%dma_start3A_160 : memref<32x768xf32, #tpu.memory_space<hbm>>) target(%arg10 : memref<32x768xf32, #tpu.memory_space<vmem>>) target_semaphore(%arg14 : memref<!tpu.dma_semaphore, #tpu.memory_space<semaphore_mem>>)
    %dma_wait3A_161 = arith.constant 0 : i32
    %dma_wait3A_162 = tpu.memref_slice %arg2[%add3A_80, %dma_wait3A_161] : memref<8192x768xf32, #tpu.memory_space<hbm>> -> memref<32x768xf32, #tpu.memory_space<hbm>>
    %dma_wait3A_163 = arith.constant 0 : i32
    %dma_wait3A_164 = tpu.memref_slice %arg2[%add3A_80, %dma_wait3A_163] : memref<8192x768xf32, #tpu.memory_space<hbm>> -> memref<32x768xf32, #tpu.memory_space<hbm>>
    tpu.wait_dma2 semaphore(%arg12 : memref<!tpu.dma_semaphore, #tpu.memory_space<semaphore_mem>>) src(%dma_wait3A_164 : memref<32x768xf32, #tpu.memory_space<hbm>>) dst(%arg8 : memref<32x768xf32, #tpu.memory_space<vmem>>)
    %dma_start3A_165 = arith.constant 4 : i32
    %dma_start3A_166 = arith.constant 0 : i32
    %dma_start3A_167 = tpu.memref_slice %arg6[%dma_start3A_165, %dma_start3A_166] : memref<8x32xi32, #tpu.memory_space<vmem>> -> memref<1x32xi32, #tpu.memory_space<vmem>>
    %dma_start3A_168 = tpu.memref_squeeze %dma_start3A_167 : memref<1x32xi32, #tpu.memory_space<vmem>> -> memref<32xi32, #tpu.memory_space<vmem>>
    %dma_start3A_169 = arith.constant 0 : i32
    %dma_start3A_170 = arith.constant 0 : i32
    %dma_start3A_171 = tpu.memref_slice %arg5[%dma_start3A_169, %dma_start3A_170] : memref<18688x768xf32, #tpu.memory_space<hbm>> -> memref<18688x768xf32, #tpu.memory_space<hbm>>
    tpu.enqueue_indirect_dma source(%arg8 : memref<32x768xf32, #tpu.memory_space<vmem>>) target(%dma_start3A_171 : memref<18688x768xf32, #tpu.memory_space<hbm>>) offsets(%dma_start3A_168 : memref<32xi32, #tpu.memory_space<vmem>>) semaphore(%arg16 : memref<!tpu.dma_semaphore, #tpu.memory_space<semaphore_mem>>)
    %dma_start3A_172 = arith.constant 4 : i32
    %dma_start3A_173 = arith.constant 0 : i32
    %dma_start3A_174 = tpu.memref_slice %arg7[%dma_start3A_172, %dma_start3A_173] : memref<8x32xi32, #tpu.memory_space<vmem>> -> memref<1x32xi32, #tpu.memory_space<vmem>>
    %dma_start3A_175 = tpu.memref_squeeze %dma_start3A_174 : memref<1x32xi32, #tpu.memory_space<vmem>> -> memref<32xi32, #tpu.memory_space<vmem>>
    %dma_start3A_176 = arith.constant 0 : i32
    %dma_start3A_177 = arith.constant 0 : i32
    %dma_start3A_178 = tpu.memref_slice %arg5[%dma_start3A_176, %dma_start3A_177] : memref<18688x768xf32, #tpu.memory_space<hbm>> -> memref<18688x768xf32, #tpu.memory_space<hbm>>
    tpu.enqueue_indirect_dma source(%arg8 : memref<32x768xf32, #tpu.memory_space<vmem>>) target(%dma_start3A_178 : memref<18688x768xf32, #tpu.memory_space<hbm>>) offsets(%dma_start3A_175 : memref<32xi32, #tpu.memory_space<vmem>>) semaphore(%arg16 : memref<!tpu.dma_semaphore, #tpu.memory_space<semaphore_mem>>)
    %dma_wait3A_179 = arith.constant 3 : i32
    %dma_wait3A_180 = arith.constant 0 : i32
    %dma_wait3A_181 = tpu.memref_slice %arg6[%dma_wait3A_179, %dma_wait3A_180] : memref<8x32xi32, #tpu.memory_space<vmem>> -> memref<1x32xi32, #tpu.memory_space<vmem>>
    %dma_wait3A_182 = tpu.memref_squeeze %dma_wait3A_181 : memref<1x32xi32, #tpu.memory_space<vmem>> -> memref<32xi32, #tpu.memory_space<vmem>>
    %dma_wait3A_183 = arith.constant 0 : i32
    %dma_wait3A_184 = arith.constant 0 : i32
    %dma_wait3A_185 = tpu.memref_slice %arg5[%dma_wait3A_183, %dma_wait3A_184] : memref<18688x768xf32, #tpu.memory_space<hbm>> -> memref<18688x768xf32, #tpu.memory_space<hbm>>
    tpu.wait_indirect_dma semaphore(%arg19 : memref<!tpu.dma_semaphore, #tpu.memory_space<semaphore_mem>>) src(%arg11 : memref<32x768xf32, #tpu.memory_space<vmem>>) dst(%dma_wait3A_185 : memref<18688x768xf32, #tpu.memory_space<hbm>>)
    %dma_wait3A_186 = arith.constant 3 : i32
    %dma_wait3A_187 = arith.constant 0 : i32
    %dma_wait3A_188 = tpu.memref_slice %arg7[%dma_wait3A_186, %dma_wait3A_187] : memref<8x32xi32, #tpu.memory_space<vmem>> -> memref<1x32xi32, #tpu.memory_space<vmem>>
    %dma_wait3A_189 = tpu.memref_squeeze %dma_wait3A_188 : memref<1x32xi32, #tpu.memory_space<vmem>> -> memref<32xi32, #tpu.memory_space<vmem>>
    %dma_wait3A_190 = arith.constant 0 : i32
    %dma_wait3A_191 = arith.constant 0 : i32
    %dma_wait3A_192 = tpu.memref_slice %arg5[%dma_wait3A_190, %dma_wait3A_191] : memref<18688x768xf32, #tpu.memory_space<hbm>> -> memref<18688x768xf32, #tpu.memory_space<hbm>>
    tpu.wait_indirect_dma semaphore(%arg19 : memref<!tpu.dma_semaphore, #tpu.memory_space<semaphore_mem>>) src(%arg11 : memref<32x768xf32, #tpu.memory_space<vmem>>) dst(%dma_wait3A_192 : memref<18688x768xf32, #tpu.memory_space<hbm>>)
    %add3A_193 = arith.constant 224 : i32
    %add3A_194 = arith.addi %mul3A_2, %add3A_193 : i32
    %dma_start3A_195 = arith.constant 0 : i32
    %dma_start3A_196 = tpu.memref_slice %arg2[%add3A_194, %dma_start3A_195] : memref<8192x768xf32, #tpu.memory_space<hbm>> -> memref<32x768xf32, #tpu.memory_space<hbm>>
    %dma_start3A_197 = arith.constant 0 : i32
    %dma_start3A_198 = tpu.memref_slice %arg2[%add3A_194, %dma_start3A_197] : memref<8192x768xf32, #tpu.memory_space<hbm>> -> memref<32x768xf32, #tpu.memory_space<hbm>>
    tpu.enqueue_dma source(%dma_start3A_198 : memref<32x768xf32, #tpu.memory_space<hbm>>) target(%arg11 : memref<32x768xf32, #tpu.memory_space<vmem>>) target_semaphore(%arg15 : memref<!tpu.dma_semaphore, #tpu.memory_space<semaphore_mem>>)
    %dma_wait3A_199 = arith.constant 0 : i32
    %dma_wait3A_200 = tpu.memref_slice %arg2[%add3A_118, %dma_wait3A_199] : memref<8192x768xf32, #tpu.memory_space<hbm>> -> memref<32x768xf32, #tpu.memory_space<hbm>>
    %dma_wait3A_201 = arith.constant 0 : i32
    %dma_wait3A_202 = tpu.memref_slice %arg2[%add3A_118, %dma_wait3A_201] : memref<8192x768xf32, #tpu.memory_space<hbm>> -> memref<32x768xf32, #tpu.memory_space<hbm>>
    tpu.wait_dma2 semaphore(%arg13 : memref<!tpu.dma_semaphore, #tpu.memory_space<semaphore_mem>>) src(%dma_wait3A_202 : memref<32x768xf32, #tpu.memory_space<hbm>>) dst(%arg9 : memref<32x768xf32, #tpu.memory_space<vmem>>)
    %dma_start3A_203 = arith.constant 5 : i32
    %dma_start3A_204 = arith.constant 0 : i32
    %dma_start3A_205 = tpu.memref_slice %arg6[%dma_start3A_203, %dma_start3A_204] : memref<8x32xi32, #tpu.memory_space<vmem>> -> memref<1x32xi32, #tpu.memory_space<vmem>>
    %dma_start3A_206 = tpu.memref_squeeze %dma_start3A_205 : memref<1x32xi32, #tpu.memory_space<vmem>> -> memref<32xi32, #tpu.memory_space<vmem>>
    %dma_start3A_207 = arith.constant 0 : i32
    %dma_start3A_208 = arith.constant 0 : i32
    %dma_start3A_209 = tpu.memref_slice %arg5[%dma_start3A_207, %dma_start3A_208] : memref<18688x768xf32, #tpu.memory_space<hbm>> -> memref<18688x768xf32, #tpu.memory_space<hbm>>
    tpu.enqueue_indirect_dma source(%arg9 : memref<32x768xf32, #tpu.memory_space<vmem>>) target(%dma_start3A_209 : memref<18688x768xf32, #tpu.memory_space<hbm>>) offsets(%dma_start3A_206 : memref<32xi32, #tpu.memory_space<vmem>>) semaphore(%arg17 : memref<!tpu.dma_semaphore, #tpu.memory_space<semaphore_mem>>)
    %dma_start3A_210 = arith.constant 5 : i32
    %dma_start3A_211 = arith.constant 0 : i32
    %dma_start3A_212 = tpu.memref_slice %arg7[%dma_start3A_210, %dma_start3A_211] : memref<8x32xi32, #tpu.memory_space<vmem>> -> memref<1x32xi32, #tpu.memory_space<vmem>>
    %dma_start3A_213 = tpu.memref_squeeze %dma_start3A_212 : memref<1x32xi32, #tpu.memory_space<vmem>> -> memref<32xi32, #tpu.memory_space<vmem>>
    %dma_start3A_214 = arith.constant 0 : i32
    %dma_start3A_215 = arith.constant 0 : i32
    %dma_start3A_216 = tpu.memref_slice %arg5[%dma_start3A_214, %dma_start3A_215] : memref<18688x768xf32, #tpu.memory_space<hbm>> -> memref<18688x768xf32, #tpu.memory_space<hbm>>
    tpu.enqueue_indirect_dma source(%arg9 : memref<32x768xf32, #tpu.memory_space<vmem>>) target(%dma_start3A_216 : memref<18688x768xf32, #tpu.memory_space<hbm>>) offsets(%dma_start3A_213 : memref<32xi32, #tpu.memory_space<vmem>>) semaphore(%arg17 : memref<!tpu.dma_semaphore, #tpu.memory_space<semaphore_mem>>)
    %dma_wait3A_217 = arith.constant 0 : i32
    %dma_wait3A_218 = tpu.memref_slice %arg2[%add3A_156, %dma_wait3A_217] : memref<8192x768xf32, #tpu.memory_space<hbm>> -> memref<32x768xf32, #tpu.memory_space<hbm>>
    %dma_wait3A_219 = arith.constant 0 : i32
    %dma_wait3A_220 = tpu.memref_slice %arg2[%add3A_156, %dma_wait3A_219] : memref<8192x768xf32, #tpu.memory_space<hbm>> -> memref<32x768xf32, #tpu.memory_space<hbm>>
    tpu.wait_dma2 semaphore(%arg14 : memref<!tpu.dma_semaphore, #tpu.memory_space<semaphore_mem>>) src(%dma_wait3A_220 : memref<32x768xf32, #tpu.memory_space<hbm>>) dst(%arg10 : memref<32x768xf32, #tpu.memory_space<vmem>>)
    %dma_start3A_221 = arith.constant 6 : i32
    %dma_start3A_222 = arith.constant 0 : i32
    %dma_start3A_223 = tpu.memref_slice %arg6[%dma_start3A_221, %dma_start3A_222] : memref<8x32xi32, #tpu.memory_space<vmem>> -> memref<1x32xi32, #tpu.memory_space<vmem>>
    %dma_start3A_224 = tpu.memref_squeeze %dma_start3A_223 : memref<1x32xi32, #tpu.memory_space<vmem>> -> memref<32xi32, #tpu.memory_space<vmem>>
    %dma_start3A_225 = arith.constant 0 : i32
    %dma_start3A_226 = arith.constant 0 : i32
    %dma_start3A_227 = tpu.memref_slice %arg5[%dma_start3A_225, %dma_start3A_226] : memref<18688x768xf32, #tpu.memory_space<hbm>> -> memref<18688x768xf32, #tpu.memory_space<hbm>>
    tpu.enqueue_indirect_dma source(%arg10 : memref<32x768xf32, #tpu.memory_space<vmem>>) target(%dma_start3A_227 : memref<18688x768xf32, #tpu.memory_space<hbm>>) offsets(%dma_start3A_224 : memref<32xi32, #tpu.memory_space<vmem>>) semaphore(%arg18 : memref<!tpu.dma_semaphore, #tpu.memory_space<semaphore_mem>>)
    %dma_start3A_228 = arith.constant 6 : i32
    %dma_start3A_229 = arith.constant 0 : i32
    %dma_start3A_230 = tpu.memref_slice %arg7[%dma_start3A_228, %dma_start3A_229] : memref<8x32xi32, #tpu.memory_space<vmem>> -> memref<1x32xi32, #tpu.memory_space<vmem>>
    %dma_start3A_231 = tpu.memref_squeeze %dma_start3A_230 : memref<1x32xi32, #tpu.memory_space<vmem>> -> memref<32xi32, #tpu.memory_space<vmem>>
    %dma_start3A_232 = arith.constant 0 : i32
    %dma_start3A_233 = arith.constant 0 : i32
    %dma_start3A_234 = tpu.memref_slice %arg5[%dma_start3A_232, %dma_start3A_233] : memref<18688x768xf32, #tpu.memory_space<hbm>> -> memref<18688x768xf32, #tpu.memory_space<hbm>>
    tpu.enqueue_indirect_dma source(%arg10 : memref<32x768xf32, #tpu.memory_space<vmem>>) target(%dma_start3A_234 : memref<18688x768xf32, #tpu.memory_space<hbm>>) offsets(%dma_start3A_231 : memref<32xi32, #tpu.memory_space<vmem>>) semaphore(%arg18 : memref<!tpu.dma_semaphore, #tpu.memory_space<semaphore_mem>>)
    %dma_wait3A_235 = arith.constant 0 : i32
    %dma_wait3A_236 = tpu.memref_slice %arg2[%add3A_194, %dma_wait3A_235] : memref<8192x768xf32, #tpu.memory_space<hbm>> -> memref<32x768xf32, #tpu.memory_space<hbm>>
    %dma_wait3A_237 = arith.constant 0 : i32
    %dma_wait3A_238 = tpu.memref_slice %arg2[%add3A_194, %dma_wait3A_237] : memref<8192x768xf32, #tpu.memory_space<hbm>> -> memref<32x768xf32, #tpu.memory_space<hbm>>
    tpu.wait_dma2 semaphore(%arg15 : memref<!tpu.dma_semaphore, #tpu.memory_space<semaphore_mem>>) src(%dma_wait3A_238 : memref<32x768xf32, #tpu.memory_space<hbm>>) dst(%arg11 : memref<32x768xf32, #tpu.memory_space<vmem>>)
    %dma_start3A_239 = arith.constant 7 : i32
    %dma_start3A_240 = arith.constant 0 : i32
    %dma_start3A_241 = tpu.memref_slice %arg6[%dma_start3A_239, %dma_start3A_240] : memref<8x32xi32, #tpu.memory_space<vmem>> -> memref<1x32xi32, #tpu.memory_space<vmem>>
    %dma_start3A_242 = tpu.memref_squeeze %dma_start3A_241 : memref<1x32xi32, #tpu.memory_space<vmem>> -> memref<32xi32, #tpu.memory_space<vmem>>
    %dma_start3A_243 = arith.constant 0 : i32
    %dma_start3A_244 = arith.constant 0 : i32
    %dma_start3A_245 = tpu.memref_slice %arg5[%dma_start3A_243, %dma_start3A_244] : memref<18688x768xf32, #tpu.memory_space<hbm>> -> memref<18688x768xf32, #tpu.memory_space<hbm>>
    tpu.enqueue_indirect_dma source(%arg11 : memref<32x768xf32, #tpu.memory_space<vmem>>) target(%dma_start3A_245 : memref<18688x768xf32, #tpu.memory_space<hbm>>) offsets(%dma_start3A_242 : memref<32xi32, #tpu.memory_space<vmem>>) semaphore(%arg19 : memref<!tpu.dma_semaphore, #tpu.memory_space<semaphore_mem>>)
    %dma_start3A_246 = arith.constant 7 : i32
    %dma_start3A_247 = arith.constant 0 : i32
    %dma_start3A_248 = tpu.memref_slice %arg7[%dma_start3A_246, %dma_start3A_247] : memref<8x32xi32, #tpu.memory_space<vmem>> -> memref<1x32xi32, #tpu.memory_space<vmem>>
    %dma_start3A_249 = tpu.memref_squeeze %dma_start3A_248 : memref<1x32xi32, #tpu.memory_space<vmem>> -> memref<32xi32, #tpu.memory_space<vmem>>
    %dma_start3A_250 = arith.constant 0 : i32
    %dma_start3A_251 = arith.constant 0 : i32
    %dma_start3A_252 = tpu.memref_slice %arg5[%dma_start3A_250, %dma_start3A_251] : memref<18688x768xf32, #tpu.memory_space<hbm>> -> memref<18688x768xf32, #tpu.memory_space<hbm>>
    tpu.enqueue_indirect_dma source(%arg11 : memref<32x768xf32, #tpu.memory_space<vmem>>) target(%dma_start3A_252 : memref<18688x768xf32, #tpu.memory_space<hbm>>) offsets(%dma_start3A_249 : memref<32xi32, #tpu.memory_space<vmem>>) semaphore(%arg19 : memref<!tpu.dma_semaphore, #tpu.memory_space<semaphore_mem>>)
    %dma_wait3A_253 = arith.constant 4 : i32
    %dma_wait3A_254 = arith.constant 0 : i32
    %dma_wait3A_255 = tpu.memref_slice %arg6[%dma_wait3A_253, %dma_wait3A_254] : memref<8x32xi32, #tpu.memory_space<vmem>> -> memref<1x32xi32, #tpu.memory_space<vmem>>
    %dma_wait3A_256 = tpu.memref_squeeze %dma_wait3A_255 : memref<1x32xi32, #tpu.memory_space<vmem>> -> memref<32xi32, #tpu.memory_space<vmem>>
    %dma_wait3A_257 = arith.constant 0 : i32
    %dma_wait3A_258 = arith.constant 0 : i32
    %dma_wait3A_259 = tpu.memref_slice %arg5[%dma_wait3A_257, %dma_wait3A_258] : memref<18688x768xf32, #tpu.memory_space<hbm>> -> memref<18688x768xf32, #tpu.memory_space<hbm>>
    tpu.wait_indirect_dma semaphore(%arg16 : memref<!tpu.dma_semaphore, #tpu.memory_space<semaphore_mem>>) src(%arg8 : memref<32x768xf32, #tpu.memory_space<vmem>>) dst(%dma_wait3A_259 : memref<18688x768xf32, #tpu.memory_space<hbm>>)
    %dma_wait3A_260 = arith.constant 4 : i32
    %dma_wait3A_261 = arith.constant 0 : i32
    %dma_wait3A_262 = tpu.memref_slice %arg7[%dma_wait3A_260, %dma_wait3A_261] : memref<8x32xi32, #tpu.memory_space<vmem>> -> memref<1x32xi32, #tpu.memory_space<vmem>>
    %dma_wait3A_263 = tpu.memref_squeeze %dma_wait3A_262 : memref<1x32xi32, #tpu.memory_space<vmem>> -> memref<32xi32, #tpu.memory_space<vmem>>
    %dma_wait3A_264 = arith.constant 0 : i32
    %dma_wait3A_265 = arith.constant 0 : i32
    %dma_wait3A_266 = tpu.memref_slice %arg5[%dma_wait3A_264, %dma_wait3A_265] : memref<18688x768xf32, #tpu.memory_space<hbm>> -> memref<18688x768xf32, #tpu.memory_space<hbm>>
    tpu.wait_indirect_dma semaphore(%arg16 : memref<!tpu.dma_semaphore, #tpu.memory_space<semaphore_mem>>) src(%arg8 : memref<32x768xf32, #tpu.memory_space<vmem>>) dst(%dma_wait3A_266 : memref<18688x768xf32, #tpu.memory_space<hbm>>)
    %dma_wait3A_267 = arith.constant 5 : i32
    %dma_wait3A_268 = arith.constant 0 : i32
    %dma_wait3A_269 = tpu.memref_slice %arg6[%dma_wait3A_267, %dma_wait3A_268] : memref<8x32xi32, #tpu.memory_space<vmem>> -> memref<1x32xi32, #tpu.memory_space<vmem>>
    %dma_wait3A_270 = tpu.memref_squeeze %dma_wait3A_269 : memref<1x32xi32, #tpu.memory_space<vmem>> -> memref<32xi32, #tpu.memory_space<vmem>>
    %dma_wait3A_271 = arith.constant 0 : i32
    %dma_wait3A_272 = arith.constant 0 : i32
    %dma_wait3A_273 = tpu.memref_slice %arg5[%dma_wait3A_271, %dma_wait3A_272] : memref<18688x768xf32, #tpu.memory_space<hbm>> -> memref<18688x768xf32, #tpu.memory_space<hbm>>
    tpu.wait_indirect_dma semaphore(%arg17 : memref<!tpu.dma_semaphore, #tpu.memory_space<semaphore_mem>>) src(%arg9 : memref<32x768xf32, #tpu.memory_space<vmem>>) dst(%dma_wait3A_273 : memref<18688x768xf32, #tpu.memory_space<hbm>>)
    %dma_wait3A_274 = arith.constant 5 : i32
    %dma_wait3A_275 = arith.constant 0 : i32
    %dma_wait3A_276 = tpu.memref_slice %arg7[%dma_wait3A_274, %dma_wait3A_275] : memref<8x32xi32, #tpu.memory_space<vmem>> -> memref<1x32xi32, #tpu.memory_space<vmem>>
    %dma_wait3A_277 = tpu.memref_squeeze %dma_wait3A_276 : memref<1x32xi32, #tpu.memory_space<vmem>> -> memref<32xi32, #tpu.memory_space<vmem>>
    %dma_wait3A_278 = arith.constant 0 : i32
    %dma_wait3A_279 = arith.constant 0 : i32
    %dma_wait3A_280 = tpu.memref_slice %arg5[%dma_wait3A_278, %dma_wait3A_279] : memref<18688x768xf32, #tpu.memory_space<hbm>> -> memref<18688x768xf32, #tpu.memory_space<hbm>>
    tpu.wait_indirect_dma semaphore(%arg17 : memref<!tpu.dma_semaphore, #tpu.memory_space<semaphore_mem>>) src(%arg9 : memref<32x768xf32, #tpu.memory_space<vmem>>) dst(%dma_wait3A_280 : memref<18688x768xf32, #tpu.memory_space<hbm>>)
    %dma_wait3A_281 = arith.constant 6 : i32
    %dma_wait3A_282 = arith.constant 0 : i32
    %dma_wait3A_283 = tpu.memref_slice %arg6[%dma_wait3A_281, %dma_wait3A_282] : memref<8x32xi32, #tpu.memory_space<vmem>> -> memref<1x32xi32, #tpu.memory_space<vmem>>
    %dma_wait3A_284 = tpu.memref_squeeze %dma_wait3A_283 : memref<1x32xi32, #tpu.memory_space<vmem>> -> memref<32xi32, #tpu.memory_space<vmem>>
    %dma_wait3A_285 = arith.constant 0 : i32
    %dma_wait3A_286 = arith.constant 0 : i32
    %dma_wait3A_287 = tpu.memref_slice %arg5[%dma_wait3A_285, %dma_wait3A_286] : memref<18688x768xf32, #tpu.memory_space<hbm>> -> memref<18688x768xf32, #tpu.memory_space<hbm>>
    tpu.wait_indirect_dma semaphore(%arg18 : memref<!tpu.dma_semaphore, #tpu.memory_space<semaphore_mem>>) src(%arg10 : memref<32x768xf32, #tpu.memory_space<vmem>>) dst(%dma_wait3A_287 : memref<18688x768xf32, #tpu.memory_space<hbm>>)
    %dma_wait3A_288 = arith.constant 6 : i32
    %dma_wait3A_289 = arith.constant 0 : i32
    %dma_wait3A_290 = tpu.memref_slice %arg7[%dma_wait3A_288, %dma_wait3A_289] : memref<8x32xi32, #tpu.memory_space<vmem>> -> memref<1x32xi32, #tpu.memory_space<vmem>>
    %dma_wait3A_291 = tpu.memref_squeeze %dma_wait3A_290 : memref<1x32xi32, #tpu.memory_space<vmem>> -> memref<32xi32, #tpu.memory_space<vmem>>
    %dma_wait3A_292 = arith.constant 0 : i32
    %dma_wait3A_293 = arith.constant 0 : i32
    %dma_wait3A_294 = tpu.memref_slice %arg5[%dma_wait3A_292, %dma_wait3A_293] : memref<18688x768xf32, #tpu.memory_space<hbm>> -> memref<18688x768xf32, #tpu.memory_space<hbm>>
    tpu.wait_indirect_dma semaphore(%arg18 : memref<!tpu.dma_semaphore, #tpu.memory_space<semaphore_mem>>) src(%arg10 : memref<32x768xf32, #tpu.memory_space<vmem>>) dst(%dma_wait3A_294 : memref<18688x768xf32, #tpu.memory_space<hbm>>)
    %dma_wait3A_295 = arith.constant 7 : i32
    %dma_wait3A_296 = arith.constant 0 : i32
    %dma_wait3A_297 = tpu.memref_slice %arg6[%dma_wait3A_295, %dma_wait3A_296] : memref<8x32xi32, #tpu.memory_space<vmem>> -> memref<1x32xi32, #tpu.memory_space<vmem>>
    %dma_wait3A_298 = tpu.memref_squeeze %dma_wait3A_297 : memref<1x32xi32, #tpu.memory_space<vmem>> -> memref<32xi32, #tpu.memory_space<vmem>>
    %dma_wait3A_299 = arith.constant 0 : i32
    %dma_wait3A_300 = arith.constant 0 : i32
    %dma_wait3A_301 = tpu.memref_slice %arg5[%dma_wait3A_299, %dma_wait3A_300] : memref<18688x768xf32, #tpu.memory_space<hbm>> -> memref<18688x768xf32, #tpu.memory_space<hbm>>
    tpu.wait_indirect_dma semaphore(%arg19 : memref<!tpu.dma_semaphore, #tpu.memory_space<semaphore_mem>>) src(%arg11 : memref<32x768xf32, #tpu.memory_space<vmem>>) dst(%dma_wait3A_301 : memref<18688x768xf32, #tpu.memory_space<hbm>>)
    %dma_wait3A_302 = arith.constant 7 : i32
    %dma_wait3A_303 = arith.constant 0 : i32
    %dma_wait3A_304 = tpu.memref_slice %arg7[%dma_wait3A_302, %dma_wait3A_303] : memref<8x32xi32, #tpu.memory_space<vmem>> -> memref<1x32xi32, #tpu.memory_space<vmem>>
    %dma_wait3A_305 = tpu.memref_squeeze %dma_wait3A_304 : memref<1x32xi32, #tpu.memory_space<vmem>> -> memref<32xi32, #tpu.memory_space<vmem>>
    %dma_wait3A_306 = arith.constant 0 : i32
    %dma_wait3A_307 = arith.constant 0 : i32
    %dma_wait3A_308 = tpu.memref_slice %arg5[%dma_wait3A_306, %dma_wait3A_307] : memref<18688x768xf32, #tpu.memory_space<hbm>> -> memref<18688x768xf32, #tpu.memory_space<hbm>>
    tpu.wait_indirect_dma semaphore(%arg19 : memref<!tpu.dma_semaphore, #tpu.memory_space<semaphore_mem>>) src(%arg11 : memref<32x768xf32, #tpu.memory_space<vmem>>) dst(%dma_wait3A_308 : memref<18688x768xf32, #tpu.memory_space<hbm>>)
    return
  }
}

module attributes {stable_mosaic.version = 14 : i64} {
  func.func @_router_kernel(%arg0: i32, %arg1: memref<1024x768xf32, #tpu.memory_space<vmem>>, %arg2: memref<768x128xf32, #tpu.memory_space<vmem>>, %arg3: memref<1024x1xi32, #tpu.memory_space<vmem>>, %arg4: memref<1024x1xi32, #tpu.memory_space<vmem>>, %arg5: memref<1024x1xi32, #tpu.memory_space<vmem>>, %arg6: memref<1024x1xi32, #tpu.memory_space<vmem>>, %arg7: memref<1024x1xf32, #tpu.memory_space<vmem>>, %arg8: memref<1024x1xf32, #tpu.memory_space<vmem>>, %arg9: memref<1x128xf32, #tpu.memory_space<vmem>>, %arg10: memref<1x128xi32, #tpu.memory_space<vmem>>, %arg11: memref<1x1xf32, #tpu.memory_space<vmem>>, %arg12: memref<1x128xf32, #tpu.memory_space<vmem>>, %arg13: memref<1x128xf32, #tpu.memory_space<vmem>>, %arg14: memref<1x128xf32, #tpu.memory_space<vmem>>) attributes {dimension_semantics = [#tpu.dimension_semantics<arbitrary>], iteration_bounds = array<i64: 8>, scalar_prefetch = 0 : i64, scratch_operands = 3 : i64, tpu.core_type = #tpu.core_type<tc>, window_params = [{transform_indices = @transform_0, window_bounds = array<i64: 1024, 768>}, {pipeline_mode = #tpu.pipeline_mode<synchronous>, transform_indices = @transform_1, window_bounds = array<i64: 768, 128>}, {transform_indices = @transform_2, window_bounds = array<i64: 1024, 1>}, {transform_indices = @transform_3, window_bounds = array<i64: 1024, 1>}, {transform_indices = @transform_4, window_bounds = array<i64: 1024, 1>}, {transform_indices = @transform_5, window_bounds = array<i64: 1024, 1>}, {transform_indices = @transform_6, window_bounds = array<i64: 1024, 1>}, {transform_indices = @transform_7, window_bounds = array<i64: 1024, 1>}, {pipeline_mode = #tpu.pipeline_mode<synchronous>, transform_indices = @transform_8, window_bounds = array<i64: 1, 128>}, {pipeline_mode = #tpu.pipeline_mode<synchronous>, transform_indices = @transform_9, window_bounds = array<i64: 1, 128>}, {pipeline_mode = #tpu.pipeline_mode<synchronous>, transform_indices = @transform_10, window_bounds = array<i64: 1, 1>}]} {
    %eq3A = arith.constant 0 : i32
    %eq3A_0 = arith.cmpi eq, %arg0, %eq3A : i32
    %convert_element_type3A = arith.extui %eq3A_0 : i1 to i32
    %cond3A = arith.constant 0 : i32
    %cond3A_1 = arith.cmpi ne, %convert_element_type3A, %cond3A : i32
    scf.if %cond3A_1 {
      %broadcast_in_dim3A_142 = arith.constant 0.000000e+00 : f32
      %broadcast_in_dim3A_143 = vector.broadcast %broadcast_in_dim3A_142 : f32 to vector<1x128xf32>
      %swap3A_144 = arith.constant 0 : index
      %swap3A_145 = arith.constant 0 : index
      %swap3A_146 = vector.load %arg12[%swap3A_144, %swap3A_145] : memref<1x128xf32, #tpu.memory_space<vmem>>, vector<1x128xf32>
      tpu.vector_store %arg12[%swap3A_144, %swap3A_145], %broadcast_in_dim3A_143 {strides = array<i32>} : memref<1x128xf32, #tpu.memory_space<vmem>>, vector<1x128xf32>,
      %broadcast_in_dim3A_147 = arith.constant 0.000000e+00 : f32
      %broadcast_in_dim3A_148 = vector.broadcast %broadcast_in_dim3A_147 : f32 to vector<1x128xf32>
      %swap3A_149 = arith.constant 0 : index
      %swap3A_150 = arith.constant 0 : index
      %swap3A_151 = vector.load %arg13[%swap3A_149, %swap3A_150] : memref<1x128xf32, #tpu.memory_space<vmem>>, vector<1x128xf32>
      tpu.vector_store %arg13[%swap3A_149, %swap3A_150], %broadcast_in_dim3A_148 {strides = array<i32>} : memref<1x128xf32, #tpu.memory_space<vmem>>, vector<1x128xf32>,
      %broadcast_in_dim3A_152 = arith.constant 0.000000e+00 : f32
      %broadcast_in_dim3A_153 = vector.broadcast %broadcast_in_dim3A_152 : f32 to vector<1x128xf32>
      %swap3A_154 = arith.constant 0 : index
      %swap3A_155 = arith.constant 0 : index
      %swap3A_156 = vector.load %arg14[%swap3A_154, %swap3A_155] : memref<1x128xf32, #tpu.memory_space<vmem>>, vector<1x128xf32>
      tpu.vector_store %arg14[%swap3A_154, %swap3A_155], %broadcast_in_dim3A_153 {strides = array<i32>} : memref<1x128xf32, #tpu.memory_space<vmem>>, vector<1x128xf32>,
    } else {
    }
    %get3A = arith.constant 0 : index
    %get3A_2 = arith.constant 0 : index
    %get3A_3 = vector.load %arg1[%get3A, %get3A_2] : memref<1024x768xf32, #tpu.memory_space<vmem>>, vector<1024x768xf32>
    %get3A_4 = arith.constant 0 : index
    %get3A_5 = arith.constant 0 : index
    %get3A_6 = vector.load %arg2[%get3A_4, %get3A_5] : memref<768x128xf32, #tpu.memory_space<vmem>>, vector<768x128xf32>
    %dot_general3A = arith.constant dense<0.000000e+00> : vector<1024x128xf32>
    %dot_general3A_7 = tpu.matmul %get3A_3, %get3A_6, %dot_general3A {dimension_numbers = #tpu.dot_dimension_numbers<[1], [0], [0], [1], [0, 0, 1, 1], [], []>, transpose_lhs_hint = false} : vector<1024x768xf32>, vector<768x128xf32>, vector<1024x128xf32> -> vector<1024x128xf32>
    %iota3A = tpu.iota {dimensions = array<i32: 1>} : vector<1024x128xi32>
    %lt3A = arith.constant 8 : i32
    %lt3A_8 = vector.broadcast %lt3A : i32 to vector<1024x128xi32>
    %lt3A_9 = arith.cmpi slt, %iota3A, %lt3A_8 : vector<1024x128xi32>
    %jit3A = arith.constant -1.000000e+30 : f32
    %broadcast_in_dim3A = vector.broadcast %jit3A : f32 to vector<1024x128xf32>
    %select_n3A = arith.select %lt3A_9, %dot_general3A_7, %broadcast_in_dim3A : vector<1024x128xi1>, vector<1024x128xf32>
    %reduce_max3A = arith.constant dense<0xFF800000> : vector<1024xf32>
    %reduce_max3A_10 = vector.multi_reduction <maximumf>, %select_n3A, %reduce_max3A [1] : vector<1024x128xf32> to vector<1024xf32>
    %broadcast_in_dim3A_11 = vector.shape_cast %reduce_max3A_10 : vector<1024xf32> to vector<1024x1xf32>
    %eq3A_12 = vector.broadcast %broadcast_in_dim3A_11 : vector<1024x1xf32> to vector<1024x128xf32>
    %eq3A_13 = arith.cmpf oeq, %select_n3A, %eq3A_12 : vector<1024x128xf32>
    %jit3A_14 = arith.constant 128 : i32
    %broadcast_in_dim3A_15 = vector.broadcast %jit3A_14 : i32 to vector<1024x128xi32>
    %select_n3A_16 = arith.select %eq3A_13, %iota3A, %broadcast_in_dim3A_15 : vector<1024x128xi1>, vector<1024x128xi32>
    %reduce_min3A = arith.constant dense<2147483647> : vector<1024xi32>
    %reduce_min3A_17 = vector.multi_reduction <minsi>, %select_n3A_16, %reduce_min3A [1] : vector<1024x128xi32> to vector<1024xi32>
    %broadcast_in_dim3A_18 = vector.shape_cast %reduce_min3A_17 : vector<1024xi32> to vector<1024x1xi32>
    %eq3A_19 = vector.broadcast %broadcast_in_dim3A_18 : vector<1024x1xi32> to vector<1024x128xi32>
    %eq3A_20 = arith.cmpi eq, %iota3A, %eq3A_19 : vector<1024x128xi32>
    %jit3A_21 = arith.constant -1.000000e+30 : f32
    %broadcast_in_dim3A_22 = vector.broadcast %jit3A_21 : f32 to vector<1024x128xf32>
    %select_n3A_23 = arith.select %eq3A_20, %broadcast_in_dim3A_22, %select_n3A : vector<1024x128xi1>, vector<1024x128xf32>
    %reduce_max3A_24 = arith.constant dense<0xFF800000> : vector<1024xf32>
    %reduce_max3A_25 = vector.multi_reduction <maximumf>, %select_n3A_23, %reduce_max3A_24 [1] : vector<1024x128xf32> to vector<1024xf32>
    %broadcast_in_dim3A_26 = vector.shape_cast %reduce_max3A_25 : vector<1024xf32> to vector<1024x1xf32>
    %eq3A_27 = vector.broadcast %broadcast_in_dim3A_26 : vector<1024x1xf32> to vector<1024x128xf32>
    %eq3A_28 = arith.cmpf oeq, %select_n3A_23, %eq3A_27 : vector<1024x128xf32>
    %jit3A_29 = arith.constant 128 : i32
    %broadcast_in_dim3A_30 = vector.broadcast %jit3A_29 : i32 to vector<1024x128xi32>
    %select_n3A_31 = arith.select %eq3A_28, %iota3A, %broadcast_in_dim3A_30 : vector<1024x128xi1>, vector<1024x128xi32>
    %reduce_min3A_32 = arith.constant dense<2147483647> : vector<1024xi32>
    %reduce_min3A_33 = vector.multi_reduction <minsi>, %select_n3A_31, %reduce_min3A_32 [1] : vector<1024x128xi32> to vector<1024xi32>
    %broadcast_in_dim3A_34 = vector.shape_cast %reduce_min3A_33 : vector<1024xi32> to vector<1024x1xi32>
    %eq3A_35 = vector.broadcast %broadcast_in_dim3A_34 : vector<1024x1xi32> to vector<1024x128xi32>
    %eq3A_36 = arith.cmpi eq, %iota3A, %eq3A_35 : vector<1024x128xi32>
    %sub3A = arith.subf %broadcast_in_dim3A_26, %broadcast_in_dim3A_11 : vector<1024x1xf32>
    %exp3A = math.exp %sub3A : vector<1024x1xf32>
    %add3A = arith.constant 1.000000e+00 : f32
    %add3A_37 = vector.broadcast %add3A : f32 to vector<1024x1xf32>
    %add3A_38 = arith.addf %add3A_37, %exp3A : vector<1024x1xf32>
    %div3A = arith.constant 1.000000e+00 : f32
    %div3A_39 = vector.broadcast %div3A : f32 to vector<1024x1xf32>
    %div3A_40 = arith.divf %div3A_39, %add3A_38 : vector<1024x1xf32>
    %div3A_41 = arith.divf %exp3A, %add3A_38 : vector<1024x1xf32>
    %convert_element_type3A_42 = arith.extui %eq3A_20 : vector<1024x128xi1> to vector<1024x128xi32>
    %convert_element_type3A_43 = arith.sitofp %convert_element_type3A_42 : vector<1024x128xi32> to vector<1024x128xf32>
    %convert_element_type3A_44 = arith.extui %eq3A_36 : vector<1024x128xi1> to vector<1024x128xi32>
    %convert_element_type3A_45 = arith.sitofp %convert_element_type3A_44 : vector<1024x128xi32> to vector<1024x128xf32>
    %mul3A = vector.broadcast %div3A_40 : vector<1024x1xf32> to vector<1024x128xf32>
    %mul3A_46 = arith.mulf %mul3A, %convert_element_type3A_43 : vector<1024x128xf32>
    %mul3A_47 = vector.broadcast %div3A_41 : vector<1024x1xf32> to vector<1024x128xf32>
    %mul3A_48 = arith.mulf %mul3A_47, %convert_element_type3A_45 : vector<1024x128xf32>
    %add3A_49 = arith.addf %mul3A_46, %mul3A_48 : vector<1024x128xf32>
    %get3A_50 = arith.constant 0 : index
    %get3A_51 = arith.constant 0 : index
    %get3A_52 = vector.load %arg13[%get3A_50, %get3A_51] : memref<1x128xf32, #tpu.memory_space<vmem>>, vector<1x128xf32>
    %reduce_sum3A = arith.constant dense<0.000000e+00> : vector<128xf32>
    %reduce_sum3A_53 = vector.multi_reduction <add>, %add3A_49, %reduce_sum3A [0] : vector<1024x128xf32> to vector<128xf32>
    %broadcast_in_dim3A_54 = vector.shape_cast %reduce_sum3A_53 : vector<128xf32> to vector<1x128xf32>
    %add3A_55 = arith.addf %get3A_52, %broadcast_in_dim3A_54 : vector<1x128xf32>
    %swap3A = arith.constant 0 : index
    %swap3A_56 = arith.constant 0 : index
    %swap3A_57 = vector.load %arg13[%swap3A, %swap3A_56] : memref<1x128xf32, #tpu.memory_space<vmem>>, vector<1x128xf32>
    tpu.vector_store %arg13[%swap3A, %swap3A_56], %add3A_55 {strides = array<i32>} : memref<1x128xf32, #tpu.memory_space<vmem>>, vector<1x128xf32>,
    %get3A_58 = arith.constant 0 : index
    %get3A_59 = arith.constant 0 : index
    %get3A_60 = vector.load %arg14[%get3A_58, %get3A_59] : memref<1x128xf32, #tpu.memory_space<vmem>>, vector<1x128xf32>
    %gt3A = arith.constant 0.000000e+00 : f32
    %gt3A_61 = vector.broadcast %gt3A : f32 to vector<1024x128xf32>
    %gt3A_62 = arith.cmpf ogt, %add3A_49, %gt3A_61 : vector<1024x128xf32>
    %convert_element_type3A_63 = arith.extui %gt3A_62 : vector<1024x128xi1> to vector<1024x128xi32>
    %convert_element_type3A_64 = arith.sitofp %convert_element_type3A_63 : vector<1024x128xi32> to vector<1024x128xf32>
    %reduce_sum3A_65 = arith.constant dense<0.000000e+00> : vector<128xf32>
    %reduce_sum3A_66 = vector.multi_reduction <add>, %convert_element_type3A_64, %reduce_sum3A_65 [0] : vector<1024x128xf32> to vector<128xf32>
    %broadcast_in_dim3A_67 = vector.shape_cast %reduce_sum3A_66 : vector<128xf32> to vector<1x128xf32>
    %add3A_68 = arith.addf %get3A_60, %broadcast_in_dim3A_67 : vector<1x128xf32>
    %swap3A_69 = arith.constant 0 : index
    %swap3A_70 = arith.constant 0 : index
    %swap3A_71 = vector.load %arg14[%swap3A_69, %swap3A_70] : memref<1x128xf32, #tpu.memory_space<vmem>>, vector<1x128xf32>
    tpu.vector_store %arg14[%swap3A_69, %swap3A_70], %add3A_68 {strides = array<i32>} : memref<1x128xf32, #tpu.memory_space<vmem>>, vector<1x128xf32>,
    %add3A_72 = arith.addf %convert_element_type3A_43, %convert_element_type3A_45 : vector<1024x128xf32>
    %iota3A_73 = tpu.iota {dimensions = array<i32: 0>} : vector<1024x1024xi32>
    %iota3A_74 = tpu.iota {dimensions = array<i32: 1>} : vector<1024x1024xi32>
    %lt3A_75 = arith.cmpi slt, %iota3A_74, %iota3A_73 : vector<1024x1024xi32>
    %convert_element_type3A_76 = arith.extui %lt3A_75 : vector<1024x1024xi1> to vector<1024x1024xi32>
    %convert_element_type3A_77 = arith.sitofp %convert_element_type3A_76 : vector<1024x1024xi32> to vector<1024x1024xf32>
    %convert_element_type3A_78 = arith.truncf %convert_element_type3A_77 : vector<1024x1024xf32> to vector<1024x1024xbf16>
    %convert_element_type3A_79 = arith.truncf %add3A_72 : vector<1024x128xf32> to vector<1024x128xbf16>
    %dot_general3A_80 = arith.constant dense<0.000000e+00> : vector<1024x128xf32>
    %dot_general3A_81 = tpu.matmul %convert_element_type3A_78, %convert_element_type3A_79, %dot_general3A_80 {dimension_numbers = #tpu.dot_dimension_numbers<[1], [0], [0], [1], [0, 0, 1, 1], [], []>, transpose_lhs_hint = false} : vector<1024x1024xbf16>, vector<1024x128xbf16>, vector<1024x128xf32> -> vector<1024x128xf32>
    %get3A_82 = arith.constant 0 : index
    %get3A_83 = arith.constant 0 : index
    %get3A_84 = vector.load %arg12[%get3A_82, %get3A_83] : memref<1x128xf32, #tpu.memory_space<vmem>>, vector<1x128xf32>
    %add3A_85 = vector.broadcast %get3A_84 : vector<1x128xf32> to vector<1024x128xf32>
    %add3A_86 = arith.addf %add3A_85, %dot_general3A_81 : vector<1024x128xf32>
    %mul3A_87 = arith.mulf %add3A_86, %convert_element_type3A_43 : vector<1024x128xf32>
    %reduce_sum3A_88 = arith.constant dense<0.000000e+00> : vector<1024xf32>
    %reduce_sum3A_89 = vector.multi_reduction <add>, %mul3A_87, %reduce_sum3A_88 [1] : vector<1024x128xf32> to vector<1024xf32>
    %broadcast_in_dim3A_90 = vector.shape_cast %reduce_sum3A_89 : vector<1024xf32> to vector<1024x1xf32>
    %mul3A_91 = arith.mulf %add3A_86, %convert_element_type3A_45 : vector<1024x128xf32>
    %reduce_sum3A_92 = arith.constant dense<0.000000e+00> : vector<1024xf32>
    %reduce_sum3A_93 = vector.multi_reduction <add>, %mul3A_91, %reduce_sum3A_92 [1] : vector<1024x128xf32> to vector<1024xf32>
    %broadcast_in_dim3A_94 = vector.shape_cast %reduce_sum3A_93 : vector<1024xf32> to vector<1024x1xf32>
    %lt3A_95 = arith.constant 4.096000e+03 : f32
    %lt3A_96 = vector.broadcast %lt3A_95 : f32 to vector<1024x1xf32>
    %lt3A_97 = arith.cmpf olt, %broadcast_in_dim3A_90, %lt3A_96 : vector<1024x1xf32>
    %convert_element_type3A_98 = arith.extui %lt3A_97 : vector<1024x1xi1> to vector<1024x1xi32>
    %convert_element_type3A_99 = arith.sitofp %convert_element_type3A_98 : vector<1024x1xi32> to vector<1024x1xf32>
    %lt3A_100 = arith.constant 4.096000e+03 : f32
    %lt3A_101 = vector.broadcast %lt3A_100 : f32 to vector<1024x1xf32>
    %lt3A_102 = arith.cmpf olt, %broadcast_in_dim3A_94, %lt3A_101 : vector<1024x1xf32>
    %convert_element_type3A_103 = arith.extui %lt3A_102 : vector<1024x1xi1> to vector<1024x1xi32>
    %convert_element_type3A_104 = arith.sitofp %convert_element_type3A_103 : vector<1024x1xi32> to vector<1024x1xf32>
    %swap3A_105 = arith.constant 0 : index
    %swap3A_106 = arith.constant 0 : index
    %swap3A_107 = vector.load %arg3[%swap3A_105, %swap3A_106] : memref<1024x1xi32, #tpu.memory_space<vmem>>, vector<1024x1xi32>
    tpu.vector_store %arg3[%swap3A_105, %swap3A_106], %broadcast_in_dim3A_18 {strides = array<i32>} : memref<1024x1xi32, #tpu.memory_space<vmem>>, vector<1024x1xi32>,
    %swap3A_108 = arith.constant 0 : index
    %swap3A_109 = arith.constant 0 : index
    %swap3A_110 = vector.load %arg4[%swap3A_108, %swap3A_109] : memref<1024x1xi32, #tpu.memory_space<vmem>>, vector<1024x1xi32>
    tpu.vector_store %arg4[%swap3A_108, %swap3A_109], %broadcast_in_dim3A_34 {strides = array<i32>} : memref<1024x1xi32, #tpu.memory_space<vmem>>, vector<1024x1xi32>,
    %convert_element_type3A_111 = arith.fptosi %broadcast_in_dim3A_90 : vector<1024x1xf32> to vector<1024x1xi32>
    %swap3A_112 = arith.constant 0 : index
    %swap3A_113 = arith.constant 0 : index
    %swap3A_114 = vector.load %arg5[%swap3A_112, %swap3A_113] : memref<1024x1xi32, #tpu.memory_space<vmem>>, vector<1024x1xi32>
    tpu.vector_store %arg5[%swap3A_112, %swap3A_113], %convert_element_type3A_111 {strides = array<i32>} : memref<1024x1xi32, #tpu.memory_space<vmem>>, vector<1024x1xi32>,
    %convert_element_type3A_115 = arith.fptosi %broadcast_in_dim3A_94 : vector<1024x1xf32> to vector<1024x1xi32>
    %swap3A_116 = arith.constant 0 : index
    %swap3A_117 = arith.constant 0 : index
    %swap3A_118 = vector.load %arg6[%swap3A_116, %swap3A_117] : memref<1024x1xi32, #tpu.memory_space<vmem>>, vector<1024x1xi32>
    tpu.vector_store %arg6[%swap3A_116, %swap3A_117], %convert_element_type3A_115 {strides = array<i32>} : memref<1024x1xi32, #tpu.memory_space<vmem>>, vector<1024x1xi32>,
    %mul3A_119 = arith.mulf %div3A_40, %convert_element_type3A_99 : vector<1024x1xf32>
    %swap3A_120 = arith.constant 0 : index
    %swap3A_121 = arith.constant 0 : index
    %swap3A_122 = vector.load %arg7[%swap3A_120, %swap3A_121] : memref<1024x1xf32, #tpu.memory_space<vmem>>, vector<1024x1xf32>
    tpu.vector_store %arg7[%swap3A_120, %swap3A_121], %mul3A_119 {strides = array<i32>} : memref<1024x1xf32, #tpu.memory_space<vmem>>, vector<1024x1xf32>,
    %mul3A_123 = arith.mulf %div3A_41, %convert_element_type3A_104 : vector<1024x1xf32>
    %swap3A_124 = arith.constant 0 : index
    %swap3A_125 = arith.constant 0 : index
    %swap3A_126 = vector.load %arg8[%swap3A_124, %swap3A_125] : memref<1024x1xf32, #tpu.memory_space<vmem>>, vector<1024x1xf32>
    tpu.vector_store %arg8[%swap3A_124, %swap3A_125], %mul3A_123 {strides = array<i32>} : memref<1024x1xf32, #tpu.memory_space<vmem>>, vector<1024x1xf32>,
    %get3A_127 = arith.constant 0 : index
    %get3A_128 = arith.constant 0 : index
    %get3A_129 = vector.load %arg12[%get3A_127, %get3A_128] : memref<1x128xf32, #tpu.memory_space<vmem>>, vector<1x128xf32>
    %reduce_sum3A_130 = arith.constant dense<0.000000e+00> : vector<128xf32>
    %reduce_sum3A_131 = vector.multi_reduction <add>, %add3A_72, %reduce_sum3A_130 [0] : vector<1024x128xf32> to vector<128xf32>
    %broadcast_in_dim3A_132 = vector.shape_cast %reduce_sum3A_131 : vector<128xf32> to vector<1x128xf32>
    %add3A_133 = arith.addf %get3A_129, %broadcast_in_dim3A_132 : vector<1x128xf32>
    %swap3A_134 = arith.constant 0 : index
    %swap3A_135 = arith.constant 0 : index
    %swap3A_136 = vector.load %arg12[%swap3A_134, %swap3A_135] : memref<1x128xf32, #tpu.memory_space<vmem>>, vector<1x128xf32>
    tpu.vector_store %arg12[%swap3A_134, %swap3A_135], %add3A_133 {strides = array<i32>} : memref<1x128xf32, #tpu.memory_space<vmem>>, vector<1x128xf32>,
    %eq3A_137 = arith.constant 7 : i32
    %eq3A_138 = arith.cmpi eq, %arg0, %eq3A_137 : i32
    %convert_element_type3A_139 = arith.extui %eq3A_138 : i1 to i32
    %cond3A_140 = arith.constant 0 : i32
    %cond3A_141 = arith.cmpi ne, %convert_element_type3A_139, %cond3A_140 : i32
    scf.if %cond3A_141 {
      %iota3A_142 = tpu.iota {dimensions = array<i32: 1>} : vector<1x128xi32>
      %lt3A_143 = arith.constant 8 : i32
      %lt3A_144 = vector.broadcast %lt3A_143 : i32 to vector<1x128xi32>
      %lt3A_145 = arith.cmpi slt, %iota3A_142, %lt3A_144 : vector<1x128xi32>
      %convert_element_type3A_146 = arith.extui %lt3A_145 : vector<1x128xi1> to vector<1x128xi32>
      %convert_element_type3A_147 = arith.sitofp %convert_element_type3A_146 : vector<1x128xi32> to vector<1x128xf32>
      %get3A_148 = arith.constant 0 : index
      %get3A_149 = arith.constant 0 : index
      %get3A_150 = vector.load %arg13[%get3A_148, %get3A_149] : memref<1x128xf32, #tpu.memory_space<vmem>>, vector<1x128xf32>
      %mul3A_151 = arith.mulf %get3A_150, %convert_element_type3A_147 : vector<1x128xf32>
      %reduce_sum3A_152 = vector.shape_cast %mul3A_151 : vector<1x128xf32> to vector<1x1x128xf32>
      %reduce_sum3A_153 = arith.constant dense<0.000000e+00> : vector<1xf32>
      %reduce_sum3A_154 = vector.multi_reduction <add>, %reduce_sum3A_152, %reduce_sum3A_153 [1, 2] : vector<1x1x128xf32> to vector<1xf32>
      %reduce_sum3A_155 = vector.shape_cast %reduce_sum3A_154 : vector<1xf32> to vector<1x1x1xf32>
      %reduce_sum3A_156 = vector.extract %reduce_sum3A_155[0, 0, 0] : f32 from vector<1x1x1xf32>
      %mul3A_157 = arith.constant 1.250000e-01 : f32
      %mul3A_158 = arith.mulf %reduce_sum3A_156, %mul3A_157 : f32
      %sub3A_159 = vector.broadcast %mul3A_158 : f32 to vector<1x128xf32>
      %sub3A_160 = arith.subf %get3A_150, %sub3A_159 : vector<1x128xf32>
      %integer_pow3A = arith.mulf %sub3A_160, %sub3A_160 : vector<1x128xf32>
      %mul3A_161 = arith.mulf %integer_pow3A, %convert_element_type3A_147 : vector<1x128xf32>
      %reduce_sum3A_162 = vector.shape_cast %mul3A_161 : vector<1x128xf32> to vector<1x1x128xf32>
      %reduce_sum3A_163 = arith.constant dense<0.000000e+00> : vector<1xf32>
      %reduce_sum3A_164 = vector.multi_reduction <add>, %reduce_sum3A_162, %reduce_sum3A_163 [1, 2] : vector<1x1x128xf32> to vector<1xf32>
      %reduce_sum3A_165 = vector.shape_cast %reduce_sum3A_164 : vector<1xf32> to vector<1x1x1xf32>
      %reduce_sum3A_166 = vector.extract %reduce_sum3A_165[0, 0, 0] : f32 from vector<1x1x1xf32>
      %mul3A_167 = arith.constant 1.250000e-01 : f32
      %mul3A_168 = arith.mulf %reduce_sum3A_166, %mul3A_167 : f32
      %mul3A_169 = arith.mulf %mul3A_158, %mul3A_158 : f32
      %add3A_170 = arith.constant 1.000000e-10 : f32
      %add3A_171 = arith.addf %mul3A_169, %add3A_170 : f32
      %div3A_172 = arith.divf %mul3A_168, %add3A_171 : f32
      %get3A_173 = arith.constant 0 : index
      %get3A_174 = arith.constant 0 : index
      %get3A_175 = vector.load %arg14[%get3A_173, %get3A_174] : memref<1x128xf32, #tpu.memory_space<vmem>>, vector<1x128xf32>
      %mul3A_176 = arith.mulf %get3A_175, %convert_element_type3A_147 : vector<1x128xf32>
      %reduce_sum3A_177 = vector.shape_cast %mul3A_176 : vector<1x128xf32> to vector<1x1x128xf32>
      %reduce_sum3A_178 = arith.constant dense<0.000000e+00> : vector<1xf32>
      %reduce_sum3A_179 = vector.multi_reduction <add>, %reduce_sum3A_177, %reduce_sum3A_178 [1, 2] : vector<1x1x128xf32> to vector<1xf32>
      %reduce_sum3A_180 = vector.shape_cast %reduce_sum3A_179 : vector<1xf32> to vector<1x1x1xf32>
      %reduce_sum3A_181 = vector.extract %reduce_sum3A_180[0, 0, 0] : f32 from vector<1x1x1xf32>
      %mul3A_182 = arith.constant 1.250000e-01 : f32
      %mul3A_183 = arith.mulf %reduce_sum3A_181, %mul3A_182 : f32
      %sub3A_184 = vector.broadcast %mul3A_183 : f32 to vector<1x128xf32>
      %sub3A_185 = arith.subf %get3A_175, %sub3A_184 : vector<1x128xf32>
      %integer_pow3A_186 = arith.mulf %sub3A_185, %sub3A_185 : vector<1x128xf32>
      %mul3A_187 = arith.mulf %integer_pow3A_186, %convert_element_type3A_147 : vector<1x128xf32>
      %reduce_sum3A_188 = vector.shape_cast %mul3A_187 : vector<1x128xf32> to vector<1x1x128xf32>
      %reduce_sum3A_189 = arith.constant dense<0.000000e+00> : vector<1xf32>
      %reduce_sum3A_190 = vector.multi_reduction <add>, %reduce_sum3A_188, %reduce_sum3A_189 [1, 2] : vector<1x1x128xf32> to vector<1xf32>
      %reduce_sum3A_191 = vector.shape_cast %reduce_sum3A_190 : vector<1xf32> to vector<1x1x1xf32>
      %reduce_sum3A_192 = vector.extract %reduce_sum3A_191[0, 0, 0] : f32 from vector<1x1x1xf32>
      %mul3A_193 = arith.constant 1.250000e-01 : f32
      %mul3A_194 = arith.mulf %reduce_sum3A_192, %mul3A_193 : f32
      %mul3A_195 = arith.mulf %mul3A_183, %mul3A_183 : f32
      %add3A_196 = arith.constant 1.000000e-10 : f32
      %add3A_197 = arith.addf %mul3A_195, %add3A_196 : f32
      %div3A_198 = arith.divf %mul3A_194, %add3A_197 : f32
      %add3A_199 = arith.addf %div3A_172, %div3A_198 : f32
      %mul3A_200 = arith.constant 0.00999999977 : f32
      %mul3A_201 = arith.mulf %add3A_199, %mul3A_200 : f32
      %broadcast_in_dim3A_202 = vector.broadcast %mul3A_201 : f32 to vector<1x1xf32>
      %swap3A_203 = arith.constant 0 : index
      %swap3A_204 = arith.constant 0 : index
      %swap3A_205 = vector.load %arg11[%swap3A_203, %swap3A_204] : memref<1x1xf32, #tpu.memory_space<vmem>>, vector<1x1xf32>
      tpu.vector_store %arg11[%swap3A_203, %swap3A_204], %broadcast_in_dim3A_202 {strides = array<i32>} : memref<1x1xf32, #tpu.memory_space<vmem>>, vector<1x1xf32>,
      %get3A_206 = arith.constant 0 : index
      %get3A_207 = arith.constant 0 : index
      %get3A_208 = vector.load %arg12[%get3A_206, %get3A_207] : memref<1x128xf32, #tpu.memory_space<vmem>>, vector<1x128xf32>
      %min3A = arith.constant 4.096000e+03 : f32
      %min3A_209 = vector.broadcast %min3A : f32 to vector<1x128xf32>
      %min3A_210 = arith.minimumf %get3A_208, %min3A_209 : vector<1x128xf32>
      %add3A_211 = arith.constant 2.550000e+02 : f32
      %add3A_212 = vector.broadcast %add3A_211 : f32 to vector<1x128xf32>
      %add3A_213 = arith.addf %min3A_210, %add3A_212 : vector<1x128xf32>
      %mul3A_214 = arith.constant 3.906250e-03 : f32
      %mul3A_215 = vector.broadcast %mul3A_214 : f32 to vector<1x128xf32>
      %mul3A_216 = arith.mulf %add3A_213, %mul3A_215 : vector<1x128xf32>
      %floor3A = math.floor %mul3A_216 : vector<1x128xf32>
      %mul3A_217 = arith.constant 2.560000e+02 : f32
      %mul3A_218 = vector.broadcast %mul3A_217 : f32 to vector<1x128xf32>
      %mul3A_219 = arith.mulf %floor3A, %mul3A_218 : vector<1x128xf32>
      %iota3A_220 = tpu.iota {dimensions = array<i32: 0>} : vector<128x128xi32>
      %iota3A_221 = tpu.iota {dimensions = array<i32: 1>} : vector<128x128xi32>
      %lt3A_222 = arith.cmpi slt, %iota3A_220, %iota3A_221 : vector<128x128xi32>
      %convert_element_type3A_223 = arith.extui %lt3A_222 : vector<128x128xi1> to vector<128x128xi32>
      %convert_element_type3A_224 = arith.sitofp %convert_element_type3A_223 : vector<128x128xi32> to vector<128x128xf32>
      %dot_general3A_225 = arith.constant dense<0.000000e+00> : vector<1x128xf32>
      %dot_general3A_226 = tpu.matmul %mul3A_219, %convert_element_type3A_224, %dot_general3A_225 {dimension_numbers = #tpu.dot_dimension_numbers<[1], [0], [0], [1], [0, 0, 1, 1], [], []>, transpose_lhs_hint = false} : vector<1x128xf32>, vector<128x128xf32>, vector<1x128xf32> -> vector<1x128xf32>
      %swap3A_227 = arith.constant 0 : index
      %swap3A_228 = arith.constant 0 : index
      %swap3A_229 = vector.load %arg9[%swap3A_227, %swap3A_228] : memref<1x128xf32, #tpu.memory_space<vmem>>, vector<1x128xf32>
      tpu.vector_store %arg9[%swap3A_227, %swap3A_228], %dot_general3A_226 {strides = array<i32>} : memref<1x128xf32, #tpu.memory_space<vmem>>, vector<1x128xf32>,
      %mul3A_230 = arith.constant 256 : i32
      %mul3A_231 = vector.broadcast %mul3A_230 : i32 to vector<1x128xi32>
      %mul3A_232 = arith.muli %iota3A_142, %mul3A_231 : vector<1x128xi32>
      %convert_element_type3A_233 = arith.sitofp %mul3A_232 : vector<1x128xi32> to vector<1x128xf32>
      %broadcast_in_dim3A_234 = arith.constant 0 : i32
      %broadcast_in_dim3A_235 = vector.broadcast %broadcast_in_dim3A_234 : i32 to vector<1x128xi32>
      %eq3A_236 = arith.constant 0 : i32
      %eq3A_237 = vector.broadcast %eq3A_236 : i32 to vector<1x128xi32>
      %eq3A_238 = arith.cmpi eq, %iota3A_142, %eq3A_237 : vector<1x128xi32>
      %jit3A_239 = arith.constant 0.000000e+00 : f32
      %broadcast_in_dim3A_240 = vector.broadcast %jit3A_239 : f32 to vector<1x128xf32>
      %select_n3A_241 = arith.select %eq3A_238, %dot_general3A_226, %broadcast_in_dim3A_240 : vector<1x128xi1>, vector<1x128xf32>
      %reduce_sum3A_242 = vector.shape_cast %select_n3A_241 : vector<1x128xf32> to vector<1x1x128xf32>
      %reduce_sum3A_243 = arith.constant dense<0.000000e+00> : vector<1xf32>
      %reduce_sum3A_244 = vector.multi_reduction <add>, %reduce_sum3A_242, %reduce_sum3A_243 [1, 2] : vector<1x1x128xf32> to vector<1xf32>
      %reduce_sum3A_245 = vector.shape_cast %reduce_sum3A_244 : vector<1xf32> to vector<1x1x1xf32>
      %reduce_sum3A_246 = vector.extract %reduce_sum3A_245[0, 0, 0] : f32 from vector<1x1x1xf32>
      %ge3A = vector.broadcast %reduce_sum3A_246 : f32 to vector<1x128xf32>
      %ge3A_247 = arith.cmpf oge, %convert_element_type3A_233, %ge3A : vector<1x128xf32>
      %convert_element_type3A_248 = arith.extui %ge3A_247 : vector<1x128xi1> to vector<1x128xi32>
      %add3A_249 = arith.addi %broadcast_in_dim3A_235, %convert_element_type3A_248 : vector<1x128xi32>
      %eq3A_250 = arith.constant 1 : i32
      %eq3A_251 = vector.broadcast %eq3A_250 : i32 to vector<1x128xi32>
      %eq3A_252 = arith.cmpi eq, %iota3A_142, %eq3A_251 : vector<1x128xi32>
      %jit3A_253 = arith.constant 0.000000e+00 : f32
      %broadcast_in_dim3A_254 = vector.broadcast %jit3A_253 : f32 to vector<1x128xf32>
      %select_n3A_255 = arith.select %eq3A_252, %dot_general3A_226, %broadcast_in_dim3A_254 : vector<1x128xi1>, vector<1x128xf32>
      %reduce_sum3A_256 = vector.shape_cast %select_n3A_255 : vector<1x128xf32> to vector<1x1x128xf32>
      %reduce_sum3A_257 = arith.constant dense<0.000000e+00> : vector<1xf32>
      %reduce_sum3A_258 = vector.multi_reduction <add>, %reduce_sum3A_256, %reduce_sum3A_257 [1, 2] : vector<1x1x128xf32> to vector<1xf32>
      %reduce_sum3A_259 = vector.shape_cast %reduce_sum3A_258 : vector<1xf32> to vector<1x1x1xf32>
      %reduce_sum3A_260 = vector.extract %reduce_sum3A_259[0, 0, 0] : f32 from vector<1x1x1xf32>
      %ge3A_261 = vector.broadcast %reduce_sum3A_260 : f32 to vector<1x128xf32>
      %ge3A_262 = arith.cmpf oge, %convert_element_type3A_233, %ge3A_261 : vector<1x128xf32>
      %convert_element_type3A_263 = arith.extui %ge3A_262 : vector<1x128xi1> to vector<1x128xi32>
      %add3A_264 = arith.addi %add3A_249, %convert_element_type3A_263 : vector<1x128xi32>
      %eq3A_265 = arith.constant 2 : i32
      %eq3A_266 = vector.broadcast %eq3A_265 : i32 to vector<1x128xi32>
      %eq3A_267 = arith.cmpi eq, %iota3A_142, %eq3A_266 : vector<1x128xi32>
      %jit3A_268 = arith.constant 0.000000e+00 : f32
      %broadcast_in_dim3A_269 = vector.broadcast %jit3A_268 : f32 to vector<1x128xf32>
      %select_n3A_270 = arith.select %eq3A_267, %dot_general3A_226, %broadcast_in_dim3A_269 : vector<1x128xi1>, vector<1x128xf32>
      %reduce_sum3A_271 = vector.shape_cast %select_n3A_270 : vector<1x128xf32> to vector<1x1x128xf32>
      %reduce_sum3A_272 = arith.constant dense<0.000000e+00> : vector<1xf32>
      %reduce_sum3A_273 = vector.multi_reduction <add>, %reduce_sum3A_271, %reduce_sum3A_272 [1, 2] : vector<1x1x128xf32> to vector<1xf32>
      %reduce_sum3A_274 = vector.shape_cast %reduce_sum3A_273 : vector<1xf32> to vector<1x1x1xf32>
      %reduce_sum3A_275 = vector.extract %reduce_sum3A_274[0, 0, 0] : f32 from vector<1x1x1xf32>
      %ge3A_276 = vector.broadcast %reduce_sum3A_275 : f32 to vector<1x128xf32>
      %ge3A_277 = arith.cmpf oge, %convert_element_type3A_233, %ge3A_276 : vector<1x128xf32>
      %convert_element_type3A_278 = arith.extui %ge3A_277 : vector<1x128xi1> to vector<1x128xi32>
      %add3A_279 = arith.addi %add3A_264, %convert_element_type3A_278 : vector<1x128xi32>
      %eq3A_280 = arith.constant 3 : i32
      %eq3A_281 = vector.broadcast %eq3A_280 : i32 to vector<1x128xi32>
      %eq3A_282 = arith.cmpi eq, %iota3A_142, %eq3A_281 : vector<1x128xi32>
      %jit3A_283 = arith.constant 0.000000e+00 : f32
      %broadcast_in_dim3A_284 = vector.broadcast %jit3A_283 : f32 to vector<1x128xf32>
      %select_n3A_285 = arith.select %eq3A_282, %dot_general3A_226, %broadcast_in_dim3A_284 : vector<1x128xi1>, vector<1x128xf32>
      %reduce_sum3A_286 = vector.shape_cast %select_n3A_285 : vector<1x128xf32> to vector<1x1x128xf32>
      %reduce_sum3A_287 = arith.constant dense<0.000000e+00> : vector<1xf32>
      %reduce_sum3A_288 = vector.multi_reduction <add>, %reduce_sum3A_286, %reduce_sum3A_287 [1, 2] : vector<1x1x128xf32> to vector<1xf32>
      %reduce_sum3A_289 = vector.shape_cast %reduce_sum3A_288 : vector<1xf32> to vector<1x1x1xf32>
      %reduce_sum3A_290 = vector.extract %reduce_sum3A_289[0, 0, 0] : f32 from vector<1x1x1xf32>
      %ge3A_291 = vector.broadcast %reduce_sum3A_290 : f32 to vector<1x128xf32>
      %ge3A_292 = arith.cmpf oge, %convert_element_type3A_233, %ge3A_291 : vector<1x128xf32>
      %convert_element_type3A_293 = arith.extui %ge3A_292 : vector<1x128xi1> to vector<1x128xi32>
      %add3A_294 = arith.addi %add3A_279, %convert_element_type3A_293 : vector<1x128xi32>
      %eq3A_295 = arith.constant 4 : i32
      %eq3A_296 = vector.broadcast %eq3A_295 : i32 to vector<1x128xi32>
      %eq3A_297 = arith.cmpi eq, %iota3A_142, %eq3A_296 : vector<1x128xi32>
      %jit3A_298 = arith.constant 0.000000e+00 : f32
      %broadcast_in_dim3A_299 = vector.broadcast %jit3A_298 : f32 to vector<1x128xf32>
      %select_n3A_300 = arith.select %eq3A_297, %dot_general3A_226, %broadcast_in_dim3A_299 : vector<1x128xi1>, vector<1x128xf32>
      %reduce_sum3A_301 = vector.shape_cast %select_n3A_300 : vector<1x128xf32> to vector<1x1x128xf32>
      %reduce_sum3A_302 = arith.constant dense<0.000000e+00> : vector<1xf32>
      %reduce_sum3A_303 = vector.multi_reduction <add>, %reduce_sum3A_301, %reduce_sum3A_302 [1, 2] : vector<1x1x128xf32> to vector<1xf32>
      %reduce_sum3A_304 = vector.shape_cast %reduce_sum3A_303 : vector<1xf32> to vector<1x1x1xf32>
      %reduce_sum3A_305 = vector.extract %reduce_sum3A_304[0, 0, 0] : f32 from vector<1x1x1xf32>
      %ge3A_306 = vector.broadcast %reduce_sum3A_305 : f32 to vector<1x128xf32>
      %ge3A_307 = arith.cmpf oge, %convert_element_type3A_233, %ge3A_306 : vector<1x128xf32>
      %convert_element_type3A_308 = arith.extui %ge3A_307 : vector<1x128xi1> to vector<1x128xi32>
      %add3A_309 = arith.addi %add3A_294, %convert_element_type3A_308 : vector<1x128xi32>
      %eq3A_310 = arith.constant 5 : i32
      %eq3A_311 = vector.broadcast %eq3A_310 : i32 to vector<1x128xi32>
      %eq3A_312 = arith.cmpi eq, %iota3A_142, %eq3A_311 : vector<1x128xi32>
      %jit3A_313 = arith.constant 0.000000e+00 : f32
      %broadcast_in_dim3A_314 = vector.broadcast %jit3A_313 : f32 to vector<1x128xf32>
      %select_n3A_315 = arith.select %eq3A_312, %dot_general3A_226, %broadcast_in_dim3A_314 : vector<1x128xi1>, vector<1x128xf32>
      %reduce_sum3A_316 = vector.shape_cast %select_n3A_315 : vector<1x128xf32> to vector<1x1x128xf32>
      %reduce_sum3A_317 = arith.constant dense<0.000000e+00> : vector<1xf32>
      %reduce_sum3A_318 = vector.multi_reduction <add>, %reduce_sum3A_316, %reduce_sum3A_317 [1, 2] : vector<1x1x128xf32> to vector<1xf32>
      %reduce_sum3A_319 = vector.shape_cast %reduce_sum3A_318 : vector<1xf32> to vector<1x1x1xf32>
      %reduce_sum3A_320 = vector.extract %reduce_sum3A_319[0, 0, 0] : f32 from vector<1x1x1xf32>
      %ge3A_321 = vector.broadcast %reduce_sum3A_320 : f32 to vector<1x128xf32>
      %ge3A_322 = arith.cmpf oge, %convert_element_type3A_233, %ge3A_321 : vector<1x128xf32>
      %convert_element_type3A_323 = arith.extui %ge3A_322 : vector<1x128xi1> to vector<1x128xi32>
      %add3A_324 = arith.addi %add3A_309, %convert_element_type3A_323 : vector<1x128xi32>
      %eq3A_325 = arith.constant 6 : i32
      %eq3A_326 = vector.broadcast %eq3A_325 : i32 to vector<1x128xi32>
      %eq3A_327 = arith.cmpi eq, %iota3A_142, %eq3A_326 : vector<1x128xi32>
      %jit3A_328 = arith.constant 0.000000e+00 : f32
      %broadcast_in_dim3A_329 = vector.broadcast %jit3A_328 : f32 to vector<1x128xf32>
      %select_n3A_330 = arith.select %eq3A_327, %dot_general3A_226, %broadcast_in_dim3A_329 : vector<1x128xi1>, vector<1x128xf32>
      %reduce_sum3A_331 = vector.shape_cast %select_n3A_330 : vector<1x128xf32> to vector<1x1x128xf32>
      %reduce_sum3A_332 = arith.constant dense<0.000000e+00> : vector<1xf32>
      %reduce_sum3A_333 = vector.multi_reduction <add>, %reduce_sum3A_331, %reduce_sum3A_332 [1, 2] : vector<1x1x128xf32> to vector<1xf32>
      %reduce_sum3A_334 = vector.shape_cast %reduce_sum3A_333 : vector<1xf32> to vector<1x1x1xf32>
      %reduce_sum3A_335 = vector.extract %reduce_sum3A_334[0, 0, 0] : f32 from vector<1x1x1xf32>
      %ge3A_336 = vector.broadcast %reduce_sum3A_335 : f32 to vector<1x128xf32>
      %ge3A_337 = arith.cmpf oge, %convert_element_type3A_233, %ge3A_336 : vector<1x128xf32>
      %convert_element_type3A_338 = arith.extui %ge3A_337 : vector<1x128xi1> to vector<1x128xi32>
      %add3A_339 = arith.addi %add3A_324, %convert_element_type3A_338 : vector<1x128xi32>
      %eq3A_340 = arith.constant 7 : i32
      %eq3A_341 = vector.broadcast %eq3A_340 : i32 to vector<1x128xi32>
      %eq3A_342 = arith.cmpi eq, %iota3A_142, %eq3A_341 : vector<1x128xi32>
      %jit3A_343 = arith.constant 0.000000e+00 : f32
      %broadcast_in_dim3A_344 = vector.broadcast %jit3A_343 : f32 to vector<1x128xf32>
      %select_n3A_345 = arith.select %eq3A_342, %dot_general3A_226, %broadcast_in_dim3A_344 : vector<1x128xi1>, vector<1x128xf32>
      %reduce_sum3A_346 = vector.shape_cast %select_n3A_345 : vector<1x128xf32> to vector<1x1x128xf32>
      %reduce_sum3A_347 = arith.constant dense<0.000000e+00> : vector<1xf32>
      %reduce_sum3A_348 = vector.multi_reduction <add>, %reduce_sum3A_346, %reduce_sum3A_347 [1, 2] : vector<1x1x128xf32> to vector<1xf32>
      %reduce_sum3A_349 = vector.shape_cast %reduce_sum3A_348 : vector<1xf32> to vector<1x1x1xf32>
      %reduce_sum3A_350 = vector.extract %reduce_sum3A_349[0, 0, 0] : f32 from vector<1x1x1xf32>
      %ge3A_351 = vector.broadcast %reduce_sum3A_350 : f32 to vector<1x128xf32>
      %ge3A_352 = arith.cmpf oge, %convert_element_type3A_233, %ge3A_351 : vector<1x128xf32>
      %convert_element_type3A_353 = arith.extui %ge3A_352 : vector<1x128xi1> to vector<1x128xi32>
      %add3A_354 = arith.addi %add3A_339, %convert_element_type3A_353 : vector<1x128xi32>
      %sub3A_355 = arith.constant 1 : i32
      %sub3A_356 = vector.broadcast %sub3A_355 : i32 to vector<1x128xi32>
      %sub3A_357 = arith.subi %add3A_354, %sub3A_356 : vector<1x128xi32>
      %jit3A_358 = arith.constant 0 : i32
      %jit3A_359 = arith.constant 7 : i32
      %max3A = vector.broadcast %jit3A_358 : i32 to vector<1x128xi32>
      %max3A_360 = arith.maxsi %max3A, %sub3A_357 : vector<1x128xi32>
      %min3A_361 = vector.broadcast %jit3A_359 : i32 to vector<1x128xi32>
      %min3A_362 = arith.minsi %min3A_361, %max3A_360 : vector<1x128xi32>
      %swap3A_363 = arith.constant 0 : index
      %swap3A_364 = arith.constant 0 : index
      %swap3A_365 = vector.load %arg10[%swap3A_363, %swap3A_364] : memref<1x128xi32, #tpu.memory_space<vmem>>, vector<1x128xi32>
      tpu.vector_store %arg10[%swap3A_363, %swap3A_364], %min3A_362 {strides = array<i32>} : memref<1x128xi32, #tpu.memory_space<vmem>>, vector<1x128xi32>,
    } else {
    }
    return
  }
  func.func @transform_0(%arg0: i32) -> (i32, i32) {
    %c0_i32 = arith.constant 0 : i32
    %c0_i32_0 = arith.constant 0 : i32
    return %arg0, %c0_i32 : i32, i32
  }
  func.func @transform_1(%arg0: i32) -> (i32, i32) {
    %c0_i32 = arith.constant 0 : i32
    %c0_i32_0 = arith.constant 0 : i32
    %c0_i32_1 = arith.constant 0 : i32
    return %c0_i32, %c0_i32_0 : i32, i32
  }
  func.func @transform_2(%arg0: i32) -> (i32, i32) {
    %c0_i32 = arith.constant 0 : i32
    %c0_i32_0 = arith.constant 0 : i32
    return %arg0, %c0_i32 : i32, i32
  }
  func.func @transform_3(%arg0: i32) -> (i32, i32) {
    %c0_i32 = arith.constant 0 : i32
    %c0_i32_0 = arith.constant 0 : i32
    return %arg0, %c0_i32 : i32, i32
  }
  func.func @transform_4(%arg0: i32) -> (i32, i32) {
    %c0_i32 = arith.constant 0 : i32
    %c0_i32_0 = arith.constant 0 : i32
    return %arg0, %c0_i32 : i32, i32
  }
  func.func @transform_5(%arg0: i32) -> (i32, i32) {
    %c0_i32 = arith.constant 0 : i32
    %c0_i32_0 = arith.constant 0 : i32
    return %arg0, %c0_i32 : i32, i32
  }
  func.func @transform_6(%arg0: i32) -> (i32, i32) {
    %c0_i32 = arith.constant 0 : i32
    %c0_i32_0 = arith.constant 0 : i32
    return %arg0, %c0_i32 : i32, i32
  }
  func.func @transform_7(%arg0: i32) -> (i32, i32) {
    %c0_i32 = arith.constant 0 : i32
    %c0_i32_0 = arith.constant 0 : i32
    return %arg0, %c0_i32 : i32, i32
  }
  func.func @transform_8(%arg0: i32) -> (i32, i32) {
    %c0_i32 = arith.constant 0 : i32
    %c0_i32_0 = arith.constant 0 : i32
    %c0_i32_1 = arith.constant 0 : i32
    return %c0_i32, %c0_i32_0 : i32, i32
  }
  func.func @transform_9(%arg0: i32) -> (i32, i32) {
    %c0_i32 = arith.constant 0 : i32
    %c0_i32_0 = arith.constant 0 : i32
    %c0_i32_1 = arith.constant 0 : i32
    return %c0_i32, %c0_i32_0 : i32, i32
  }
  func.func @transform_10(%arg0: i32) -> (i32, i32) {
    %c0_i32 = arith.constant 0 : i32
    %c0_i32_0 = arith.constant 0 : i32
    %c0_i32_1 = arith.constant 0 : i32
    return %c0_i32, %c0_i32_0 : i32, i32
  }
}

module attributes {stable_mosaic.version = 14 : i64} {
  func.func @_dest_kernel(%arg0: i32, %arg1: memref<1024x1xi32, #tpu.memory_space<vmem>>, %arg2: memref<1024x1xi32, #tpu.memory_space<vmem>>, %arg3: memref<1024x1xi32, #tpu.memory_space<vmem>>, %arg4: memref<1024x1xi32, #tpu.memory_space<vmem>>, %arg5: memref<1x128xf32, #tpu.memory_space<vmem>>, %arg6: memref<1024x1xi32, #tpu.memory_space<vmem>>, %arg7: memref<1024x1xi32, #tpu.memory_space<vmem>>) attributes {dimension_semantics = [#tpu.dimension_semantics<arbitrary>], iteration_bounds = array<i64: 8>, scalar_prefetch = 0 : i64, scratch_operands = 0 : i64, tpu.core_type = #tpu.core_type<tc>, window_params = [{transform_indices = @transform_0, window_bounds = array<i64: 1024, 1>}, {transform_indices = @transform_1, window_bounds = array<i64: 1024, 1>}, {transform_indices = @transform_2, window_bounds = array<i64: 1024, 1>}, {transform_indices = @transform_3, window_bounds = array<i64: 1024, 1>}, {pipeline_mode = #tpu.pipeline_mode<synchronous>, transform_indices = @transform_4, window_bounds = array<i64: 1, 128>}, {transform_indices = @transform_5, window_bounds = array<i64: 1024, 1>}, {transform_indices = @transform_6, window_bounds = array<i64: 1024, 1>}]} {
    %get3A = arith.constant 0 : index
    %get3A_0 = arith.constant 0 : index
    %get3A_1 = vector.load %arg5[%get3A, %get3A_0] : memref<1x128xf32, #tpu.memory_space<vmem>>, vector<1x128xf32>
    %iota3A = tpu.iota {dimensions = array<i32: 1>} : vector<1x128xi32>
    %get3A_2 = arith.constant 0 : index
    %get3A_3 = arith.constant 0 : index
    %get3A_4 = vector.load %arg1[%get3A_2, %get3A_3] : memref<1024x1xi32, #tpu.memory_space<vmem>>, vector<1024x1xi32>
    %get3A_5 = arith.constant 0 : index
    %get3A_6 = arith.constant 0 : index
    %get3A_7 = vector.load %arg3[%get3A_5, %get3A_6] : memref<1024x1xi32, #tpu.memory_space<vmem>>, vector<1024x1xi32>
    %broadcast_in_dim3A = arith.constant 0 : i32
    %broadcast_in_dim3A_8 = vector.broadcast %broadcast_in_dim3A : i32 to vector<1024x1xi32>
    %eq3A = arith.constant 0 : i32
    %eq3A_9 = vector.broadcast %eq3A : i32 to vector<1x128xi32>
    %eq3A_10 = arith.cmpi eq, %iota3A, %eq3A_9 : vector<1x128xi32>
    %jit3A = arith.constant 0.000000e+00 : f32
    %broadcast_in_dim3A_11 = vector.broadcast %jit3A : f32 to vector<1x128xf32>
    %select_n3A = arith.select %eq3A_10, %get3A_1, %broadcast_in_dim3A_11 : vector<1x128xi1>, vector<1x128xf32>
    %reduce_sum3A = vector.shape_cast %select_n3A : vector<1x128xf32> to vector<1x1x128xf32>
    %reduce_sum3A_12 = arith.constant dense<0.000000e+00> : vector<1xf32>
    %reduce_sum3A_13 = vector.multi_reduction <add>, %reduce_sum3A, %reduce_sum3A_12 [1, 2] : vector<1x1x128xf32> to vector<1xf32>
    %reduce_sum3A_14 = vector.shape_cast %reduce_sum3A_13 : vector<1xf32> to vector<1x1x1xf32>
    %reduce_sum3A_15 = vector.extract %reduce_sum3A_14[0, 0, 0] : f32 from vector<1x1x1xf32>
    %convert_element_type3A = arith.fptosi %reduce_sum3A_15 : f32 to i32
    %eq3A_16 = arith.constant 0 : i32
    %eq3A_17 = vector.broadcast %eq3A_16 : i32 to vector<1024x1xi32>
    %eq3A_18 = arith.cmpi eq, %get3A_4, %eq3A_17 : vector<1024x1xi32>
    %broadcast_in_dim3A_19 = vector.broadcast %convert_element_type3A : i32 to vector<1024x1xi32>
    %select_n3A_20 = arith.select %eq3A_18, %broadcast_in_dim3A_19, %broadcast_in_dim3A_8 : vector<1024x1xi1>, vector<1024x1xi32>
    %eq3A_21 = arith.constant 1 : i32
    %eq3A_22 = vector.broadcast %eq3A_21 : i32 to vector<1x128xi32>
    %eq3A_23 = arith.cmpi eq, %iota3A, %eq3A_22 : vector<1x128xi32>
    %jit3A_24 = arith.constant 0.000000e+00 : f32
    %broadcast_in_dim3A_25 = vector.broadcast %jit3A_24 : f32 to vector<1x128xf32>
    %select_n3A_26 = arith.select %eq3A_23, %get3A_1, %broadcast_in_dim3A_25 : vector<1x128xi1>, vector<1x128xf32>
    %reduce_sum3A_27 = vector.shape_cast %select_n3A_26 : vector<1x128xf32> to vector<1x1x128xf32>
    %reduce_sum3A_28 = arith.constant dense<0.000000e+00> : vector<1xf32>
    %reduce_sum3A_29 = vector.multi_reduction <add>, %reduce_sum3A_27, %reduce_sum3A_28 [1, 2] : vector<1x1x128xf32> to vector<1xf32>
    %reduce_sum3A_30 = vector.shape_cast %reduce_sum3A_29 : vector<1xf32> to vector<1x1x1xf32>
    %reduce_sum3A_31 = vector.extract %reduce_sum3A_30[0, 0, 0] : f32 from vector<1x1x1xf32>
    %convert_element_type3A_32 = arith.fptosi %reduce_sum3A_31 : f32 to i32
    %eq3A_33 = arith.constant 1 : i32
    %eq3A_34 = vector.broadcast %eq3A_33 : i32 to vector<1024x1xi32>
    %eq3A_35 = arith.cmpi eq, %get3A_4, %eq3A_34 : vector<1024x1xi32>
    %broadcast_in_dim3A_36 = vector.broadcast %convert_element_type3A_32 : i32 to vector<1024x1xi32>
    %select_n3A_37 = arith.select %eq3A_35, %broadcast_in_dim3A_36, %select_n3A_20 : vector<1024x1xi1>, vector<1024x1xi32>
    %eq3A_38 = arith.constant 2 : i32
    %eq3A_39 = vector.broadcast %eq3A_38 : i32 to vector<1x128xi32>
    %eq3A_40 = arith.cmpi eq, %iota3A, %eq3A_39 : vector<1x128xi32>
    %jit3A_41 = arith.constant 0.000000e+00 : f32
    %broadcast_in_dim3A_42 = vector.broadcast %jit3A_41 : f32 to vector<1x128xf32>
    %select_n3A_43 = arith.select %eq3A_40, %get3A_1, %broadcast_in_dim3A_42 : vector<1x128xi1>, vector<1x128xf32>
    %reduce_sum3A_44 = vector.shape_cast %select_n3A_43 : vector<1x128xf32> to vector<1x1x128xf32>
    %reduce_sum3A_45 = arith.constant dense<0.000000e+00> : vector<1xf32>
    %reduce_sum3A_46 = vector.multi_reduction <add>, %reduce_sum3A_44, %reduce_sum3A_45 [1, 2] : vector<1x1x128xf32> to vector<1xf32>
    %reduce_sum3A_47 = vector.shape_cast %reduce_sum3A_46 : vector<1xf32> to vector<1x1x1xf32>
    %reduce_sum3A_48 = vector.extract %reduce_sum3A_47[0, 0, 0] : f32 from vector<1x1x1xf32>
    %convert_element_type3A_49 = arith.fptosi %reduce_sum3A_48 : f32 to i32
    %eq3A_50 = arith.constant 2 : i32
    %eq3A_51 = vector.broadcast %eq3A_50 : i32 to vector<1024x1xi32>
    %eq3A_52 = arith.cmpi eq, %get3A_4, %eq3A_51 : vector<1024x1xi32>
    %broadcast_in_dim3A_53 = vector.broadcast %convert_element_type3A_49 : i32 to vector<1024x1xi32>
    %select_n3A_54 = arith.select %eq3A_52, %broadcast_in_dim3A_53, %select_n3A_37 : vector<1024x1xi1>, vector<1024x1xi32>
    %eq3A_55 = arith.constant 3 : i32
    %eq3A_56 = vector.broadcast %eq3A_55 : i32 to vector<1x128xi32>
    %eq3A_57 = arith.cmpi eq, %iota3A, %eq3A_56 : vector<1x128xi32>
    %jit3A_58 = arith.constant 0.000000e+00 : f32
    %broadcast_in_dim3A_59 = vector.broadcast %jit3A_58 : f32 to vector<1x128xf32>
    %select_n3A_60 = arith.select %eq3A_57, %get3A_1, %broadcast_in_dim3A_59 : vector<1x128xi1>, vector<1x128xf32>
    %reduce_sum3A_61 = vector.shape_cast %select_n3A_60 : vector<1x128xf32> to vector<1x1x128xf32>
    %reduce_sum3A_62 = arith.constant dense<0.000000e+00> : vector<1xf32>
    %reduce_sum3A_63 = vector.multi_reduction <add>, %reduce_sum3A_61, %reduce_sum3A_62 [1, 2] : vector<1x1x128xf32> to vector<1xf32>
    %reduce_sum3A_64 = vector.shape_cast %reduce_sum3A_63 : vector<1xf32> to vector<1x1x1xf32>
    %reduce_sum3A_65 = vector.extract %reduce_sum3A_64[0, 0, 0] : f32 from vector<1x1x1xf32>
    %convert_element_type3A_66 = arith.fptosi %reduce_sum3A_65 : f32 to i32
    %eq3A_67 = arith.constant 3 : i32
    %eq3A_68 = vector.broadcast %eq3A_67 : i32 to vector<1024x1xi32>
    %eq3A_69 = arith.cmpi eq, %get3A_4, %eq3A_68 : vector<1024x1xi32>
    %broadcast_in_dim3A_70 = vector.broadcast %convert_element_type3A_66 : i32 to vector<1024x1xi32>
    %select_n3A_71 = arith.select %eq3A_69, %broadcast_in_dim3A_70, %select_n3A_54 : vector<1024x1xi1>, vector<1024x1xi32>
    %eq3A_72 = arith.constant 4 : i32
    %eq3A_73 = vector.broadcast %eq3A_72 : i32 to vector<1x128xi32>
    %eq3A_74 = arith.cmpi eq, %iota3A, %eq3A_73 : vector<1x128xi32>
    %jit3A_75 = arith.constant 0.000000e+00 : f32
    %broadcast_in_dim3A_76 = vector.broadcast %jit3A_75 : f32 to vector<1x128xf32>
    %select_n3A_77 = arith.select %eq3A_74, %get3A_1, %broadcast_in_dim3A_76 : vector<1x128xi1>, vector<1x128xf32>
    %reduce_sum3A_78 = vector.shape_cast %select_n3A_77 : vector<1x128xf32> to vector<1x1x128xf32>
    %reduce_sum3A_79 = arith.constant dense<0.000000e+00> : vector<1xf32>
    %reduce_sum3A_80 = vector.multi_reduction <add>, %reduce_sum3A_78, %reduce_sum3A_79 [1, 2] : vector<1x1x128xf32> to vector<1xf32>
    %reduce_sum3A_81 = vector.shape_cast %reduce_sum3A_80 : vector<1xf32> to vector<1x1x1xf32>
    %reduce_sum3A_82 = vector.extract %reduce_sum3A_81[0, 0, 0] : f32 from vector<1x1x1xf32>
    %convert_element_type3A_83 = arith.fptosi %reduce_sum3A_82 : f32 to i32
    %eq3A_84 = arith.constant 4 : i32
    %eq3A_85 = vector.broadcast %eq3A_84 : i32 to vector<1024x1xi32>
    %eq3A_86 = arith.cmpi eq, %get3A_4, %eq3A_85 : vector<1024x1xi32>
    %broadcast_in_dim3A_87 = vector.broadcast %convert_element_type3A_83 : i32 to vector<1024x1xi32>
    %select_n3A_88 = arith.select %eq3A_86, %broadcast_in_dim3A_87, %select_n3A_71 : vector<1024x1xi1>, vector<1024x1xi32>
    %eq3A_89 = arith.constant 5 : i32
    %eq3A_90 = vector.broadcast %eq3A_89 : i32 to vector<1x128xi32>
    %eq3A_91 = arith.cmpi eq, %iota3A, %eq3A_90 : vector<1x128xi32>
    %jit3A_92 = arith.constant 0.000000e+00 : f32
    %broadcast_in_dim3A_93 = vector.broadcast %jit3A_92 : f32 to vector<1x128xf32>
    %select_n3A_94 = arith.select %eq3A_91, %get3A_1, %broadcast_in_dim3A_93 : vector<1x128xi1>, vector<1x128xf32>
    %reduce_sum3A_95 = vector.shape_cast %select_n3A_94 : vector<1x128xf32> to vector<1x1x128xf32>
    %reduce_sum3A_96 = arith.constant dense<0.000000e+00> : vector<1xf32>
    %reduce_sum3A_97 = vector.multi_reduction <add>, %reduce_sum3A_95, %reduce_sum3A_96 [1, 2] : vector<1x1x128xf32> to vector<1xf32>
    %reduce_sum3A_98 = vector.shape_cast %reduce_sum3A_97 : vector<1xf32> to vector<1x1x1xf32>
    %reduce_sum3A_99 = vector.extract %reduce_sum3A_98[0, 0, 0] : f32 from vector<1x1x1xf32>
    %convert_element_type3A_100 = arith.fptosi %reduce_sum3A_99 : f32 to i32
    %eq3A_101 = arith.constant 5 : i32
    %eq3A_102 = vector.broadcast %eq3A_101 : i32 to vector<1024x1xi32>
    %eq3A_103 = arith.cmpi eq, %get3A_4, %eq3A_102 : vector<1024x1xi32>
    %broadcast_in_dim3A_104 = vector.broadcast %convert_element_type3A_100 : i32 to vector<1024x1xi32>
    %select_n3A_105 = arith.select %eq3A_103, %broadcast_in_dim3A_104, %select_n3A_88 : vector<1024x1xi1>, vector<1024x1xi32>
    %eq3A_106 = arith.constant 6 : i32
    %eq3A_107 = vector.broadcast %eq3A_106 : i32 to vector<1x128xi32>
    %eq3A_108 = arith.cmpi eq, %iota3A, %eq3A_107 : vector<1x128xi32>
    %jit3A_109 = arith.constant 0.000000e+00 : f32
    %broadcast_in_dim3A_110 = vector.broadcast %jit3A_109 : f32 to vector<1x128xf32>
    %select_n3A_111 = arith.select %eq3A_108, %get3A_1, %broadcast_in_dim3A_110 : vector<1x128xi1>, vector<1x128xf32>
    %reduce_sum3A_112 = vector.shape_cast %select_n3A_111 : vector<1x128xf32> to vector<1x1x128xf32>
    %reduce_sum3A_113 = arith.constant dense<0.000000e+00> : vector<1xf32>
    %reduce_sum3A_114 = vector.multi_reduction <add>, %reduce_sum3A_112, %reduce_sum3A_113 [1, 2] : vector<1x1x128xf32> to vector<1xf32>
    %reduce_sum3A_115 = vector.shape_cast %reduce_sum3A_114 : vector<1xf32> to vector<1x1x1xf32>
    %reduce_sum3A_116 = vector.extract %reduce_sum3A_115[0, 0, 0] : f32 from vector<1x1x1xf32>
    %convert_element_type3A_117 = arith.fptosi %reduce_sum3A_116 : f32 to i32
    %eq3A_118 = arith.constant 6 : i32
    %eq3A_119 = vector.broadcast %eq3A_118 : i32 to vector<1024x1xi32>
    %eq3A_120 = arith.cmpi eq, %get3A_4, %eq3A_119 : vector<1024x1xi32>
    %broadcast_in_dim3A_121 = vector.broadcast %convert_element_type3A_117 : i32 to vector<1024x1xi32>
    %select_n3A_122 = arith.select %eq3A_120, %broadcast_in_dim3A_121, %select_n3A_105 : vector<1024x1xi1>, vector<1024x1xi32>
    %eq3A_123 = arith.constant 7 : i32
    %eq3A_124 = vector.broadcast %eq3A_123 : i32 to vector<1x128xi32>
    %eq3A_125 = arith.cmpi eq, %iota3A, %eq3A_124 : vector<1x128xi32>
    %jit3A_126 = arith.constant 0.000000e+00 : f32
    %broadcast_in_dim3A_127 = vector.broadcast %jit3A_126 : f32 to vector<1x128xf32>
    %select_n3A_128 = arith.select %eq3A_125, %get3A_1, %broadcast_in_dim3A_127 : vector<1x128xi1>, vector<1x128xf32>
    %reduce_sum3A_129 = vector.shape_cast %select_n3A_128 : vector<1x128xf32> to vector<1x1x128xf32>
    %reduce_sum3A_130 = arith.constant dense<0.000000e+00> : vector<1xf32>
    %reduce_sum3A_131 = vector.multi_reduction <add>, %reduce_sum3A_129, %reduce_sum3A_130 [1, 2] : vector<1x1x128xf32> to vector<1xf32>
    %reduce_sum3A_132 = vector.shape_cast %reduce_sum3A_131 : vector<1xf32> to vector<1x1x1xf32>
    %reduce_sum3A_133 = vector.extract %reduce_sum3A_132[0, 0, 0] : f32 from vector<1x1x1xf32>
    %convert_element_type3A_134 = arith.fptosi %reduce_sum3A_133 : f32 to i32
    %eq3A_135 = arith.constant 7 : i32
    %eq3A_136 = vector.broadcast %eq3A_135 : i32 to vector<1024x1xi32>
    %eq3A_137 = arith.cmpi eq, %get3A_4, %eq3A_136 : vector<1024x1xi32>
    %broadcast_in_dim3A_138 = vector.broadcast %convert_element_type3A_134 : i32 to vector<1024x1xi32>
    %select_n3A_139 = arith.select %eq3A_137, %broadcast_in_dim3A_138, %select_n3A_122 : vector<1024x1xi1>, vector<1024x1xi32>
    %lt3A = arith.constant 4096 : i32
    %lt3A_140 = vector.broadcast %lt3A : i32 to vector<1024x1xi32>
    %lt3A_141 = arith.cmpi slt, %get3A_7, %lt3A_140 : vector<1024x1xi32>
    %add3A = arith.addi %select_n3A_139, %get3A_7 : vector<1024x1xi32>
    %jit3A_142 = arith.constant 18432 : i32
    %broadcast_in_dim3A_143 = vector.broadcast %jit3A_142 : i32 to vector<1024x1xi32>
    %select_n3A_144 = arith.select %lt3A_141, %add3A, %broadcast_in_dim3A_143 : vector<1024x1xi1>, vector<1024x1xi32>
    %swap3A = arith.constant 0 : index
    %swap3A_145 = arith.constant 0 : index
    %swap3A_146 = vector.load %arg6[%swap3A, %swap3A_145] : memref<1024x1xi32, #tpu.memory_space<vmem>>, vector<1024x1xi32>
    tpu.vector_store %arg6[%swap3A, %swap3A_145], %select_n3A_144 {strides = array<i32>} : memref<1024x1xi32, #tpu.memory_space<vmem>>, vector<1024x1xi32>,
    %get3A_147 = arith.constant 0 : index
    %get3A_148 = arith.constant 0 : index
    %get3A_149 = vector.load %arg2[%get3A_147, %get3A_148] : memref<1024x1xi32, #tpu.memory_space<vmem>>, vector<1024x1xi32>
    %get3A_150 = arith.constant 0 : index
    %get3A_151 = arith.constant 0 : index
    %get3A_152 = vector.load %arg4[%get3A_150, %get3A_151] : memref<1024x1xi32, #tpu.memory_space<vmem>>, vector<1024x1xi32>
    %broadcast_in_dim3A_153 = arith.constant 0 : i32
    %broadcast_in_dim3A_154 = vector.broadcast %broadcast_in_dim3A_153 : i32 to vector<1024x1xi32>
    %eq3A_155 = arith.constant 0 : i32
    %eq3A_156 = vector.broadcast %eq3A_155 : i32 to vector<1x128xi32>
    %eq3A_157 = arith.cmpi eq, %iota3A, %eq3A_156 : vector<1x128xi32>
    %jit3A_158 = arith.constant 0.000000e+00 : f32
    %broadcast_in_dim3A_159 = vector.broadcast %jit3A_158 : f32 to vector<1x128xf32>
    %select_n3A_160 = arith.select %eq3A_157, %get3A_1, %broadcast_in_dim3A_159 : vector<1x128xi1>, vector<1x128xf32>
    %reduce_sum3A_161 = vector.shape_cast %select_n3A_160 : vector<1x128xf32> to vector<1x1x128xf32>
    %reduce_sum3A_162 = arith.constant dense<0.000000e+00> : vector<1xf32>
    %reduce_sum3A_163 = vector.multi_reduction <add>, %reduce_sum3A_161, %reduce_sum3A_162 [1, 2] : vector<1x1x128xf32> to vector<1xf32>
    %reduce_sum3A_164 = vector.shape_cast %reduce_sum3A_163 : vector<1xf32> to vector<1x1x1xf32>
    %reduce_sum3A_165 = vector.extract %reduce_sum3A_164[0, 0, 0] : f32 from vector<1x1x1xf32>
    %convert_element_type3A_166 = arith.fptosi %reduce_sum3A_165 : f32 to i32
    %eq3A_167 = arith.constant 0 : i32
    %eq3A_168 = vector.broadcast %eq3A_167 : i32 to vector<1024x1xi32>
    %eq3A_169 = arith.cmpi eq, %get3A_149, %eq3A_168 : vector<1024x1xi32>
    %broadcast_in_dim3A_170 = vector.broadcast %convert_element_type3A_166 : i32 to vector<1024x1xi32>
    %select_n3A_171 = arith.select %eq3A_169, %broadcast_in_dim3A_170, %broadcast_in_dim3A_154 : vector<1024x1xi1>, vector<1024x1xi32>
    %eq3A_172 = arith.constant 1 : i32
    %eq3A_173 = vector.broadcast %eq3A_172 : i32 to vector<1x128xi32>
    %eq3A_174 = arith.cmpi eq, %iota3A, %eq3A_173 : vector<1x128xi32>
    %jit3A_175 = arith.constant 0.000000e+00 : f32
    %broadcast_in_dim3A_176 = vector.broadcast %jit3A_175 : f32 to vector<1x128xf32>
    %select_n3A_177 = arith.select %eq3A_174, %get3A_1, %broadcast_in_dim3A_176 : vector<1x128xi1>, vector<1x128xf32>
    %reduce_sum3A_178 = vector.shape_cast %select_n3A_177 : vector<1x128xf32> to vector<1x1x128xf32>
    %reduce_sum3A_179 = arith.constant dense<0.000000e+00> : vector<1xf32>
    %reduce_sum3A_180 = vector.multi_reduction <add>, %reduce_sum3A_178, %reduce_sum3A_179 [1, 2] : vector<1x1x128xf32> to vector<1xf32>
    %reduce_sum3A_181 = vector.shape_cast %reduce_sum3A_180 : vector<1xf32> to vector<1x1x1xf32>
    %reduce_sum3A_182 = vector.extract %reduce_sum3A_181[0, 0, 0] : f32 from vector<1x1x1xf32>
    %convert_element_type3A_183 = arith.fptosi %reduce_sum3A_182 : f32 to i32
    %eq3A_184 = arith.constant 1 : i32
    %eq3A_185 = vector.broadcast %eq3A_184 : i32 to vector<1024x1xi32>
    %eq3A_186 = arith.cmpi eq, %get3A_149, %eq3A_185 : vector<1024x1xi32>
    %broadcast_in_dim3A_187 = vector.broadcast %convert_element_type3A_183 : i32 to vector<1024x1xi32>
    %select_n3A_188 = arith.select %eq3A_186, %broadcast_in_dim3A_187, %select_n3A_171 : vector<1024x1xi1>, vector<1024x1xi32>
    %eq3A_189 = arith.constant 2 : i32
    %eq3A_190 = vector.broadcast %eq3A_189 : i32 to vector<1x128xi32>
    %eq3A_191 = arith.cmpi eq, %iota3A, %eq3A_190 : vector<1x128xi32>
    %jit3A_192 = arith.constant 0.000000e+00 : f32
    %broadcast_in_dim3A_193 = vector.broadcast %jit3A_192 : f32 to vector<1x128xf32>
    %select_n3A_194 = arith.select %eq3A_191, %get3A_1, %broadcast_in_dim3A_193 : vector<1x128xi1>, vector<1x128xf32>
    %reduce_sum3A_195 = vector.shape_cast %select_n3A_194 : vector<1x128xf32> to vector<1x1x128xf32>
    %reduce_sum3A_196 = arith.constant dense<0.000000e+00> : vector<1xf32>
    %reduce_sum3A_197 = vector.multi_reduction <add>, %reduce_sum3A_195, %reduce_sum3A_196 [1, 2] : vector<1x1x128xf32> to vector<1xf32>
    %reduce_sum3A_198 = vector.shape_cast %reduce_sum3A_197 : vector<1xf32> to vector<1x1x1xf32>
    %reduce_sum3A_199 = vector.extract %reduce_sum3A_198[0, 0, 0] : f32 from vector<1x1x1xf32>
    %convert_element_type3A_200 = arith.fptosi %reduce_sum3A_199 : f32 to i32
    %eq3A_201 = arith.constant 2 : i32
    %eq3A_202 = vector.broadcast %eq3A_201 : i32 to vector<1024x1xi32>
    %eq3A_203 = arith.cmpi eq, %get3A_149, %eq3A_202 : vector<1024x1xi32>
    %broadcast_in_dim3A_204 = vector.broadcast %convert_element_type3A_200 : i32 to vector<1024x1xi32>
    %select_n3A_205 = arith.select %eq3A_203, %broadcast_in_dim3A_204, %select_n3A_188 : vector<1024x1xi1>, vector<1024x1xi32>
    %eq3A_206 = arith.constant 3 : i32
    %eq3A_207 = vector.broadcast %eq3A_206 : i32 to vector<1x128xi32>
    %eq3A_208 = arith.cmpi eq, %iota3A, %eq3A_207 : vector<1x128xi32>
    %jit3A_209 = arith.constant 0.000000e+00 : f32
    %broadcast_in_dim3A_210 = vector.broadcast %jit3A_209 : f32 to vector<1x128xf32>
    %select_n3A_211 = arith.select %eq3A_208, %get3A_1, %broadcast_in_dim3A_210 : vector<1x128xi1>, vector<1x128xf32>
    %reduce_sum3A_212 = vector.shape_cast %select_n3A_211 : vector<1x128xf32> to vector<1x1x128xf32>
    %reduce_sum3A_213 = arith.constant dense<0.000000e+00> : vector<1xf32>
    %reduce_sum3A_214 = vector.multi_reduction <add>, %reduce_sum3A_212, %reduce_sum3A_213 [1, 2] : vector<1x1x128xf32> to vector<1xf32>
    %reduce_sum3A_215 = vector.shape_cast %reduce_sum3A_214 : vector<1xf32> to vector<1x1x1xf32>
    %reduce_sum3A_216 = vector.extract %reduce_sum3A_215[0, 0, 0] : f32 from vector<1x1x1xf32>
    %convert_element_type3A_217 = arith.fptosi %reduce_sum3A_216 : f32 to i32
    %eq3A_218 = arith.constant 3 : i32
    %eq3A_219 = vector.broadcast %eq3A_218 : i32 to vector<1024x1xi32>
    %eq3A_220 = arith.cmpi eq, %get3A_149, %eq3A_219 : vector<1024x1xi32>
    %broadcast_in_dim3A_221 = vector.broadcast %convert_element_type3A_217 : i32 to vector<1024x1xi32>
    %select_n3A_222 = arith.select %eq3A_220, %broadcast_in_dim3A_221, %select_n3A_205 : vector<1024x1xi1>, vector<1024x1xi32>
    %eq3A_223 = arith.constant 4 : i32
    %eq3A_224 = vector.broadcast %eq3A_223 : i32 to vector<1x128xi32>
    %eq3A_225 = arith.cmpi eq, %iota3A, %eq3A_224 : vector<1x128xi32>
    %jit3A_226 = arith.constant 0.000000e+00 : f32
    %broadcast_in_dim3A_227 = vector.broadcast %jit3A_226 : f32 to vector<1x128xf32>
    %select_n3A_228 = arith.select %eq3A_225, %get3A_1, %broadcast_in_dim3A_227 : vector<1x128xi1>, vector<1x128xf32>
    %reduce_sum3A_229 = vector.shape_cast %select_n3A_228 : vector<1x128xf32> to vector<1x1x128xf32>
    %reduce_sum3A_230 = arith.constant dense<0.000000e+00> : vector<1xf32>
    %reduce_sum3A_231 = vector.multi_reduction <add>, %reduce_sum3A_229, %reduce_sum3A_230 [1, 2] : vector<1x1x128xf32> to vector<1xf32>
    %reduce_sum3A_232 = vector.shape_cast %reduce_sum3A_231 : vector<1xf32> to vector<1x1x1xf32>
    %reduce_sum3A_233 = vector.extract %reduce_sum3A_232[0, 0, 0] : f32 from vector<1x1x1xf32>
    %convert_element_type3A_234 = arith.fptosi %reduce_sum3A_233 : f32 to i32
    %eq3A_235 = arith.constant 4 : i32
    %eq3A_236 = vector.broadcast %eq3A_235 : i32 to vector<1024x1xi32>
    %eq3A_237 = arith.cmpi eq, %get3A_149, %eq3A_236 : vector<1024x1xi32>
    %broadcast_in_dim3A_238 = vector.broadcast %convert_element_type3A_234 : i32 to vector<1024x1xi32>
    %select_n3A_239 = arith.select %eq3A_237, %broadcast_in_dim3A_238, %select_n3A_222 : vector<1024x1xi1>, vector<1024x1xi32>
    %eq3A_240 = arith.constant 5 : i32
    %eq3A_241 = vector.broadcast %eq3A_240 : i32 to vector<1x128xi32>
    %eq3A_242 = arith.cmpi eq, %iota3A, %eq3A_241 : vector<1x128xi32>
    %jit3A_243 = arith.constant 0.000000e+00 : f32
    %broadcast_in_dim3A_244 = vector.broadcast %jit3A_243 : f32 to vector<1x128xf32>
    %select_n3A_245 = arith.select %eq3A_242, %get3A_1, %broadcast_in_dim3A_244 : vector<1x128xi1>, vector<1x128xf32>
    %reduce_sum3A_246 = vector.shape_cast %select_n3A_245 : vector<1x128xf32> to vector<1x1x128xf32>
    %reduce_sum3A_247 = arith.constant dense<0.000000e+00> : vector<1xf32>
    %reduce_sum3A_248 = vector.multi_reduction <add>, %reduce_sum3A_246, %reduce_sum3A_247 [1, 2] : vector<1x1x128xf32> to vector<1xf32>
    %reduce_sum3A_249 = vector.shape_cast %reduce_sum3A_248 : vector<1xf32> to vector<1x1x1xf32>
    %reduce_sum3A_250 = vector.extract %reduce_sum3A_249[0, 0, 0] : f32 from vector<1x1x1xf32>
    %convert_element_type3A_251 = arith.fptosi %reduce_sum3A_250 : f32 to i32
    %eq3A_252 = arith.constant 5 : i32
    %eq3A_253 = vector.broadcast %eq3A_252 : i32 to vector<1024x1xi32>
    %eq3A_254 = arith.cmpi eq, %get3A_149, %eq3A_253 : vector<1024x1xi32>
    %broadcast_in_dim3A_255 = vector.broadcast %convert_element_type3A_251 : i32 to vector<1024x1xi32>
    %select_n3A_256 = arith.select %eq3A_254, %broadcast_in_dim3A_255, %select_n3A_239 : vector<1024x1xi1>, vector<1024x1xi32>
    %eq3A_257 = arith.constant 6 : i32
    %eq3A_258 = vector.broadcast %eq3A_257 : i32 to vector<1x128xi32>
    %eq3A_259 = arith.cmpi eq, %iota3A, %eq3A_258 : vector<1x128xi32>
    %jit3A_260 = arith.constant 0.000000e+00 : f32
    %broadcast_in_dim3A_261 = vector.broadcast %jit3A_260 : f32 to vector<1x128xf32>
    %select_n3A_262 = arith.select %eq3A_259, %get3A_1, %broadcast_in_dim3A_261 : vector<1x128xi1>, vector<1x128xf32>
    %reduce_sum3A_263 = vector.shape_cast %select_n3A_262 : vector<1x128xf32> to vector<1x1x128xf32>
    %reduce_sum3A_264 = arith.constant dense<0.000000e+00> : vector<1xf32>
    %reduce_sum3A_265 = vector.multi_reduction <add>, %reduce_sum3A_263, %reduce_sum3A_264 [1, 2] : vector<1x1x128xf32> to vector<1xf32>
    %reduce_sum3A_266 = vector.shape_cast %reduce_sum3A_265 : vector<1xf32> to vector<1x1x1xf32>
    %reduce_sum3A_267 = vector.extract %reduce_sum3A_266[0, 0, 0] : f32 from vector<1x1x1xf32>
    %convert_element_type3A_268 = arith.fptosi %reduce_sum3A_267 : f32 to i32
    %eq3A_269 = arith.constant 6 : i32
    %eq3A_270 = vector.broadcast %eq3A_269 : i32 to vector<1024x1xi32>
    %eq3A_271 = arith.cmpi eq, %get3A_149, %eq3A_270 : vector<1024x1xi32>
    %broadcast_in_dim3A_272 = vector.broadcast %convert_element_type3A_268 : i32 to vector<1024x1xi32>
    %select_n3A_273 = arith.select %eq3A_271, %broadcast_in_dim3A_272, %select_n3A_256 : vector<1024x1xi1>, vector<1024x1xi32>
    %eq3A_274 = arith.constant 7 : i32
    %eq3A_275 = vector.broadcast %eq3A_274 : i32 to vector<1x128xi32>
    %eq3A_276 = arith.cmpi eq, %iota3A, %eq3A_275 : vector<1x128xi32>
    %jit3A_277 = arith.constant 0.000000e+00 : f32
    %broadcast_in_dim3A_278 = vector.broadcast %jit3A_277 : f32 to vector<1x128xf32>
    %select_n3A_279 = arith.select %eq3A_276, %get3A_1, %broadcast_in_dim3A_278 : vector<1x128xi1>, vector<1x128xf32>
    %reduce_sum3A_280 = vector.shape_cast %select_n3A_279 : vector<1x128xf32> to vector<1x1x128xf32>
    %reduce_sum3A_281 = arith.constant dense<0.000000e+00> : vector<1xf32>
    %reduce_sum3A_282 = vector.multi_reduction <add>, %reduce_sum3A_280, %reduce_sum3A_281 [1, 2] : vector<1x1x128xf32> to vector<1xf32>
    %reduce_sum3A_283 = vector.shape_cast %reduce_sum3A_282 : vector<1xf32> to vector<1x1x1xf32>
    %reduce_sum3A_284 = vector.extract %reduce_sum3A_283[0, 0, 0] : f32 from vector<1x1x1xf32>
    %convert_element_type3A_285 = arith.fptosi %reduce_sum3A_284 : f32 to i32
    %eq3A_286 = arith.constant 7 : i32
    %eq3A_287 = vector.broadcast %eq3A_286 : i32 to vector<1024x1xi32>
    %eq3A_288 = arith.cmpi eq, %get3A_149, %eq3A_287 : vector<1024x1xi32>
    %broadcast_in_dim3A_289 = vector.broadcast %convert_element_type3A_285 : i32 to vector<1024x1xi32>
    %select_n3A_290 = arith.select %eq3A_288, %broadcast_in_dim3A_289, %select_n3A_273 : vector<1024x1xi1>, vector<1024x1xi32>
    %lt3A_291 = arith.constant 4096 : i32
    %lt3A_292 = vector.broadcast %lt3A_291 : i32 to vector<1024x1xi32>
    %lt3A_293 = arith.cmpi slt, %get3A_152, %lt3A_292 : vector<1024x1xi32>
    %add3A_294 = arith.addi %select_n3A_290, %get3A_152 : vector<1024x1xi32>
    %jit3A_295 = arith.constant 18432 : i32
    %broadcast_in_dim3A_296 = vector.broadcast %jit3A_295 : i32 to vector<1024x1xi32>
    %select_n3A_297 = arith.select %lt3A_293, %add3A_294, %broadcast_in_dim3A_296 : vector<1024x1xi1>, vector<1024x1xi32>
    %swap3A_298 = arith.constant 0 : index
    %swap3A_299 = arith.constant 0 : index
    %swap3A_300 = vector.load %arg7[%swap3A_298, %swap3A_299] : memref<1024x1xi32, #tpu.memory_space<vmem>>, vector<1024x1xi32>
    tpu.vector_store %arg7[%swap3A_298, %swap3A_299], %select_n3A_297 {strides = array<i32>} : memref<1024x1xi32, #tpu.memory_space<vmem>>, vector<1024x1xi32>,
    return
  }
  func.func @transform_0(%arg0: i32) -> (i32, i32) {
    %c0_i32 = arith.constant 0 : i32
    %c0_i32_0 = arith.constant 0 : i32
    return %arg0, %c0_i32 : i32, i32
  }
  func.func @transform_1(%arg0: i32) -> (i32, i32) {
    %c0_i32 = arith.constant 0 : i32
    %c0_i32_0 = arith.constant 0 : i32
    return %arg0, %c0_i32 : i32, i32
  }
  func.func @transform_2(%arg0: i32) -> (i32, i32) {
    %c0_i32 = arith.constant 0 : i32
    %c0_i32_0 = arith.constant 0 : i32
    return %arg0, %c0_i32 : i32, i32
  }
  func.func @transform_3(%arg0: i32) -> (i32, i32) {
    %c0_i32 = arith.constant 0 : i32
    %c0_i32_0 = arith.constant 0 : i32
    return %arg0, %c0_i32 : i32, i32
  }
  func.func @transform_4(%arg0: i32) -> (i32, i32) {
    %c0_i32 = arith.constant 0 : i32
    %c0_i32_0 = arith.constant 0 : i32
    %c0_i32_1 = arith.constant 0 : i32
    return %c0_i32, %c0_i32_0 : i32, i32
  }
  func.func @transform_5(%arg0: i32) -> (i32, i32) {
    %c0_i32 = arith.constant 0 : i32
    %c0_i32_0 = arith.constant 0 : i32
    return %arg0, %c0_i32 : i32, i32
  }
  func.func @transform_6(%arg0: i32) -> (i32, i32) {
    %c0_i32 = arith.constant 0 : i32
    %c0_i32_0 = arith.constant 0 : i32
    return %arg0, %c0_i32 : i32, i32
  }
}

module attributes {stable_mosaic.version = 14 : i64} {
  func.func @_ffn_kernel(%arg0: i32, %arg1: memref<128xi32, #tpu.memory_space<smem>>, %arg2: memref<256x768xf32, #tpu.memory_space<vmem>>, %arg3: memref<1x768x768xbf16, #tpu.memory_space<vmem>>, %arg4: memref<1x1x768xf32, #tpu.memory_space<vmem>>, %arg5: memref<1x768x768xbf16, #tpu.memory_space<vmem>>, %arg6: memref<1x1x768xf32, #tpu.memory_space<vmem>>, %arg7: memref<256x768xf32, #tpu.memory_space<vmem>>) attributes {dimension_semantics = [#tpu.dimension_semantics<arbitrary>], iteration_bounds = array<i64: 72>, scalar_prefetch = 1 : i64, scratch_operands = 0 : i64, tpu.core_type = #tpu.core_type<tc>, window_params = [{transform_indices = @transform_0, window_bounds = array<i64: 256, 768>}, {transform_indices = @transform_1, window_bounds = array<i64: 1, 768, 768>}, {transform_indices = @transform_2, window_bounds = array<i64: 1, 1, 768>}, {transform_indices = @transform_3, window_bounds = array<i64: 1, 768, 768>}, {transform_indices = @transform_4, window_bounds = array<i64: 1, 1, 768>}, {transform_indices = @transform_5, window_bounds = array<i64: 256, 768>}]} {
    %get3A = arith.constant 0 : index
    %get3A_0 = arith.constant 0 : index
    %get3A_1 = vector.load %arg2[%get3A, %get3A_0] : memref<256x768xf32, #tpu.memory_space<vmem>>, vector<128x768xf32>
    %convert_element_type3A = arith.truncf %get3A_1 : vector<128x768xf32> to vector<128x768xbf16>
    %get3A_2 = arith.constant 128 : index
    %get3A_3 = arith.constant 0 : index
    %get3A_4 = vector.load %arg2[%get3A_2, %get3A_3] : memref<256x768xf32, #tpu.memory_space<vmem>>, vector<128x768xf32>
    %convert_element_type3A_5 = arith.truncf %get3A_4 : vector<128x768xf32> to vector<128x768xbf16>
    %get3A_6 = arith.constant 0 : index
    %get3A_7 = arith.constant 0 : index
    %get3A_8 = arith.constant 0 : index
    %get3A_9 = vector.load %arg3[%get3A_6, %get3A_7, %get3A_8] : memref<1x768x768xbf16, #tpu.memory_space<vmem>>, vector<1x768x768xbf16>
    %get3A_10 = vector.shape_cast %get3A_9 : vector<1x768x768xbf16> to vector<768x768xbf16>
    %get3A_11 = arith.constant 0 : index
    %get3A_12 = arith.constant 0 : index
    %get3A_13 = arith.constant 0 : index
    %get3A_14 = vector.load %arg5[%get3A_11, %get3A_12, %get3A_13] : memref<1x768x768xbf16, #tpu.memory_space<vmem>>, vector<1x768x768xbf16>
    %get3A_15 = vector.shape_cast %get3A_14 : vector<1x768x768xbf16> to vector<768x768xbf16>
    %dot_general3A = arith.constant dense<0.000000e+00> : vector<128x768xf32>
    %dot_general3A_16 = tpu.matmul %convert_element_type3A, %get3A_10, %dot_general3A {dimension_numbers = #tpu.dot_dimension_numbers<[1], [0], [0], [1], [0, 0, 1, 1], [], []>, transpose_lhs_hint = false} : vector<128x768xbf16>, vector<768x768xbf16>, vector<128x768xf32> -> vector<128x768xf32>
    %get3A_17 = arith.constant 0 : index
    %get3A_18 = arith.constant 0 : index
    %get3A_19 = arith.constant 0 : index
    %get3A_20 = vector.load %arg4[%get3A_17, %get3A_18, %get3A_19] : memref<1x1x768xf32, #tpu.memory_space<vmem>>, vector<1x1x768xf32>
    %get3A_21 = vector.shape_cast %get3A_20 : vector<1x1x768xf32> to vector<1x768xf32>
    %add3A = vector.broadcast %get3A_21 : vector<1x768xf32> to vector<128x768xf32>
    %add3A_22 = arith.addf %dot_general3A_16, %add3A : vector<128x768xf32>
    %dot_general3A_23 = arith.constant dense<0.000000e+00> : vector<128x768xf32>
    %dot_general3A_24 = tpu.matmul %convert_element_type3A_5, %get3A_10, %dot_general3A_23 {dimension_numbers = #tpu.dot_dimension_numbers<[1], [0], [0], [1], [0, 0, 1, 1], [], []>, transpose_lhs_hint = false} : vector<128x768xbf16>, vector<768x768xbf16>, vector<128x768xf32> -> vector<128x768xf32>
    %get3A_25 = arith.constant 0 : index
    %get3A_26 = arith.constant 0 : index
    %get3A_27 = arith.constant 0 : index
    %get3A_28 = vector.load %arg4[%get3A_25, %get3A_26, %get3A_27] : memref<1x1x768xf32, #tpu.memory_space<vmem>>, vector<1x1x768xf32>
    %get3A_29 = vector.shape_cast %get3A_28 : vector<1x1x768xf32> to vector<1x768xf32>
    %add3A_30 = vector.broadcast %get3A_29 : vector<1x768xf32> to vector<128x768xf32>
    %add3A_31 = arith.addf %dot_general3A_24, %add3A_30 : vector<128x768xf32>
    %convert_element_type3A_32 = arith.truncf %add3A_22 : vector<128x768xf32> to vector<128x768xbf16>
    %integer_pow3A = arith.mulf %convert_element_type3A_32, %convert_element_type3A_32 : vector<128x768xbf16>
    %integer_pow3A_33 = arith.mulf %convert_element_type3A_32, %integer_pow3A : vector<128x768xbf16>
    %mul3A = arith.constant 4.467770e-02 : bf16
    %mul3A_34 = vector.broadcast %mul3A : bf16 to vector<128x768xbf16>
    %mul3A_35 = arith.mulf %mul3A_34, %integer_pow3A_33 : vector<128x768xbf16>
    %add3A_36 = arith.addf %convert_element_type3A_32, %mul3A_35 : vector<128x768xbf16>
    %mul3A_37 = arith.constant 7.968750e-01 : bf16
    %mul3A_38 = vector.broadcast %mul3A_37 : bf16 to vector<128x768xbf16>
    %mul3A_39 = arith.mulf %mul3A_38, %add3A_36 : vector<128x768xbf16>
    %tanh3A = math.tanh %mul3A_39 : vector<128x768xbf16>
    %add3A_40 = arith.constant 1.000000e+00 : bf16
    %add3A_41 = vector.broadcast %add3A_40 : bf16 to vector<128x768xbf16>
    %add3A_42 = arith.addf %add3A_41, %tanh3A : vector<128x768xbf16>
    %mul3A_43 = arith.constant 5.000000e-01 : bf16
    %mul3A_44 = vector.broadcast %mul3A_43 : bf16 to vector<128x768xbf16>
    %mul3A_45 = arith.mulf %mul3A_44, %add3A_42 : vector<128x768xbf16>
    %mul3A_46 = arith.mulf %convert_element_type3A_32, %mul3A_45 : vector<128x768xbf16>
    %convert_element_type3A_47 = arith.truncf %add3A_31 : vector<128x768xf32> to vector<128x768xbf16>
    %integer_pow3A_48 = arith.mulf %convert_element_type3A_47, %convert_element_type3A_47 : vector<128x768xbf16>
    %integer_pow3A_49 = arith.mulf %convert_element_type3A_47, %integer_pow3A_48 : vector<128x768xbf16>
    %mul3A_50 = arith.constant 4.467770e-02 : bf16
    %mul3A_51 = vector.broadcast %mul3A_50 : bf16 to vector<128x768xbf16>
    %mul3A_52 = arith.mulf %mul3A_51, %integer_pow3A_49 : vector<128x768xbf16>
    %add3A_53 = arith.addf %convert_element_type3A_47, %mul3A_52 : vector<128x768xbf16>
    %mul3A_54 = arith.constant 7.968750e-01 : bf16
    %mul3A_55 = vector.broadcast %mul3A_54 : bf16 to vector<128x768xbf16>
    %mul3A_56 = arith.mulf %mul3A_55, %add3A_53 : vector<128x768xbf16>
    %tanh3A_57 = math.tanh %mul3A_56 : vector<128x768xbf16>
    %add3A_58 = arith.constant 1.000000e+00 : bf16
    %add3A_59 = vector.broadcast %add3A_58 : bf16 to vector<128x768xbf16>
    %add3A_60 = arith.addf %add3A_59, %tanh3A_57 : vector<128x768xbf16>
    %mul3A_61 = arith.constant 5.000000e-01 : bf16
    %mul3A_62 = vector.broadcast %mul3A_61 : bf16 to vector<128x768xbf16>
    %mul3A_63 = arith.mulf %mul3A_62, %add3A_60 : vector<128x768xbf16>
    %mul3A_64 = arith.mulf %convert_element_type3A_47, %mul3A_63 : vector<128x768xbf16>
    %dot_general3A_65 = arith.constant dense<0.000000e+00> : vector<128x768xf32>
    %dot_general3A_66 = tpu.matmul %mul3A_46, %get3A_15, %dot_general3A_65 {dimension_numbers = #tpu.dot_dimension_numbers<[1], [0], [0], [1], [0, 0, 1, 1], [], []>, transpose_lhs_hint = false} : vector<128x768xbf16>, vector<768x768xbf16>, vector<128x768xf32> -> vector<128x768xf32>
    %get3A_67 = arith.constant 0 : index
    %get3A_68 = arith.constant 0 : index
    %get3A_69 = arith.constant 0 : index
    %get3A_70 = vector.load %arg6[%get3A_67, %get3A_68, %get3A_69] : memref<1x1x768xf32, #tpu.memory_space<vmem>>, vector<1x1x768xf32>
    %get3A_71 = vector.shape_cast %get3A_70 : vector<1x1x768xf32> to vector<1x768xf32>
    %add3A_72 = vector.broadcast %get3A_71 : vector<1x768xf32> to vector<128x768xf32>
    %add3A_73 = arith.addf %dot_general3A_66, %add3A_72 : vector<128x768xf32>
    %swap3A = arith.constant 0 : index
    %swap3A_74 = arith.constant 0 : index
    %swap3A_75 = vector.load %arg7[%swap3A, %swap3A_74] : memref<256x768xf32, #tpu.memory_space<vmem>>, vector<128x768xf32>
    tpu.vector_store %arg7[%swap3A, %swap3A_74], %add3A_73 {strides = array<i32>} : memref<256x768xf32, #tpu.memory_space<vmem>>, vector<128x768xf32>,
    %dot_general3A_76 = arith.constant dense<0.000000e+00> : vector<128x768xf32>
    %dot_general3A_77 = tpu.matmul %mul3A_64, %get3A_15, %dot_general3A_76 {dimension_numbers = #tpu.dot_dimension_numbers<[1], [0], [0], [1], [0, 0, 1, 1], [], []>, transpose_lhs_hint = false} : vector<128x768xbf16>, vector<768x768xbf16>, vector<128x768xf32> -> vector<128x768xf32>
    %get3A_78 = arith.constant 0 : index
    %get3A_79 = arith.constant 0 : index
    %get3A_80 = arith.constant 0 : index
    %get3A_81 = vector.load %arg6[%get3A_78, %get3A_79, %get3A_80] : memref<1x1x768xf32, #tpu.memory_space<vmem>>, vector<1x1x768xf32>
    %get3A_82 = vector.shape_cast %get3A_81 : vector<1x1x768xf32> to vector<1x768xf32>
    %add3A_83 = vector.broadcast %get3A_82 : vector<1x768xf32> to vector<128x768xf32>
    %add3A_84 = arith.addf %dot_general3A_77, %add3A_83 : vector<128x768xf32>
    %swap3A_85 = arith.constant 128 : index
    %swap3A_86 = arith.constant 0 : index
    %swap3A_87 = vector.load %arg7[%swap3A_85, %swap3A_86] : memref<256x768xf32, #tpu.memory_space<vmem>>, vector<128x768xf32>
    tpu.vector_store %arg7[%swap3A_85, %swap3A_86], %add3A_84 {strides = array<i32>} : memref<256x768xf32, #tpu.memory_space<vmem>>, vector<128x768xf32>,
    return
  }
  func.func @transform_0(%arg0: i32, %arg1: memref<128xi32, #tpu.memory_space<smem>>) -> (i32, i32) {
    %c0_i32 = arith.constant 0 : i32
    %c0_i32_0 = arith.constant 0 : i32
    return %arg0, %c0_i32 : i32, i32
  }
  func.func @transform_1(%arg0: i32, %arg1: memref<128xi32, #tpu.memory_space<smem>>) -> (i32, i32, i32) {
    %get3A = arith.index_cast %arg0 : i32 to index
    %get3A_0 = memref.load %arg1[%get3A] : memref<128xi32, #tpu.memory_space<smem>>
    %c0_i32 = arith.constant 0 : i32
    %c0_i32_1 = arith.constant 0 : i32
    %c0_i32_2 = arith.constant 0 : i32
    return %get3A_0, %c0_i32, %c0_i32_1 : i32, i32, i32
  }
  func.func @transform_2(%arg0: i32, %arg1: memref<128xi32, #tpu.memory_space<smem>>) -> (i32, i32, i32) {
    %get3A = arith.index_cast %arg0 : i32 to index
    %get3A_0 = memref.load %arg1[%get3A] : memref<128xi32, #tpu.memory_space<smem>>
    %c0_i32 = arith.constant 0 : i32
    %c0_i32_1 = arith.constant 0 : i32
    %c0_i32_2 = arith.constant 0 : i32
    return %get3A_0, %c0_i32, %c0_i32_1 : i32, i32, i32
  }
  func.func @transform_3(%arg0: i32, %arg1: memref<128xi32, #tpu.memory_space<smem>>) -> (i32, i32, i32) {
    %get3A = arith.index_cast %arg0 : i32 to index
    %get3A_0 = memref.load %arg1[%get3A] : memref<128xi32, #tpu.memory_space<smem>>
    %c0_i32 = arith.constant 0 : i32
    %c0_i32_1 = arith.constant 0 : i32
    %c0_i32_2 = arith.constant 0 : i32
    return %get3A_0, %c0_i32, %c0_i32_1 : i32, i32, i32
  }
  func.func @transform_4(%arg0: i32, %arg1: memref<128xi32, #tpu.memory_space<smem>>) -> (i32, i32, i32) {
    %get3A = arith.index_cast %arg0 : i32 to index
    %get3A_0 = memref.load %arg1[%get3A] : memref<128xi32, #tpu.memory_space<smem>>
    %c0_i32 = arith.constant 0 : i32
    %c0_i32_1 = arith.constant 0 : i32
    %c0_i32_2 = arith.constant 0 : i32
    return %get3A_0, %c0_i32, %c0_i32_1 : i32, i32, i32
  }
  func.func @transform_5(%arg0: i32, %arg1: memref<128xi32, #tpu.memory_space<smem>>) -> (i32, i32) {
    %c0_i32 = arith.constant 0 : i32
    %c0_i32_0 = arith.constant 0 : i32
    return %arg0, %c0_i32 : i32, i32
  }
}

module attributes {stable_mosaic.version = 14 : i64} {
  func.func @_combine_kernel(%arg0: i32, %arg1: memref<1024x768xf32, #tpu.memory_space<vmem>>, %arg2: memref<1024x768xf32, #tpu.memory_space<vmem>>, %arg3: memref<1024x768xf32, #tpu.memory_space<vmem>>, %arg4: memref<1024x1xf32, #tpu.memory_space<vmem>>, %arg5: memref<1024x1xf32, #tpu.memory_space<vmem>>, %arg6: memref<1024x768xf32, #tpu.memory_space<vmem>>) attributes {dimension_semantics = [#tpu.dimension_semantics<arbitrary>], iteration_bounds = array<i64: 8>, scalar_prefetch = 0 : i64, scratch_operands = 0 : i64, tpu.core_type = #tpu.core_type<tc>, window_params = [{transform_indices = @transform_0, window_bounds = array<i64: 1024, 768>}, {transform_indices = @transform_1, window_bounds = array<i64: 1024, 768>}, {transform_indices = @transform_2, window_bounds = array<i64: 1024, 768>}, {transform_indices = @transform_3, window_bounds = array<i64: 1024, 1>}, {transform_indices = @transform_4, window_bounds = array<i64: 1024, 1>}, {transform_indices = @transform_5, window_bounds = array<i64: 1024, 768>}]} {
    %get3A = arith.constant 0 : index
    %get3A_0 = arith.constant 0 : index
    %get3A_1 = vector.load %arg4[%get3A, %get3A_0] : memref<1024x1xf32, #tpu.memory_space<vmem>>, vector<1024x1xf32>
    %get3A_2 = arith.constant 0 : index
    %get3A_3 = arith.constant 0 : index
    %get3A_4 = vector.load %arg5[%get3A_2, %get3A_3] : memref<1024x1xf32, #tpu.memory_space<vmem>>, vector<1024x1xf32>
    %get3A_5 = arith.constant 0 : index
    %get3A_6 = arith.constant 0 : index
    %get3A_7 = vector.load %arg1[%get3A_5, %get3A_6] : memref<1024x768xf32, #tpu.memory_space<vmem>>, vector<1024x768xf32>
    %gt3A = arith.constant 0.000000e+00 : f32
    %gt3A_8 = vector.broadcast %gt3A : f32 to vector<1024x1xf32>
    %gt3A_9 = arith.cmpf ogt, %get3A_1, %gt3A_8 : vector<1024x1xf32>
    %get3A_10 = arith.constant 0 : index
    %get3A_11 = arith.constant 0 : index
    %get3A_12 = vector.load %arg2[%get3A_10, %get3A_11] : memref<1024x768xf32, #tpu.memory_space<vmem>>, vector<1024x768xf32>
    %mul3A = vector.broadcast %get3A_1 : vector<1024x1xf32> to vector<1024x768xf32>
    %mul3A_13 = arith.mulf %mul3A, %get3A_12 : vector<1024x768xf32>
    %jit3A = arith.constant 0.000000e+00 : f32
    %broadcast_in_dim3A = vector.shape_cast %gt3A_9 : vector<1024x1xi1> to vector<1024x1xi1>
    %broadcast_in_dim3A_14 = vector.broadcast %broadcast_in_dim3A : vector<1024x1xi1> to vector<1024x768xi1>
    %broadcast_in_dim3A_15 = vector.broadcast %jit3A : f32 to vector<1024x768xf32>
    %select_n3A = arith.select %broadcast_in_dim3A_14, %mul3A_13, %broadcast_in_dim3A_15 : vector<1024x768xi1>, vector<1024x768xf32>
    %add3A = arith.addf %get3A_7, %select_n3A : vector<1024x768xf32>
    %gt3A_16 = arith.constant 0.000000e+00 : f32
    %gt3A_17 = vector.broadcast %gt3A_16 : f32 to vector<1024x1xf32>
    %gt3A_18 = arith.cmpf ogt, %get3A_4, %gt3A_17 : vector<1024x1xf32>
    %get3A_19 = arith.constant 0 : index
    %get3A_20 = arith.constant 0 : index
    %get3A_21 = vector.load %arg3[%get3A_19, %get3A_20] : memref<1024x768xf32, #tpu.memory_space<vmem>>, vector<1024x768xf32>
    %mul3A_22 = vector.broadcast %get3A_4 : vector<1024x1xf32> to vector<1024x768xf32>
    %mul3A_23 = arith.mulf %mul3A_22, %get3A_21 : vector<1024x768xf32>
    %jit3A_24 = arith.constant 0.000000e+00 : f32
    %broadcast_in_dim3A_25 = vector.shape_cast %gt3A_18 : vector<1024x1xi1> to vector<1024x1xi1>
    %broadcast_in_dim3A_26 = vector.broadcast %broadcast_in_dim3A_25 : vector<1024x1xi1> to vector<1024x768xi1>
    %broadcast_in_dim3A_27 = vector.broadcast %jit3A_24 : f32 to vector<1024x768xf32>
    %select_n3A_28 = arith.select %broadcast_in_dim3A_26, %mul3A_23, %broadcast_in_dim3A_27 : vector<1024x768xi1>, vector<1024x768xf32>
    %add3A_29 = arith.addf %add3A, %select_n3A_28 : vector<1024x768xf32>
    %swap3A = arith.constant 0 : index
    %swap3A_30 = arith.constant 0 : index
    %swap3A_31 = vector.load %arg6[%swap3A, %swap3A_30] : memref<1024x768xf32, #tpu.memory_space<vmem>>, vector<1024x768xf32>
    tpu.vector_store %arg6[%swap3A, %swap3A_30], %add3A_29 {strides = array<i32>} : memref<1024x768xf32, #tpu.memory_space<vmem>>, vector<1024x768xf32>,
    return
  }
  func.func @transform_0(%arg0: i32) -> (i32, i32) {
    %c0_i32 = arith.constant 0 : i32
    %c0_i32_0 = arith.constant 0 : i32
    return %arg0, %c0_i32 : i32, i32
  }
  func.func @transform_1(%arg0: i32) -> (i32, i32) {
    %c0_i32 = arith.constant 0 : i32
    %c0_i32_0 = arith.constant 0 : i32
    return %arg0, %c0_i32 : i32, i32
  }
  func.func @transform_2(%arg0: i32) -> (i32, i32) {
    %c0_i32 = arith.constant 0 : i32
    %c0_i32_0 = arith.constant 0 : i32
    return %arg0, %c0_i32 : i32, i32
  }
  func.func @transform_3(%arg0: i32) -> (i32, i32) {
    %c0_i32 = arith.constant 0 : i32
    %c0_i32_0 = arith.constant 0 : i32
    return %arg0, %c0_i32 : i32, i32
  }
  func.func @transform_4(%arg0: i32) -> (i32, i32) {
    %c0_i32 = arith.constant 0 : i32
    %c0_i32_0 = arith.constant 0 : i32
    return %arg0, %c0_i32 : i32, i32
  }
  func.func @transform_5(%arg0: i32) -> (i32, i32) {
    %c0_i32 = arith.constant 0 : i32
    %c0_i32_0 = arith.constant 0 : i32
    return %arg0, %c0_i32 : i32, i32
  }
}

</mosaic_0001>

<sc_bundles>
// kernel: kernel.11.cloned.1.call-start
scs
__scs_entry_jumppad:
0x0: {  	(pc) =	sbr.rel $0x88, $3  }
0x1: {  	(tag) =	ssettag $0x0;
	lr =	simm.s32 $0x1  }
0x2: {  	[smem:$0x3F9B] =	sst lr;
	_ =	strace $0xD0000000  }
0x3: {  	_ = 	snop  }
0x4: {  	_ = 	snop  }
0x5: {  	_ = 	snop  }
0x6: {  	_ = 	snop  }
0x7: {  	_ = 	snop  }
__scs_overlays_trampoline_lowered:
0x8: {  	[smem:$0x3FAA] =	sst s0  }
0x9: {  	[smem:$0x3FAB] =	sst s1  }
0xa: {  	[smem:$0x3FAC] =	sst s2  }
0xb: {  	[smem:$0x3FAD] =	sst s3  }
0xc: {  	[smem:$0x3FAE] =	sst s4  }
0xd: {  	[smem:$0x3FAF] =	sst s5  }
0xe: {  	[smem:$0x3FB0] =	sst s6  }
0xf: {  	[smem:$0x3FB1] =	sst s7  }
0x10: {  	[smem:$0x3FB2] =	sst s8  }
0x11: {  	[smem:$0x3FB3] =	sst s9;
	s0 =	simm.s32 @!p0 $0x0  }
0x12: {  	s1 =	sld [smem:$0x3F99];
	s0 =	simm.s32 @p0 $0x1  }
0x13: {  	[smem:$0x3FB4] =	sst s0;
	s0 =	simm.s32 @!p1 $0x0  }
0x14: {  	s2 =	sld [smem:$0x3F98];
	s0 =	simm.s32 @p1 $0x1  }
0x15: {  	[smem:$0x3FB5] =	sst s0;
	s0 =	simm.s32 @!p2 $0x0  }
0x16: {  	s3 =	sld [smem:$0x3FDB];
	s0 =	simm.s32 @p2 $0x1  }
0x17: {  	s4 =	simm.s32 $0x1BF5;
	[smem:$0x3FB7] =	sst s0  }
0x18: {  	s0 =	sld [smem:$0x3F9A];
	_ =	swait.ge [sflag:s4], $0x0  }
0x19: {  	s7 =	sld [smem:$0x3F9B]  }
0x1a: {  	s8 =	sadd.s32 $0xFFFFE003, lr  }
0x1b: {  	s9 =	sadd.s32 $0xFFFFFEF7, lr;
	s5 =	simm.s32 $0xFFFFFFFF;
	p2 =	slt.u32 s8, $0xFFFFF086  }
0x1c: {  	p1 =	slt.u32 s9, $0xF7A;
	s5 =	simm.s32 @!p2 $0x0  }
0x1d: {  	s5 =	simm.s32 @p1 $0x1;
	p0 =	seq.s32 s7, s2  }
0x1e: {  	s7 =	smul.u32 @!p0 $0xF7A, s2;
	p2 =	seq.s32 @!p0 s5, $0x0  }
0x1f: {  	s9 =	smul.u32 $0xF7A, s1;
	s8 =	simm.s32 @!p0 $0x1BF5;
	p2 =	por !p2, p0  }
0x20: {  	[sflag:s8] =	ssyncset.s32 @!p0 $0xFFFFF086;
	s6 =	sadd.s32 @!p0 s3, s7;
	s7 =	simm.s32 @!p0 $0x108  }
0x21: {  	s3 =	sadd.s32 s3, s9;
	s6 =	sadd.s32 @!p0 $0x88, s6;
	s7 =	simm.s32 @p2 $0x1082  }
0x22: {  	[simem:s7], [sflag:s8] =	dma.local @!p0 [hbm:s6], $0xF7A  }
0x23: {  	s9 =	sor.u32 $0xD0000000, s2;
	s6 =	simm.s32 $0x108;
	_ =	swait.ge @!p0 [sflag:s8], $0x0  }
0x24: {  	s3 =	sadd.s32 $0x88, s3;
	s6 =	simm.s32 @!p1 $0x1082;
	[sflag:s4] =	ssyncset.s32 $0xFFFFF086  }
0x25: {  	[simem:s6], [sflag:s4] =	dma.local [hbm:s3], $0xF7A  }
0x26: {  	[smem:$0x3F9B] =	sst s1;
	(tag) =	ssettag s2;
	_ =	strace s9  }
0x27: {  	s1 =	sld [smem:$0x3FAB]  }
0x28: {  	s2 =	sld [smem:$0x3FAC]  }
0x29: {  	s4 =	sld [smem:$0x3FAE]  }
0x2a: {  	p0 =	seq.s32 s5, $0x0;
	s5 =	sld [smem:$0x3FAF]  }
0x2b: {  	s6 =	sld [smem:$0x3FB0]  }
0x2c: {  	s7 =	sld [smem:$0x3FB1]  }
0x2d: {  	s3 =	simm.s32 $0x108;
	s8 =	sld [smem:$0x3FB2]  }
0x2e: {  	s3 =	simm.s32 @!p0 $0x1082;
	s9 =	sld [smem:$0x3FB3]  }
0x2f: {  	lr =	sadd.s32 s0, s3;
	s0 =	sld [smem:$0x3FAA]  }
0x30: {  	s3 =	sld [smem:$0x3FAD]  }
0x31: {  	[smem:$0x3FB6] =	sst s10  }
0x32: {  	s10 =	sld [smem:$0x3FB4];
	_ =	sdelay $0x3  }
0x33: {  	p0 =	seq.s32 s10, $0x1;
	s10 =	sld [smem:$0x3FB6];
	_ =	sdelay $0x3  }
0x34: {  	[smem:$0x3FB6] =	sst s10  }
0x35: {  	s10 =	sld [smem:$0x3FB5];
	_ =	sdelay $0x3  }
0x36: {  	p1 =	seq.s32 s10, $0x1;
	s10 =	sld [smem:$0x3FB6];
	_ =	sdelay $0x3  }
0x37: {  	[smem:$0x3FB6] =	sst s10  }
0x38: {  	s10 =	sld [smem:$0x3FB7]  }
0x39: {  	_ = 	snop;
	(pc) =	sbr.ind lr, $3  }
0x3a: {  	_ = 	snop  }
0x3b: {  	_ = 	snop  }
0x3c: {  	p2 =	seq.s32 s10, $0x1;
	s10 =	sld [smem:$0x3FB6]  }
0x3d: {  	_ =	shalt  }
0x3e: {  	_ =	shalt  }
0x3f: {  	_ =	shalt  }
0x40: {  	_ =	shalt  }
0x41: {  	_ =	shalt  }
0x42: {  	_ =	shalt  }
0x43: {  	_ =	shalt  }
0x44: {  	_ =	shalt  }
0x45: {  	_ =	shalt  }
0x46: {  	_ =	shalt  }
0x47: {  	_ =	shalt  }
0x48: {  	_ =	shalt  }
0x49: {  	_ =	shalt  }
0x4a: {  	_ =	shalt  }
0x4b: {  	_ =	shalt  }
0x4c: {  	_ =	shalt  }
0x4d: {  	_ =	shalt  }
0x4e: {  	_ =	shalt  }
0x4f: {  	_ =	shalt  }
0x50: {  	_ =	shalt  }
0x51: {  	_ =	shalt  }
0x52: {  	_ =	shalt  }
0x53: {  	_ =	shalt  }
0x54: {  	_ =	shalt  }
0x55: {  	_ =	shalt  }
0x56: {  	_ =	shalt  }
0x57: {  	_ =	shalt  }
0x58: {  	_ =	shalt  }
0x59: {  	_ =	shalt  }
0x5a: {  	_ =	shalt  }
0x5b: {  	_ =	shalt  }
0x5c: {  	_ =	shalt  }
0x5d: {  	_ =	shalt  }
0x5e: {  	_ =	shalt  }
0x5f: {  	_ =	shalt  }
0x60: {  	_ =	shalt  }
0x61: {  	_ =	shalt  }
0x62: {  	_ =	shalt  }
0x63: {  	_ =	shalt  }
0x64: {  	_ =	shalt  }
0x65: {  	_ =	shalt  }
0x66: {  	_ =	shalt  }
0x67: {  	_ =	shalt  }
0x68: {  	_ =	shalt  }
0x69: {  	_ =	shalt  }
0x6a: {  	_ =	shalt  }
0x6b: {  	_ =	shalt  }
0x6c: {  	_ =	shalt  }
0x6d: {  	_ =	shalt  }
0x6e: {  	_ =	shalt  }
0x6f: {  	_ =	shalt  }
0x70: {  	_ =	shalt  }
0x71: {  	_ =	shalt  }
0x72: {  	_ =	shalt  }
0x73: {  	_ =	shalt  }
0x74: {  	_ =	shalt  }
0x75: {  	_ =	shalt  }
0x76: {  	_ =	shalt  }
0x77: {  	_ =	shalt  }
0x78: {  	_ =	shalt  }
0x79: {  	_ =	shalt  }
0x7a: {  	_ =	shalt  }
0x7b: {  	_ =	shalt  }
0x7c: {  	_ =	shalt  }
0x7d: {  	_ =	shalt  }
0x7e: {  	_ =	shalt  }
0x7f: {  	_ =	shalt  }
0x80: {  	_ =	shalt  }
0x81: {  	_ =	shalt  }
0x82: {  	_ =	shalt  }
0x83: {  	_ =	shalt  }
0x84: {  	_ =	shalt  }
0x85: {  	_ =	shalt  }
0x86: {  	_ =	shalt  }
0x87: {  	_ =	shalt  }
.Lfunc_end0:
.L_simem_size_0:
called_computation.1_lowered:
.L_overlay_start_0:
0x88: {  	s2 =	sld [smem:$0x3FD9]  }
0x89: {  	s3 =	sld [smem:$0x3FFE];
	_ =	sdelay $0x1  }
0x8a: {  	s1 =	srdreg.scid  }
0x8b: {  	s0 =	sand.u32 $0x1, s1  }
0x8c: {  	s16 =	sshll.u32 s0, $0xA;
	s2 =	sadd.s32 s3, s2  }
0x8d: {  	s2 =	sadd.s32 s2, s16  }
0x8e: {  	[smem:$0x3FC2] =	sst s2  }
0x8f: {  	_ = 	snop  }
0x90: {  	(tm) =	ssettm $0x1  }
0x91: {  	s17 =	sld [smem:$0x3FFB];
	_ =	sdelay $0x3  }
0x92: {  	_ =	strace s17  }
0x93: {  	s2 =	sld [smem:$0x3FFC];
	_ =	sdelay $0x3  }
0x94: {  	_ =	strace s2  }
0x95: {  	s2 =	sld [smem:$0x3FFD];
	_ =	sdelay $0x3  }
0x96: {  	_ =	strace s2  }
0x97: {  	_ =	strace $0x8FFFFFFF  }
0x98: {  	s18 =	sld [smem:$0x3FDB];
	_ =	sdelay $0x1  }
0x99: {  	s19 =	simm.s32 $_scs_section_size  }
0x9a: {  	s4 =	simm.s32 $_size__tile_overlayer_lowered;
	s5 =	simm.s32 $_tile_overlayer_lowered  }
0x9b: {  	s22 =	simm.s32 $0x1BFF;
	s21 =	sshll.u32 s5, $0x1;
	s2 =	sadd.s32 s19, s18  }
0x9c: {  	s6 =	simm.s32 $0x0;
	s20 =	sshll.u32 s4, $0x1;
	s4 =	sadd.s32 s21, s2  }
0x9d: {  	[timem:s6], [sflag:s22] =	dma.local [hbm:s4], s20  }
0x9e: {  	_ =	swait.ge [sflag:s22], s20  }
0x9f: {  	s3 =	ssub.s32 $0x0, s20;
	[sflag:s22] =	ssyncset.done $0x0  }
0xa0: {  	[sflag:s22] =	ssyncadd.s32 s3;
	_ =	sdelay $0x1  }
0xa1: {  	s23 =	simm.s32 $0x1B8B  }
0xa2: {  	_ =	swait.ge [sflag:s23], $0x1  }
0xa3: {  	[sflag:s23] =	ssyncset.done $0x0  }
0xa4: {  	s25 =	simm.s32 $0x1B8E;
	s24 =	sld [smem:$0x3FFE];
	[sflag:s23] =	ssyncadd.s32 $0xFFFFFFFF  }
0xa5: {  	s26 =	simm.s32 $execute0_lowered;
	[smem:$0x3FD2] =	sst s25  }
0xa6: {  	s4 =	sshll.u32 s26, $0x1;
	_ =	strace $0x80000049;
	[dreg:$0x1] =	wrdreg $0xFFFFFFFF  }
0xa7: {  	s28 =	simm.s32 $_size_execute0_lowered;
	s2 =	sadd.s32 s2, s4;
	[dreg:$0x0] =	wrdreg $0x0  }
0xa8: {  	s4 =	sshll.u32 s28, $0x1;
	[dreg:$0x2] =	wrdreg s2  }
0xa9: {  	[dreg:$0x3] =	wrdreg s4  }
0xaa: {  	[dreg:$0x4] =	wrdreg $0xC0  }
0xab: {  	_ =	task [dreg:s6], $0x5FFFF  }
0xac: {  	[dreg:$0x1] =	wrdreg $0xFFFFFFFF  }
0xad: {  	[dreg:$0x0] =	wrdreg $0x60  }
0xae: {  	[dreg:$0x2] =	wrdreg s24  }
0xaf: {  	[dreg:$0x3] =	wrdreg $0x9  }
0xb0: {  	_ =	task.clear_ibuf [dreg:s6], $0x4FFFF;
	_ =	strace $0x90000049  }
0xb1: {  	s29 =	simm.s32 $0x9;
	_ =	strace $0x8000004B  }
0xb2: {  	_ =	swait.ge [sflag:s29], $0x1  }
0xb3: {  	[sflag:s29] =	ssyncadd.s32 $0xFFFFFFFF  }
0xb4: {  	_ =	strace $0x9000004B  }
0xb5: {  	_ =	sfence  }
0xb6: {  	s30 =	sld [smem:$0x0];
	_ =	sdelay $0x2  }
0xb7: {  	s31 =	sshll.u32 s1, $0xD;
	s1 =	sshrl.u32 s1, $0x2  }
0xb8: {  	s3 =	sand.u32 $0x4000, s31;
	s1 =	sadd.s32 s1, s30  }
0xb9: {  	s0 =	sor.u32 s3, s0;
	s1 =	sshll.u32 s1, $0x11  }
0xba: {  	s0 =	sor.u32 s1, s0  }
0xbb: {  	s0 =	sadd.s32 $0x8F2B, s0  }
0xbc: {  	[sflag:s0] =	ssyncadd.remote.s32 $0x1  }
0xbd: {  	_ =	sfence.sel $0xFFFF  }
0xbe: {  	[dreg:$0x0] =	wrdreg $0xFFFFFFFF;
	(pc) =	sbr.abs _section_cstart, $3  }
0xbf: {  	[dreg:$0x1] =	wrdreg $0xFFFFFFFF  }
0xc0: {  	_ =	task.clear_ibuf [dreg:s6], $0x2FFFF;
	_ =	strace $0x9FFFFFFF  }
0xc1: {  	(tm) =	ssettm $0x7FFFFFFF  }
tec
execute0_lowered:
.L_overlay_start_1:
0x0: {  	(tag) =	ssettag $0x1  }
0x1: {  	s0 =	srdreg.scid;
	s1 =	stileid.u32  }
0x2: {  	s5 =	rddreg [dreg:$0x0];
	s2 =	simm.s32 $0x0;
	s31 =	simm.s32 $0x400  }
0x3: {  	s0 =	sand.u32 $0x1, s0;
	s1 =	sshll.u32 s1, $0x1;
	[smem:$0x7FF] =	sst s2  }
0x4: {  	s7 =	sadd.s32 $0x42000, s5;
	s10 =	sadd.s32 $0x102000, s5;
	s1 =	sor.u32 s0, s1  }
0x5: {  	_ =	strace $0x8000004A;
	s0 =	ssub.s32 $0x2, s0;
	s3 =	sshll.u32 s1, $0x7  }
0x6: {  	[dreg:$0x14] =	wrdreg s31;
	s6 =	smul.u32 $0x6000, s1;
	s3 =	sadd.s32 s3, s5  }
0x7: {  	s1 =	smul.u32 $0x30000, s1;
	s29 =	sshrl.u32 s0, $0x1;
	s4 =	sadd.s32 $0x3000, s3  }
0x8: {  	s0 =	ssub.s32 s0, s29;
	s3 =	sadd.s32 $0x2000, s3;
	[dreg:$0x2] =	wrdreg s4  }
0x9: {  	s11 =	sadd.s32 s7, s6;
	s12 =	sadd.s32 s10, s6;
	[dreg:$0x3] =	wrdreg s3  }
0xa: {  	s8 =	sor.u32 $0xC00, s6;
	s6 =	sor.u32 $0x1800, s6;
	[dreg:$0x4] =	wrdreg s11  }
0xb: {  	s1 =	sshrl.u32 s1, $0x3;
	[dreg:$0x5] =	wrdreg s12;
	s13 =	sadd.s32 s7, s8  }
0xc: {  	s14 =	sadd.s32 s10, s8;
	s15 =	sadd.s32 s7, s6;
	s16 =	sadd.s32 s10, s6  }
0xd: {  	s17 =	sadd.s32 $0x2400, s1;
	s20 =	sadd.s32 $0x3000, s1;
	[dreg:$0x6] =	wrdreg s13  }
0xe: {  	s22 =	sadd.s32 $0x3C00, s1;
	s3 =	sadd.s32 $0x1F8000, s5;
	[dreg:$0x7] =	wrdreg s14  }
0xf: {  	s25 =	sadd.s32 $0x4800, s1;
	s1 =	sadd.s32 $0x5400, s1;
	[dreg:$0x8] =	wrdreg s15  }
0x10: {  	s4 =	sadd.s32 $0x1F8100, s5;
	[dreg:$0x9] =	wrdreg s16;
	s18 =	sadd.s32 s7, s17  }
0x11: {  	s5 =	sadd.s32 $0x1F8200, s5;
	s19 =	sadd.s32 s10, s17;
	[dreg:$0xa] =	wrdreg s18  }
0x12: {  	s11 =	simm.s32 $0x2;
	s21 =	sadd.s32 s7, s20;
	[dreg:$0xb] =	wrdreg s19  }
0x13: {  	s12 =	simm.s32 $0x5;
	s6 =	sadd.s32 s10, s20;
	[dreg:$0xc] =	wrdreg s21  }
0x14: {  	s23 =	sadd.s32 s7, s22;
	s24 =	sadd.s32 s10, s22;
	[dreg:$0xd] =	wrdreg s6  }
0x15: {  	s26 =	sadd.s32 s7, s25;
	s28 =	sadd.s32 s10, s25;
	[dreg:$0xe] =	wrdreg s23  }
0x16: {  	s30 =	sadd.s32 s7, s1;
	s1 =	sadd.s32 s10, s1;
	[dreg:$0xf] =	wrdreg s24  }
0x17: {  	s10 =	simm.s32 $0x1;
	s13 =	simm.s32 $0x3;
	[dreg:$0x10] =	wrdreg s26  }
0x18: {  	v2 =	vlaneseq.u32;
	s14 =	simm.s32 $0x6;
	s15 =	simm.s32 $0x4;
	[dreg:$0x11] =	wrdreg s28  }
0x19: {  	vm0 =	vmmov $0xffff;
	v1 =	vshrl.u32 v2, $0x3;
	s16 =	simm.s32 $0x7;
	s17 =	simm.s32 $0x8;
	[dreg:$0x12] =	wrdreg s30  }
0x1a: {  	v0 =	vand.u32 $0x7, v2;
	v2 =	vor.u32 $0x8, v2;
	v1 =	vmul.u32 $0x8, v1;
	s7 =	simm.s32 $0x12800;
	[dreg:$0x13] =	wrdreg s1;
	s6 =	smax.u32 s0, $0x1  }
.LBB2_1:
0x1b: {  	s18 =	rddreg [dreg:$0x2];
	s1 =	simm.s32 $0x9  }
0x1c: {  	[tilespmem:s2], [sflag:$0x9] =	stream.linear.gather [hbm4b:s18+s2], $0x400, $0x38;
	[tilespmem:$0x18800] =	vst v63  }
0x1d: {  	_ =	swait.ge [sflag:s1], $0x400  }
0x1e: {  	s26 =	rddreg [dreg:$0x3];
	[sflag:s1] =	ssyncset.done $0x0  }
0x1f: {  	s19 =	rddreg [dreg:$0x14];
	[sflag:s1] =	ssyncadd.s32 $0xFFFFFC00  }
0x20: {  	[tilespmem:s19], [sflag:$0x9] =	stream.linear.gather [hbm4b:s26+s2], $0x400, $0x38;
	[tilespmem:$0x18800] =	vst v63  }
0x21: {  	_ =	swait.ge [sflag:s1], $0x400  }
0x22: {  	[sflag:s1] =	ssyncset.done $0x0  }
0x23: {  	[sflag:s1] =	ssyncadd.s32 $0xFFFFFC00  }
0x24: {  	v3 =	vld [tilespmem:$0x0];
	_ =	sdelay $0x4  }
0x25: {  	v4 =	vshrl.u32 v3, $0x3  }
0x26: {  	v4 =	vmul.u32 $0x30, v4  }
0x27: {  	v3 =	vand.u32 $0x7, v3  }
0x28: {  	v3 =	vor.u32 v3, v4  }
0x29: {  	v4 =	vperm.xlane v3, v0;
	_ =	sdelay $0x1  }
0x2a: {  	v4 =	vadd.s32 v1, v4;
	_ =	sdelay $0x3  }
0x2b: {  	s0 =	simm.s32 $0x800;
	v3 =	vperm.xlane v3, v2  }
0x2c: {  	[tilespmem:s0], [sflag:$0x1] =	stream.indirect_vreg.gather [hbm4b:s3+s2], $0x80, v4, vm0, $0xb8;
	[tilespmem:$0x18800] =	vst v63  }
0x2d: {  	s28 =	simm.s32 $0x1000;
	v3 =	vadd.s32 v1, v3  }
0x2e: {  	[tilespmem:s28], [sflag:$0x1] =	stream.indirect_vreg.gather [hbm4b:s4+s2], $0x80, v4, vm0, $0xb8;
	[tilespmem:$0x18800] =	vst v63  }
0x2f: {  	s29 =	simm.s32 $0x1800  }
0x30: {  	[tilespmem:s29], [sflag:$0x1] =	stream.indirect_vreg.gather [hbm4b:s5+s2], $0x80, v4, vm0, $0xb8;
	[tilespmem:$0x18800] =	vst v63  }
0x31: {  	s30 =	simm.s32 $0x2000  }
0x32: {  	[tilespmem:s30], [sflag:$0x1] =	stream.indirect_vreg.gather [hbm4b:s3+s2], $0x80, v3, vm0, $0xb8;
	[tilespmem:$0x18800] =	vst v63  }
0x33: {  	s31 =	simm.s32 $0x2800  }
0x34: {  	[tilespmem:s31], [sflag:$0x1] =	stream.indirect_vreg.gather [hbm4b:s4+s2], $0x80, v3, vm0, $0xb8;
	[tilespmem:$0x18800] =	vst v63  }
0x35: {  	s0 =	simm.s32 $0x3000  }
0x36: {  	[tilespmem:s0], [sflag:$0x1] =	stream.indirect_vreg.gather [hbm4b:s5+s2], $0x80, v3, vm0, $0xb8;
	[tilespmem:$0x18800] =	vst v63  }
0x37: {  	v3 =	vld [tilespmem:$0x10];
	_ =	sdelay $0x4  }
0x38: {  	v33 =	vshrl.u32 v3, $0x3  }
0x39: {  	v4 =	vmul.u32 $0x30, v33  }
0x3a: {  	v3 =	vand.u32 $0x7, v3  }
0x3b: {  	v3 =	vor.u32 v3, v4  }
0x3c: {  	v4 =	vperm.xlane v3, v0;
	_ =	sdelay $0x1  }
0x3d: {  	v4 =	vadd.s32 v1, v4;
	_ =	sdelay $0x3  }
0x3e: {  	s8 =	simm.s32 $0x3800;
	v3 =	vperm.xlane v3, v2  }
0x3f: {  	[tilespmem:s8], [sflag:$0x1] =	stream.indirect_vreg.gather [hbm4b:s3+s2], $0x80, v4, vm0, $0xb8;
	[tilespmem:$0x18800] =	vst v63  }
0x40: {  	s9 =	simm.s32 $0x4000;
	v3 =	vadd.s32 v1, v3  }
0x41: {  	[tilespmem:s9], [sflag:$0x1] =	stream.indirect_vreg.gather [hbm4b:s4+s2], $0x80, v4, vm0, $0xb8;
	[tilespmem:$0x18800] =	vst v63  }
0x42: {  	s18 =	simm.s32 $0x4800  }
0x43: {  	[tilespmem:s18], [sflag:$0x1] =	stream.indirect_vreg.gather [hbm4b:s5+s2], $0x80, v4, vm0, $0xb8;
	[tilespmem:$0x18800] =	vst v63  }
0x44: {  	s22 =	simm.s32 $0x5000  }
0x45: {  	[tilespmem:s22], [sflag:$0x1] =	stream.indirect_vreg.gather [hbm4b:s3+s2], $0x80, v3, vm0, $0xb8;
	[tilespmem:$0x18800] =	vst v63  }
0x46: {  	s23 =	simm.s32 $0x5800  }
0x47: {  	[tilespmem:s23], [sflag:$0x1] =	stream.indirect_vreg.gather [hbm4b:s4+s2], $0x80, v3, vm0, $0xb8;
	[tilespmem:$0x18800] =	vst v63  }
0x48: {  	s24 =	simm.s32 $0x6000  }
0x49: {  	[tilespmem:s24], [sflag:$0x1] =	stream.indirect_vreg.gather [hbm4b:s5+s2], $0x80, v3, vm0, $0xb8;
	[tilespmem:$0x18800] =	vst v63  }
0x4a: {  	v3 =	vld [tilespmem:$0x400];
	_ =	sdelay $0x4  }
0x4b: {  	v34 =	vshrl.u32 v3, $0x3  }
0x4c: {  	v4 =	vmul.u32 $0x30, v34  }
0x4d: {  	v3 =	vand.u32 $0x7, v3  }
0x4e: {  	v3 =	vor.u32 v3, v4  }
0x4f: {  	v4 =	vperm.xlane v3, v0;
	_ =	sdelay $0x1  }
0x50: {  	v4 =	vadd.s32 v1, v4;
	_ =	sdelay $0x3  }
0x51: {  	s25 =	simm.s32 $0x6800;
	v3 =	vperm.xlane v3, v2  }
0x52: {  	[tilespmem:s25], [sflag:$0x2] =	stream.indirect_vreg.gather [hbm4b:s3+s2], $0x80, v4, vm0, $0xb8;
	[tilespmem:$0x18800] =	vst v63  }
0x53: {  	s26 =	simm.s32 $0x7000;
	v3 =	vadd.s32 v1, v3  }
0x54: {  	[tilespmem:s26], [sflag:$0x2] =	stream.indirect_vreg.gather [hbm4b:s4+s2], $0x80, v4, vm0, $0xb8;
	[tilespmem:$0x18800] =	vst v63  }
0x55: {  	s28 =	simm.s32 $0x7800  }
0x56: {  	[tilespmem:s28], [sflag:$0x2] =	stream.indirect_vreg.gather [hbm4b:s5+s2], $0x80, v4, vm0, $0xb8;
	[tilespmem:$0x18800] =	vst v63  }
0x57: {  	s29 =	simm.s32 $0x8000  }
0x58: {  	[tilespmem:s29], [sflag:$0x2] =	stream.indirect_vreg.gather [hbm4b:s3+s2], $0x80, v3, vm0, $0xb8;
	[tilespmem:$0x18800] =	vst v63  }
0x59: {  	s30 =	simm.s32 $0x8800  }
0x5a: {  	[tilespmem:s30], [sflag:$0x2] =	stream.indirect_vreg.gather [hbm4b:s4+s2], $0x80, v3, vm0, $0xb8;
	[tilespmem:$0x18800] =	vst v63  }
0x5b: {  	s31 =	simm.s32 $0x9000  }
0x5c: {  	[tilespmem:s31], [sflag:$0x2] =	stream.indirect_vreg.gather [hbm4b:s5+s2], $0x80, v3, vm0, $0xb8;
	[tilespmem:$0x18800] =	vst v63  }
0x5d: {  	v3 =	vld [tilespmem:$0x410];
	_ =	sdelay $0x4  }
0x5e: {  	v35 =	vshrl.u32 v3, $0x3  }
0x5f: {  	v4 =	vmul.u32 $0x30, v35  }
0x60: {  	v3 =	vand.u32 $0x7, v3  }
0x61: {  	v3 =	vor.u32 v3, v4  }
0x62: {  	v4 =	vperm.xlane v3, v0;
	_ =	sdelay $0x1  }
0x63: {  	v4 =	vadd.s32 v1, v4;
	_ =	sdelay $0x3  }
0x64: {  	s0 =	simm.s32 $0x9800;
	v3 =	vperm.xlane v3, v2  }
0x65: {  	[tilespmem:s0], [sflag:$0x2] =	stream.indirect_vreg.gather [hbm4b:s3+s2], $0x80, v4, vm0, $0xb8;
	[tilespmem:$0x18800] =	vst v63  }
0x66: {  	s9 =	simm.s32 $0xA000;
	v3 =	vadd.s32 v1, v3  }
0x67: {  	[tilespmem:s9], [sflag:$0x2] =	stream.indirect_vreg.gather [hbm4b:s4+s2], $0x80, v4, vm0, $0xb8;
	[tilespmem:$0x18800] =	vst v63  }
0x68: {  	s18 =	simm.s32 $0xA800  }
0x69: {  	[tilespmem:s18], [sflag:$0x2] =	stream.indirect_vreg.gather [hbm4b:s5+s2], $0x80, v4, vm0, $0xb8;
	[tilespmem:$0x18800] =	vst v63  }
0x6a: {  	s24 =	simm.s32 $0xB000  }
0x6b: {  	[tilespmem:s24], [sflag:$0x2] =	stream.indirect_vreg.gather [hbm4b:s3+s2], $0x80, v3, vm0, $0xb8;
	[tilespmem:$0x18800] =	vst v63  }
0x6c: {  	s25 =	simm.s32 $0xB800  }
0x6d: {  	[tilespmem:s25], [sflag:$0x2] =	stream.indirect_vreg.gather [hbm4b:s4+s2], $0x80, v3, vm0, $0xb8;
	[tilespmem:$0x18800] =	vst v63  }
0x6e: {  	s0 =	simm.s32 $0xC000  }
0x6f: {  	[tilespmem:s0], [sflag:$0x2] =	stream.indirect_vreg.gather [hbm4b:s5+s2], $0x80, v3, vm0, $0xb8;
	[tilespmem:$0x18800] =	vst v63  }
0x70: {  	v3 =	vld [tilespmem:$0x80];
	_ =	sdelay $0x4  }
0x71: {  	v36 =	vshrl.u32 v3, $0x3  }
0x72: {  	v4 =	vmul.u32 $0x30, v36  }
0x73: {  	v3 =	vand.u32 $0x7, v3  }
0x74: {  	v3 =	vor.u32 v3, v4  }
0x75: {  	v4 =	vperm.xlane v3, v0;
	_ =	sdelay $0x1  }
0x76: {  	v4 =	vadd.s32 v1, v4;
	_ =	sdelay $0x3  }
0x77: {  	s1 =	simm.s32 $0xC800;
	v3 =	vperm.xlane v3, v2  }
0x78: {  	[tilespmem:s1], [sflag:$0x3] =	stream.indirect_vreg.gather [hbm4b:s3+s2], $0x80, v4, vm0, $0xb8;
	[tilespmem:$0x18800] =	vst v63  }
0x79: {  	s9 =	simm.s32 $0xD000;
	v3 =	vadd.s32 v1, v3  }
0x7a: {  	[tilespmem:s9], [sflag:$0x3] =	stream.indirect_vreg.gather [hbm4b:s4+s2], $0x80, v4, vm0, $0xb8;
	[tilespmem:$0x18800] =	vst v63  }
0x7b: {  	s18 =	simm.s32 $0xD800  }
0x7c: {  	[tilespmem:s18], [sflag:$0x3] =	stream.indirect_vreg.gather [hbm4b:s5+s2], $0x80, v4, vm0, $0xb8;
	[tilespmem:$0x18800] =	vst v63  }
0x7d: {  	s24 =	simm.s32 $0xE000  }
0x7e: {  	[tilespmem:s24], [sflag:$0x3] =	stream.indirect_vreg.gather [hbm4b:s3+s2], $0x80, v3, vm0, $0xb8;
	[tilespmem:$0x18800] =	vst v63  }
0x7f: {  	s25 =	simm.s32 $0xE800  }
0x80: {  	[tilespmem:s25], [sflag:$0x3] =	stream.indirect_vreg.gather [hbm4b:s4+s2], $0x80, v3, vm0, $0xb8;
	[tilespmem:$0x18800] =	vst v63  }
0x81: {  	s0 =	simm.s32 $0xF000  }
0x82: {  	[tilespmem:s0], [sflag:$0x3] =	stream.indirect_vreg.gather [hbm4b:s5+s2], $0x80, v3, vm0, $0xb8;
	[tilespmem:$0x18800] =	vst v63  }
0x83: {  	v3 =	vld [tilespmem:$0x90];
	_ =	sdelay $0x4  }
0x84: {  	v37 =	vshrl.u32 v3, $0x3  }
0x85: {  	v4 =	vmul.u32 $0x30, v37  }
0x86: {  	v3 =	vand.u32 $0x7, v3  }
0x87: {  	v3 =	vor.u32 v3, v4  }
0x88: {  	v4 =	vperm.xlane v3, v0;
	_ =	sdelay $0x1  }
0x89: {  	v4 =	vadd.s32 v1, v4;
	_ =	sdelay $0x3  }
0x8a: {  	s9 =	simm.s32 $0xF800;
	v3 =	vperm.xlane v3, v2  }
0x8b: {  	[tilespmem:s9], [sflag:$0x3] =	stream.indirect_vreg.gather [hbm4b:s3+s2], $0x80, v4, vm0, $0xb8;
	[tilespmem:$0x18800] =	vst v63  }
0x8c: {  	s18 =	simm.s32 $0x10000;
	v3 =	vadd.s32 v1, v3  }
0x8d: {  	[tilespmem:s18], [sflag:$0x3] =	stream.indirect_vreg.gather [hbm4b:s4+s2], $0x80, v4, vm0, $0xb8;
	[tilespmem:$0x18800] =	vst v63  }
0x8e: {  	s25 =	simm.s32 $0x10800  }
0x8f: {  	[tilespmem:s25], [sflag:$0x3] =	stream.indirect_vreg.gather [hbm4b:s5+s2], $0x80, v4, vm0, $0xb8;
	[tilespmem:$0x18800] =	vst v63  }
0x90: {  	s0 =	simm.s32 $0x11000  }
0x91: {  	[tilespmem:s0], [sflag:$0x3] =	stream.indirect_vreg.gather [hbm4b:s3+s2], $0x80, v3, vm0, $0xb8;
	[tilespmem:$0x18800] =	vst v63  }
0x92: {  	s9 =	simm.s32 $0x11800  }
0x93: {  	[tilespmem:s9], [sflag:$0x3] =	stream.indirect_vreg.gather [hbm4b:s4+s2], $0x80, v3, vm0, $0xb8;
	[tilespmem:$0x18800] =	vst v63  }
0x94: {  	s18 =	simm.s32 $0x12000  }
0x95: {  	[tilespmem:s18], [sflag:$0x3] =	stream.indirect_vreg.gather [hbm4b:s5+s2], $0x80, v3, vm0, $0xb8;
	[tilespmem:$0x18800] =	vst v63  }
0x96: {  	v3 =	vld [tilespmem:$0x480];
	_ =	sdelay $0x4  }
0x97: {  	v38 =	vshrl.u32 v3, $0x3  }
0x98: {  	v4 =	vmul.u32 $0x30, v38  }
0x99: {  	v3 =	vand.u32 $0x7, v3  }
0x9a: {  	v3 =	vor.u32 v3, v4  }
0x9b: {  	v4 =	vperm.xlane v3, v0;
	_ =	sdelay $0x1  }
0x9c: {  	v4 =	vadd.s32 v1, v4;
	_ =	sdelay $0x3  }
0x9d: {  	v3 =	vperm.xlane v3, v2  }
0x9e: {  	[tilespmem:s7], [sflag:$0x4] =	stream.indirect_vreg.gather [hbm4b:s3+s2], $0x80, v4, vm0, $0xb8;
	[tilespmem:$0x18800] =	vst v63  }
0x9f: {  	s25 =	simm.s32 $0x13000;
	v3 =	vadd.s32 v1, v3  }
0xa0: {  	[tilespmem:s25], [sflag:$0x4] =	stream.indirect_vreg.gather [hbm4b:s4+s2], $0x80, v4, vm0, $0xb8;
	[tilespmem:$0x18800] =	vst v63  }
0xa1: {  	s0 =	simm.s32 $0x13800  }
0xa2: {  	[tilespmem:s0], [sflag:$0x4] =	stream.indirect_vreg.gather [hbm4b:s5+s2], $0x80, v4, vm0, $0xb8;
	[tilespmem:$0x18800] =	vst v63  }
0xa3: {  	s1 =	simm.s32 $0x14000  }
0xa4: {  	[tilespmem:s1], [sflag:$0x4] =	stream.indirect_vreg.gather [hbm4b:s3+s2], $0x80, v3, vm0, $0xb8;
	[tilespmem:$0x18800] =	vst v63  }
0xa5: {  	s9 =	simm.s32 $0x14800  }
0xa6: {  	[tilespmem:s9], [sflag:$0x4] =	stream.indirect_vreg.gather [hbm4b:s4+s2], $0x80, v3, vm0, $0xb8;
	[tilespmem:$0x18800] =	vst v63  }
0xa7: {  	s25 =	simm.s32 $0x15000  }
0xa8: {  	[tilespmem:s25], [sflag:$0x4] =	stream.indirect_vreg.gather [hbm4b:s5+s2], $0x80, v3, vm0, $0xb8;
	[tilespmem:$0x18800] =	vst v63  }
0xa9: {  	v3 =	vld [tilespmem:$0x490];
	_ =	sdelay $0x4  }
0xaa: {  	v39 =	vshrl.u32 v3, $0x3  }
0xab: {  	v4 =	vmul.u32 $0x30, v39  }
0xac: {  	v3 =	vand.u32 $0x7, v3  }
0xad: {  	v3 =	vor.u32 v3, v4  }
0xae: {  	v4 =	vperm.xlane v3, v0;
	_ =	sdelay $0x1  }
0xaf: {  	v4 =	vadd.s32 v1, v4;
	_ =	sdelay $0x3  }
0xb0: {  	s0 =	simm.s32 $0x15800;
	v3 =	vperm.xlane v3, v2  }
0xb1: {  	[tilespmem:s0], [sflag:$0x4] =	stream.indirect_vreg.gather [hbm4b:s3+s2], $0x80, v4, vm0, $0xb8;
	[tilespmem:$0x18800] =	vst v63  }
0xb2: {  	s1 =	simm.s32 $0x16000;
	v3 =	vadd.s32 v1, v3  }
0xb3: {  	[tilespmem:s1], [sflag:$0x4] =	stream.indirect_vreg.gather [hbm4b:s4+s2], $0x80, v4, vm0, $0xb8;
	[tilespmem:$0x18800] =	vst v63  }
0xb4: {  	s9 =	simm.s32 $0x16800  }
0xb5: {  	[tilespmem:s9], [sflag:$0x4] =	stream.indirect_vreg.gather [hbm4b:s5+s2], $0x80, v4, vm0, $0xb8;
	[tilespmem:$0x18800] =	vst v63  }
0xb6: {  	s25 =	simm.s32 $0x17000  }
0xb7: {  	[tilespmem:s25], [sflag:$0x4] =	stream.indirect_vreg.gather [hbm4b:s3+s2], $0x80, v3, vm0, $0xb8;
	[tilespmem:$0x18800] =	vst v63  }
0xb8: {  	s0 =	simm.s32 $0x17800  }
0xb9: {  	[tilespmem:s0], [sflag:$0x4] =	stream.indirect_vreg.gather [hbm4b:s4+s2], $0x80, v3, vm0, $0xb8;
	[tilespmem:$0x18800] =	vst v63  }
0xba: {  	s1 =	simm.s32 $0x18000  }
0xbb: {  	[tilespmem:s1], [sflag:$0x4] =	stream.indirect_vreg.gather [hbm4b:s5+s2], $0x80, v3, vm0, $0xb8;
	[tilespmem:$0x18800] =	vst v63  }
0xbc: {  	_ =	swait.ge [sflag:s10], $0x6000  }
0xbd: {  	[sflag:s10] =	ssyncset.done $0x0  }
0xbe: {  	s25 =	simm.s32 $0x800;
	s9 =	rddreg [dreg:$0x4];
	[sflag:s10] =	ssyncadd.s32 $0xFFFFA000  }
0xbf: {  	[hbm4b:s9+s2] =	stream.linear.scatter [tilespmem:s25], [sflag:$0x5], $0x6000, $0x38;
	[tilespmem:$0x18800] =	vst v63  }
0xc0: {  	_ =	swait.ge [sflag:s11], $0x6000  }
0xc1: {  	[sflag:s11] =	ssyncset.done $0x0  }
0xc2: {  	s9 =	simm.s32 $0x6800;
	s0 =	rddreg [dreg:$0x5];
	[sflag:s11] =	ssyncadd.s32 $0xFFFFA000  }
0xc3: {  	[hbm4b:s0+s2] =	stream.linear.scatter [tilespmem:s9], [sflag:$0x6], $0x6000, $0x38;
	[tilespmem:$0x18800] =	vst v63  }
0xc4: {  	_ =	swait.ge [sflag:s12], $0x6000  }
0xc5: {  	[sflag:s12] =	ssyncset.done $0x0  }
0xc6: {  	[sflag:s12] =	ssyncadd.s32 $0xFFFFA000  }
0xc7: {  	v3 =	vld [tilespmem:$0x100];
	_ =	sdelay $0x4  }
0xc8: {  	v40 =	vshrl.u32 v3, $0x3  }
0xc9: {  	v4 =	vmul.u32 $0x30, v40  }
0xca: {  	v3 =	vand.u32 $0x7, v3  }
0xcb: {  	v3 =	vor.u32 v3, v4  }
0xcc: {  	v4 =	vperm.xlane v3, v0;
	_ =	sdelay $0x1  }
0xcd: {  	v4 =	vadd.s32 v1, v4;
	_ =	sdelay $0x3  }
0xce: {  	v3 =	vperm.xlane v3, v2  }
0xcf: {  	[tilespmem:s25], [sflag:$0x1] =	stream.indirect_vreg.gather [hbm4b:s3+s2], $0x80, v4, vm0, $0xb8;
	[tilespmem:$0x18800] =	vst v63  }
0xd0: {  	s19 =	simm.s32 $0x1000;
	v3 =	vadd.s32 v1, v3  }
0xd1: {  	[tilespmem:s19], [sflag:$0x1] =	stream.indirect_vreg.gather [hbm4b:s4+s2], $0x80, v4, vm0, $0xb8;
	[tilespmem:$0x18800] =	vst v63  }
0xd2: {  	s25 =	simm.s32 $0x1800  }
0xd3: {  	[tilespmem:s25], [sflag:$0x1] =	stream.indirect_vreg.gather [hbm4b:s5+s2], $0x80, v4, vm0, $0xb8;
	[tilespmem:$0x18800] =	vst v63  }
0xd4: {  	s1 =	simm.s32 $0x2000  }
0xd5: {  	[tilespmem:s1], [sflag:$0x1] =	stream.indirect_vreg.gather [hbm4b:s3+s2], $0x80, v3, vm0, $0xb8;
	[tilespmem:$0x18800] =	vst v63  }
0xd6: {  	s19 =	simm.s32 $0x2800  }
0xd7: {  	[tilespmem:s19], [sflag:$0x1] =	stream.indirect_vreg.gather [hbm4b:s4+s2], $0x80, v3, vm0, $0xb8;
	[tilespmem:$0x18800] =	vst v63  }
0xd8: {  	s20 =	simm.s32 $0x3000  }
0xd9: {  	[tilespmem:s20], [sflag:$0x1] =	stream.indirect_vreg.gather [hbm4b:s5+s2], $0x80, v3, vm0, $0xb8;
	[tilespmem:$0x18800] =	vst v63  }
0xda: {  	v3 =	vld [tilespmem:$0x110];
	_ =	sdelay $0x4  }
0xdb: {  	v41 =	vshrl.u32 v3, $0x3  }
0xdc: {  	v4 =	vmul.u32 $0x30, v41  }
0xdd: {  	v3 =	vand.u32 $0x7, v3  }
0xde: {  	v3 =	vor.u32 v3, v4  }
0xdf: {  	v4 =	vperm.xlane v3, v0;
	_ =	sdelay $0x1  }
0xe0: {  	v4 =	vadd.s32 v1, v4;
	_ =	sdelay $0x3  }
0xe1: {  	s21 =	simm.s32 $0x3800;
	v3 =	vperm.xlane v3, v2  }
0xe2: {  	[tilespmem:s21], [sflag:$0x1] =	stream.indirect_vreg.gather [hbm4b:s3+s2], $0x80, v4, vm0, $0xb8;
	[tilespmem:$0x18800] =	vst v63  }
0xe3: {  	s20 =	simm.s32 $0x4000;
	v3 =	vadd.s32 v1, v3  }
0xe4: {  	[tilespmem:s20], [sflag:$0x1] =	stream.indirect_vreg.gather [hbm4b:s4+s2], $0x80, v4, vm0, $0xb8;
	[tilespmem:$0x18800] =	vst v63  }
0xe5: {  	s21 =	simm.s32 $0x4800  }
0xe6: {  	[tilespmem:s21], [sflag:$0x1] =	stream.indirect_vreg.gather [hbm4b:s5+s2], $0x80, v4, vm0, $0xb8;
	[tilespmem:$0x18800] =	vst v63  }
0xe7: {  	s18 =	simm.s32 $0x5000  }
0xe8: {  	[tilespmem:s18], [sflag:$0x1] =	stream.indirect_vreg.gather [hbm4b:s3+s2], $0x80, v3, vm0, $0xb8;
	[tilespmem:$0x18800] =	vst v63  }
0xe9: {  	s1 =	simm.s32 $0x5800  }
0xea: {  	[tilespmem:s1], [sflag:$0x1] =	stream.indirect_vreg.gather [hbm4b:s4+s2], $0x80, v3, vm0, $0xb8;
	[tilespmem:$0x18800] =	vst v63  }
0xeb: {  	s18 =	simm.s32 $0x6000  }
0xec: {  	[tilespmem:s18], [sflag:$0x1] =	stream.indirect_vreg.gather [hbm4b:s5+s2], $0x80, v3, vm0, $0xb8;
	[tilespmem:$0x18800] =	vst v63  }
0xed: {  	_ =	swait.ge [sflag:s13], $0x6000  }
0xee: {  	[sflag:s13] =	ssyncset.done $0x0  }
0xef: {  	s0 =	simm.s32 $0xC800;
	s1 =	rddreg [dreg:$0x6];
	[sflag:s13] =	ssyncadd.s32 $0xFFFFA000  }
0xf0: {  	[hbm4b:s1+s2] =	stream.linear.scatter [tilespmem:s0], [sflag:$0x7], $0x6000, $0x38;
	[tilespmem:$0x18800] =	vst v63  }
0xf1: {  	_ =	swait.ge [sflag:s14], $0x6000  }
0xf2: {  	[sflag:s14] =	ssyncset.done $0x0  }
0xf3: {  	[sflag:s14] =	ssyncadd.s32 $0xFFFFA000  }
0xf4: {  	v3 =	vld [tilespmem:$0x500];
	_ =	sdelay $0x4  }
0xf5: {  	v42 =	vshrl.u32 v3, $0x3  }
0xf6: {  	v4 =	vmul.u32 $0x30, v42  }
0xf7: {  	v3 =	vand.u32 $0x7, v3  }
0xf8: {  	v3 =	vor.u32 v3, v4  }
0xf9: {  	v4 =	vperm.xlane v3, v0;
	_ =	sdelay $0x1  }
0xfa: {  	v4 =	vadd.s32 v1, v4;
	_ =	sdelay $0x3  }
0xfb: {  	v3 =	vperm.xlane v3, v2  }
0xfc: {  	[tilespmem:s9], [sflag:$0x2] =	stream.indirect_vreg.gather [hbm4b:s3+s2], $0x80, v4, vm0, $0xb8;
	[tilespmem:$0x18800] =	vst v63  }
0xfd: {  	s23 =	simm.s32 $0x7000;
	v3 =	vadd.s32 v1, v3  }
0xfe: {  	[tilespmem:s23], [sflag:$0x2] =	stream.indirect_vreg.gather [hbm4b:s4+s2], $0x80, v4, vm0, $0xb8;
	[tilespmem:$0x18800] =	vst v63  }
0xff: {  	s22 =	simm.s32 $0x7800  }
0x100: {  	[tilespmem:s22], [sflag:$0x2] =	stream.indirect_vreg.gather [hbm4b:s5+s2], $0x80, v4, vm0, $0xb8;
	[tilespmem:$0x18800] =	vst v63  }
0x101: {  	s26 =	simm.s32 $0x8000  }
0x102: {  	[tilespmem:s26], [sflag:$0x2] =	stream.indirect_vreg.gather [hbm4b:s3+s2], $0x80, v3, vm0, $0xb8;
	[tilespmem:$0x18800] =	vst v63  }
0x103: {  	s28 =	simm.s32 $0x8800  }
0x104: {  	[tilespmem:s28], [sflag:$0x2] =	stream.indirect_vreg.gather [hbm4b:s4+s2], $0x80, v3, vm0, $0xb8;
	[tilespmem:$0x18800] =	vst v63  }
0x105: {  	s8 =	simm.s32 $0x9000  }
0x106: {  	[tilespmem:s8], [sflag:$0x2] =	stream.indirect_vreg.gather [hbm4b:s5+s2], $0x80, v3, vm0, $0xb8;
	[tilespmem:$0x18800] =	vst v63  }
0x107: {  	v3 =	vld [tilespmem:$0x510];
	_ =	sdelay $0x4  }
0x108: {  	v43 =	vshrl.u32 v3, $0x3  }
0x109: {  	v4 =	vmul.u32 $0x30, v43  }
0x10a: {  	v3 =	vand.u32 $0x7, v3  }
0x10b: {  	v3 =	vor.u32 v3, v4  }
0x10c: {  	v4 =	vperm.xlane v3, v0;
	_ =	sdelay $0x1  }
0x10d: {  	v4 =	vadd.s32 v1, v4;
	_ =	sdelay $0x3  }
0x10e: {  	s29 =	simm.s32 $0x9800;
	v3 =	vperm.xlane v3, v2  }
0x10f: {  	[tilespmem:s29], [sflag:$0x2] =	stream.indirect_vreg.gather [hbm4b:s3+s2], $0x80, v4, vm0, $0xb8;
	[tilespmem:$0x18800] =	vst v63  }
0x110: {  	s30 =	simm.s32 $0xA000;
	v3 =	vadd.s32 v1, v3  }
0x111: {  	[tilespmem:s30], [sflag:$0x2] =	stream.indirect_vreg.gather [hbm4b:s4+s2], $0x80, v4, vm0, $0xb8;
	[tilespmem:$0x18800] =	vst v63  }
0x112: {  	s31 =	simm.s32 $0xA800  }
0x113: {  	[tilespmem:s31], [sflag:$0x2] =	stream.indirect_vreg.gather [hbm4b:s5+s2], $0x80, v4, vm0, $0xb8;
	[tilespmem:$0x18800] =	vst v63  }
0x114: {  	s29 =	simm.s32 $0xB000  }
0x115: {  	[tilespmem:s29], [sflag:$0x2] =	stream.indirect_vreg.gather [hbm4b:s3+s2], $0x80, v3, vm0, $0xb8;
	[tilespmem:$0x18800] =	vst v63  }
0x116: {  	s23 =	simm.s32 $0xB800  }
0x117: {  	[tilespmem:s23], [sflag:$0x2] =	stream.indirect_vreg.gather [hbm4b:s4+s2], $0x80, v3, vm0, $0xb8;
	[tilespmem:$0x18800] =	vst v63  }
0x118: {  	s9 =	simm.s32 $0xC000  }
0x119: {  	[tilespmem:s9], [sflag:$0x2] =	stream.indirect_vreg.gather [hbm4b:s5+s2], $0x80, v3, vm0, $0xb8;
	[tilespmem:$0x18800] =	vst v63  }
0x11a: {  	_ =	swait.ge [sflag:s15], $0x6000  }
0x11b: {  	[sflag:s15] =	ssyncset.done $0x0  }
0x11c: {  	s26 =	rddreg [dreg:$0x7];
	[sflag:s15] =	ssyncadd.s32 $0xFFFFA000  }
0x11d: {  	[hbm4b:s26+s2] =	stream.linear.scatter [tilespmem:s7], [sflag:$0x8], $0x6000, $0x38;
	[tilespmem:$0x18800] =	vst v63  }
0x11e: {  	_ =	swait.ge [sflag:s16], $0x6000  }
0x11f: {  	[sflag:s16] =	ssyncset.done $0x0  }
0x120: {  	[sflag:s16] =	ssyncadd.s32 $0xFFFFA000  }
0x121: {  	v3 =	vld [tilespmem:$0x180];
	_ =	sdelay $0x4  }
0x122: {  	v44 =	vshrl.u32 v3, $0x3  }
0x123: {  	v4 =	vmul.u32 $0x30, v44  }
0x124: {  	v3 =	vand.u32 $0x7, v3  }
0x125: {  	v3 =	vor.u32 v3, v4  }
0x126: {  	v4 =	vperm.xlane v3, v0;
	_ =	sdelay $0x1  }
0x127: {  	v4 =	vadd.s32 v1, v4;
	_ =	sdelay $0x3  }
0x128: {  	v3 =	vperm.xlane v3, v2  }
0x129: {  	[tilespmem:s0], [sflag:$0x3] =	stream.indirect_vreg.gather [hbm4b:s3+s2], $0x80, v4, vm0, $0xb8;
	[tilespmem:$0x18800] =	vst v63  }
0x12a: {  	s8 =	simm.s32 $0xD000;
	v3 =	vadd.s32 v1, v3  }
0x12b: {  	[tilespmem:s8], [sflag:$0x3] =	stream.indirect_vreg.gather [hbm4b:s4+s2], $0x80, v4, vm0, $0xb8;
	[tilespmem:$0x18800] =	vst v63  }
0x12c: {  	s30 =	simm.s32 $0xD800  }
0x12d: {  	[tilespmem:s30], [sflag:$0x3] =	stream.indirect_vreg.gather [hbm4b:s5+s2], $0x80, v4, vm0, $0xb8;
	[tilespmem:$0x18800] =	vst v63  }
0x12e: {  	s31 =	simm.s32 $0xE000  }
0x12f: {  	[tilespmem:s31], [sflag:$0x3] =	stream.indirect_vreg.gather [hbm4b:s3+s2], $0x80, v3, vm0, $0xb8;
	[tilespmem:$0x18800] =	vst v63  }
0x130: {  	s22 =	simm.s32 $0xE800  }
0x131: {  	[tilespmem:s22], [sflag:$0x3] =	stream.indirect_vreg.gather [hbm4b:s4+s2], $0x80, v3, vm0, $0xb8;
	[tilespmem:$0x18800] =	vst v63  }
0x132: {  	s28 =	simm.s32 $0xF000  }
0x133: {  	[tilespmem:s28], [sflag:$0x3] =	stream.indirect_vreg.gather [hbm4b:s5+s2], $0x80, v3, vm0, $0xb8;
	[tilespmem:$0x18800] =	vst v63  }
0x134: {  	v3 =	vld [tilespmem:$0x190];
	_ =	sdelay $0x4  }
0x135: {  	v45 =	vshrl.u32 v3, $0x3  }
0x136: {  	v4 =	vmul.u32 $0x30, v45  }
0x137: {  	v3 =	vand.u32 $0x7, v3  }
0x138: {  	v3 =	vor.u32 v3, v4  }
0x139: {  	v4 =	vperm.xlane v3, v0;
	_ =	sdelay $0x1  }
0x13a: {  	v4 =	vadd.s32 v1, v4;
	_ =	sdelay $0x3  }
0x13b: {  	s24 =	simm.s32 $0xF800;
	v3 =	vperm.xlane v3, v2  }
0x13c: {  	[tilespmem:s24], [sflag:$0x3] =	stream.indirect_vreg.gather [hbm4b:s3+s2], $0x80, v4, vm0, $0xb8;
	[tilespmem:$0x18800] =	vst v63  }
0x13d: {  	s23 =	simm.s32 $0x10000;
	v3 =	vadd.s32 v1, v3  }
0x13e: {  	[tilespmem:s23], [sflag:$0x3] =	stream.indirect_vreg.gather [hbm4b:s4+s2], $0x80, v4, vm0, $0xb8;
	[tilespmem:$0x18800] =	vst v63  }
0x13f: {  	s24 =	simm.s32 $0x10800  }
0x140: {  	[tilespmem:s24], [sflag:$0x3] =	stream.indirect_vreg.gather [hbm4b:s5+s2], $0x80, v4, vm0, $0xb8;
	[tilespmem:$0x18800] =	vst v63  }
0x141: {  	s26 =	simm.s32 $0x11000  }
0x142: {  	[tilespmem:s26], [sflag:$0x3] =	stream.indirect_vreg.gather [hbm4b:s3+s2], $0x80, v3, vm0, $0xb8;
	[tilespmem:$0x18800] =	vst v63  }
0x143: {  	s28 =	simm.s32 $0x11800  }
0x144: {  	[tilespmem:s28], [sflag:$0x3] =	stream.indirect_vreg.gather [hbm4b:s4+s2], $0x80, v3, vm0, $0xb8;
	[tilespmem:$0x18800] =	vst v63  }
0x145: {  	s18 =	simm.s32 $0x12000  }
0x146: {  	[tilespmem:s18], [sflag:$0x3] =	stream.indirect_vreg.gather [hbm4b:s5+s2], $0x80, v3, vm0, $0xb8;
	[tilespmem:$0x18800] =	vst v63  }
0x147: {  	_ =	swait.ge [sflag:s10], $0x6000  }
0x148: {  	[sflag:s10] =	ssyncset.done $0x0  }
0x149: {  	s0 =	simm.s32 $0x800;
	s18 =	rddreg [dreg:$0x8];
	[sflag:s10] =	ssyncadd.s32 $0xFFFFA000  }
0x14a: {  	[hbm4b:s18+s2] =	stream.linear.scatter [tilespmem:s0], [sflag:$0x5], $0x6000, $0x38;
	[tilespmem:$0x18800] =	vst v63  }
0x14b: {  	_ =	swait.ge [sflag:s17], $0x6000  }
0x14c: {  	[sflag:s17] =	ssyncset.done $0x0  }
0x14d: {  	[sflag:s17] =	ssyncadd.s32 $0xFFFFA000  }
0x14e: {  	v3 =	vld [tilespmem:$0x580];
	_ =	sdelay $0x4  }
0x14f: {  	v46 =	vshrl.u32 v3, $0x3  }
0x150: {  	v4 =	vmul.u32 $0x30, v46  }
0x151: {  	v3 =	vand.u32 $0x7, v3  }
0x152: {  	v3 =	vor.u32 v3, v4  }
0x153: {  	v4 =	vperm.xlane v3, v0;
	_ =	sdelay $0x1  }
0x154: {  	v4 =	vadd.s32 v1, v4;
	_ =	sdelay $0x3  }
0x155: {  	v3 =	vperm.xlane v3, v2  }
0x156: {  	[tilespmem:s7], [sflag:$0x4] =	stream.indirect_vreg.gather [hbm4b:s3+s2], $0x80, v4, vm0, $0xb8;
	[tilespmem:$0x18800] =	vst v63  }
0x157: {  	s18 =	simm.s32 $0x13000;
	v3 =	vadd.s32 v1, v3  }
0x158: {  	[tilespmem:s18], [sflag:$0x4] =	stream.indirect_vreg.gather [hbm4b:s4+s2], $0x80, v4, vm0, $0xb8;
	[tilespmem:$0x18800] =	vst v63  }
0x159: {  	s18 =	simm.s32 $0x13800  }
0x15a: {  	[tilespmem:s18], [sflag:$0x4] =	stream.indirect_vreg.gather [hbm4b:s5+s2], $0x80, v4, vm0, $0xb8;
	[tilespmem:$0x18800] =	vst v63  }
0x15b: {  	s18 =	simm.s32 $0x14000  }
0x15c: {  	[tilespmem:s18], [sflag:$0x4] =	stream.indirect_vreg.gather [hbm4b:s3+s2], $0x80, v3, vm0, $0xb8;
	[tilespmem:$0x18800] =	vst v63  }
0x15d: {  	s18 =	simm.s32 $0x14800  }
0x15e: {  	[tilespmem:s18], [sflag:$0x4] =	stream.indirect_vreg.gather [hbm4b:s4+s2], $0x80, v3, vm0, $0xb8;
	[tilespmem:$0x18800] =	vst v63  }
0x15f: {  	s18 =	simm.s32 $0x15000  }
0x160: {  	[tilespmem:s18], [sflag:$0x4] =	stream.indirect_vreg.gather [hbm4b:s5+s2], $0x80, v3, vm0, $0xb8;
	[tilespmem:$0x18800] =	vst v63  }
0x161: {  	v3 =	vld [tilespmem:$0x590];
	_ =	sdelay $0x4  }
0x162: {  	v47 =	vshrl.u32 v3, $0x3  }
0x163: {  	v4 =	vmul.u32 $0x30, v47  }
0x164: {  	v3 =	vand.u32 $0x7, v3  }
0x165: {  	v3 =	vor.u32 v3, v4  }
0x166: {  	v4 =	vperm.xlane v3, v0;
	_ =	sdelay $0x1  }
0x167: {  	v4 =	vadd.s32 v1, v4;
	_ =	sdelay $0x3  }
0x168: {  	s18 =	simm.s32 $0x15800;
	v3 =	vperm.xlane v3, v2  }
0x169: {  	[tilespmem:s18], [sflag:$0x4] =	stream.indirect_vreg.gather [hbm4b:s3+s2], $0x80, v4, vm0, $0xb8;
	[tilespmem:$0x18800] =	vst v63  }
0x16a: {  	v3 =	vadd.s32 v1, v3;
	s18 =	simm.s32 $0x16000  }
0x16b: {  	[tilespmem:s18], [sflag:$0x4] =	stream.indirect_vreg.gather [hbm4b:s4+s2], $0x80, v4, vm0, $0xb8;
	[tilespmem:$0x18800] =	vst v63  }
0x16c: {  	s18 =	simm.s32 $0x16800  }
0x16d: {  	[tilespmem:s18], [sflag:$0x4] =	stream.indirect_vreg.gather [hbm4b:s5+s2], $0x80, v4, vm0, $0xb8;
	[tilespmem:$0x18800] =	vst v63  }
0x16e: {  	s18 =	simm.s32 $0x17000  }
0x16f: {  	[tilespmem:s18], [sflag:$0x4] =	stream.indirect_vreg.gather [hbm4b:s3+s2], $0x80, v3, vm0, $0xb8;
	[tilespmem:$0x18800] =	vst v63  }
0x170: {  	s18 =	simm.s32 $0x17800  }
0x171: {  	[tilespmem:s18], [sflag:$0x4] =	stream.indirect_vreg.gather [hbm4b:s4+s2], $0x80, v3, vm0, $0xb8;
	[tilespmem:$0x18800] =	vst v63  }
0x172: {  	s18 =	simm.s32 $0x18000  }
0x173: {  	[tilespmem:s18], [sflag:$0x4] =	stream.indirect_vreg.gather [hbm4b:s5+s2], $0x80, v3, vm0, $0xb8;
	[tilespmem:$0x18800] =	vst v63  }
0x174: {  	_ =	swait.ge [sflag:s11], $0x6000  }
0x175: {  	[sflag:s11] =	ssyncset.done $0x0  }
0x176: {  	s1 =	simm.s32 $0x6800;
	s18 =	rddreg [dreg:$0x9];
	[sflag:s11] =	ssyncadd.s32 $0xFFFFA000  }
0x177: {  	[hbm4b:s18+s2] =	stream.linear.scatter [tilespmem:s1], [sflag:$0x6], $0x6000, $0x38;
	[tilespmem:$0x18800] =	vst v63  }
0x178: {  	_ =	swait.ge [sflag:s12], $0x6000  }
0x179: {  	[sflag:s12] =	ssyncset.done $0x0  }
0x17a: {  	[sflag:s12] =	ssyncadd.s32 $0xFFFFA000  }
0x17b: {  	v3 =	vld [tilespmem:$0x200];
	_ =	sdelay $0x4  }
0x17c: {  	v48 =	vshrl.u32 v3, $0x3  }
0x17d: {  	v4 =	vmul.u32 $0x30, v48  }
0x17e: {  	v3 =	vand.u32 $0x7, v3  }
0x17f: {  	v3 =	vor.u32 v3, v4  }
0x180: {  	v4 =	vperm.xlane v3, v0;
	_ =	sdelay $0x1  }
0x181: {  	v4 =	vadd.s32 v1, v4;
	_ =	sdelay $0x3  }
0x182: {  	v3 =	vperm.xlane v3, v2  }
0x183: {  	[tilespmem:s0], [sflag:$0x1] =	stream.indirect_vreg.gather [hbm4b:s3+s2], $0x80, v4, vm0, $0xb8;
	[tilespmem:$0x18800] =	vst v63  }
0x184: {  	s18 =	simm.s32 $0x1000;
	v3 =	vadd.s32 v1, v3  }
0x185: {  	[tilespmem:s18], [sflag:$0x1] =	stream.indirect_vreg.gather [hbm4b:s4+s2], $0x80, v4, vm0, $0xb8;
	[tilespmem:$0x18800] =	vst v63  }
0x186: {  	_ = 	snop  }
0x187: {  	[tilespmem:s25], [sflag:$0x1] =	stream.indirect_vreg.gather [hbm4b:s5+s2], $0x80, v4, vm0, $0xb8;
	[tilespmem:$0x18800] =	vst v63  }
0x188: {  	s18 =	simm.s32 $0x2000  }
0x189: {  	[tilespmem:s18], [sflag:$0x1] =	stream.indirect_vreg.gather [hbm4b:s3+s2], $0x80, v3, vm0, $0xb8;
	[tilespmem:$0x18800] =	vst v63  }
0x18a: {  	_ = 	snop  }
0x18b: {  	[tilespmem:s19], [sflag:$0x1] =	stream.indirect_vreg.gather [hbm4b:s4+s2], $0x80, v3, vm0, $0xb8;
	[tilespmem:$0x18800] =	vst v63  }
0x18c: {  	s18 =	simm.s32 $0x3000  }
0x18d: {  	[tilespmem:s18], [sflag:$0x1] =	stream.indirect_vreg.gather [hbm4b:s5+s2], $0x80, v3, vm0, $0xb8;
	[tilespmem:$0x18800] =	vst v63  }
0x18e: {  	v3 =	vld [tilespmem:$0x210];
	_ =	sdelay $0x4  }
0x18f: {  	v49 =	vshrl.u32 v3, $0x3  }
0x190: {  	v4 =	vmul.u32 $0x30, v49  }
0x191: {  	v3 =	vand.u32 $0x7, v3  }
0x192: {  	v3 =	vor.u32 v3, v4  }
0x193: {  	v4 =	vperm.xlane v3, v0;
	_ =	sdelay $0x1  }
0x194: {  	v4 =	vadd.s32 v1, v4;
	_ =	sdelay $0x3  }
0x195: {  	s18 =	simm.s32 $0x3800;
	v3 =	vperm.xlane v3, v2  }
0x196: {  	[tilespmem:s18], [sflag:$0x1] =	stream.indirect_vreg.gather [hbm4b:s3+s2], $0x80, v4, vm0, $0xb8;
	[tilespmem:$0x18800] =	vst v63  }
0x197: {  	v3 =	vadd.s32 v1, v3  }
0x198: {  	[tilespmem:s20], [sflag:$0x1] =	stream.indirect_vreg.gather [hbm4b:s4+s2], $0x80, v4, vm0, $0xb8;
	[tilespmem:$0x18800] =	vst v63  }
0x199: {  	_ = 	snop  }
0x19a: {  	[tilespmem:s21], [sflag:$0x1] =	stream.indirect_vreg.gather [hbm4b:s5+s2], $0x80, v4, vm0, $0xb8;
	[tilespmem:$0x18800] =	vst v63  }
0x19b: {  	s18 =	simm.s32 $0x5000  }
0x19c: {  	[tilespmem:s18], [sflag:$0x1] =	stream.indirect_vreg.gather [hbm4b:s3+s2], $0x80, v3, vm0, $0xb8;
	[tilespmem:$0x18800] =	vst v63  }
0x19d: {  	s18 =	simm.s32 $0x5800  }
0x19e: {  	[tilespmem:s18], [sflag:$0x1] =	stream.indirect_vreg.gather [hbm4b:s4+s2], $0x80, v3, vm0, $0xb8;
	[tilespmem:$0x18800] =	vst v63  }
0x19f: {  	s18 =	simm.s32 $0x6000  }
0x1a0: {  	[tilespmem:s18], [sflag:$0x1] =	stream.indirect_vreg.gather [hbm4b:s5+s2], $0x80, v3, vm0, $0xb8;
	[tilespmem:$0x18800] =	vst v63  }
0x1a1: {  	_ =	swait.ge [sflag:s13], $0x6000  }
0x1a2: {  	[sflag:s13] =	ssyncset.done $0x0  }
0x1a3: {  	s0 =	simm.s32 $0xC800;
	s18 =	rddreg [dreg:$0xa];
	[sflag:s13] =	ssyncadd.s32 $0xFFFFA000  }
0x1a4: {  	[hbm4b:s18+s2] =	stream.linear.scatter [tilespmem:s0], [sflag:$0x7], $0x6000, $0x38;
	[tilespmem:$0x18800] =	vst v63  }
0x1a5: {  	_ =	swait.ge [sflag:s14], $0x6000  }
0x1a6: {  	[sflag:s14] =	ssyncset.done $0x0  }
0x1a7: {  	[sflag:s14] =	ssyncadd.s32 $0xFFFFA000  }
0x1a8: {  	v3 =	vld [tilespmem:$0x600];
	_ =	sdelay $0x4  }
0x1a9: {  	v50 =	vshrl.u32 v3, $0x3  }
0x1aa: {  	v4 =	vmul.u32 $0x30, v50  }
0x1ab: {  	v3 =	vand.u32 $0x7, v3  }
0x1ac: {  	v3 =	vor.u32 v3, v4  }
0x1ad: {  	v4 =	vperm.xlane v3, v0;
	_ =	sdelay $0x1  }
0x1ae: {  	v4 =	vadd.s32 v1, v4;
	_ =	sdelay $0x3  }
0x1af: {  	v3 =	vperm.xlane v3, v2  }
0x1b0: {  	[tilespmem:s1], [sflag:$0x2] =	stream.indirect_vreg.gather [hbm4b:s3+s2], $0x80, v4, vm0, $0xb8;
	[tilespmem:$0x18800] =	vst v63  }
0x1b1: {  	s18 =	simm.s32 $0x7000;
	v3 =	vadd.s32 v1, v3  }
0x1b2: {  	[tilespmem:s18], [sflag:$0x2] =	stream.indirect_vreg.gather [hbm4b:s4+s2], $0x80, v4, vm0, $0xb8;
	[tilespmem:$0x18800] =	vst v63  }
0x1b3: {  	s1 =	simm.s32 $0x7800  }
0x1b4: {  	[tilespmem:s1], [sflag:$0x2] =	stream.indirect_vreg.gather [hbm4b:s5+s2], $0x80, v4, vm0, $0xb8;
	[tilespmem:$0x18800] =	vst v63  }
0x1b5: {  	s18 =	simm.s32 $0x8000  }
0x1b6: {  	[tilespmem:s18], [sflag:$0x2] =	stream.indirect_vreg.gather [hbm4b:s3+s2], $0x80, v3, vm0, $0xb8;
	[tilespmem:$0x18800] =	vst v63  }
0x1b7: {  	s1 =	simm.s32 $0x8800  }
0x1b8: {  	[tilespmem:s1], [sflag:$0x2] =	stream.indirect_vreg.gather [hbm4b:s4+s2], $0x80, v3, vm0, $0xb8;
	[tilespmem:$0x18800] =	vst v63  }
0x1b9: {  	s18 =	simm.s32 $0x9000  }
0x1ba: {  	[tilespmem:s18], [sflag:$0x2] =	stream.indirect_vreg.gather [hbm4b:s5+s2], $0x80, v3, vm0, $0xb8;
	[tilespmem:$0x18800] =	vst v63  }
0x1bb: {  	v3 =	vld [tilespmem:$0x610];
	_ =	sdelay $0x4  }
0x1bc: {  	v51 =	vshrl.u32 v3, $0x3  }
0x1bd: {  	v4 =	vmul.u32 $0x30, v51  }
0x1be: {  	v3 =	vand.u32 $0x7, v3  }
0x1bf: {  	v3 =	vor.u32 v3, v4  }
0x1c0: {  	v4 =	vperm.xlane v3, v0;
	_ =	sdelay $0x1  }
0x1c1: {  	v4 =	vadd.s32 v1, v4;
	_ =	sdelay $0x3  }
0x1c2: {  	s1 =	simm.s32 $0x9800;
	v3 =	vperm.xlane v3, v2  }
0x1c3: {  	[tilespmem:s1], [sflag:$0x2] =	stream.indirect_vreg.gather [hbm4b:s3+s2], $0x80, v4, vm0, $0xb8;
	[tilespmem:$0x18800] =	vst v63  }
0x1c4: {  	s18 =	simm.s32 $0xA000;
	v3 =	vadd.s32 v1, v3  }
0x1c5: {  	[tilespmem:s18], [sflag:$0x2] =	stream.indirect_vreg.gather [hbm4b:s4+s2], $0x80, v4, vm0, $0xb8;
	[tilespmem:$0x18800] =	vst v63  }
0x1c6: {  	s1 =	simm.s32 $0xA800  }
0x1c7: {  	[tilespmem:s1], [sflag:$0x2] =	stream.indirect_vreg.gather [hbm4b:s5+s2], $0x80, v4, vm0, $0xb8;
	[tilespmem:$0x18800] =	vst v63  }
0x1c8: {  	_ = 	snop  }
0x1c9: {  	[tilespmem:s29], [sflag:$0x2] =	stream.indirect_vreg.gather [hbm4b:s3+s2], $0x80, v3, vm0, $0xb8;
	[tilespmem:$0x18800] =	vst v63  }
0x1ca: {  	s18 =	simm.s32 $0xB800  }
0x1cb: {  	[tilespmem:s18], [sflag:$0x2] =	stream.indirect_vreg.gather [hbm4b:s4+s2], $0x80, v3, vm0, $0xb8;
	[tilespmem:$0x18800] =	vst v63  }
0x1cc: {  	_ = 	snop  }
0x1cd: {  	[tilespmem:s9], [sflag:$0x2] =	stream.indirect_vreg.gather [hbm4b:s5+s2], $0x80, v3, vm0, $0xb8;
	[tilespmem:$0x18800] =	vst v63  }
0x1ce: {  	_ =	swait.ge [sflag:s15], $0x6000  }
0x1cf: {  	[sflag:s15] =	ssyncset.done $0x0  }
0x1d0: {  	s0 =	rddreg [dreg:$0xb];
	[sflag:s15] =	ssyncadd.s32 $0xFFFFA000  }
0x1d1: {  	[hbm4b:s0+s2] =	stream.linear.scatter [tilespmem:s7], [sflag:$0x8], $0x6000, $0x38;
	[tilespmem:$0x18800] =	vst v63  }
0x1d2: {  	_ =	swait.ge [sflag:s16], $0x6000  }
0x1d3: {  	[sflag:s16] =	ssyncset.done $0x0  }
0x1d4: {  	[sflag:s16] =	ssyncadd.s32 $0xFFFFA000  }
0x1d5: {  	v3 =	vld [tilespmem:$0x280];
	_ =	sdelay $0x4  }
0x1d6: {  	v52 =	vshrl.u32 v3, $0x3  }
0x1d7: {  	v4 =	vmul.u32 $0x30, v52  }
0x1d8: {  	v3 =	vand.u32 $0x7, v3  }
0x1d9: {  	v3 =	vor.u32 v3, v4  }
0x1da: {  	v4 =	vperm.xlane v3, v0;
	_ =	sdelay $0x1  }
0x1db: {  	v4 =	vadd.s32 v1, v4;
	_ =	sdelay $0x3  }
0x1dc: {  	s0 =	simm.s32 $0xC800;
	v3 =	vperm.xlane v3, v2  }
0x1dd: {  	[tilespmem:s0], [sflag:$0x3] =	stream.indirect_vreg.gather [hbm4b:s3+s2], $0x80, v4, vm0, $0xb8;
	[tilespmem:$0x18800] =	vst v63  }
0x1de: {  	v3 =	vadd.s32 v1, v3  }
0x1df: {  	[tilespmem:s8], [sflag:$0x3] =	stream.indirect_vreg.gather [hbm4b:s4+s2], $0x80, v4, vm0, $0xb8;
	[tilespmem:$0x18800] =	vst v63  }
0x1e0: {  	_ = 	snop  }
0x1e1: {  	[tilespmem:s30], [sflag:$0x3] =	stream.indirect_vreg.gather [hbm4b:s5+s2], $0x80, v4, vm0, $0xb8;
	[tilespmem:$0x18800] =	vst v63  }
0x1e2: {  	_ = 	snop  }
0x1e3: {  	[tilespmem:s31], [sflag:$0x3] =	stream.indirect_vreg.gather [hbm4b:s3+s2], $0x80, v3, vm0, $0xb8;
	[tilespmem:$0x18800] =	vst v63  }
0x1e4: {  	_ = 	snop  }
0x1e5: {  	[tilespmem:s22], [sflag:$0x3] =	stream.indirect_vreg.gather [hbm4b:s4+s2], $0x80, v3, vm0, $0xb8;
	[tilespmem:$0x18800] =	vst v63  }
0x1e6: {  	s1 =	simm.s32 $0xF000  }
0x1e7: {  	[tilespmem:s1], [sflag:$0x3] =	stream.indirect_vreg.gather [hbm4b:s5+s2], $0x80, v3, vm0, $0xb8;
	[tilespmem:$0x18800] =	vst v63  }
0x1e8: {  	v3 =	vld [tilespmem:$0x290];
	_ =	sdelay $0x4  }
0x1e9: {  	v53 =	vshrl.u32 v3, $0x3  }
0x1ea: {  	v4 =	vmul.u32 $0x30, v53  }
0x1eb: {  	v3 =	vand.u32 $0x7, v3  }
0x1ec: {  	v3 =	vor.u32 v3, v4  }
0x1ed: {  	v4 =	vperm.xlane v3, v0;
	_ =	sdelay $0x1  }
0x1ee: {  	v4 =	vadd.s32 v1, v4;
	_ =	sdelay $0x3  }
0x1ef: {  	s31 =	simm.s32 $0xF800;
	v3 =	vperm.xlane v3, v2  }
0x1f0: {  	[tilespmem:s31], [sflag:$0x3] =	stream.indirect_vreg.gather [hbm4b:s3+s2], $0x80, v4, vm0, $0xb8;
	[tilespmem:$0x18800] =	vst v63  }
0x1f1: {  	v3 =	vadd.s32 v1, v3  }
0x1f2: {  	[tilespmem:s23], [sflag:$0x3] =	stream.indirect_vreg.gather [hbm4b:s4+s2], $0x80, v4, vm0, $0xb8;
	[tilespmem:$0x18800] =	vst v63  }
0x1f3: {  	_ = 	snop  }
0x1f4: {  	[tilespmem:s24], [sflag:$0x3] =	stream.indirect_vreg.gather [hbm4b:s5+s2], $0x80, v4, vm0, $0xb8;
	[tilespmem:$0x18800] =	vst v63  }
0x1f5: {  	_ = 	snop  }
0x1f6: {  	[tilespmem:s26], [sflag:$0x3] =	stream.indirect_vreg.gather [hbm4b:s3+s2], $0x80, v3, vm0, $0xb8;
	[tilespmem:$0x18800] =	vst v63  }
0x1f7: {  	_ = 	snop  }
0x1f8: {  	[tilespmem:s28], [sflag:$0x3] =	stream.indirect_vreg.gather [hbm4b:s4+s2], $0x80, v3, vm0, $0xb8;
	[tilespmem:$0x18800] =	vst v63  }
0x1f9: {  	s1 =	simm.s32 $0x12000  }
0x1fa: {  	[tilespmem:s1], [sflag:$0x3] =	stream.indirect_vreg.gather [hbm4b:s5+s2], $0x80, v3, vm0, $0xb8;
	[tilespmem:$0x18800] =	vst v63  }
0x1fb: {  	_ =	swait.ge [sflag:s10], $0x6000  }
0x1fc: {  	[sflag:s10] =	ssyncset.done $0x0  }
0x1fd: {  	s1 =	simm.s32 $0x800;
	s31 =	rddreg [dreg:$0xc];
	[sflag:s10] =	ssyncadd.s32 $0xFFFFA000  }
0x1fe: {  	[hbm4b:s31+s2] =	stream.linear.scatter [tilespmem:s1], [sflag:$0x5], $0x6000, $0x38;
	[tilespmem:$0x18800] =	vst v63  }
0x1ff: {  	_ =	swait.ge [sflag:s17], $0x6000  }
0x200: {  	[sflag:s17] =	ssyncset.done $0x0  }
0x201: {  	[sflag:s17] =	ssyncadd.s32 $0xFFFFA000  }
0x202: {  	v3 =	vld [tilespmem:$0x680];
	_ =	sdelay $0x4  }
0x203: {  	v54 =	vshrl.u32 v3, $0x3  }
0x204: {  	v4 =	vmul.u32 $0x30, v54  }
0x205: {  	v3 =	vand.u32 $0x7, v3  }
0x206: {  	v3 =	vor.u32 v3, v4  }
0x207: {  	v4 =	vperm.xlane v3, v0;
	_ =	sdelay $0x1  }
0x208: {  	v4 =	vadd.s32 v1, v4;
	_ =	sdelay $0x3  }
0x209: {  	v3 =	vperm.xlane v3, v2  }
0x20a: {  	[tilespmem:s7], [sflag:$0x4] =	stream.indirect_vreg.gather [hbm4b:s3+s2], $0x80, v4, vm0, $0xb8;
	[tilespmem:$0x18800] =	vst v63  }
0x20b: {  	s31 =	simm.s32 $0x13000;
	v3 =	vadd.s32 v1, v3  }
0x20c: {  	[tilespmem:s31], [sflag:$0x4] =	stream.indirect_vreg.gather [hbm4b:s4+s2], $0x80, v4, vm0, $0xb8;
	[tilespmem:$0x18800] =	vst v63  }
0x20d: {  	s31 =	simm.s32 $0x13800  }
0x20e: {  	[tilespmem:s31], [sflag:$0x4] =	stream.indirect_vreg.gather [hbm4b:s5+s2], $0x80, v4, vm0, $0xb8;
	[tilespmem:$0x18800] =	vst v63  }
0x20f: {  	s31 =	simm.s32 $0x14000  }
0x210: {  	[tilespmem:s31], [sflag:$0x4] =	stream.indirect_vreg.gather [hbm4b:s3+s2], $0x80, v3, vm0, $0xb8;
	[tilespmem:$0x18800] =	vst v63  }
0x211: {  	s31 =	simm.s32 $0x14800  }
0x212: {  	[tilespmem:s31], [sflag:$0x4] =	stream.indirect_vreg.gather [hbm4b:s4+s2], $0x80, v3, vm0, $0xb8;
	[tilespmem:$0x18800] =	vst v63  }
0x213: {  	s31 =	simm.s32 $0x15000  }
0x214: {  	[tilespmem:s31], [sflag:$0x4] =	stream.indirect_vreg.gather [hbm4b:s5+s2], $0x80, v3, vm0, $0xb8;
	[tilespmem:$0x18800] =	vst v63  }
0x215: {  	v3 =	vld [tilespmem:$0x690];
	_ =	sdelay $0x4  }
0x216: {  	v55 =	vshrl.u32 v3, $0x3  }
0x217: {  	v4 =	vmul.u32 $0x30, v55  }
0x218: {  	v3 =	vand.u32 $0x7, v3  }
0x219: {  	v3 =	vor.u32 v3, v4  }
0x21a: {  	v4 =	vperm.xlane v3, v0;
	_ =	sdelay $0x1  }
0x21b: {  	v4 =	vadd.s32 v1, v4;
	_ =	sdelay $0x3  }
0x21c: {  	s31 =	simm.s32 $0x15800;
	v3 =	vperm.xlane v3, v2  }
0x21d: {  	[tilespmem:s31], [sflag:$0x4] =	stream.indirect_vreg.gather [hbm4b:s3+s2], $0x80, v4, vm0, $0xb8;
	[tilespmem:$0x18800] =	vst v63  }
0x21e: {  	v3 =	vadd.s32 v1, v3;
	s31 =	simm.s32 $0x16000  }
0x21f: {  	[tilespmem:s31], [sflag:$0x4] =	stream.indirect_vreg.gather [hbm4b:s4+s2], $0x80, v4, vm0, $0xb8;
	[tilespmem:$0x18800] =	vst v63  }
0x220: {  	s31 =	simm.s32 $0x16800  }
0x221: {  	[tilespmem:s31], [sflag:$0x4] =	stream.indirect_vreg.gather [hbm4b:s5+s2], $0x80, v4, vm0, $0xb8;
	[tilespmem:$0x18800] =	vst v63  }
0x222: {  	s31 =	simm.s32 $0x17000  }
0x223: {  	[tilespmem:s31], [sflag:$0x4] =	stream.indirect_vreg.gather [hbm4b:s3+s2], $0x80, v3, vm0, $0xb8;
	[tilespmem:$0x18800] =	vst v63  }
0x224: {  	s31 =	simm.s32 $0x17800  }
0x225: {  	[tilespmem:s31], [sflag:$0x4] =	stream.indirect_vreg.gather [hbm4b:s4+s2], $0x80, v3, vm0, $0xb8;
	[tilespmem:$0x18800] =	vst v63  }
0x226: {  	s31 =	simm.s32 $0x18000  }
0x227: {  	[tilespmem:s31], [sflag:$0x4] =	stream.indirect_vreg.gather [hbm4b:s5+s2], $0x80, v3, vm0, $0xb8;
	[tilespmem:$0x18800] =	vst v63  }
0x228: {  	_ =	swait.ge [sflag:s11], $0x6000  }
0x229: {  	[sflag:s11] =	ssyncset.done $0x0  }
0x22a: {  	s31 =	simm.s32 $0x6800;
	s18 =	rddreg [dreg:$0xd];
	[sflag:s11] =	ssyncadd.s32 $0xFFFFA000  }
0x22b: {  	[hbm4b:s18+s2] =	stream.linear.scatter [tilespmem:s31], [sflag:$0x6], $0x6000, $0x38;
	[tilespmem:$0x18800] =	vst v63  }
0x22c: {  	_ =	swait.ge [sflag:s12], $0x6000  }
0x22d: {  	[sflag:s12] =	ssyncset.done $0x0  }
0x22e: {  	[sflag:s12] =	ssyncadd.s32 $0xFFFFA000  }
0x22f: {  	v3 =	vld [tilespmem:$0x300];
	_ =	sdelay $0x4  }
0x230: {  	v56 =	vshrl.u32 v3, $0x3  }
0x231: {  	v4 =	vmul.u32 $0x30, v56  }
0x232: {  	v3 =	vand.u32 $0x7, v3  }
0x233: {  	v3 =	vor.u32 v3, v4  }
0x234: {  	v4 =	vperm.xlane v3, v0;
	_ =	sdelay $0x1  }
0x235: {  	v4 =	vadd.s32 v1, v4;
	_ =	sdelay $0x3  }
0x236: {  	v3 =	vperm.xlane v3, v2  }
0x237: {  	[tilespmem:s1], [sflag:$0x1] =	stream.indirect_vreg.gather [hbm4b:s3+s2], $0x80, v4, vm0, $0xb8;
	[tilespmem:$0x18800] =	vst v63  }
0x238: {  	s18 =	simm.s32 $0x1000;
	v3 =	vadd.s32 v1, v3  }
0x239: {  	[tilespmem:s18], [sflag:$0x1] =	stream.indirect_vreg.gather [hbm4b:s4+s2], $0x80, v4, vm0, $0xb8;
	[tilespmem:$0x18800] =	vst v63  }
0x23a: {  	s25 =	simm.s32 $0x1800  }
0x23b: {  	[tilespmem:s25], [sflag:$0x1] =	stream.indirect_vreg.gather [hbm4b:s5+s2], $0x80, v4, vm0, $0xb8;
	[tilespmem:$0x18800] =	vst v63  }
0x23c: {  	s25 =	simm.s32 $0x2000  }
0x23d: {  	[tilespmem:s25], [sflag:$0x1] =	stream.indirect_vreg.gather [hbm4b:s3+s2], $0x80, v3, vm0, $0xb8;
	[tilespmem:$0x18800] =	vst v63  }
0x23e: {  	s19 =	simm.s32 $0x2800  }
0x23f: {  	[tilespmem:s19], [sflag:$0x1] =	stream.indirect_vreg.gather [hbm4b:s4+s2], $0x80, v3, vm0, $0xb8;
	[tilespmem:$0x18800] =	vst v63  }
0x240: {  	s19 =	simm.s32 $0x3000  }
0x241: {  	[tilespmem:s19], [sflag:$0x1] =	stream.indirect_vreg.gather [hbm4b:s5+s2], $0x80, v3, vm0, $0xb8;
	[tilespmem:$0x18800] =	vst v63  }
0x242: {  	v3 =	vld [tilespmem:$0x310];
	_ =	sdelay $0x4  }
0x243: {  	v57 =	vshrl.u32 v3, $0x3  }
0x244: {  	v4 =	vmul.u32 $0x30, v57  }
0x245: {  	v3 =	vand.u32 $0x7, v3  }
0x246: {  	v3 =	vor.u32 v3, v4  }
0x247: {  	v4 =	vperm.xlane v3, v0;
	_ =	sdelay $0x1  }
0x248: {  	v4 =	vadd.s32 v1, v4;
	_ =	sdelay $0x3  }
0x249: {  	s25 =	simm.s32 $0x3800;
	v3 =	vperm.xlane v3, v2  }
0x24a: {  	[tilespmem:s25], [sflag:$0x1] =	stream.indirect_vreg.gather [hbm4b:s3+s2], $0x80, v4, vm0, $0xb8;
	[tilespmem:$0x18800] =	vst v63  }
0x24b: {  	s20 =	simm.s32 $0x4000;
	v3 =	vadd.s32 v1, v3  }
0x24c: {  	[tilespmem:s20], [sflag:$0x1] =	stream.indirect_vreg.gather [hbm4b:s4+s2], $0x80, v4, vm0, $0xb8;
	[tilespmem:$0x18800] =	vst v63  }
0x24d: {  	s21 =	simm.s32 $0x4800  }
0x24e: {  	[tilespmem:s21], [sflag:$0x1] =	stream.indirect_vreg.gather [hbm4b:s5+s2], $0x80, v4, vm0, $0xb8;
	[tilespmem:$0x18800] =	vst v63  }
0x24f: {  	s19 =	simm.s32 $0x5000  }
0x250: {  	[tilespmem:s19], [sflag:$0x1] =	stream.indirect_vreg.gather [hbm4b:s3+s2], $0x80, v3, vm0, $0xb8;
	[tilespmem:$0x18800] =	vst v63  }
0x251: {  	s20 =	simm.s32 $0x5800  }
0x252: {  	[tilespmem:s20], [sflag:$0x1] =	stream.indirect_vreg.gather [hbm4b:s4+s2], $0x80, v3, vm0, $0xb8;
	[tilespmem:$0x18800] =	vst v63  }
0x253: {  	s21 =	simm.s32 $0x6000  }
0x254: {  	[tilespmem:s21], [sflag:$0x1] =	stream.indirect_vreg.gather [hbm4b:s5+s2], $0x80, v3, vm0, $0xb8;
	[tilespmem:$0x18800] =	vst v63  }
0x255: {  	_ =	swait.ge [sflag:s13], $0x6000  }
0x256: {  	[sflag:s13] =	ssyncset.done $0x0  }
0x257: {  	s25 =	rddreg [dreg:$0xe];
	[sflag:s13] =	ssyncadd.s32 $0xFFFFA000  }
0x258: {  	[hbm4b:s25+s2] =	stream.linear.scatter [tilespmem:s0], [sflag:$0x7], $0x6000, $0x38;
	[tilespmem:$0x18800] =	vst v63  }
0x259: {  	_ =	swait.ge [sflag:s14], $0x6000  }
0x25a: {  	[sflag:s14] =	ssyncset.done $0x0  }
0x25b: {  	[sflag:s14] =	ssyncadd.s32 $0xFFFFA000  }
0x25c: {  	v3 =	vld [tilespmem:$0x700];
	_ =	sdelay $0x4  }
0x25d: {  	v58 =	vshrl.u32 v3, $0x3  }
0x25e: {  	v4 =	vmul.u32 $0x30, v58  }
0x25f: {  	v3 =	vand.u32 $0x7, v3  }
0x260: {  	v3 =	vor.u32 v3, v4  }
0x261: {  	v4 =	vperm.xlane v3, v0;
	_ =	sdelay $0x1  }
0x262: {  	v4 =	vadd.s32 v1, v4;
	_ =	sdelay $0x3  }
0x263: {  	v3 =	vperm.xlane v3, v2  }
0x264: {  	[tilespmem:s31], [sflag:$0x2] =	stream.indirect_vreg.gather [hbm4b:s3+s2], $0x80, v4, vm0, $0xb8;
	[tilespmem:$0x18800] =	vst v63  }
0x265: {  	s18 =	simm.s32 $0x7000;
	v3 =	vadd.s32 v1, v3  }
0x266: {  	[tilespmem:s18], [sflag:$0x2] =	stream.indirect_vreg.gather [hbm4b:s4+s2], $0x80, v4, vm0, $0xb8;
	[tilespmem:$0x18800] =	vst v63  }
0x267: {  	s21 =	simm.s32 $0x7800  }
0x268: {  	[tilespmem:s21], [sflag:$0x2] =	stream.indirect_vreg.gather [hbm4b:s5+s2], $0x80, v4, vm0, $0xb8;
	[tilespmem:$0x18800] =	vst v63  }
0x269: {  	s25 =	simm.s32 $0x8000  }
0x26a: {  	[tilespmem:s25], [sflag:$0x2] =	stream.indirect_vreg.gather [hbm4b:s3+s2], $0x80, v3, vm0, $0xb8;
	[tilespmem:$0x18800] =	vst v63  }
0x26b: {  	s31 =	simm.s32 $0x8800  }
0x26c: {  	[tilespmem:s31], [sflag:$0x2] =	stream.indirect_vreg.gather [hbm4b:s4+s2], $0x80, v3, vm0, $0xb8;
	[tilespmem:$0x18800] =	vst v63  }
0x26d: {  	s18 =	simm.s32 $0x9000  }
0x26e: {  	[tilespmem:s18], [sflag:$0x2] =	stream.indirect_vreg.gather [hbm4b:s5+s2], $0x80, v3, vm0, $0xb8;
	[tilespmem:$0x18800] =	vst v63  }
0x26f: {  	v3 =	vld [tilespmem:$0x710];
	_ =	sdelay $0x4  }
0x270: {  	v59 =	vshrl.u32 v3, $0x3  }
0x271: {  	v4 =	vmul.u32 $0x30, v59  }
0x272: {  	v3 =	vand.u32 $0x7, v3  }
0x273: {  	v3 =	vor.u32 v3, v4  }
0x274: {  	v4 =	vperm.xlane v3, v0;
	_ =	sdelay $0x1  }
0x275: {  	v4 =	vadd.s32 v1, v4;
	_ =	sdelay $0x3  }
0x276: {  	s21 =	simm.s32 $0x9800;
	v3 =	vperm.xlane v3, v2  }
0x277: {  	[tilespmem:s21], [sflag:$0x2] =	stream.indirect_vreg.gather [hbm4b:s3+s2], $0x80, v4, vm0, $0xb8;
	[tilespmem:$0x18800] =	vst v63  }
0x278: {  	s25 =	simm.s32 $0xA000;
	v3 =	vadd.s32 v1, v3  }
0x279: {  	[tilespmem:s25], [sflag:$0x2] =	stream.indirect_vreg.gather [hbm4b:s4+s2], $0x80, v4, vm0, $0xb8;
	[tilespmem:$0x18800] =	vst v63  }
0x27a: {  	s31 =	simm.s32 $0xA800  }
0x27b: {  	[tilespmem:s31], [sflag:$0x2] =	stream.indirect_vreg.gather [hbm4b:s5+s2], $0x80, v4, vm0, $0xb8;
	[tilespmem:$0x18800] =	vst v63  }
0x27c: {  	s29 =	simm.s32 $0xB000  }
0x27d: {  	[tilespmem:s29], [sflag:$0x2] =	stream.indirect_vreg.gather [hbm4b:s3+s2], $0x80, v3, vm0, $0xb8;
	[tilespmem:$0x18800] =	vst v63  }
0x27e: {  	s18 =	simm.s32 $0xB800  }
0x27f: {  	[tilespmem:s18], [sflag:$0x2] =	stream.indirect_vreg.gather [hbm4b:s4+s2], $0x80, v3, vm0, $0xb8;
	[tilespmem:$0x18800] =	vst v63  }
0x280: {  	s21 =	simm.s32 $0xC000  }
0x281: {  	[tilespmem:s21], [sflag:$0x2] =	stream.indirect_vreg.gather [hbm4b:s5+s2], $0x80, v3, vm0, $0xb8;
	[tilespmem:$0x18800] =	vst v63  }
0x282: {  	_ =	swait.ge [sflag:s15], $0x6000  }
0x283: {  	[sflag:s15] =	ssyncset.done $0x0  }
0x284: {  	s25 =	rddreg [dreg:$0xf];
	[sflag:s15] =	ssyncadd.s32 $0xFFFFA000  }
0x285: {  	[hbm4b:s25+s2] =	stream.linear.scatter [tilespmem:s7], [sflag:$0x8], $0x6000, $0x38;
	[tilespmem:$0x18800] =	vst v63  }
0x286: {  	_ =	swait.ge [sflag:s16], $0x6000  }
0x287: {  	[sflag:s16] =	ssyncset.done $0x0  }
0x288: {  	[sflag:s16] =	ssyncadd.s32 $0xFFFFA000  }
0x289: {  	v3 =	vld [tilespmem:$0x380];
	_ =	sdelay $0x4  }
0x28a: {  	v60 =	vshrl.u32 v3, $0x3  }
0x28b: {  	v4 =	vmul.u32 $0x30, v60  }
0x28c: {  	v3 =	vand.u32 $0x7, v3  }
0x28d: {  	v3 =	vor.u32 v3, v4  }
0x28e: {  	v4 =	vperm.xlane v3, v0;
	_ =	sdelay $0x1  }
0x28f: {  	v4 =	vadd.s32 v1, v4;
	_ =	sdelay $0x3  }
0x290: {  	s20 =	simm.s32 $0xC800;
	v3 =	vperm.xlane v3, v2  }
0x291: {  	[tilespmem:s20], [sflag:$0x3] =	stream.indirect_vreg.gather [hbm4b:s3+s2], $0x80, v4, vm0, $0xb8;
	[tilespmem:$0x18800] =	vst v63  }
0x292: {  	s8 =	simm.s32 $0xD000;
	v3 =	vadd.s32 v1, v3  }
0x293: {  	[tilespmem:s8], [sflag:$0x3] =	stream.indirect_vreg.gather [hbm4b:s4+s2], $0x80, v4, vm0, $0xb8;
	[tilespmem:$0x18800] =	vst v63  }
0x294: {  	s30 =	simm.s32 $0xD800  }
0x295: {  	[tilespmem:s30], [sflag:$0x3] =	stream.indirect_vreg.gather [hbm4b:s5+s2], $0x80, v4, vm0, $0xb8;
	[tilespmem:$0x18800] =	vst v63  }
0x296: {  	s9 =	simm.s32 $0xE000  }
0x297: {  	[tilespmem:s9], [sflag:$0x3] =	stream.indirect_vreg.gather [hbm4b:s3+s2], $0x80, v3, vm0, $0xb8;
	[tilespmem:$0x18800] =	vst v63  }
0x298: {  	s22 =	simm.s32 $0xE800  }
0x299: {  	[tilespmem:s22], [sflag:$0x3] =	stream.indirect_vreg.gather [hbm4b:s4+s2], $0x80, v3, vm0, $0xb8;
	[tilespmem:$0x18800] =	vst v63  }
0x29a: {  	s29 =	simm.s32 $0xF000  }
0x29b: {  	[tilespmem:s29], [sflag:$0x3] =	stream.indirect_vreg.gather [hbm4b:s5+s2], $0x80, v3, vm0, $0xb8;
	[tilespmem:$0x18800] =	vst v63  }
0x29c: {  	v3 =	vld [tilespmem:$0x390];
	_ =	sdelay $0x4  }
0x29d: {  	v61 =	vshrl.u32 v3, $0x3  }
0x29e: {  	v4 =	vmul.u32 $0x30, v61  }
0x29f: {  	v3 =	vand.u32 $0x7, v3  }
0x2a0: {  	v3 =	vor.u32 v3, v4  }
0x2a1: {  	v4 =	vperm.xlane v3, v0;
	_ =	sdelay $0x1  }
0x2a2: {  	v4 =	vadd.s32 v1, v4;
	_ =	sdelay $0x3  }
0x2a3: {  	s30 =	simm.s32 $0xF800;
	v3 =	vperm.xlane v3, v2  }
0x2a4: {  	[tilespmem:s30], [sflag:$0x3] =	stream.indirect_vreg.gather [hbm4b:s3+s2], $0x80, v4, vm0, $0xb8;
	[tilespmem:$0x18800] =	vst v63  }
0x2a5: {  	s23 =	simm.s32 $0x10000;
	v3 =	vadd.s32 v1, v3  }
0x2a6: {  	[tilespmem:s23], [sflag:$0x3] =	stream.indirect_vreg.gather [hbm4b:s4+s2], $0x80, v4, vm0, $0xb8;
	[tilespmem:$0x18800] =	vst v63  }
0x2a7: {  	s24 =	simm.s32 $0x10800  }
0x2a8: {  	[tilespmem:s24], [sflag:$0x3] =	stream.indirect_vreg.gather [hbm4b:s5+s2], $0x80, v4, vm0, $0xb8;
	[tilespmem:$0x18800] =	vst v63  }
0x2a9: {  	s26 =	simm.s32 $0x11000  }
0x2aa: {  	[tilespmem:s26], [sflag:$0x3] =	stream.indirect_vreg.gather [hbm4b:s3+s2], $0x80, v3, vm0, $0xb8;
	[tilespmem:$0x18800] =	vst v63  }
0x2ab: {  	s28 =	simm.s32 $0x11800  }
0x2ac: {  	[tilespmem:s28], [sflag:$0x3] =	stream.indirect_vreg.gather [hbm4b:s4+s2], $0x80, v3, vm0, $0xb8;
	[tilespmem:$0x18800] =	vst v63  }
0x2ad: {  	s31 =	simm.s32 $0x12000  }
0x2ae: {  	[tilespmem:s31], [sflag:$0x3] =	stream.indirect_vreg.gather [hbm4b:s5+s2], $0x80, v3, vm0, $0xb8;
	[tilespmem:$0x18800] =	vst v63  }
0x2af: {  	_ =	swait.ge [sflag:s10], $0x6000  }
0x2b0: {  	[sflag:s10] =	ssyncset.done $0x0  }
0x2b1: {  	s1 =	simm.s32 $0x800;
	s0 =	rddreg [dreg:$0x10];
	[sflag:s10] =	ssyncadd.s32 $0xFFFFA000  }
0x2b2: {  	[hbm4b:s0+s2] =	stream.linear.scatter [tilespmem:s1], [sflag:$0x5], $0x6000, $0x38;
	[tilespmem:$0x18800] =	vst v63  }
0x2b3: {  	_ =	swait.ge [sflag:s17], $0x6000  }
0x2b4: {  	[sflag:s17] =	ssyncset.done $0x0  }
0x2b5: {  	[sflag:s17] =	ssyncadd.s32 $0xFFFFA000  }
0x2b6: {  	v3 =	vld [tilespmem:$0x780];
	_ =	sdelay $0x4  }
0x2b7: {  	v62 =	vshrl.u32 v3, $0x3  }
0x2b8: {  	v4 =	vmul.u32 $0x30, v62  }
0x2b9: {  	v3 =	vand.u32 $0x7, v3  }
0x2ba: {  	v3 =	vor.u32 v3, v4  }
0x2bb: {  	v4 =	vperm.xlane v3, v0;
	_ =	sdelay $0x1  }
0x2bc: {  	v4 =	vadd.s32 v1, v4;
	_ =	sdelay $0x3  }
0x2bd: {  	v3 =	vperm.xlane v3, v2  }
0x2be: {  	[tilespmem:s7], [sflag:$0x4] =	stream.indirect_vreg.gather [hbm4b:s3+s2], $0x80, v4, vm0, $0xb8;
	[tilespmem:$0x18800] =	vst v63  }
0x2bf: {  	s1 =	simm.s32 $0x13000;
	v3 =	vadd.s32 v1, v3  }
0x2c0: {  	[tilespmem:s1], [sflag:$0x4] =	stream.indirect_vreg.gather [hbm4b:s4+s2], $0x80, v4, vm0, $0xb8;
	[tilespmem:$0x18800] =	vst v63  }
0x2c1: {  	s8 =	simm.s32 $0x13800  }
0x2c2: {  	[tilespmem:s8], [sflag:$0x4] =	stream.indirect_vreg.gather [hbm4b:s5+s2], $0x80, v4, vm0, $0xb8;
	[tilespmem:$0x18800] =	vst v63  }
0x2c3: {  	s9 =	simm.s32 $0x14000  }
0x2c4: {  	[tilespmem:s9], [sflag:$0x4] =	stream.indirect_vreg.gather [hbm4b:s3+s2], $0x80, v3, vm0, $0xb8;
	[tilespmem:$0x18800] =	vst v63  }
0x2c5: {  	s18 =	simm.s32 $0x14800  }
0x2c6: {  	[tilespmem:s18], [sflag:$0x4] =	stream.indirect_vreg.gather [hbm4b:s4+s2], $0x80, v3, vm0, $0xb8;
	[tilespmem:$0x18800] =	vst v63  }
0x2c7: {  	s21 =	simm.s32 $0x15000  }
0x2c8: {  	[tilespmem:s21], [sflag:$0x4] =	stream.indirect_vreg.gather [hbm4b:s5+s2], $0x80, v3, vm0, $0xb8;
	[tilespmem:$0x18800] =	vst v63  }
0x2c9: {  	v3 =	vld [tilespmem:$0x790];
	_ =	sdelay $0x4  }
0x2ca: {  	v63 =	vshrl.u32 v3, $0x3  }
0x2cb: {  	v4 =	vmul.u32 $0x30, v63  }
0x2cc: {  	v3 =	vand.u32 $0x7, v3  }
0x2cd: {  	v3 =	vor.u32 v3, v4  }
0x2ce: {  	v4 =	vperm.xlane v3, v0;
	_ =	sdelay $0x1  }
0x2cf: {  	v4 =	vadd.s32 v1, v4;
	_ =	sdelay $0x3  }
0x2d0: {  	s22 =	simm.s32 $0x15800;
	v3 =	vperm.xlane v3, v2  }
0x2d1: {  	[tilespmem:s22], [sflag:$0x4] =	stream.indirect_vreg.gather [hbm4b:s3+s2], $0x80, v4, vm0, $0xb8;
	[tilespmem:$0x18800] =	vst v63  }
0x2d2: {  	s23 =	simm.s32 $0x16000;
	v3 =	vadd.s32 v1, v3  }
0x2d3: {  	[tilespmem:s23], [sflag:$0x4] =	stream.indirect_vreg.gather [hbm4b:s4+s2], $0x80, v4, vm0, $0xb8;
	[tilespmem:$0x18800] =	vst v63  }
0x2d4: {  	s24 =	simm.s32 $0x16800  }
0x2d5: {  	[tilespmem:s24], [sflag:$0x4] =	stream.indirect_vreg.gather [hbm4b:s5+s2], $0x80, v4, vm0, $0xb8;
	[tilespmem:$0x18800] =	vst v63  }
0x2d6: {  	s25 =	simm.s32 $0x17000  }
0x2d7: {  	[tilespmem:s25], [sflag:$0x4] =	stream.indirect_vreg.gather [hbm4b:s3+s2], $0x80, v3, vm0, $0xb8;
	[tilespmem:$0x18800] =	vst v63  }
0x2d8: {  	s26 =	simm.s32 $0x17800  }
0x2d9: {  	[tilespmem:s26], [sflag:$0x4] =	stream.indirect_vreg.gather [hbm4b:s4+s2], $0x80, v3, vm0, $0xb8;
	[tilespmem:$0x18800] =	vst v63  }
0x2da: {  	s28 =	simm.s32 $0x18000  }
0x2db: {  	[tilespmem:s28], [sflag:$0x4] =	stream.indirect_vreg.gather [hbm4b:s5+s2], $0x80, v3, vm0, $0xb8;
	[tilespmem:$0x18800] =	vst v63  }
0x2dc: {  	_ =	swait.ge [sflag:s11], $0x6000  }
0x2dd: {  	[sflag:s11] =	ssyncset.done $0x0  }
0x2de: {  	s19 =	simm.s32 $0x6800;
	s29 =	rddreg [dreg:$0x11];
	[sflag:s11] =	ssyncadd.s32 $0xFFFFA000  }
0x2df: {  	[hbm4b:s29+s2] =	stream.linear.scatter [tilespmem:s19], [sflag:$0x6], $0x6000, $0x38;
	[tilespmem:$0x18800] =	vst v63  }
0x2e0: {  	_ =	swait.ge [sflag:s13], $0x6000  }
0x2e1: {  	[sflag:s13] =	ssyncset.done $0x0  }
0x2e2: {  	s30 =	rddreg [dreg:$0x12];
	[sflag:s13] =	ssyncadd.s32 $0xFFFFA000  }
0x2e3: {  	[hbm4b:s30+s2] =	stream.linear.scatter [tilespmem:s20], [sflag:$0x7], $0x6000, $0x38;
	[tilespmem:$0x18800] =	vst v63  }
0x2e4: {  	_ =	swait.ge [sflag:s15], $0x6000  }
0x2e5: {  	[sflag:s15] =	ssyncset.done $0x0  }
0x2e6: {  	s31 =	rddreg [dreg:$0x13];
	[sflag:s15] =	ssyncadd.s32 $0xFFFFA000  }
0x2e7: {  	[hbm4b:s31+s2] =	stream.linear.scatter [tilespmem:s7], [sflag:$0x8], $0x6000, $0x38;
	[tilespmem:$0x18800] =	vst v63  }
0x2e8: {  	_ =	swait.ge [sflag:s12], $0x6000  }
0x2e9: {  	[sflag:s12] =	ssyncset.done $0x0  }
0x2ea: {  	[sflag:s12] =	ssyncadd.s32 $0xFFFFA000  }
0x2eb: {  	_ =	swait.ge [sflag:s14], $0x6000  }
0x2ec: {  	[sflag:s14] =	ssyncset.done $0x0  }
0x2ed: {  	[sflag:s14] =	ssyncadd.s32 $0xFFFFA000  }
0x2ee: {  	p0 =	sne.s32 s6, $0x1;
	_ =	swait.ge [sflag:s16], $0x6000  }
.Ltmp0:
0x2ef: {  	[sflag:s16] =	ssyncset.done $0x0;
	(pc) =	sbr.rel @p0 .LBB2_1-.Ltmp0, $4  }
0x2f0: {  	[sflag:s16] =	ssyncadd.s32 $0xFFFFA000  }
0x2f1: {  	_ =	swait.ge [sflag:s17], $0x6000  }
0x2f2: {  	[sflag:s17] =	ssyncset.done $0x0  }
0x2f3: {  	s6 =	sadd.s32 $0xFFFFFFFF, s6;
	[sflag:s17] =	ssyncadd.s32 $0xFFFFA000  }
0x2f4: {  	_ =	sfence.sel $0x180000  }
0x2f5: {  	[bflag:$0x0] =	sbarrier.arrive $0xFFFF  }
0x2f6: {  	_ =	strace $0x9000004A  }
0x2f7: {  	s0 =	stileid.u32;
	[bflag:$0x2] =	sbarrier.arrive $0xFFFF  }
0x2f8: {  	p0 =	sne.s32 s0, $0x0;
	s0 =	rddreg [dreg:$0x1]  }
0x2f9: {  	s0 =	sadd.s32 @!p0 $0x100000, s0  }
0x2fa: {  	[sflag:s0] =	ssyncadd.tile.s32 @!p0 $0x1;
	_ =	shalt  }
.Lfunc_end2:
_tile_overlayer_lowered:
.L_overlay_start_2:
0x2fb: {  	(tag) =	ssettag $0x2  }
0x2fc: {  	s0 =	rddreg [dreg:$0x0];
	s2 =	stileid.u32  }
0x2fd: {  	s1 =	rddreg [dreg:$0x1];
	p0 =	sne.s32 s2, $0x0  }
0x2fe: {  	s3 =	rddreg [dreg:$0x2];
	[bflag:$0x3] =	sbarrier.arrive $0xFFFF;
	s2 =	simm.s32 @!p0 $0x1C09  }
0x2ff: {  	[timem:s3], [sflag:s2] =	dma.local @!p0 [hbm:s0], s1  }
0x300: {  	s0 =	simm.s32 @!p0 $0x9  }
0x301: {  	_ =	swait.ge @!p0 [sflag:s0], s1  }
0x302: {  	s1 =	ssub.s32 @!p0 $0x0, s1;
	[sflag:s0] =	ssyncset.done @!p0 $0x0  }
0x303: {  	[sflag:s0] =	ssyncadd.s32 @!p0 s1  }
0x304: {  	[bflag:$0x3] =	sbarrier.arrive $0xFFFF  }
0x305: {  	_ =	shalt  }

// kernel: kernel.8.cloned.1.call-start
scs
__scs_entry_jumppad:
0x0: {  	(pc) =	sbr.rel $0x88, $3  }
0x1: {  	(tag) =	ssettag $0x0;
	lr =	simm.s32 $0x1  }
0x2: {  	[smem:$0x3F9B] =	sst lr;
	_ =	strace $0xD0000000  }
0x3: {  	_ = 	snop  }
0x4: {  	_ = 	snop  }
0x5: {  	_ = 	snop  }
0x6: {  	_ = 	snop  }
0x7: {  	_ = 	snop  }
__scs_overlays_trampoline_lowered:
0x8: {  	[smem:$0x3FAA] =	sst s0  }
0x9: {  	[smem:$0x3FAB] =	sst s1  }
0xa: {  	[smem:$0x3FAC] =	sst s2  }
0xb: {  	[smem:$0x3FAD] =	sst s3  }
0xc: {  	[smem:$0x3FAE] =	sst s4  }
0xd: {  	[smem:$0x3FAF] =	sst s5  }
0xe: {  	[smem:$0x3FB0] =	sst s6  }
0xf: {  	[smem:$0x3FB1] =	sst s7  }
0x10: {  	[smem:$0x3FB2] =	sst s8  }
0x11: {  	[smem:$0x3FB3] =	sst s9;
	s0 =	simm.s32 @!p0 $0x0  }
0x12: {  	s1 =	sld [smem:$0x3F99];
	s0 =	simm.s32 @p0 $0x1  }
0x13: {  	[smem:$0x3FB4] =	sst s0;
	s0 =	simm.s32 @!p1 $0x0  }
0x14: {  	s2 =	sld [smem:$0x3F98];
	s0 =	simm.s32 @p1 $0x1  }
0x15: {  	[smem:$0x3FB5] =	sst s0;
	s0 =	simm.s32 @!p2 $0x0  }
0x16: {  	s3 =	sld [smem:$0x3FDB];
	s0 =	simm.s32 @p2 $0x1  }
0x17: {  	s4 =	simm.s32 $0x1BF5;
	[smem:$0x3FB7] =	sst s0  }
0x18: {  	s0 =	sld [smem:$0x3F9A];
	_ =	swait.ge [sflag:s4], $0x0  }
0x19: {  	s7 =	sld [smem:$0x3F9B]  }
0x1a: {  	s8 =	sadd.s32 $0xFFFFE003, lr  }
0x1b: {  	s9 =	sadd.s32 $0xFFFFFEF7, lr;
	s5 =	simm.s32 $0xFFFFFFFF;
	p2 =	slt.u32 s8, $0xFFFFF086  }
0x1c: {  	p1 =	slt.u32 s9, $0xF7A;
	s5 =	simm.s32 @!p2 $0x0  }
0x1d: {  	s5 =	simm.s32 @p1 $0x1;
	p0 =	seq.s32 s7, s2  }
0x1e: {  	s7 =	smul.u32 @!p0 $0xF7A, s2;
	p2 =	seq.s32 @!p0 s5, $0x0  }
0x1f: {  	s9 =	smul.u32 $0xF7A, s1;
	s8 =	simm.s32 @!p0 $0x1BF5;
	p2 =	por !p2, p0  }
0x20: {  	[sflag:s8] =	ssyncset.s32 @!p0 $0xFFFFF086;
	s6 =	sadd.s32 @!p0 s3, s7;
	s7 =	simm.s32 @!p0 $0x108  }
0x21: {  	s3 =	sadd.s32 s3, s9;
	s6 =	sadd.s32 @!p0 $0x88, s6;
	s7 =	simm.s32 @p2 $0x1082  }
0x22: {  	[simem:s7], [sflag:s8] =	dma.local @!p0 [hbm:s6], $0xF7A  }
0x23: {  	s9 =	sor.u32 $0xD0000000, s2;
	s6 =	simm.s32 $0x108;
	_ =	swait.ge @!p0 [sflag:s8], $0x0  }
0x24: {  	s3 =	sadd.s32 $0x88, s3;
	s6 =	simm.s32 @!p1 $0x1082;
	[sflag:s4] =	ssyncset.s32 $0xFFFFF086  }
0x25: {  	[simem:s6], [sflag:s4] =	dma.local [hbm:s3], $0xF7A  }
0x26: {  	[smem:$0x3F9B] =	sst s1;
	(tag) =	ssettag s2;
	_ =	strace s9  }
0x27: {  	s1 =	sld [smem:$0x3FAB]  }
0x28: {  	s2 =	sld [smem:$0x3FAC]  }
0x29: {  	s4 =	sld [smem:$0x3FAE]  }
0x2a: {  	p0 =	seq.s32 s5, $0x0;
	s5 =	sld [smem:$0x3FAF]  }
0x2b: {  	s6 =	sld [smem:$0x3FB0]  }
0x2c: {  	s7 =	sld [smem:$0x3FB1]  }
0x2d: {  	s3 =	simm.s32 $0x108;
	s8 =	sld [smem:$0x3FB2]  }
0x2e: {  	s3 =	simm.s32 @!p0 $0x1082;
	s9 =	sld [smem:$0x3FB3]  }
0x2f: {  	lr =	sadd.s32 s0, s3;
	s0 =	sld [smem:$0x3FAA]  }
0x30: {  	s3 =	sld [smem:$0x3FAD]  }
0x31: {  	[smem:$0x3FB6] =	sst s10  }
0x32: {  	s10 =	sld [smem:$0x3FB4];
	_ =	sdelay $0x3  }
0x33: {  	p0 =	seq.s32 s10, $0x1;
	s10 =	sld [smem:$0x3FB6];
	_ =	sdelay $0x3  }
0x34: {  	[smem:$0x3FB6] =	sst s10  }
0x35: {  	s10 =	sld [smem:$0x3FB5];
	_ =	sdelay $0x3  }
0x36: {  	p1 =	seq.s32 s10, $0x1;
	s10 =	sld [smem:$0x3FB6];
	_ =	sdelay $0x3  }
0x37: {  	[smem:$0x3FB6] =	sst s10  }
0x38: {  	s10 =	sld [smem:$0x3FB7]  }
0x39: {  	_ = 	snop;
	(pc) =	sbr.ind lr, $3  }
0x3a: {  	_ = 	snop  }
0x3b: {  	_ = 	snop  }
0x3c: {  	p2 =	seq.s32 s10, $0x1;
	s10 =	sld [smem:$0x3FB6]  }
0x3d: {  	_ =	shalt  }
0x3e: {  	_ =	shalt  }
0x3f: {  	_ =	shalt  }
0x40: {  	_ =	shalt  }
0x41: {  	_ =	shalt  }
0x42: {  	_ =	shalt  }
0x43: {  	_ =	shalt  }
0x44: {  	_ =	shalt  }
0x45: {  	_ =	shalt  }
0x46: {  	_ =	shalt  }
0x47: {  	_ =	shalt  }
0x48: {  	_ =	shalt  }
0x49: {  	_ =	shalt  }
0x4a: {  	_ =	shalt  }
0x4b: {  	_ =	shalt  }
0x4c: {  	_ =	shalt  }
0x4d: {  	_ =	shalt  }
0x4e: {  	_ =	shalt  }
0x4f: {  	_ =	shalt  }
0x50: {  	_ =	shalt  }
0x51: {  	_ =	shalt  }
0x52: {  	_ =	shalt  }
0x53: {  	_ =	shalt  }
0x54: {  	_ =	shalt  }
0x55: {  	_ =	shalt  }
0x56: {  	_ =	shalt  }
0x57: {  	_ =	shalt  }
0x58: {  	_ =	shalt  }
0x59: {  	_ =	shalt  }
0x5a: {  	_ =	shalt  }
0x5b: {  	_ =	shalt  }
0x5c: {  	_ =	shalt  }
0x5d: {  	_ =	shalt  }
0x5e: {  	_ =	shalt  }
0x5f: {  	_ =	shalt  }
0x60: {  	_ =	shalt  }
0x61: {  	_ =	shalt  }
0x62: {  	_ =	shalt  }
0x63: {  	_ =	shalt  }
0x64: {  	_ =	shalt  }
0x65: {  	_ =	shalt  }
0x66: {  	_ =	shalt  }
0x67: {  	_ =	shalt  }
0x68: {  	_ =	shalt  }
0x69: {  	_ =	shalt  }
0x6a: {  	_ =	shalt  }
0x6b: {  	_ =	shalt  }
0x6c: {  	_ =	shalt  }
0x6d: {  	_ =	shalt  }
0x6e: {  	_ =	shalt  }
0x6f: {  	_ =	shalt  }
0x70: {  	_ =	shalt  }
0x71: {  	_ =	shalt  }
0x72: {  	_ =	shalt  }
0x73: {  	_ =	shalt  }
0x74: {  	_ =	shalt  }
0x75: {  	_ =	shalt  }
0x76: {  	_ =	shalt  }
0x77: {  	_ =	shalt  }
0x78: {  	_ =	shalt  }
0x79: {  	_ =	shalt  }
0x7a: {  	_ =	shalt  }
0x7b: {  	_ =	shalt  }
0x7c: {  	_ =	shalt  }
0x7d: {  	_ =	shalt  }
0x7e: {  	_ =	shalt  }
0x7f: {  	_ =	shalt  }
0x80: {  	_ =	shalt  }
0x81: {  	_ =	shalt  }
0x82: {  	_ =	shalt  }
0x83: {  	_ =	shalt  }
0x84: {  	_ =	shalt  }
0x85: {  	_ =	shalt  }
0x86: {  	_ =	shalt  }
0x87: {  	_ =	shalt  }
.Lfunc_end0:
.L_simem_size_0:
called_computation_lowered:
.L_overlay_start_0:
0x88: {  	s2 =	sld [smem:$0x3FD9]  }
0x89: {  	s3 =	sld [smem:$0x3FFE];
	_ =	sdelay $0x1  }
0x8a: {  	s1 =	srdreg.scid  }
0x8b: {  	s0 =	sand.u32 $0x1, s1  }
0x8c: {  	s17 =	sshll.u32 s0, $0xA;
	s2 =	sadd.s32 s3, s2  }
0x8d: {  	s2 =	sadd.s32 s2, s17  }
0x8e: {  	[smem:$0x3FC2] =	sst s2  }
0x8f: {  	_ = 	snop  }
0x90: {  	s2 =	sld [smem:$0x3FC9];
	(tm) =	ssettm $0x1  }
0x91: {  	s18 =	sld [smem:$0x3FFB];
	_ =	sdelay $0x3  }
0x92: {  	_ =	strace s18  }
0x93: {  	s3 =	sld [smem:$0x3FFC];
	_ =	sdelay $0x3  }
0x94: {  	_ =	strace s3  }
0x95: {  	s3 =	sld [smem:$0x3FFD];
	_ =	sdelay $0x3  }
0x96: {  	_ =	strace s3  }
0x97: {  	_ =	strace $0x8FFFFFFF  }
0x98: {  	s19 =	sld [smem:$0x3FDB];
	_ =	sdelay $0x1  }
0x99: {  	s4 =	simm.s32 $_scs_section_size  }
0x9a: {  	s5 =	simm.s32 $_size__tile_overlayer_lowered;
	s6 =	simm.s32 $_tile_overlayer_lowered  }
0x9b: {  	s22 =	simm.s32 $0x1BFF;
	s21 =	sshll.u32 s6, $0x1;
	s3 =	sadd.s32 s4, s19  }
0x9c: {  	s7 =	simm.s32 $0x0;
	s20 =	sshll.u32 s5, $0x1;
	s5 =	sadd.s32 s21, s3  }
0x9d: {  	[timem:s7], [sflag:s22] =	dma.local [hbm:s5], s20  }
0x9e: {  	_ =	swait.ge [sflag:s22], s20  }
0x9f: {  	s4 =	ssub.s32 $0x0, s20;
	[sflag:s22] =	ssyncset.done $0x0  }
0xa0: {  	[sflag:s22] =	ssyncadd.s32 s4;
	_ =	sdelay $0x1  }
0xa1: {  	s23 =	simm.s32 $0x1B8B  }
0xa2: {  	_ =	swait.ge [sflag:s23], $0x1  }
0xa3: {  	[sflag:s23] =	ssyncset.done $0x0  }
0xa4: {  	s25 =	simm.s32 $0x1B8E;
	s24 =	sld [smem:$0x3FFE];
	[sflag:s23] =	ssyncadd.s32 $0xFFFFFFFF  }
0xa5: {  	s26 =	simm.s32 $execute0_lowered;
	[smem:$0x3FD2] =	sst s25  }
0xa6: {  	s5 =	sshll.u32 s26, $0x1;
	_ =	strace $0x80000046;
	[dreg:$0x1] =	wrdreg $0xFFFFFFFF  }
0xa7: {  	s28 =	simm.s32 $_size_execute0_lowered;
	s3 =	sadd.s32 s3, s5;
	[dreg:$0x0] =	wrdreg $0x0  }
0xa8: {  	s5 =	sshll.u32 s28, $0x1;
	[dreg:$0x2] =	wrdreg s3  }
0xa9: {  	[dreg:$0x3] =	wrdreg s5  }
0xaa: {  	[dreg:$0x4] =	wrdreg $0xC0  }
0xab: {  	_ =	task [dreg:s7], $0x5FFFF  }
0xac: {  	[dreg:$0x1] =	wrdreg $0xFFFFFFFF  }
0xad: {  	[dreg:$0x0] =	wrdreg $0x60  }
0xae: {  	[dreg:$0x2] =	wrdreg s2  }
0xaf: {  	[dreg:$0x3] =	wrdreg s24  }
0xb0: {  	[dreg:$0x4] =	wrdreg $0x9  }
0xb1: {  	_ =	task.clear_ibuf [dreg:s7], $0x5FFFF;
	_ =	strace $0x90000046  }
0xb2: {  	s29 =	simm.s32 $0x9;
	_ =	strace $0x80000048  }
0xb3: {  	_ =	swait.ge [sflag:s29], $0x1  }
0xb4: {  	[sflag:s29] =	ssyncadd.s32 $0xFFFFFFFF  }
0xb5: {  	_ =	strace $0x90000048  }
0xb6: {  	_ =	sfence  }
0xb7: {  	s30 =	sld [smem:$0x0];
	_ =	sdelay $0x2  }
0xb8: {  	s31 =	sshll.u32 s1, $0xD;
	s1 =	sshrl.u32 s1, $0x2  }
0xb9: {  	s3 =	sand.u32 $0x4000, s31;
	s1 =	sadd.s32 s1, s30  }
0xba: {  	s0 =	sor.u32 s3, s0;
	s1 =	sshll.u32 s1, $0x11  }
0xbb: {  	s0 =	sor.u32 s1, s0  }
0xbc: {  	s0 =	sadd.s32 $0x8F2B, s0  }
0xbd: {  	[sflag:s0] =	ssyncadd.remote.s32 $0x1  }
0xbe: {  	_ =	sfence.sel $0xFFFF  }
0xbf: {  	[dreg:$0x0] =	wrdreg $0xFFFFFFFF;
	(pc) =	sbr.abs _section_cstart, $3  }
0xc0: {  	[dreg:$0x1] =	wrdreg $0xFFFFFFFF  }
0xc1: {  	_ =	task.clear_ibuf [dreg:s7], $0x2FFFF;
	_ =	strace $0x9FFFFFFF  }
0xc2: {  	(tm) =	ssettm $0x7FFFFFFF  }
0xc3: {  	_ =	shalt  }
tec
execute0_lowered:
.L_overlay_start_1:
0x0: {  	(tag) =	ssettag $0x1  }
0x1: {  	s0 =	srdreg.scid;
	s2 =	stileid.u32  }
0x2: {  	s1 =	rddreg [dreg:$0x0];
	s0 =	sand.u32 $0x1, s0;
	s2 =	sshll.u32 s2, $0x1  }
0x3: {  	s3 =	rddreg [dreg:$0x1];
	s31 =	simm.s32 $0x400;
	s4 =	sor.u32 s0, s2  }
0x4: {  	s28 =	simm.s32 $0x6;
	s2 =	simm.s32 $0x0;
	s5 =	sshll.u32 s4, $0x7  }
0x5: {  	[smem:$0x7FF] =	sst s2;
	s6 =	smul.u32 $0x6000, s4;
	s5 =	sadd.s32 s5, s3  }
0x6: {  	_ =	strace $0x80000047;
	[dreg:$0xc] =	wrdreg s31;
	s7 =	sadd.s32 $0x3000, s5  }
0x7: {  	s4 =	smul.u32 $0x30000, s4;
	s5 =	sadd.s32 $0x2000, s5;
	[dreg:$0x3] =	wrdreg s7  }
0x8: {  	s29 =	simm.s32 $0x7;
	s6 =	sadd.s32 s1, s6;
	[dreg:$0x4] =	wrdreg s5  }
0x9: {  	s4 =	sshrl.u32 s4, $0x3;
	s21 =	sadd.s32 $0xC00, s6;
	[dreg:$0xd] =	wrdreg s6  }
0xa: {  	s22 =	sadd.s32 $0x1800, s6;
	s1 =	sadd.s32 s1, s4;
	[dreg:$0x5] =	wrdreg s21  }
0xb: {  	s0 =	ssub.s32 $0x2, s0;
	[dreg:$0x6] =	wrdreg s22;
	s23 =	sadd.s32 $0x2400, s1  }
0xc: {  	s26 =	sshrl.u32 s0, $0x1;
	s24 =	sadd.s32 $0x3000, s1;
	[dreg:$0x7] =	wrdreg s23  }
0xd: {  	s0 =	ssub.s32 s0, s26;
	s25 =	sadd.s32 $0x3C00, s1;
	[dreg:$0x8] =	wrdreg s24  }
0xe: {  	v2 =	vlaneseq.u32;
	s4 =	sadd.s32 $0x42000, s3;
	s30 =	sadd.s32 $0x4800, s1;
	[dreg:$0x9] =	wrdreg s25  }
0xf: {  	vm0 =	vmmov $0xffff;
	v1 =	vshrl.u32 v2, $0x3;
	s5 =	sadd.s32 $0x42100, s3;
	s1 =	sadd.s32 $0x5400, s1;
	[dreg:$0xa] =	wrdreg s30  }
0x10: {  	v0 =	vand.u32 $0x7, v2;
	v2 =	vor.u32 $0x8, v2;
	v1 =	vmul.u32 $0x8, v1;
	s6 =	sadd.s32 $0x42200, s3;
	[dreg:$0xb] =	wrdreg s1;
	s1 =	smax.u32 s0, $0x1  }
.LBB2_1:
0x11: {  	[dreg:$0xe] =	wrdreg s1  }
0x12: {  	s30 =	rddreg [dreg:$0x3];
	s3 =	simm.s32 $0x9  }
0x13: {  	[tilespmem:s2], [sflag:$0x9] =	stream.linear.gather [hbm4b:s30+s2], $0x400, $0x38;
	[tilespmem:$0x18800] =	vst v63  }
0x14: {  	_ =	swait.ge [sflag:s3], $0x400  }
0x15: {  	s20 =	rddreg [dreg:$0x4];
	[sflag:s3] =	ssyncset.done $0x0  }
0x16: {  	s31 =	rddreg [dreg:$0xc];
	[sflag:s3] =	ssyncadd.s32 $0xFFFFFC00  }
0x17: {  	[tilespmem:s31], [sflag:$0x9] =	stream.linear.gather [hbm4b:s20+s2], $0x400, $0x38;
	[tilespmem:$0x18800] =	vst v63  }
0x18: {  	_ =	swait.ge [sflag:s3], $0x400  }
0x19: {  	[sflag:s3] =	ssyncset.done $0x0  }
0x1a: {  	s10 =	simm.s32 $0x800;
	s22 =	rddreg [dreg:$0xd];
	[sflag:s3] =	ssyncadd.s32 $0xFFFFFC00  }
0x1b: {  	[tilespmem:s10], [sflag:$0x1] =	stream.linear.gather [hbm4b:s22+s2], $0x6000, $0x38;
	[tilespmem:$0x18800] =	vst v63  }
0x1c: {  	s0 =	simm.s32 $0x6800;
	s21 =	rddreg [dreg:$0x5]  }
0x1d: {  	[tilespmem:s0], [sflag:$0x2] =	stream.linear.gather [hbm4b:s21+s2], $0x6000, $0x38;
	[tilespmem:$0x18800] =	vst v63  }
0x1e: {  	s25 =	simm.s32 $0xC800;
	s23 =	rddreg [dreg:$0x6]  }
0x1f: {  	[tilespmem:s25], [sflag:$0x3] =	stream.linear.gather [hbm4b:s23+s2], $0x6000, $0x38;
	[tilespmem:$0x18800] =	vst v63  }
0x20: {  	s26 =	simm.s32 $0x12800;
	s24 =	rddreg [dreg:$0x7];
	s25 =	simm.s32 $0x1  }
0x21: {  	[tilespmem:s26], [sflag:$0x4] =	stream.linear.gather [hbm4b:s24+s2], $0x6000, $0x38;
	[tilespmem:$0x18800] =	vst v63  }
0x22: {  	_ =	swait.ge [sflag:s25], $0x6000  }
0x23: {  	[sflag:s25] =	ssyncset.done $0x0  }
0x24: {  	[sflag:s25] =	ssyncadd.s32 $0xFFFFA000  }
0x25: {  	v3 =	vld [tilespmem:$0x0];
	_ =	sdelay $0x4  }
0x26: {  	v4 =	vshrl.u32 v3, $0x3  }
0x27: {  	v4 =	vmul.u32 $0x30, v4  }
0x28: {  	v3 =	vand.u32 $0x7, v3  }
0x29: {  	v3 =	vor.u32 v3, v4  }
0x2a: {  	v4 =	vperm.xlane v3, v0;
	_ =	sdelay $0x1  }
0x2b: {  	v4 =	vadd.s32 v1, v4;
	_ =	sdelay $0x3  }
0x2c: {  	v3 =	vperm.xlane v3, v2  }
0x2d: {  	[hbm4b:s4+s2] =	stream.indirect_vreg.scatter [tilespmem:s10], [sflag:$0x5], $0x80, v4, vm0, $0xb8;
	[tilespmem:$0x18800] =	vst v63  }
0x2e: {  	s31 =	simm.s32 $0x1000;
	v3 =	vadd.s32 v1, v3  }
0x2f: {  	[hbm4b:s5+s2] =	stream.indirect_vreg.scatter [tilespmem:s31], [sflag:$0x5], $0x80, v4, vm0, $0xb8;
	[tilespmem:$0x18800] =	vst v63  }
0x30: {  	s30 =	simm.s32 $0x1800  }
0x31: {  	[hbm4b:s6+s2] =	stream.indirect_vreg.scatter [tilespmem:s30], [sflag:$0x5], $0x80, v4, vm0, $0xb8;
	[tilespmem:$0x18800] =	vst v63  }
0x32: {  	s7 =	simm.s32 $0x2000  }
0x33: {  	[hbm4b:s4+s2] =	stream.indirect_vreg.scatter [tilespmem:s7], [sflag:$0x5], $0x80, v3, vm0, $0xb8;
	[tilespmem:$0x18800] =	vst v63  }
0x34: {  	s8 =	simm.s32 $0x2800  }
0x35: {  	[hbm4b:s5+s2] =	stream.indirect_vreg.scatter [tilespmem:s8], [sflag:$0x5], $0x80, v3, vm0, $0xb8;
	[tilespmem:$0x18800] =	vst v63  }
0x36: {  	s11 =	simm.s32 $0x3000  }
0x37: {  	[hbm4b:s6+s2] =	stream.indirect_vreg.scatter [tilespmem:s11], [sflag:$0x5], $0x80, v3, vm0, $0xb8;
	[tilespmem:$0x18800] =	vst v63  }
0x38: {  	v3 =	vld [tilespmem:$0x10];
	_ =	sdelay $0x4  }
0x39: {  	v33 =	vshrl.u32 v3, $0x3  }
0x3a: {  	v4 =	vmul.u32 $0x30, v33  }
0x3b: {  	v3 =	vand.u32 $0x7, v3  }
0x3c: {  	v3 =	vor.u32 v3, v4  }
0x3d: {  	v4 =	vperm.xlane v3, v0;
	_ =	sdelay $0x1  }
0x3e: {  	v4 =	vadd.s32 v1, v4;
	_ =	sdelay $0x3  }
0x3f: {  	s13 =	simm.s32 $0x3800;
	v3 =	vperm.xlane v3, v2  }
0x40: {  	[hbm4b:s4+s2] =	stream.indirect_vreg.scatter [tilespmem:s13], [sflag:$0x5], $0x80, v4, vm0, $0xb8;
	[tilespmem:$0x18800] =	vst v63  }
0x41: {  	s14 =	simm.s32 $0x4000;
	v3 =	vadd.s32 v1, v3  }
0x42: {  	[hbm4b:s5+s2] =	stream.indirect_vreg.scatter [tilespmem:s14], [sflag:$0x5], $0x80, v4, vm0, $0xb8;
	[tilespmem:$0x18800] =	vst v63  }
0x43: {  	s17 =	simm.s32 $0x4800  }
0x44: {  	[hbm4b:s6+s2] =	stream.indirect_vreg.scatter [tilespmem:s17], [sflag:$0x5], $0x80, v4, vm0, $0xb8;
	[tilespmem:$0x18800] =	vst v63  }
0x45: {  	s18 =	simm.s32 $0x5000  }
0x46: {  	[hbm4b:s4+s2] =	stream.indirect_vreg.scatter [tilespmem:s18], [sflag:$0x5], $0x80, v3, vm0, $0xb8;
	[tilespmem:$0x18800] =	vst v63  }
0x47: {  	s23 =	simm.s32 $0x5800  }
0x48: {  	[hbm4b:s5+s2] =	stream.indirect_vreg.scatter [tilespmem:s23], [sflag:$0x5], $0x80, v3, vm0, $0xb8;
	[tilespmem:$0x18800] =	vst v63  }
0x49: {  	s24 =	simm.s32 $0x6000  }
0x4a: {  	[hbm4b:s6+s2] =	stream.indirect_vreg.scatter [tilespmem:s24], [sflag:$0x5], $0x80, v3, vm0, $0xb8;
	[tilespmem:$0x18800] =	vst v63  }
0x4b: {  	v3 =	vld [tilespmem:$0x400];
	_ =	sdelay $0x4  }
0x4c: {  	v34 =	vshrl.u32 v3, $0x3  }
0x4d: {  	v4 =	vmul.u32 $0x30, v34  }
0x4e: {  	v3 =	vand.u32 $0x7, v3  }
0x4f: {  	v3 =	vor.u32 v3, v4  }
0x50: {  	v4 =	vperm.xlane v3, v0;
	_ =	sdelay $0x1  }
0x51: {  	v4 =	vadd.s32 v1, v4;
	_ =	sdelay $0x3  }
0x52: {  	v3 =	vperm.xlane v3, v2  }
0x53: {  	[hbm4b:s4+s2] =	stream.indirect_vreg.scatter [tilespmem:s10], [sflag:$0x5], $0x80, v4, vm0, $0xb8;
	[tilespmem:$0x18800] =	vst v63  }
0x54: {  	v3 =	vadd.s32 v1, v3  }
0x55: {  	[hbm4b:s5+s2] =	stream.indirect_vreg.scatter [tilespmem:s31], [sflag:$0x5], $0x80, v4, vm0, $0xb8;
	[tilespmem:$0x18800] =	vst v63  }
0x56: {  	s1 =	simm.s32 $0x1800  }
0x57: {  	[hbm4b:s6+s2] =	stream.indirect_vreg.scatter [tilespmem:s1], [sflag:$0x5], $0x80, v4, vm0, $0xb8;
	[tilespmem:$0x18800] =	vst v63  }
0x58: {  	s9 =	simm.s32 $0x2000  }
0x59: {  	[hbm4b:s4+s2] =	stream.indirect_vreg.scatter [tilespmem:s9], [sflag:$0x5], $0x80, v3, vm0, $0xb8;
	[tilespmem:$0x18800] =	vst v63  }
0x5a: {  	s12 =	simm.s32 $0x2800  }
0x5b: {  	[hbm4b:s5+s2] =	stream.indirect_vreg.scatter [tilespmem:s12], [sflag:$0x5], $0x80, v3, vm0, $0xb8;
	[tilespmem:$0x18800] =	vst v63  }
0x5c: {  	s15 =	simm.s32 $0x3000  }
0x5d: {  	[hbm4b:s6+s2] =	stream.indirect_vreg.scatter [tilespmem:s15], [sflag:$0x5], $0x80, v3, vm0, $0xb8;
	[tilespmem:$0x18800] =	vst v63  }
0x5e: {  	v3 =	vld [tilespmem:$0x410];
	_ =	sdelay $0x4  }
0x5f: {  	v35 =	vshrl.u32 v3, $0x3  }
0x60: {  	v4 =	vmul.u32 $0x30, v35  }
0x61: {  	v3 =	vand.u32 $0x7, v3  }
0x62: {  	v3 =	vor.u32 v3, v4  }
0x63: {  	v4 =	vperm.xlane v3, v0;
	_ =	sdelay $0x1  }
0x64: {  	v4 =	vadd.s32 v1, v4;
	_ =	sdelay $0x3  }
0x65: {  	s16 =	simm.s32 $0x3800;
	v3 =	vperm.xlane v3, v2  }
0x66: {  	[hbm4b:s4+s2] =	stream.indirect_vreg.scatter [tilespmem:s16], [sflag:$0x5], $0x80, v4, vm0, $0xb8;
	[tilespmem:$0x18800] =	vst v63  }
0x67: {  	s13 =	simm.s32 $0x4000;
	v3 =	vadd.s32 v1, v3  }
0x68: {  	[hbm4b:s5+s2] =	stream.indirect_vreg.scatter [tilespmem:s13], [sflag:$0x5], $0x80, v4, vm0, $0xb8;
	[tilespmem:$0x18800] =	vst v63  }
0x69: {  	s14 =	simm.s32 $0x4800  }
0x6a: {  	[hbm4b:s6+s2] =	stream.indirect_vreg.scatter [tilespmem:s14], [sflag:$0x5], $0x80, v4, vm0, $0xb8;
	[tilespmem:$0x18800] =	vst v63  }
0x6b: {  	s19 =	simm.s32 $0x5000  }
0x6c: {  	[hbm4b:s4+s2] =	stream.indirect_vreg.scatter [tilespmem:s19], [sflag:$0x5], $0x80, v3, vm0, $0xb8;
	[tilespmem:$0x18800] =	vst v63  }
0x6d: {  	_ = 	snop  }
0x6e: {  	[hbm4b:s5+s2] =	stream.indirect_vreg.scatter [tilespmem:s23], [sflag:$0x5], $0x80, v3, vm0, $0xb8;
	[tilespmem:$0x18800] =	vst v63  }
0x6f: {  	s18 =	simm.s32 $0x2  }
0x70: {  	[hbm4b:s6+s2] =	stream.indirect_vreg.scatter [tilespmem:s24], [sflag:$0x5], $0x80, v3, vm0, $0xb8;
	[tilespmem:$0x18800] =	vst v63  }
0x71: {  	_ =	swait.ge [sflag:s18], $0x6000  }
0x72: {  	[sflag:s18] =	ssyncset.done $0x0  }
0x73: {  	[sflag:s18] =	ssyncadd.s32 $0xFFFFA000  }
0x74: {  	v3 =	vld [tilespmem:$0x80];
	_ =	sdelay $0x4  }
0x75: {  	v36 =	vshrl.u32 v3, $0x3  }
0x76: {  	v4 =	vmul.u32 $0x30, v36  }
0x77: {  	v3 =	vand.u32 $0x7, v3  }
0x78: {  	v3 =	vor.u32 v3, v4  }
0x79: {  	v4 =	vperm.xlane v3, v0;
	_ =	sdelay $0x1  }
0x7a: {  	v4 =	vadd.s32 v1, v4;
	_ =	sdelay $0x3  }
0x7b: {  	s1 =	simm.s32 $0x6800;
	v3 =	vperm.xlane v3, v2  }
0x7c: {  	[hbm4b:s4+s2] =	stream.indirect_vreg.scatter [tilespmem:s1], [sflag:$0x6], $0x80, v4, vm0, $0xb8;
	[tilespmem:$0x18800] =	vst v63  }
0x7d: {  	s20 =	simm.s32 $0x7000;
	v3 =	vadd.s32 v1, v3  }
0x7e: {  	[hbm4b:s5+s2] =	stream.indirect_vreg.scatter [tilespmem:s20], [sflag:$0x6], $0x80, v4, vm0, $0xb8;
	[tilespmem:$0x18800] =	vst v63  }
0x7f: {  	s21 =	simm.s32 $0x7800  }
0x80: {  	[hbm4b:s6+s2] =	stream.indirect_vreg.scatter [tilespmem:s21], [sflag:$0x6], $0x80, v4, vm0, $0xb8;
	[tilespmem:$0x18800] =	vst v63  }
0x81: {  	s30 =	simm.s32 $0x8000  }
0x82: {  	[hbm4b:s4+s2] =	stream.indirect_vreg.scatter [tilespmem:s30], [sflag:$0x6], $0x80, v3, vm0, $0xb8;
	[tilespmem:$0x18800] =	vst v63  }
0x83: {  	s7 =	simm.s32 $0x8800  }
0x84: {  	[hbm4b:s5+s2] =	stream.indirect_vreg.scatter [tilespmem:s7], [sflag:$0x6], $0x80, v3, vm0, $0xb8;
	[tilespmem:$0x18800] =	vst v63  }
0x85: {  	s8 =	simm.s32 $0x9000  }
0x86: {  	[hbm4b:s6+s2] =	stream.indirect_vreg.scatter [tilespmem:s8], [sflag:$0x6], $0x80, v3, vm0, $0xb8;
	[tilespmem:$0x18800] =	vst v63  }
0x87: {  	v3 =	vld [tilespmem:$0x90];
	_ =	sdelay $0x4  }
0x88: {  	v37 =	vshrl.u32 v3, $0x3  }
0x89: {  	v4 =	vmul.u32 $0x30, v37  }
0x8a: {  	v3 =	vand.u32 $0x7, v3  }
0x8b: {  	v3 =	vor.u32 v3, v4  }
0x8c: {  	v4 =	vperm.xlane v3, v0;
	_ =	sdelay $0x1  }
0x8d: {  	v4 =	vadd.s32 v1, v4;
	_ =	sdelay $0x3  }
0x8e: {  	s11 =	simm.s32 $0x9800;
	v3 =	vperm.xlane v3, v2  }
0x8f: {  	[hbm4b:s4+s2] =	stream.indirect_vreg.scatter [tilespmem:s11], [sflag:$0x6], $0x80, v4, vm0, $0xb8;
	[tilespmem:$0x18800] =	vst v63  }
0x90: {  	s14 =	simm.s32 $0xA000;
	v3 =	vadd.s32 v1, v3  }
0x91: {  	[hbm4b:s5+s2] =	stream.indirect_vreg.scatter [tilespmem:s14], [sflag:$0x6], $0x80, v4, vm0, $0xb8;
	[tilespmem:$0x18800] =	vst v63  }
0x92: {  	s15 =	simm.s32 $0xA800  }
0x93: {  	[hbm4b:s6+s2] =	stream.indirect_vreg.scatter [tilespmem:s15], [sflag:$0x6], $0x80, v4, vm0, $0xb8;
	[tilespmem:$0x18800] =	vst v63  }
0x94: {  	s21 =	simm.s32 $0xB000  }
0x95: {  	[hbm4b:s4+s2] =	stream.indirect_vreg.scatter [tilespmem:s21], [sflag:$0x6], $0x80, v3, vm0, $0xb8;
	[tilespmem:$0x18800] =	vst v63  }
0x96: {  	s7 =	simm.s32 $0xB800  }
0x97: {  	[hbm4b:s5+s2] =	stream.indirect_vreg.scatter [tilespmem:s7], [sflag:$0x6], $0x80, v3, vm0, $0xb8;
	[tilespmem:$0x18800] =	vst v63  }
0x98: {  	s8 =	simm.s32 $0xC000  }
0x99: {  	[hbm4b:s6+s2] =	stream.indirect_vreg.scatter [tilespmem:s8], [sflag:$0x6], $0x80, v3, vm0, $0xb8;
	[tilespmem:$0x18800] =	vst v63  }
0x9a: {  	v3 =	vld [tilespmem:$0x480];
	_ =	sdelay $0x4  }
0x9b: {  	v38 =	vshrl.u32 v3, $0x3  }
0x9c: {  	v4 =	vmul.u32 $0x30, v38  }
0x9d: {  	v3 =	vand.u32 $0x7, v3  }
0x9e: {  	v3 =	vor.u32 v3, v4  }
0x9f: {  	v4 =	vperm.xlane v3, v0;
	_ =	sdelay $0x1  }
0xa0: {  	v4 =	vadd.s32 v1, v4;
	_ =	sdelay $0x3  }
0xa1: {  	v3 =	vperm.xlane v3, v2  }
0xa2: {  	[hbm4b:s4+s2] =	stream.indirect_vreg.scatter [tilespmem:s1], [sflag:$0x6], $0x80, v4, vm0, $0xb8;
	[tilespmem:$0x18800] =	vst v63  }
0xa3: {  	s3 =	simm.s32 $0x7000;
	v3 =	vadd.s32 v1, v3  }
0xa4: {  	[hbm4b:s5+s2] =	stream.indirect_vreg.scatter [tilespmem:s3], [sflag:$0x6], $0x80, v4, vm0, $0xb8;
	[tilespmem:$0x18800] =	vst v63  }
0xa5: {  	s9 =	simm.s32 $0x7800  }
0xa6: {  	[hbm4b:s6+s2] =	stream.indirect_vreg.scatter [tilespmem:s9], [sflag:$0x6], $0x80, v4, vm0, $0xb8;
	[tilespmem:$0x18800] =	vst v63  }
0xa7: {  	s12 =	simm.s32 $0x8000  }
0xa8: {  	[hbm4b:s4+s2] =	stream.indirect_vreg.scatter [tilespmem:s12], [sflag:$0x6], $0x80, v3, vm0, $0xb8;
	[tilespmem:$0x18800] =	vst v63  }
0xa9: {  	s13 =	simm.s32 $0x8800  }
0xaa: {  	[hbm4b:s5+s2] =	stream.indirect_vreg.scatter [tilespmem:s13], [sflag:$0x6], $0x80, v3, vm0, $0xb8;
	[tilespmem:$0x18800] =	vst v63  }
0xab: {  	s19 =	simm.s32 $0x9000  }
0xac: {  	[hbm4b:s6+s2] =	stream.indirect_vreg.scatter [tilespmem:s19], [sflag:$0x6], $0x80, v3, vm0, $0xb8;
	[tilespmem:$0x18800] =	vst v63  }
0xad: {  	v3 =	vld [tilespmem:$0x490];
	_ =	sdelay $0x4  }
0xae: {  	v39 =	vshrl.u32 v3, $0x3  }
0xaf: {  	v4 =	vmul.u32 $0x30, v39  }
0xb0: {  	v3 =	vand.u32 $0x7, v3  }
0xb1: {  	v3 =	vor.u32 v3, v4  }
0xb2: {  	v4 =	vperm.xlane v3, v0;
	_ =	sdelay $0x1  }
0xb3: {  	v4 =	vadd.s32 v1, v4;
	_ =	sdelay $0x3  }
0xb4: {  	s20 =	simm.s32 $0x9800;
	v3 =	vperm.xlane v3, v2  }
0xb5: {  	[hbm4b:s4+s2] =	stream.indirect_vreg.scatter [tilespmem:s20], [sflag:$0x6], $0x80, v4, vm0, $0xb8;
	[tilespmem:$0x18800] =	vst v63  }
0xb6: {  	s14 =	simm.s32 $0xA000;
	v3 =	vadd.s32 v1, v3  }
0xb7: {  	[hbm4b:s5+s2] =	stream.indirect_vreg.scatter [tilespmem:s14], [sflag:$0x6], $0x80, v4, vm0, $0xb8;
	[tilespmem:$0x18800] =	vst v63  }
0xb8: {  	s16 =	simm.s32 $0xA800  }
0xb9: {  	[hbm4b:s6+s2] =	stream.indirect_vreg.scatter [tilespmem:s16], [sflag:$0x6], $0x80, v4, vm0, $0xb8;
	[tilespmem:$0x18800] =	vst v63  }
0xba: {  	s30 =	simm.s32 $0xB000  }
0xbb: {  	[hbm4b:s4+s2] =	stream.indirect_vreg.scatter [tilespmem:s30], [sflag:$0x6], $0x80, v3, vm0, $0xb8;
	[tilespmem:$0x18800] =	vst v63  }
0xbc: {  	s17 =	simm.s32 $0xB800  }
0xbd: {  	[hbm4b:s5+s2] =	stream.indirect_vreg.scatter [tilespmem:s17], [sflag:$0x6], $0x80, v3, vm0, $0xb8;
	[tilespmem:$0x18800] =	vst v63  }
0xbe: {  	s11 =	simm.s32 $0xC000;
	s17 =	simm.s32 $0x5  }
0xbf: {  	[hbm4b:s6+s2] =	stream.indirect_vreg.scatter [tilespmem:s11], [sflag:$0x6], $0x80, v3, vm0, $0xb8;
	[tilespmem:$0x18800] =	vst v63  }
0xc0: {  	_ =	swait.ge [sflag:s17], $0x6000  }
0xc1: {  	[sflag:s17] =	ssyncset.done $0x0  }
0xc2: {  	[sflag:s17] =	ssyncadd.s32 $0xFFFFA000  }
0xc3: {  	_ =	swait.ge [sflag:s17], $0x6000  }
0xc4: {  	[sflag:s17] =	ssyncset.done $0x0  }
0xc5: {  	s11 =	simm.s32 $0x3;
	s19 =	rddreg [dreg:$0x8];
	[sflag:s17] =	ssyncadd.s32 $0xFFFFA000  }
0xc6: {  	[tilespmem:s10], [sflag:$0x1] =	stream.linear.gather [hbm4b:s19+s2], $0x6000, $0x38;
	[tilespmem:$0x18800] =	vst v63  }
0xc7: {  	_ =	swait.ge [sflag:s11], $0x6000  }
0xc8: {  	[sflag:s11] =	ssyncset.done $0x0  }
0xc9: {  	[sflag:s11] =	ssyncadd.s32 $0xFFFFA000  }
0xca: {  	v3 =	vld [tilespmem:$0x100];
	_ =	sdelay $0x4  }
0xcb: {  	v40 =	vshrl.u32 v3, $0x3  }
0xcc: {  	v4 =	vmul.u32 $0x30, v40  }
0xcd: {  	v3 =	vand.u32 $0x7, v3  }
0xce: {  	v3 =	vor.u32 v3, v4  }
0xcf: {  	v4 =	vperm.xlane v3, v0;
	_ =	sdelay $0x1  }
0xd0: {  	v4 =	vadd.s32 v1, v4;
	_ =	sdelay $0x3  }
0xd1: {  	s3 =	simm.s32 $0xC800;
	v3 =	vperm.xlane v3, v2  }
0xd2: {  	[hbm4b:s4+s2] =	stream.indirect_vreg.scatter [tilespmem:s3], [sflag:$0x7], $0x80, v4, vm0, $0xb8;
	[tilespmem:$0x18800] =	vst v63  }
0xd3: {  	s20 =	simm.s32 $0xD000;
	v3 =	vadd.s32 v1, v3  }
0xd4: {  	[hbm4b:s5+s2] =	stream.indirect_vreg.scatter [tilespmem:s20], [sflag:$0x7], $0x80, v4, vm0, $0xb8;
	[tilespmem:$0x18800] =	vst v63  }
0xd5: {  	s21 =	simm.s32 $0xD800  }
0xd6: {  	[hbm4b:s6+s2] =	stream.indirect_vreg.scatter [tilespmem:s21], [sflag:$0x7], $0x80, v4, vm0, $0xb8;
	[tilespmem:$0x18800] =	vst v63  }
0xd7: {  	s30 =	simm.s32 $0xE000  }
0xd8: {  	[hbm4b:s4+s2] =	stream.indirect_vreg.scatter [tilespmem:s30], [sflag:$0x7], $0x80, v3, vm0, $0xb8;
	[tilespmem:$0x18800] =	vst v63  }
0xd9: {  	s0 =	simm.s32 $0xE800  }
0xda: {  	[hbm4b:s5+s2] =	stream.indirect_vreg.scatter [tilespmem:s0], [sflag:$0x7], $0x80, v3, vm0, $0xb8;
	[tilespmem:$0x18800] =	vst v63  }
0xdb: {  	s8 =	simm.s32 $0xF000  }
0xdc: {  	[hbm4b:s6+s2] =	stream.indirect_vreg.scatter [tilespmem:s8], [sflag:$0x7], $0x80, v3, vm0, $0xb8;
	[tilespmem:$0x18800] =	vst v63  }
0xdd: {  	v3 =	vld [tilespmem:$0x110];
	_ =	sdelay $0x4  }
0xde: {  	v41 =	vshrl.u32 v3, $0x3  }
0xdf: {  	v4 =	vmul.u32 $0x30, v41  }
0xe0: {  	v3 =	vand.u32 $0x7, v3  }
0xe1: {  	v3 =	vor.u32 v3, v4  }
0xe2: {  	v4 =	vperm.xlane v3, v0;
	_ =	sdelay $0x1  }
0xe3: {  	v4 =	vadd.s32 v1, v4;
	_ =	sdelay $0x3  }
0xe4: {  	s1 =	simm.s32 $0xF800;
	v3 =	vperm.xlane v3, v2  }
0xe5: {  	[hbm4b:s4+s2] =	stream.indirect_vreg.scatter [tilespmem:s1], [sflag:$0x7], $0x80, v4, vm0, $0xb8;
	[tilespmem:$0x18800] =	vst v63  }
0xe6: {  	s16 =	simm.s32 $0x10000;
	v3 =	vadd.s32 v1, v3  }
0xe7: {  	[hbm4b:s5+s2] =	stream.indirect_vreg.scatter [tilespmem:s16], [sflag:$0x7], $0x80, v4, vm0, $0xb8;
	[tilespmem:$0x18800] =	vst v63  }
0xe8: {  	s17 =	simm.s32 $0x10800  }
0xe9: {  	[hbm4b:s6+s2] =	stream.indirect_vreg.scatter [tilespmem:s17], [sflag:$0x7], $0x80, v4, vm0, $0xb8;
	[tilespmem:$0x18800] =	vst v63  }
0xea: {  	s19 =	simm.s32 $0x11000  }
0xeb: {  	[hbm4b:s4+s2] =	stream.indirect_vreg.scatter [tilespmem:s19], [sflag:$0x7], $0x80, v3, vm0, $0xb8;
	[tilespmem:$0x18800] =	vst v63  }
0xec: {  	s20 =	simm.s32 $0x11800  }
0xed: {  	[hbm4b:s5+s2] =	stream.indirect_vreg.scatter [tilespmem:s20], [sflag:$0x7], $0x80, v3, vm0, $0xb8;
	[tilespmem:$0x18800] =	vst v63  }
0xee: {  	s0 =	simm.s32 $0x12000  }
0xef: {  	[hbm4b:s6+s2] =	stream.indirect_vreg.scatter [tilespmem:s0], [sflag:$0x7], $0x80, v3, vm0, $0xb8;
	[tilespmem:$0x18800] =	vst v63  }
0xf0: {  	v3 =	vld [tilespmem:$0x500];
	_ =	sdelay $0x4  }
0xf1: {  	v42 =	vshrl.u32 v3, $0x3  }
0xf2: {  	v4 =	vmul.u32 $0x30, v42  }
0xf3: {  	v3 =	vand.u32 $0x7, v3  }
0xf4: {  	v3 =	vor.u32 v3, v4  }
0xf5: {  	v4 =	vperm.xlane v3, v0;
	_ =	sdelay $0x1  }
0xf6: {  	v4 =	vadd.s32 v1, v4;
	_ =	sdelay $0x3  }
0xf7: {  	v3 =	vperm.xlane v3, v2  }
0xf8: {  	[hbm4b:s4+s2] =	stream.indirect_vreg.scatter [tilespmem:s3], [sflag:$0x7], $0x80, v4, vm0, $0xb8;
	[tilespmem:$0x18800] =	vst v63  }
0xf9: {  	s12 =	simm.s32 $0xD000;
	v3 =	vadd.s32 v1, v3  }
0xfa: {  	[hbm4b:s5+s2] =	stream.indirect_vreg.scatter [tilespmem:s12], [sflag:$0x7], $0x80, v4, vm0, $0xb8;
	[tilespmem:$0x18800] =	vst v63  }
0xfb: {  	s13 =	simm.s32 $0xD800  }
0xfc: {  	[hbm4b:s6+s2] =	stream.indirect_vreg.scatter [tilespmem:s13], [sflag:$0x7], $0x80, v4, vm0, $0xb8;
	[tilespmem:$0x18800] =	vst v63  }
0xfd: {  	s14 =	simm.s32 $0xE000  }
0xfe: {  	[hbm4b:s4+s2] =	stream.indirect_vreg.scatter [tilespmem:s14], [sflag:$0x7], $0x80, v3, vm0, $0xb8;
	[tilespmem:$0x18800] =	vst v63  }
0xff: {  	s15 =	simm.s32 $0xE800  }
0x100: {  	[hbm4b:s5+s2] =	stream.indirect_vreg.scatter [tilespmem:s15], [sflag:$0x7], $0x80, v3, vm0, $0xb8;
	[tilespmem:$0x18800] =	vst v63  }
0x101: {  	s8 =	simm.s32 $0xF000  }
0x102: {  	[hbm4b:s6+s2] =	stream.indirect_vreg.scatter [tilespmem:s8], [sflag:$0x7], $0x80, v3, vm0, $0xb8;
	[tilespmem:$0x18800] =	vst v63  }
0x103: {  	v3 =	vld [tilespmem:$0x510];
	_ =	sdelay $0x4  }
0x104: {  	v43 =	vshrl.u32 v3, $0x3  }
0x105: {  	v4 =	vmul.u32 $0x30, v43  }
0x106: {  	v3 =	vand.u32 $0x7, v3  }
0x107: {  	v3 =	vor.u32 v3, v4  }
0x108: {  	v4 =	vperm.xlane v3, v0;
	_ =	sdelay $0x1  }
0x109: {  	v4 =	vadd.s32 v1, v4;
	_ =	sdelay $0x3  }
0x10a: {  	s21 =	simm.s32 $0xF800;
	v3 =	vperm.xlane v3, v2  }
0x10b: {  	[hbm4b:s4+s2] =	stream.indirect_vreg.scatter [tilespmem:s21], [sflag:$0x7], $0x80, v4, vm0, $0xb8;
	[tilespmem:$0x18800] =	vst v63  }
0x10c: {  	s16 =	simm.s32 $0x10000;
	v3 =	vadd.s32 v1, v3  }
0x10d: {  	[hbm4b:s5+s2] =	stream.indirect_vreg.scatter [tilespmem:s16], [sflag:$0x7], $0x80, v4, vm0, $0xb8;
	[tilespmem:$0x18800] =	vst v63  }
0x10e: {  	s17 =	simm.s32 $0x10800  }
0x10f: {  	[hbm4b:s6+s2] =	stream.indirect_vreg.scatter [tilespmem:s17], [sflag:$0x7], $0x80, v4, vm0, $0xb8;
	[tilespmem:$0x18800] =	vst v63  }
0x110: {  	s19 =	simm.s32 $0x11000  }
0x111: {  	[hbm4b:s4+s2] =	stream.indirect_vreg.scatter [tilespmem:s19], [sflag:$0x7], $0x80, v3, vm0, $0xb8;
	[tilespmem:$0x18800] =	vst v63  }
0x112: {  	s30 =	simm.s32 $0x11800  }
0x113: {  	[hbm4b:s5+s2] =	stream.indirect_vreg.scatter [tilespmem:s30], [sflag:$0x7], $0x80, v3, vm0, $0xb8;
	[tilespmem:$0x18800] =	vst v63  }
0x114: {  	s1 =	simm.s32 $0x12000  }
0x115: {  	[hbm4b:s6+s2] =	stream.indirect_vreg.scatter [tilespmem:s1], [sflag:$0x7], $0x80, v3, vm0, $0xb8;
	[tilespmem:$0x18800] =	vst v63  }
0x116: {  	_ =	swait.ge [sflag:s28], $0x6000  }
0x117: {  	[sflag:s28] =	ssyncset.done $0x0  }
0x118: {  	[sflag:s28] =	ssyncadd.s32 $0xFFFFA000  }
0x119: {  	_ =	swait.ge [sflag:s28], $0x6000  }
0x11a: {  	s7 =	simm.s32 $0x6800;
	[sflag:s28] =	ssyncset.done $0x0  }
0x11b: {  	s17 =	simm.s32 $0x4;
	s20 =	rddreg [dreg:$0x9];
	[sflag:s28] =	ssyncadd.s32 $0xFFFFA000  }
0x11c: {  	[tilespmem:s7], [sflag:$0x2] =	stream.linear.gather [hbm4b:s20+s2], $0x6000, $0x38;
	[tilespmem:$0x18800] =	vst v63  }
0x11d: {  	_ =	swait.ge [sflag:s17], $0x6000  }
0x11e: {  	[sflag:s17] =	ssyncset.done $0x0  }
0x11f: {  	[sflag:s17] =	ssyncadd.s32 $0xFFFFA000  }
0x120: {  	v3 =	vld [tilespmem:$0x180];
	_ =	sdelay $0x4  }
0x121: {  	v44 =	vshrl.u32 v3, $0x3  }
0x122: {  	v4 =	vmul.u32 $0x30, v44  }
0x123: {  	v3 =	vand.u32 $0x7, v3  }
0x124: {  	v3 =	vor.u32 v3, v4  }
0x125: {  	v4 =	vperm.xlane v3, v0;
	_ =	sdelay $0x1  }
0x126: {  	v4 =	vadd.s32 v1, v4;
	_ =	sdelay $0x3  }
0x127: {  	s30 =	simm.s32 $0x12800;
	v3 =	vperm.xlane v3, v2  }
0x128: {  	[hbm4b:s4+s2] =	stream.indirect_vreg.scatter [tilespmem:s30], [sflag:$0x8], $0x80, v4, vm0, $0xb8;
	[tilespmem:$0x18800] =	vst v63  }
0x129: {  	s21 =	simm.s32 $0x13000;
	v3 =	vadd.s32 v1, v3  }
0x12a: {  	[hbm4b:s5+s2] =	stream.indirect_vreg.scatter [tilespmem:s21], [sflag:$0x8], $0x80, v4, vm0, $0xb8;
	[tilespmem:$0x18800] =	vst v63  }
0x12b: {  	s9 =	simm.s32 $0x13800  }
0x12c: {  	[hbm4b:s6+s2] =	stream.indirect_vreg.scatter [tilespmem:s9], [sflag:$0x8], $0x80, v4, vm0, $0xb8;
	[tilespmem:$0x18800] =	vst v63  }
0x12d: {  	s12 =	simm.s32 $0x14000  }
0x12e: {  	[hbm4b:s4+s2] =	stream.indirect_vreg.scatter [tilespmem:s12], [sflag:$0x8], $0x80, v3, vm0, $0xb8;
	[tilespmem:$0x18800] =	vst v63  }
0x12f: {  	s13 =	simm.s32 $0x14800  }
0x130: {  	[hbm4b:s5+s2] =	stream.indirect_vreg.scatter [tilespmem:s13], [sflag:$0x8], $0x80, v3, vm0, $0xb8;
	[tilespmem:$0x18800] =	vst v63  }
0x131: {  	s14 =	simm.s32 $0x15000  }
0x132: {  	[hbm4b:s6+s2] =	stream.indirect_vreg.scatter [tilespmem:s14], [sflag:$0x8], $0x80, v3, vm0, $0xb8;
	[tilespmem:$0x18800] =	vst v63  }
0x133: {  	v3 =	vld [tilespmem:$0x190];
	_ =	sdelay $0x4  }
0x134: {  	v45 =	vshrl.u32 v3, $0x3  }
0x135: {  	v4 =	vmul.u32 $0x30, v45  }
0x136: {  	v3 =	vand.u32 $0x7, v3  }
0x137: {  	v3 =	vor.u32 v3, v4  }
0x138: {  	v4 =	vperm.xlane v3, v0;
	_ =	sdelay $0x1  }
0x139: {  	v4 =	vadd.s32 v1, v4;
	_ =	sdelay $0x3  }
0x13a: {  	s15 =	simm.s32 $0x15800;
	v3 =	vperm.xlane v3, v2  }
0x13b: {  	[hbm4b:s4+s2] =	stream.indirect_vreg.scatter [tilespmem:s15], [sflag:$0x8], $0x80, v4, vm0, $0xb8;
	[tilespmem:$0x18800] =	vst v63  }
0x13c: {  	s16 =	simm.s32 $0x16000;
	v3 =	vadd.s32 v1, v3  }
0x13d: {  	[hbm4b:s5+s2] =	stream.indirect_vreg.scatter [tilespmem:s16], [sflag:$0x8], $0x80, v4, vm0, $0xb8;
	[tilespmem:$0x18800] =	vst v63  }
0x13e: {  	s19 =	simm.s32 $0x16800  }
0x13f: {  	[hbm4b:s6+s2] =	stream.indirect_vreg.scatter [tilespmem:s19], [sflag:$0x8], $0x80, v4, vm0, $0xb8;
	[tilespmem:$0x18800] =	vst v63  }
0x140: {  	s20 =	simm.s32 $0x17000  }
0x141: {  	[hbm4b:s4+s2] =	stream.indirect_vreg.scatter [tilespmem:s20], [sflag:$0x8], $0x80, v3, vm0, $0xb8;
	[tilespmem:$0x18800] =	vst v63  }
0x142: {  	s21 =	simm.s32 $0x17800  }
0x143: {  	[hbm4b:s5+s2] =	stream.indirect_vreg.scatter [tilespmem:s21], [sflag:$0x8], $0x80, v3, vm0, $0xb8;
	[tilespmem:$0x18800] =	vst v63  }
0x144: {  	s3 =	simm.s32 $0x18000  }
0x145: {  	[hbm4b:s6+s2] =	stream.indirect_vreg.scatter [tilespmem:s3], [sflag:$0x8], $0x80, v3, vm0, $0xb8;
	[tilespmem:$0x18800] =	vst v63  }
0x146: {  	v3 =	vld [tilespmem:$0x580];
	_ =	sdelay $0x4  }
0x147: {  	v46 =	vshrl.u32 v3, $0x3  }
0x148: {  	v4 =	vmul.u32 $0x30, v46  }
0x149: {  	v3 =	vand.u32 $0x7, v3  }
0x14a: {  	v3 =	vor.u32 v3, v4  }
0x14b: {  	v4 =	vperm.xlane v3, v0;
	_ =	sdelay $0x1  }
0x14c: {  	v4 =	vadd.s32 v1, v4;
	_ =	sdelay $0x3  }
0x14d: {  	v3 =	vperm.xlane v3, v2  }
0x14e: {  	[hbm4b:s4+s2] =	stream.indirect_vreg.scatter [tilespmem:s30], [sflag:$0x8], $0x80, v4, vm0, $0xb8;
	[tilespmem:$0x18800] =	vst v63  }
0x14f: {  	s1 =	simm.s32 $0x13000;
	v3 =	vadd.s32 v1, v3  }
0x150: {  	[hbm4b:s5+s2] =	stream.indirect_vreg.scatter [tilespmem:s1], [sflag:$0x8], $0x80, v4, vm0, $0xb8;
	[tilespmem:$0x18800] =	vst v63  }
0x151: {  	_ = 	snop  }
0x152: {  	[hbm4b:s6+s2] =	stream.indirect_vreg.scatter [tilespmem:s9], [sflag:$0x8], $0x80, v4, vm0, $0xb8;
	[tilespmem:$0x18800] =	vst v63  }
0x153: {  	_ = 	snop  }
0x154: {  	[hbm4b:s4+s2] =	stream.indirect_vreg.scatter [tilespmem:s12], [sflag:$0x8], $0x80, v3, vm0, $0xb8;
	[tilespmem:$0x18800] =	vst v63  }
0x155: {  	_ = 	snop  }
0x156: {  	[hbm4b:s5+s2] =	stream.indirect_vreg.scatter [tilespmem:s13], [sflag:$0x8], $0x80, v3, vm0, $0xb8;
	[tilespmem:$0x18800] =	vst v63  }
0x157: {  	_ = 	snop  }
0x158: {  	[hbm4b:s6+s2] =	stream.indirect_vreg.scatter [tilespmem:s14], [sflag:$0x8], $0x80, v3, vm0, $0xb8;
	[tilespmem:$0x18800] =	vst v63  }
0x159: {  	v3 =	vld [tilespmem:$0x590];
	_ =	sdelay $0x4  }
0x15a: {  	v47 =	vshrl.u32 v3, $0x3  }
0x15b: {  	v4 =	vmul.u32 $0x30, v47  }
0x15c: {  	v3 =	vand.u32 $0x7, v3  }
0x15d: {  	v3 =	vor.u32 v3, v4  }
0x15e: {  	v4 =	vperm.xlane v3, v0;
	_ =	sdelay $0x1  }
0x15f: {  	v4 =	vadd.s32 v1, v4;
	_ =	sdelay $0x3  }
0x160: {  	v3 =	vperm.xlane v3, v2  }
0x161: {  	[hbm4b:s4+s2] =	stream.indirect_vreg.scatter [tilespmem:s15], [sflag:$0x8], $0x80, v4, vm0, $0xb8;
	[tilespmem:$0x18800] =	vst v63  }
0x162: {  	v3 =	vadd.s32 v1, v3  }
0x163: {  	[hbm4b:s5+s2] =	stream.indirect_vreg.scatter [tilespmem:s16], [sflag:$0x8], $0x80, v4, vm0, $0xb8;
	[tilespmem:$0x18800] =	vst v63  }
0x164: {  	_ = 	snop  }
0x165: {  	[hbm4b:s6+s2] =	stream.indirect_vreg.scatter [tilespmem:s19], [sflag:$0x8], $0x80, v4, vm0, $0xb8;
	[tilespmem:$0x18800] =	vst v63  }
0x166: {  	_ = 	snop  }
0x167: {  	[hbm4b:s4+s2] =	stream.indirect_vreg.scatter [tilespmem:s20], [sflag:$0x8], $0x80, v3, vm0, $0xb8;
	[tilespmem:$0x18800] =	vst v63  }
0x168: {  	_ = 	snop  }
0x169: {  	[hbm4b:s5+s2] =	stream.indirect_vreg.scatter [tilespmem:s21], [sflag:$0x8], $0x80, v3, vm0, $0xb8;
	[tilespmem:$0x18800] =	vst v63  }
0x16a: {  	s7 =	simm.s32 $0x18000  }
0x16b: {  	[hbm4b:s6+s2] =	stream.indirect_vreg.scatter [tilespmem:s7], [sflag:$0x8], $0x80, v3, vm0, $0xb8;
	[tilespmem:$0x18800] =	vst v63  }
0x16c: {  	_ =	swait.ge [sflag:s29], $0x6000  }
0x16d: {  	[sflag:s29] =	ssyncset.done $0x0  }
0x16e: {  	[sflag:s29] =	ssyncadd.s32 $0xFFFFA000  }
0x16f: {  	_ =	swait.ge [sflag:s29], $0x6000  }
0x170: {  	[sflag:s29] =	ssyncset.done $0x0  }
0x171: {  	s0 =	simm.s32 $0xC800;
	s8 =	rddreg [dreg:$0xa];
	[sflag:s29] =	ssyncadd.s32 $0xFFFFA000  }
0x172: {  	[tilespmem:s0], [sflag:$0x3] =	stream.linear.gather [hbm4b:s8+s2], $0x6000, $0x38;
	[tilespmem:$0x18800] =	vst v63  }
0x173: {  	_ =	swait.ge [sflag:s25], $0x6000  }
0x174: {  	[sflag:s25] =	ssyncset.done $0x0  }
0x175: {  	[sflag:s25] =	ssyncadd.s32 $0xFFFFA000  }
0x176: {  	v3 =	vld [tilespmem:$0x200];
	_ =	sdelay $0x4  }
0x177: {  	v48 =	vshrl.u32 v3, $0x3  }
0x178: {  	v4 =	vmul.u32 $0x30, v48  }
0x179: {  	v3 =	vand.u32 $0x7, v3  }
0x17a: {  	v3 =	vor.u32 v3, v4  }
0x17b: {  	v4 =	vperm.xlane v3, v0;
	_ =	sdelay $0x1  }
0x17c: {  	v4 =	vadd.s32 v1, v4;
	_ =	sdelay $0x3  }
0x17d: {  	v3 =	vperm.xlane v3, v2  }
0x17e: {  	[hbm4b:s4+s2] =	stream.indirect_vreg.scatter [tilespmem:s10], [sflag:$0x5], $0x80, v4, vm0, $0xb8;
	[tilespmem:$0x18800] =	vst v63  }
0x17f: {  	v3 =	vadd.s32 v1, v3  }
0x180: {  	[hbm4b:s5+s2] =	stream.indirect_vreg.scatter [tilespmem:s31], [sflag:$0x5], $0x80, v4, vm0, $0xb8;
	[tilespmem:$0x18800] =	vst v63  }
0x181: {  	s25 =	simm.s32 $0x1800  }
0x182: {  	[hbm4b:s6+s2] =	stream.indirect_vreg.scatter [tilespmem:s25], [sflag:$0x5], $0x80, v4, vm0, $0xb8;
	[tilespmem:$0x18800] =	vst v63  }
0x183: {  	s30 =	simm.s32 $0x2000  }
0x184: {  	[hbm4b:s4+s2] =	stream.indirect_vreg.scatter [tilespmem:s30], [sflag:$0x5], $0x80, v3, vm0, $0xb8;
	[tilespmem:$0x18800] =	vst v63  }
0x185: {  	s22 =	simm.s32 $0x2800  }
0x186: {  	[hbm4b:s5+s2] =	stream.indirect_vreg.scatter [tilespmem:s22], [sflag:$0x5], $0x80, v3, vm0, $0xb8;
	[tilespmem:$0x18800] =	vst v63  }
0x187: {  	s7 =	simm.s32 $0x3000  }
0x188: {  	[hbm4b:s6+s2] =	stream.indirect_vreg.scatter [tilespmem:s7], [sflag:$0x5], $0x80, v3, vm0, $0xb8;
	[tilespmem:$0x18800] =	vst v63  }
0x189: {  	v3 =	vld [tilespmem:$0x210];
	_ =	sdelay $0x4  }
0x18a: {  	v49 =	vshrl.u32 v3, $0x3  }
0x18b: {  	v4 =	vmul.u32 $0x30, v49  }
0x18c: {  	v3 =	vand.u32 $0x7, v3  }
0x18d: {  	v3 =	vor.u32 v3, v4  }
0x18e: {  	v4 =	vperm.xlane v3, v0;
	_ =	sdelay $0x1  }
0x18f: {  	v4 =	vadd.s32 v1, v4;
	_ =	sdelay $0x3  }
0x190: {  	s8 =	simm.s32 $0x3800;
	v3 =	vperm.xlane v3, v2  }
0x191: {  	[hbm4b:s4+s2] =	stream.indirect_vreg.scatter [tilespmem:s8], [sflag:$0x5], $0x80, v4, vm0, $0xb8;
	[tilespmem:$0x18800] =	vst v63  }
0x192: {  	s26 =	simm.s32 $0x4000;
	v3 =	vadd.s32 v1, v3  }
0x193: {  	[hbm4b:s5+s2] =	stream.indirect_vreg.scatter [tilespmem:s26], [sflag:$0x5], $0x80, v4, vm0, $0xb8;
	[tilespmem:$0x18800] =	vst v63  }
0x194: {  	s0 =	simm.s32 $0x4800  }
0x195: {  	[hbm4b:s6+s2] =	stream.indirect_vreg.scatter [tilespmem:s0], [sflag:$0x5], $0x80, v4, vm0, $0xb8;
	[tilespmem:$0x18800] =	vst v63  }
0x196: {  	s1 =	simm.s32 $0x5000  }
0x197: {  	[hbm4b:s4+s2] =	stream.indirect_vreg.scatter [tilespmem:s1], [sflag:$0x5], $0x80, v3, vm0, $0xb8;
	[tilespmem:$0x18800] =	vst v63  }
0x198: {  	_ = 	snop  }
0x199: {  	[hbm4b:s5+s2] =	stream.indirect_vreg.scatter [tilespmem:s23], [sflag:$0x5], $0x80, v3, vm0, $0xb8;
	[tilespmem:$0x18800] =	vst v63  }
0x19a: {  	_ = 	snop  }
0x19b: {  	[hbm4b:s6+s2] =	stream.indirect_vreg.scatter [tilespmem:s24], [sflag:$0x5], $0x80, v3, vm0, $0xb8;
	[tilespmem:$0x18800] =	vst v63  }
0x19c: {  	v3 =	vld [tilespmem:$0x600];
	_ =	sdelay $0x4  }
0x19d: {  	v50 =	vshrl.u32 v3, $0x3  }
0x19e: {  	v4 =	vmul.u32 $0x30, v50  }
0x19f: {  	v3 =	vand.u32 $0x7, v3  }
0x1a0: {  	v3 =	vor.u32 v3, v4  }
0x1a1: {  	v4 =	vperm.xlane v3, v0;
	_ =	sdelay $0x1  }
0x1a2: {  	v4 =	vadd.s32 v1, v4;
	_ =	sdelay $0x3  }
0x1a3: {  	v3 =	vperm.xlane v3, v2  }
0x1a4: {  	[hbm4b:s4+s2] =	stream.indirect_vreg.scatter [tilespmem:s10], [sflag:$0x5], $0x80, v4, vm0, $0xb8;
	[tilespmem:$0x18800] =	vst v63  }
0x1a5: {  	v3 =	vadd.s32 v1, v3  }
0x1a6: {  	[hbm4b:s5+s2] =	stream.indirect_vreg.scatter [tilespmem:s31], [sflag:$0x5], $0x80, v4, vm0, $0xb8;
	[tilespmem:$0x18800] =	vst v63  }
0x1a7: {  	_ = 	snop  }
0x1a8: {  	[hbm4b:s6+s2] =	stream.indirect_vreg.scatter [tilespmem:s25], [sflag:$0x5], $0x80, v4, vm0, $0xb8;
	[tilespmem:$0x18800] =	vst v63  }
0x1a9: {  	_ = 	snop  }
0x1aa: {  	[hbm4b:s4+s2] =	stream.indirect_vreg.scatter [tilespmem:s30], [sflag:$0x5], $0x80, v3, vm0, $0xb8;
	[tilespmem:$0x18800] =	vst v63  }
0x1ab: {  	_ = 	snop  }
0x1ac: {  	[hbm4b:s5+s2] =	stream.indirect_vreg.scatter [tilespmem:s22], [sflag:$0x5], $0x80, v3, vm0, $0xb8;
	[tilespmem:$0x18800] =	vst v63  }
0x1ad: {  	_ = 	snop  }
0x1ae: {  	[hbm4b:s6+s2] =	stream.indirect_vreg.scatter [tilespmem:s7], [sflag:$0x5], $0x80, v3, vm0, $0xb8;
	[tilespmem:$0x18800] =	vst v63  }
0x1af: {  	v3 =	vld [tilespmem:$0x610];
	_ =	sdelay $0x4  }
0x1b0: {  	v51 =	vshrl.u32 v3, $0x3  }
0x1b1: {  	v4 =	vmul.u32 $0x30, v51  }
0x1b2: {  	v3 =	vand.u32 $0x7, v3  }
0x1b3: {  	v3 =	vor.u32 v3, v4  }
0x1b4: {  	v4 =	vperm.xlane v3, v0;
	_ =	sdelay $0x1  }
0x1b5: {  	v4 =	vadd.s32 v1, v4;
	_ =	sdelay $0x3  }
0x1b6: {  	v3 =	vperm.xlane v3, v2  }
0x1b7: {  	[hbm4b:s4+s2] =	stream.indirect_vreg.scatter [tilespmem:s8], [sflag:$0x5], $0x80, v4, vm0, $0xb8;
	[tilespmem:$0x18800] =	vst v63  }
0x1b8: {  	v3 =	vadd.s32 v1, v3  }
0x1b9: {  	[hbm4b:s5+s2] =	stream.indirect_vreg.scatter [tilespmem:s26], [sflag:$0x5], $0x80, v4, vm0, $0xb8;
	[tilespmem:$0x18800] =	vst v63  }
0x1ba: {  	_ = 	snop  }
0x1bb: {  	[hbm4b:s6+s2] =	stream.indirect_vreg.scatter [tilespmem:s0], [sflag:$0x5], $0x80, v4, vm0, $0xb8;
	[tilespmem:$0x18800] =	vst v63  }
0x1bc: {  	_ = 	snop  }
0x1bd: {  	[hbm4b:s4+s2] =	stream.indirect_vreg.scatter [tilespmem:s1], [sflag:$0x5], $0x80, v3, vm0, $0xb8;
	[tilespmem:$0x18800] =	vst v63  }
0x1be: {  	_ = 	snop  }
0x1bf: {  	[hbm4b:s5+s2] =	stream.indirect_vreg.scatter [tilespmem:s23], [sflag:$0x5], $0x80, v3, vm0, $0xb8;
	[tilespmem:$0x18800] =	vst v63  }
0x1c0: {  	s7 =	simm.s32 $0x8  }
0x1c1: {  	[hbm4b:s6+s2] =	stream.indirect_vreg.scatter [tilespmem:s24], [sflag:$0x5], $0x80, v3, vm0, $0xb8;
	[tilespmem:$0x18800] =	vst v63  }
0x1c2: {  	_ =	swait.ge [sflag:s7], $0x6000  }
0x1c3: {  	[sflag:s7] =	ssyncset.done $0x0  }
0x1c4: {  	[sflag:s7] =	ssyncadd.s32 $0xFFFFA000  }
0x1c5: {  	_ =	swait.ge [sflag:s7], $0x6000  }
0x1c6: {  	[sflag:s7] =	ssyncset.done $0x0  }
0x1c7: {  	s3 =	simm.s32 $0x12800;
	s1 =	rddreg [dreg:$0xb];
	[sflag:s7] =	ssyncadd.s32 $0xFFFFA000  }
0x1c8: {  	[tilespmem:s3], [sflag:$0x4] =	stream.linear.gather [hbm4b:s1+s2], $0x6000, $0x38;
	[tilespmem:$0x18800] =	vst v63  }
0x1c9: {  	_ =	swait.ge [sflag:s18], $0x6000  }
0x1ca: {  	[sflag:s18] =	ssyncset.done $0x0  }
0x1cb: {  	[sflag:s18] =	ssyncadd.s32 $0xFFFFA000  }
0x1cc: {  	v3 =	vld [tilespmem:$0x280];
	_ =	sdelay $0x4  }
0x1cd: {  	v52 =	vshrl.u32 v3, $0x3  }
0x1ce: {  	v4 =	vmul.u32 $0x30, v52  }
0x1cf: {  	v3 =	vand.u32 $0x7, v3  }
0x1d0: {  	v3 =	vor.u32 v3, v4  }
0x1d1: {  	v4 =	vperm.xlane v3, v0;
	_ =	sdelay $0x1  }
0x1d2: {  	v4 =	vadd.s32 v1, v4;
	_ =	sdelay $0x3  }
0x1d3: {  	s1 =	simm.s32 $0x6800;
	v3 =	vperm.xlane v3, v2  }
0x1d4: {  	[hbm4b:s4+s2] =	stream.indirect_vreg.scatter [tilespmem:s1], [sflag:$0x6], $0x80, v4, vm0, $0xb8;
	[tilespmem:$0x18800] =	vst v63  }
0x1d5: {  	s10 =	simm.s32 $0x7000;
	v3 =	vadd.s32 v1, v3  }
0x1d6: {  	[hbm4b:s5+s2] =	stream.indirect_vreg.scatter [tilespmem:s10], [sflag:$0x6], $0x80, v4, vm0, $0xb8;
	[tilespmem:$0x18800] =	vst v63  }
0x1d7: {  	s18 =	simm.s32 $0x7800  }
0x1d8: {  	[hbm4b:s6+s2] =	stream.indirect_vreg.scatter [tilespmem:s18], [sflag:$0x6], $0x80, v4, vm0, $0xb8;
	[tilespmem:$0x18800] =	vst v63  }
0x1d9: {  	s23 =	simm.s32 $0x8000  }
0x1da: {  	[hbm4b:s4+s2] =	stream.indirect_vreg.scatter [tilespmem:s23], [sflag:$0x6], $0x80, v3, vm0, $0xb8;
	[tilespmem:$0x18800] =	vst v63  }
0x1db: {  	s24 =	simm.s32 $0x8800  }
0x1dc: {  	[hbm4b:s5+s2] =	stream.indirect_vreg.scatter [tilespmem:s24], [sflag:$0x6], $0x80, v3, vm0, $0xb8;
	[tilespmem:$0x18800] =	vst v63  }
0x1dd: {  	s26 =	simm.s32 $0x9000  }
0x1de: {  	[hbm4b:s6+s2] =	stream.indirect_vreg.scatter [tilespmem:s26], [sflag:$0x6], $0x80, v3, vm0, $0xb8;
	[tilespmem:$0x18800] =	vst v63  }
0x1df: {  	v3 =	vld [tilespmem:$0x290];
	_ =	sdelay $0x4  }
0x1e0: {  	v53 =	vshrl.u32 v3, $0x3  }
0x1e1: {  	v4 =	vmul.u32 $0x30, v53  }
0x1e2: {  	v3 =	vand.u32 $0x7, v3  }
0x1e3: {  	v3 =	vor.u32 v3, v4  }
0x1e4: {  	v4 =	vperm.xlane v3, v0;
	_ =	sdelay $0x1  }
0x1e5: {  	v4 =	vadd.s32 v1, v4;
	_ =	sdelay $0x3  }
0x1e6: {  	s22 =	simm.s32 $0x9800;
	v3 =	vperm.xlane v3, v2  }
0x1e7: {  	[hbm4b:s4+s2] =	stream.indirect_vreg.scatter [tilespmem:s22], [sflag:$0x6], $0x80, v4, vm0, $0xb8;
	[tilespmem:$0x18800] =	vst v63  }
0x1e8: {  	s25 =	simm.s32 $0xA000;
	v3 =	vadd.s32 v1, v3  }
0x1e9: {  	[hbm4b:s5+s2] =	stream.indirect_vreg.scatter [tilespmem:s25], [sflag:$0x6], $0x80, v4, vm0, $0xb8;
	[tilespmem:$0x18800] =	vst v63  }
0x1ea: {  	s30 =	simm.s32 $0xA800  }
0x1eb: {  	[hbm4b:s6+s2] =	stream.indirect_vreg.scatter [tilespmem:s30], [sflag:$0x6], $0x80, v4, vm0, $0xb8;
	[tilespmem:$0x18800] =	vst v63  }
0x1ec: {  	s8 =	simm.s32 $0xB000  }
0x1ed: {  	[hbm4b:s4+s2] =	stream.indirect_vreg.scatter [tilespmem:s8], [sflag:$0x6], $0x80, v3, vm0, $0xb8;
	[tilespmem:$0x18800] =	vst v63  }
0x1ee: {  	s0 =	simm.s32 $0xB800  }
0x1ef: {  	[hbm4b:s5+s2] =	stream.indirect_vreg.scatter [tilespmem:s0], [sflag:$0x6], $0x80, v3, vm0, $0xb8;
	[tilespmem:$0x18800] =	vst v63  }
0x1f0: {  	s3 =	simm.s32 $0xC000  }
0x1f1: {  	[hbm4b:s6+s2] =	stream.indirect_vreg.scatter [tilespmem:s3], [sflag:$0x6], $0x80, v3, vm0, $0xb8;
	[tilespmem:$0x18800] =	vst v63  }
0x1f2: {  	v3 =	vld [tilespmem:$0x680];
	_ =	sdelay $0x4  }
0x1f3: {  	v54 =	vshrl.u32 v3, $0x3  }
0x1f4: {  	v4 =	vmul.u32 $0x30, v54  }
0x1f5: {  	v3 =	vand.u32 $0x7, v3  }
0x1f6: {  	v3 =	vor.u32 v3, v4  }
0x1f7: {  	v4 =	vperm.xlane v3, v0;
	_ =	sdelay $0x1  }
0x1f8: {  	v4 =	vadd.s32 v1, v4;
	_ =	sdelay $0x3  }
0x1f9: {  	v3 =	vperm.xlane v3, v2  }
0x1fa: {  	[hbm4b:s4+s2] =	stream.indirect_vreg.scatter [tilespmem:s1], [sflag:$0x6], $0x80, v4, vm0, $0xb8;
	[tilespmem:$0x18800] =	vst v63  }
0x1fb: {  	v3 =	vadd.s32 v1, v3  }
0x1fc: {  	[hbm4b:s5+s2] =	stream.indirect_vreg.scatter [tilespmem:s10], [sflag:$0x6], $0x80, v4, vm0, $0xb8;
	[tilespmem:$0x18800] =	vst v63  }
0x1fd: {  	_ = 	snop  }
0x1fe: {  	[hbm4b:s6+s2] =	stream.indirect_vreg.scatter [tilespmem:s18], [sflag:$0x6], $0x80, v4, vm0, $0xb8;
	[tilespmem:$0x18800] =	vst v63  }
0x1ff: {  	_ = 	snop  }
0x200: {  	[hbm4b:s4+s2] =	stream.indirect_vreg.scatter [tilespmem:s23], [sflag:$0x6], $0x80, v3, vm0, $0xb8;
	[tilespmem:$0x18800] =	vst v63  }
0x201: {  	_ = 	snop  }
0x202: {  	[hbm4b:s5+s2] =	stream.indirect_vreg.scatter [tilespmem:s24], [sflag:$0x6], $0x80, v3, vm0, $0xb8;
	[tilespmem:$0x18800] =	vst v63  }
0x203: {  	_ = 	snop  }
0x204: {  	[hbm4b:s6+s2] =	stream.indirect_vreg.scatter [tilespmem:s26], [sflag:$0x6], $0x80, v3, vm0, $0xb8;
	[tilespmem:$0x18800] =	vst v63  }
0x205: {  	v3 =	vld [tilespmem:$0x690];
	_ =	sdelay $0x4  }
0x206: {  	v55 =	vshrl.u32 v3, $0x3  }
0x207: {  	v4 =	vmul.u32 $0x30, v55  }
0x208: {  	v3 =	vand.u32 $0x7, v3  }
0x209: {  	v3 =	vor.u32 v3, v4  }
0x20a: {  	v4 =	vperm.xlane v3, v0;
	_ =	sdelay $0x1  }
0x20b: {  	v4 =	vadd.s32 v1, v4;
	_ =	sdelay $0x3  }
0x20c: {  	v3 =	vperm.xlane v3, v2  }
0x20d: {  	[hbm4b:s4+s2] =	stream.indirect_vreg.scatter [tilespmem:s22], [sflag:$0x6], $0x80, v4, vm0, $0xb8;
	[tilespmem:$0x18800] =	vst v63  }
0x20e: {  	v3 =	vadd.s32 v1, v3  }
0x20f: {  	[hbm4b:s5+s2] =	stream.indirect_vreg.scatter [tilespmem:s25], [sflag:$0x6], $0x80, v4, vm0, $0xb8;
	[tilespmem:$0x18800] =	vst v63  }
0x210: {  	_ = 	snop  }
0x211: {  	[hbm4b:s6+s2] =	stream.indirect_vreg.scatter [tilespmem:s30], [sflag:$0x6], $0x80, v4, vm0, $0xb8;
	[tilespmem:$0x18800] =	vst v63  }
0x212: {  	_ = 	snop  }
0x213: {  	[hbm4b:s4+s2] =	stream.indirect_vreg.scatter [tilespmem:s8], [sflag:$0x6], $0x80, v3, vm0, $0xb8;
	[tilespmem:$0x18800] =	vst v63  }
0x214: {  	_ = 	snop  }
0x215: {  	[hbm4b:s5+s2] =	stream.indirect_vreg.scatter [tilespmem:s0], [sflag:$0x6], $0x80, v3, vm0, $0xb8;
	[tilespmem:$0x18800] =	vst v63  }
0x216: {  	_ = 	snop  }
0x217: {  	[hbm4b:s6+s2] =	stream.indirect_vreg.scatter [tilespmem:s3], [sflag:$0x6], $0x80, v3, vm0, $0xb8;
	[tilespmem:$0x18800] =	vst v63  }
0x218: {  	_ =	swait.ge [sflag:s11], $0x6000  }
0x219: {  	[sflag:s11] =	ssyncset.done $0x0  }
0x21a: {  	[sflag:s11] =	ssyncadd.s32 $0xFFFFA000  }
0x21b: {  	v3 =	vld [tilespmem:$0x300];
	_ =	sdelay $0x4  }
0x21c: {  	v56 =	vshrl.u32 v3, $0x3  }
0x21d: {  	v4 =	vmul.u32 $0x30, v56  }
0x21e: {  	v3 =	vand.u32 $0x7, v3  }
0x21f: {  	v3 =	vor.u32 v3, v4  }
0x220: {  	v4 =	vperm.xlane v3, v0;
	_ =	sdelay $0x1  }
0x221: {  	v4 =	vadd.s32 v1, v4;
	_ =	sdelay $0x3  }
0x222: {  	s0 =	simm.s32 $0xC800;
	v3 =	vperm.xlane v3, v2  }
0x223: {  	[hbm4b:s4+s2] =	stream.indirect_vreg.scatter [tilespmem:s0], [sflag:$0x7], $0x80, v4, vm0, $0xb8;
	[tilespmem:$0x18800] =	vst v63  }
0x224: {  	s10 =	simm.s32 $0xD000;
	v3 =	vadd.s32 v1, v3  }
0x225: {  	[hbm4b:s5+s2] =	stream.indirect_vreg.scatter [tilespmem:s10], [sflag:$0x7], $0x80, v4, vm0, $0xb8;
	[tilespmem:$0x18800] =	vst v63  }
0x226: {  	s11 =	simm.s32 $0xD800  }
0x227: {  	[hbm4b:s6+s2] =	stream.indirect_vreg.scatter [tilespmem:s11], [sflag:$0x7], $0x80, v4, vm0, $0xb8;
	[tilespmem:$0x18800] =	vst v63  }
0x228: {  	s18 =	simm.s32 $0xE000  }
0x229: {  	[hbm4b:s4+s2] =	stream.indirect_vreg.scatter [tilespmem:s18], [sflag:$0x7], $0x80, v3, vm0, $0xb8;
	[tilespmem:$0x18800] =	vst v63  }
0x22a: {  	s8 =	simm.s32 $0xE800  }
0x22b: {  	[hbm4b:s5+s2] =	stream.indirect_vreg.scatter [tilespmem:s8], [sflag:$0x7], $0x80, v3, vm0, $0xb8;
	[tilespmem:$0x18800] =	vst v63  }
0x22c: {  	s22 =	simm.s32 $0xF000  }
0x22d: {  	[hbm4b:s6+s2] =	stream.indirect_vreg.scatter [tilespmem:s22], [sflag:$0x7], $0x80, v3, vm0, $0xb8;
	[tilespmem:$0x18800] =	vst v63  }
0x22e: {  	v3 =	vld [tilespmem:$0x310];
	_ =	sdelay $0x4  }
0x22f: {  	v57 =	vshrl.u32 v3, $0x3  }
0x230: {  	v4 =	vmul.u32 $0x30, v57  }
0x231: {  	v3 =	vand.u32 $0x7, v3  }
0x232: {  	v3 =	vor.u32 v3, v4  }
0x233: {  	v4 =	vperm.xlane v3, v0;
	_ =	sdelay $0x1  }
0x234: {  	v4 =	vadd.s32 v1, v4;
	_ =	sdelay $0x3  }
0x235: {  	s23 =	simm.s32 $0xF800;
	v3 =	vperm.xlane v3, v2  }
0x236: {  	[hbm4b:s4+s2] =	stream.indirect_vreg.scatter [tilespmem:s23], [sflag:$0x7], $0x80, v4, vm0, $0xb8;
	[tilespmem:$0x18800] =	vst v63  }
0x237: {  	s24 =	simm.s32 $0x10000;
	v3 =	vadd.s32 v1, v3  }
0x238: {  	[hbm4b:s5+s2] =	stream.indirect_vreg.scatter [tilespmem:s24], [sflag:$0x7], $0x80, v4, vm0, $0xb8;
	[tilespmem:$0x18800] =	vst v63  }
0x239: {  	s25 =	simm.s32 $0x10800  }
0x23a: {  	[hbm4b:s6+s2] =	stream.indirect_vreg.scatter [tilespmem:s25], [sflag:$0x7], $0x80, v4, vm0, $0xb8;
	[tilespmem:$0x18800] =	vst v63  }
0x23b: {  	s26 =	simm.s32 $0x11000  }
0x23c: {  	[hbm4b:s4+s2] =	stream.indirect_vreg.scatter [tilespmem:s26], [sflag:$0x7], $0x80, v3, vm0, $0xb8;
	[tilespmem:$0x18800] =	vst v63  }
0x23d: {  	s31 =	simm.s32 $0x11800  }
0x23e: {  	[hbm4b:s5+s2] =	stream.indirect_vreg.scatter [tilespmem:s31], [sflag:$0x7], $0x80, v3, vm0, $0xb8;
	[tilespmem:$0x18800] =	vst v63  }
0x23f: {  	s3 =	simm.s32 $0x12000  }
0x240: {  	[hbm4b:s6+s2] =	stream.indirect_vreg.scatter [tilespmem:s3], [sflag:$0x7], $0x80, v3, vm0, $0xb8;
	[tilespmem:$0x18800] =	vst v63  }
0x241: {  	v3 =	vld [tilespmem:$0x700];
	_ =	sdelay $0x4  }
0x242: {  	v58 =	vshrl.u32 v3, $0x3  }
0x243: {  	v4 =	vmul.u32 $0x30, v58  }
0x244: {  	v3 =	vand.u32 $0x7, v3  }
0x245: {  	v3 =	vor.u32 v3, v4  }
0x246: {  	v4 =	vperm.xlane v3, v0;
	_ =	sdelay $0x1  }
0x247: {  	v4 =	vadd.s32 v1, v4;
	_ =	sdelay $0x3  }
0x248: {  	v3 =	vperm.xlane v3, v2  }
0x249: {  	[hbm4b:s4+s2] =	stream.indirect_vreg.scatter [tilespmem:s0], [sflag:$0x7], $0x80, v4, vm0, $0xb8;
	[tilespmem:$0x18800] =	vst v63  }
0x24a: {  	v3 =	vadd.s32 v1, v3  }
0x24b: {  	[hbm4b:s5+s2] =	stream.indirect_vreg.scatter [tilespmem:s10], [sflag:$0x7], $0x80, v4, vm0, $0xb8;
	[tilespmem:$0x18800] =	vst v63  }
0x24c: {  	_ = 	snop  }
0x24d: {  	[hbm4b:s6+s2] =	stream.indirect_vreg.scatter [tilespmem:s11], [sflag:$0x7], $0x80, v4, vm0, $0xb8;
	[tilespmem:$0x18800] =	vst v63  }
0x24e: {  	_ = 	snop  }
0x24f: {  	[hbm4b:s4+s2] =	stream.indirect_vreg.scatter [tilespmem:s18], [sflag:$0x7], $0x80, v3, vm0, $0xb8;
	[tilespmem:$0x18800] =	vst v63  }
0x250: {  	_ = 	snop  }
0x251: {  	[hbm4b:s5+s2] =	stream.indirect_vreg.scatter [tilespmem:s8], [sflag:$0x7], $0x80, v3, vm0, $0xb8;
	[tilespmem:$0x18800] =	vst v63  }
0x252: {  	_ = 	snop  }
0x253: {  	[hbm4b:s6+s2] =	stream.indirect_vreg.scatter [tilespmem:s22], [sflag:$0x7], $0x80, v3, vm0, $0xb8;
	[tilespmem:$0x18800] =	vst v63  }
0x254: {  	v3 =	vld [tilespmem:$0x710];
	_ =	sdelay $0x4  }
0x255: {  	v59 =	vshrl.u32 v3, $0x3  }
0x256: {  	v4 =	vmul.u32 $0x30, v59  }
0x257: {  	v3 =	vand.u32 $0x7, v3  }
0x258: {  	v3 =	vor.u32 v3, v4  }
0x259: {  	v4 =	vperm.xlane v3, v0;
	_ =	sdelay $0x1  }
0x25a: {  	v4 =	vadd.s32 v1, v4;
	_ =	sdelay $0x3  }
0x25b: {  	v3 =	vperm.xlane v3, v2  }
0x25c: {  	[hbm4b:s4+s2] =	stream.indirect_vreg.scatter [tilespmem:s23], [sflag:$0x7], $0x80, v4, vm0, $0xb8;
	[tilespmem:$0x18800] =	vst v63  }
0x25d: {  	v3 =	vadd.s32 v1, v3  }
0x25e: {  	[hbm4b:s5+s2] =	stream.indirect_vreg.scatter [tilespmem:s24], [sflag:$0x7], $0x80, v4, vm0, $0xb8;
	[tilespmem:$0x18800] =	vst v63  }
0x25f: {  	_ = 	snop  }
0x260: {  	[hbm4b:s6+s2] =	stream.indirect_vreg.scatter [tilespmem:s25], [sflag:$0x7], $0x80, v4, vm0, $0xb8;
	[tilespmem:$0x18800] =	vst v63  }
0x261: {  	_ = 	snop  }
0x262: {  	[hbm4b:s4+s2] =	stream.indirect_vreg.scatter [tilespmem:s26], [sflag:$0x7], $0x80, v3, vm0, $0xb8;
	[tilespmem:$0x18800] =	vst v63  }
0x263: {  	_ = 	snop  }
0x264: {  	[hbm4b:s5+s2] =	stream.indirect_vreg.scatter [tilespmem:s31], [sflag:$0x7], $0x80, v3, vm0, $0xb8;
	[tilespmem:$0x18800] =	vst v63  }
0x265: {  	_ = 	snop  }
0x266: {  	[hbm4b:s6+s2] =	stream.indirect_vreg.scatter [tilespmem:s3], [sflag:$0x7], $0x80, v3, vm0, $0xb8;
	[tilespmem:$0x18800] =	vst v63  }
0x267: {  	_ =	swait.ge [sflag:s17], $0x6000  }
0x268: {  	[sflag:s17] =	ssyncset.done $0x0  }
0x269: {  	[sflag:s17] =	ssyncadd.s32 $0xFFFFA000  }
0x26a: {  	v3 =	vld [tilespmem:$0x380];
	_ =	sdelay $0x4  }
0x26b: {  	v60 =	vshrl.u32 v3, $0x3  }
0x26c: {  	v4 =	vmul.u32 $0x30, v60  }
0x26d: {  	v3 =	vand.u32 $0x7, v3  }
0x26e: {  	v3 =	vor.u32 v3, v4  }
0x26f: {  	v4 =	vperm.xlane v3, v0;
	_ =	sdelay $0x1  }
0x270: {  	v4 =	vadd.s32 v1, v4;
	_ =	sdelay $0x3  }
0x271: {  	s24 =	simm.s32 $0x12800;
	v3 =	vperm.xlane v3, v2  }
0x272: {  	[hbm4b:s4+s2] =	stream.indirect_vreg.scatter [tilespmem:s24], [sflag:$0x8], $0x80, v4, vm0, $0xb8;
	[tilespmem:$0x18800] =	vst v63  }
0x273: {  	s25 =	simm.s32 $0x13000;
	v3 =	vadd.s32 v1, v3  }
0x274: {  	[hbm4b:s5+s2] =	stream.indirect_vreg.scatter [tilespmem:s25], [sflag:$0x8], $0x80, v4, vm0, $0xb8;
	[tilespmem:$0x18800] =	vst v63  }
0x275: {  	_ = 	snop  }
0x276: {  	[hbm4b:s6+s2] =	stream.indirect_vreg.scatter [tilespmem:s9], [sflag:$0x8], $0x80, v4, vm0, $0xb8;
	[tilespmem:$0x18800] =	vst v63  }
0x277: {  	_ = 	snop  }
0x278: {  	[hbm4b:s4+s2] =	stream.indirect_vreg.scatter [tilespmem:s12], [sflag:$0x8], $0x80, v3, vm0, $0xb8;
	[tilespmem:$0x18800] =	vst v63  }
0x279: {  	_ = 	snop  }
0x27a: {  	[hbm4b:s5+s2] =	stream.indirect_vreg.scatter [tilespmem:s13], [sflag:$0x8], $0x80, v3, vm0, $0xb8;
	[tilespmem:$0x18800] =	vst v63  }
0x27b: {  	_ = 	snop  }
0x27c: {  	[hbm4b:s6+s2] =	stream.indirect_vreg.scatter [tilespmem:s14], [sflag:$0x8], $0x80, v3, vm0, $0xb8;
	[tilespmem:$0x18800] =	vst v63  }
0x27d: {  	v3 =	vld [tilespmem:$0x390];
	_ =	sdelay $0x4  }
0x27e: {  	v61 =	vshrl.u32 v3, $0x3  }
0x27f: {  	v4 =	vmul.u32 $0x30, v61  }
0x280: {  	v3 =	vand.u32 $0x7, v3  }
0x281: {  	v3 =	vor.u32 v3, v4  }
0x282: {  	v4 =	vperm.xlane v3, v0;
	_ =	sdelay $0x1  }
0x283: {  	v4 =	vadd.s32 v1, v4;
	_ =	sdelay $0x3  }
0x284: {  	v3 =	vperm.xlane v3, v2  }
0x285: {  	[hbm4b:s4+s2] =	stream.indirect_vreg.scatter [tilespmem:s15], [sflag:$0x8], $0x80, v4, vm0, $0xb8;
	[tilespmem:$0x18800] =	vst v63  }
0x286: {  	v3 =	vadd.s32 v1, v3  }
0x287: {  	[hbm4b:s5+s2] =	stream.indirect_vreg.scatter [tilespmem:s16], [sflag:$0x8], $0x80, v4, vm0, $0xb8;
	[tilespmem:$0x18800] =	vst v63  }
0x288: {  	_ = 	snop  }
0x289: {  	[hbm4b:s6+s2] =	stream.indirect_vreg.scatter [tilespmem:s19], [sflag:$0x8], $0x80, v4, vm0, $0xb8;
	[tilespmem:$0x18800] =	vst v63  }
0x28a: {  	_ = 	snop  }
0x28b: {  	[hbm4b:s4+s2] =	stream.indirect_vreg.scatter [tilespmem:s20], [sflag:$0x8], $0x80, v3, vm0, $0xb8;
	[tilespmem:$0x18800] =	vst v63  }
0x28c: {  	_ = 	snop  }
0x28d: {  	[hbm4b:s5+s2] =	stream.indirect_vreg.scatter [tilespmem:s21], [sflag:$0x8], $0x80, v3, vm0, $0xb8;
	[tilespmem:$0x18800] =	vst v63  }
0x28e: {  	s26 =	simm.s32 $0x18000  }
0x28f: {  	[hbm4b:s6+s2] =	stream.indirect_vreg.scatter [tilespmem:s26], [sflag:$0x8], $0x80, v3, vm0, $0xb8;
	[tilespmem:$0x18800] =	vst v63  }
0x290: {  	v3 =	vld [tilespmem:$0x780];
	_ =	sdelay $0x4  }
0x291: {  	v62 =	vshrl.u32 v3, $0x3  }
0x292: {  	v4 =	vmul.u32 $0x30, v62  }
0x293: {  	v3 =	vand.u32 $0x7, v3  }
0x294: {  	v3 =	vor.u32 v3, v4  }
0x295: {  	v4 =	vperm.xlane v3, v0;
	_ =	sdelay $0x1  }
0x296: {  	v4 =	vadd.s32 v1, v4;
	_ =	sdelay $0x3  }
0x297: {  	v3 =	vperm.xlane v3, v2  }
0x298: {  	[hbm4b:s4+s2] =	stream.indirect_vreg.scatter [tilespmem:s24], [sflag:$0x8], $0x80, v4, vm0, $0xb8;
	[tilespmem:$0x18800] =	vst v63  }
0x299: {  	v3 =	vadd.s32 v1, v3  }
0x29a: {  	[hbm4b:s5+s2] =	stream.indirect_vreg.scatter [tilespmem:s25], [sflag:$0x8], $0x80, v4, vm0, $0xb8;
	[tilespmem:$0x18800] =	vst v63  }
0x29b: {  	_ = 	snop  }
0x29c: {  	[hbm4b:s6+s2] =	stream.indirect_vreg.scatter [tilespmem:s9], [sflag:$0x8], $0x80, v4, vm0, $0xb8;
	[tilespmem:$0x18800] =	vst v63  }
0x29d: {  	_ = 	snop  }
0x29e: {  	[hbm4b:s4+s2] =	stream.indirect_vreg.scatter [tilespmem:s12], [sflag:$0x8], $0x80, v3, vm0, $0xb8;
	[tilespmem:$0x18800] =	vst v63  }
0x29f: {  	_ = 	snop  }
0x2a0: {  	[hbm4b:s5+s2] =	stream.indirect_vreg.scatter [tilespmem:s13], [sflag:$0x8], $0x80, v3, vm0, $0xb8;
	[tilespmem:$0x18800] =	vst v63  }
0x2a1: {  	_ = 	snop  }
0x2a2: {  	[hbm4b:s6+s2] =	stream.indirect_vreg.scatter [tilespmem:s14], [sflag:$0x8], $0x80, v3, vm0, $0xb8;
	[tilespmem:$0x18800] =	vst v63  }
0x2a3: {  	v3 =	vld [tilespmem:$0x790];
	_ =	sdelay $0x4  }
0x2a4: {  	v63 =	vshrl.u32 v3, $0x3  }
0x2a5: {  	v4 =	vmul.u32 $0x30, v63  }
0x2a6: {  	v3 =	vand.u32 $0x7, v3  }
0x2a7: {  	v3 =	vor.u32 v3, v4  }
0x2a8: {  	v4 =	vperm.xlane v3, v0;
	_ =	sdelay $0x1  }
0x2a9: {  	v4 =	vadd.s32 v1, v4;
	_ =	sdelay $0x3  }
0x2aa: {  	v3 =	vperm.xlane v3, v2  }
0x2ab: {  	[hbm4b:s4+s2] =	stream.indirect_vreg.scatter [tilespmem:s15], [sflag:$0x8], $0x80, v4, vm0, $0xb8;
	[tilespmem:$0x18800] =	vst v63  }
0x2ac: {  	v3 =	vadd.s32 v1, v3  }
0x2ad: {  	[hbm4b:s5+s2] =	stream.indirect_vreg.scatter [tilespmem:s16], [sflag:$0x8], $0x80, v4, vm0, $0xb8;
	[tilespmem:$0x18800] =	vst v63  }
0x2ae: {  	_ = 	snop  }
0x2af: {  	[hbm4b:s6+s2] =	stream.indirect_vreg.scatter [tilespmem:s19], [sflag:$0x8], $0x80, v4, vm0, $0xb8;
	[tilespmem:$0x18800] =	vst v63  }
0x2b0: {  	_ = 	snop  }
0x2b1: {  	[hbm4b:s4+s2] =	stream.indirect_vreg.scatter [tilespmem:s20], [sflag:$0x8], $0x80, v3, vm0, $0xb8;
	[tilespmem:$0x18800] =	vst v63  }
0x2b2: {  	_ = 	snop  }
0x2b3: {  	[hbm4b:s5+s2] =	stream.indirect_vreg.scatter [tilespmem:s21], [sflag:$0x8], $0x80, v3, vm0, $0xb8;
	[tilespmem:$0x18800] =	vst v63  }
0x2b4: {  	s30 =	simm.s32 $0x5  }
0x2b5: {  	[hbm4b:s6+s2] =	stream.indirect_vreg.scatter [tilespmem:s26], [sflag:$0x8], $0x80, v3, vm0, $0xb8;
	[tilespmem:$0x18800] =	vst v63  }
0x2b6: {  	_ =	swait.ge [sflag:s30], $0x6000  }
0x2b7: {  	[sflag:s30] =	ssyncset.done $0x0  }
0x2b8: {  	[sflag:s30] =	ssyncadd.s32 $0xFFFFA000  }
0x2b9: {  	_ =	swait.ge [sflag:s30], $0x6000  }
0x2ba: {  	[sflag:s30] =	ssyncset.done $0x0  }
0x2bb: {  	[sflag:s30] =	ssyncadd.s32 $0xFFFFA000  }
0x2bc: {  	s31 =	rddreg [dreg:$0xe];
	_ =	swait.ge [sflag:s28], $0x6000  }
0x2bd: {  	[sflag:s28] =	ssyncset.done $0x0  }
0x2be: {  	[sflag:s28] =	ssyncadd.s32 $0xFFFFA000  }
0x2bf: {  	_ =	swait.ge [sflag:s28], $0x6000  }
0x2c0: {  	[sflag:s28] =	ssyncset.done $0x0  }
0x2c1: {  	[sflag:s28] =	ssyncadd.s32 $0xFFFFA000  }
0x2c2: {  	_ =	swait.ge [sflag:s29], $0x6000  }
0x2c3: {  	[sflag:s29] =	ssyncset.done $0x0  }
0x2c4: {  	[sflag:s29] =	ssyncadd.s32 $0xFFFFA000  }
0x2c5: {  	_ =	swait.ge [sflag:s29], $0x6000  }
0x2c6: {  	[sflag:s29] =	ssyncset.done $0x0  }
0x2c7: {  	[sflag:s29] =	ssyncadd.s32 $0xFFFFA000  }
0x2c8: {  	p0 =	sne.s32 s31, $0x1;
	_ =	swait.ge [sflag:s7], $0x6000  }
.Ltmp0:
0x2c9: {  	[sflag:s7] =	ssyncset.done $0x0;
	(pc) =	sbr.rel @p0 .LBB2_1-.Ltmp0, $4  }
0x2ca: {  	[sflag:s7] =	ssyncadd.s32 $0xFFFFA000  }
0x2cb: {  	_ =	swait.ge [sflag:s7], $0x6000  }
0x2cc: {  	[sflag:s7] =	ssyncset.done $0x0  }
0x2cd: {  	s1 =	sadd.s32 $0xFFFFFFFF, s31;
	[sflag:s7] =	ssyncadd.s32 $0xFFFFA000  }
0x2ce: {  	_ =	sfence.sel $0x180000  }
0x2cf: {  	[bflag:$0x0] =	sbarrier.arrive $0xFFFF  }
0x2d0: {  	_ =	strace $0x90000047  }
0x2d1: {  	s0 =	stileid.u32;
	[bflag:$0x2] =	sbarrier.arrive $0xFFFF  }
0x2d2: {  	p0 =	sne.s32 s0, $0x0;
	s0 =	rddreg [dreg:$0x2]  }
0x2d3: {  	s0 =	sadd.s32 @!p0 $0x100000, s0  }
0x2d4: {  	[sflag:s0] =	ssyncadd.tile.s32 @!p0 $0x1;
	_ =	shalt  }
.Lfunc_end2:
_tile_overlayer_lowered:
.L_overlay_start_2:
0x2d5: {  	(tag) =	ssettag $0x2  }
0x2d6: {  	s0 =	rddreg [dreg:$0x0];
	s2 =	stileid.u32  }
0x2d7: {  	s1 =	rddreg [dreg:$0x1];
	p0 =	sne.s32 s2, $0x0  }
0x2d8: {  	s3 =	rddreg [dreg:$0x2];
	[bflag:$0x3] =	sbarrier.arrive $0xFFFF;
	s2 =	simm.s32 @!p0 $0x1C09  }
0x2d9: {  	[timem:s3], [sflag:s2] =	dma.local @!p0 [hbm:s0], s1  }
0x2da: {  	s0 =	simm.s32 @!p0 $0x9  }
0x2db: {  	_ =	swait.ge @!p0 [sflag:s0], s1  }
0x2dc: {  	s1 =	ssub.s32 @!p0 $0x0, s1;
	[sflag:s0] =	ssyncset.done @!p0 $0x0  }
0x2dd: {  	[sflag:s0] =	ssyncadd.s32 @!p0 s1  }
0x2de: {  	[bflag:$0x3] =	sbarrier.arrive $0xFFFF  }
0x2df: {  	_ =	shalt  }

</sc_bundles>
